<compile_context>
chip_gen: v7x
topology: tpu7x:2x2x1
jax: 0.10.2.dev20260603
libtpu: 0.0.44.dev20260713+nightly
codegen_flags: <defaults>
</compile_context>

<pallas_src>
import functools

import jax
import jax.numpy as jnp
from jax import lax
from jax.experimental import pallas as pl
from jax.experimental.pallas import tpu as pltpu
from jax.experimental.pallas import tpu_sc as plsc

N = 10000
E = 320000
H = 128
HH = H // 2
C = 64

NC = 2
NS = 16
NW = NC * NS
K = 224
CH = 92
CHP = CH // 2
E_PAD = NS * CH * K
N_ACC = 10016
ROWS_PER_TILE = N_ACC // NS
ZCH = (224, 224, 178)
OUT_PER_TILE = 624


def _make_spmm():
    mesh = plsc.VectorSubcoreMesh(core_axis_name="c", subcore_axis_name="s")

    @functools.partial(
        pl.kernel,
        out_type=jax.ShapeDtypeStruct((2, N, HH), jnp.float32),
        mesh=mesh,
        scratch_types=[
            pltpu.VMEM((CHP, K), jnp.int32),
            pltpu.VMEM((CHP, K), jnp.int32),
            pltpu.VMEM((K, HH), jnp.float32),
            pltpu.VMEM((K, HH), jnp.float32),
            pltpu.VMEM_SHARED((N_ACC, HH), jnp.float32),
            pltpu.VMEM_SHARED((N, HH), jnp.float32),
            pltpu.SemaphoreType.DMA,
            pltpu.SemaphoreType.DMA,
            pltpu.SemaphoreType.DMA,
            pltpu.SemaphoreType.DMA,
        ],
        compiler_params=pltpu.CompilerParams(use_tc_tiling_on_sc=False),
    )
    def spmm(table, srcs, dsts, out,
             src_v, dst_v, rows0, rows1, acc, tbl, gs0, gs1, ss0, ss1):
        cid = lax.axis_index("c")
        sid = lax.axis_index("s")

        z16 = jnp.zeros((16,), jnp.float32)

        @pl.loop(0, K)
        def _zero_fill(i):
            for j in range(HH // 16):
                rows0[i, pl.ds(j * 16, 16)] = z16

        _zoff = 0
        for _zn in ZCH:
            pltpu.async_copy(
                rows0.at[pl.ds(0, _zn)],
                acc.at[pl.ds(sid * ROWS_PER_TILE + _zoff, _zn)], ss0)
            _zoff += _zn

        @pl.when(sid < NS - 1)
        def _stage():
            pltpu.async_copy(
                table.at[cid].at[pl.ds(sid * OUT_PER_TILE, OUT_PER_TILE)],
                tbl.at[pl.ds(sid * OUT_PER_TILE, OUT_PER_TILE)], ss1)

        @pl.when(sid == NS - 1)
        def _stage_last():
            rem = N - (NS - 1) * OUT_PER_TILE
            pltpu.async_copy(
                table.at[cid].at[pl.ds((NS - 1) * OUT_PER_TILE, rem)],
                tbl.at[pl.ds((NS - 1) * OUT_PER_TILE, rem)], ss1)

        pltpu.async_copy(srcs.at[sid].at[pl.ds(0, CHP)], src_v, gs0)
        pltpu.async_copy(dsts.at[sid].at[pl.ds(0, CHP)], dst_v, gs1)

        _zoff = 0
        for _zn in ZCH:
            pltpu.make_async_copy(
                rows0.at[pl.ds(0, _zn)],
                acc.at[pl.ds(sid * ROWS_PER_TILE + _zoff, _zn)], ss0).wait()
            _zoff += _zn

        @pl.when(sid < NS - 1)
        def _stage_w():
            pltpu.make_async_copy(
                table.at[cid].at[pl.ds(sid * OUT_PER_TILE, OUT_PER_TILE)],
                tbl.at[pl.ds(sid * OUT_PER_TILE, OUT_PER_TILE)], ss1).wait()

        @pl.when(sid == NS - 1)
        def _stage_last_w():
            rem = N - (NS - 1) * OUT_PER_TILE
            pltpu.make_async_copy(
                table.at[cid].at[pl.ds((NS - 1) * OUT_PER_TILE, rem)],
                tbl.at[pl.ds((NS - 1) * OUT_PER_TILE, rem)], ss1).wait()

        pltpu.make_async_copy(
            srcs.at[sid].at[pl.ds(0, CHP)], src_v, gs0).wait()
        pltpu.make_async_copy(
            dsts.at[sid].at[pl.ds(0, CHP)], dst_v, gs1).wait()

        plsc.subcore_barrier()

        for p in range(2):
            if p > 0:
                pltpu.sync_copy(srcs.at[sid].at[pl.ds(p * CHP, CHP)], src_v)
                pltpu.sync_copy(dsts.at[sid].at[pl.ds(p * CHP, CHP)], dst_v)
            pltpu.async_copy(tbl.at[src_v.at[0]], rows0, gs0)

            @pl.loop(0, CHP // 2)
            def _edges(i):
                g0 = 2 * i
                pltpu.make_async_copy(tbl.at[src_v.at[g0]], rows0, gs0).wait()
                pltpu.async_copy(rows0, acc.at[dst_v.at[g0]], ss0, add=True)

                @pl.when(i > 0)
                def _drain1():
                    pltpu.make_async_copy(
                        rows1, acc.at[dst_v.at[g0 - 1]], ss1).wait()

                pltpu.async_copy(tbl.at[src_v.at[g0 + 1]], rows1, gs1)
                pltpu.make_async_copy(
                    tbl.at[src_v.at[g0 + 1]], rows1, gs1).wait()
                pltpu.async_copy(rows1, acc.at[dst_v.at[g0 + 1]], ss1, add=True)

                @pl.when(i < CHP // 2 - 1)
                def _next():
                    pltpu.make_async_copy(
                        rows0, acc.at[dst_v.at[g0]], ss0).wait()
                    pltpu.async_copy(tbl.at[src_v.at[g0 + 2]], rows0, gs0)

            pltpu.make_async_copy(
                rows0, acc.at[dst_v.at[CHP - 2]], ss0).wait()
            pltpu.make_async_copy(
                rows1, acc.at[dst_v.at[CHP - 1]], ss1).wait()

        plsc.subcore_barrier()

        @pl.when(sid < NS - 1)
        def _copy_out():
            pltpu.sync_copy(
                acc.at[pl.ds(sid * OUT_PER_TILE, OUT_PER_TILE)],
                out.at[cid].at[pl.ds(sid * OUT_PER_TILE, OUT_PER_TILE)])

        @pl.when(sid == NS - 1)
        def _copy_out_last():
            rem = N - (NS - 1) * OUT_PER_TILE
            pltpu.sync_copy(
                acc.at[pl.ds((NS - 1) * OUT_PER_TILE, rem)],
                out.at[cid].at[pl.ds((NS - 1) * OUT_PER_TILE, rem)])

    return spmm


_spmm = _make_spmm()


_BLK = 2000


def _mm_body(x_ref, w_ref, o_ref):
    r = jnp.dot(x_ref[...], w_ref[...], preferred_element_type=jnp.float32)
    o_ref[0] = r[:, :HH]
    o_ref[1] = r[:, HH:]


def _mm(x, w):
    return pl.pallas_call(
        _mm_body,
        grid=(N // _BLK,),
        in_specs=[
            pl.BlockSpec((_BLK, H), lambda i: (i, 0)),
            pl.BlockSpec((H, H), lambda i: (0, 0)),
        ],
        out_specs=pl.BlockSpec((2, _BLK, HH), lambda i: (0, i, 0)),
        out_shape=jax.ShapeDtypeStruct((2, N, HH), jnp.float32),
    )(x, w)


def _fuse_body(p_ref, b_ref, w_ref, o_ref):
    h = jnp.maximum(
        jnp.concatenate([p_ref[0], p_ref[1]], axis=1) + b_ref[...], 0.0)
    r = jnp.dot(h, w_ref[...], preferred_element_type=jnp.float32)
    o_ref[0] = r[:, :HH]
    o_ref[1] = r[:, HH:]


def _fuse(p, b, w):
    return pl.pallas_call(
        _fuse_body,
        grid=(N // _BLK,),
        in_specs=[
            pl.BlockSpec((2, _BLK, HH), lambda i: (0, i, 0)),
            pl.BlockSpec((1, H), lambda i: (0, 0)),
            pl.BlockSpec((H, H), lambda i: (0, 0)),
        ],
        out_specs=pl.BlockSpec((2, _BLK, HH), lambda i: (0, i, 0)),
        out_shape=jax.ShapeDtypeStruct((2, N, HH), jnp.float32),
    )(p, b.reshape(1, H), w)


def _final_body(p_ref, b_ref, w_ref, bfc_ref, o_ref):
    h = jnp.maximum(
        jnp.concatenate([p_ref[0], p_ref[1]], axis=1) + b_ref[...], 0.0)
    logits = jnp.dot(h, w_ref[...],
                     preferred_element_type=jnp.float32) + bfc_ref[...]
    m = jnp.max(logits, axis=1, keepdims=True)
    lse = m + jnp.log(jnp.sum(jnp.exp(logits - m), axis=1, keepdims=True))
    o_ref[...] = logits - lse


def _final(p, b, wfc, bfc):
    return pl.pallas_call(
        _final_body,
        grid=(N // _BLK,),
        in_specs=[
            pl.BlockSpec((2, _BLK, HH), lambda i: (0, i, 0)),
            pl.BlockSpec((1, H), lambda i: (0, 0)),
            pl.BlockSpec((H, C), lambda i: (0, 0)),
            pl.BlockSpec((1, C), lambda i: (0, 0)),
        ],
        out_specs=pl.BlockSpec((_BLK, C), lambda i: (i, 0)),
        out_shape=jax.ShapeDtypeStruct((N, C), jnp.float32),
    )(p, b.reshape(1, H), wfc, bfc.reshape(1, C))


def kernel(x, edge_index, W1, b1, W2, b2, W3, b3, W4, b4, Wfc, bfc):
    pad = E_PAD - E
    src = jnp.concatenate(
        [edge_index[0], jnp.zeros((pad,), jnp.int32)]).reshape(NS, CH, K)
    dst = jnp.concatenate(
        [edge_index[1], jnp.full((pad,), N, jnp.int32)]).reshape(NS, CH, K)

    support = _mm(x, W1)
    p = _spmm(support, src, dst)
    support = _fuse(p, b1, W2)
    p = _spmm(support, src, dst)
    support = _fuse(p, b2, W3)
    p = _spmm(support, src, dst)
    support = _fuse(p, b3, W4)
    p = _spmm(support, src, dst)
    return _final(p, b4, Wfc, bfc)

# --- scband reference (transcript-rebuilt; emitter-appended) ---
"""Pipeline reference for scband-nn-11166914969621 (READ-ONLY COPY).

The authoritative reference and input builder live on the scoring server;
editing this copy changes nothing except your own understanding.
"""

import jax, jax.numpy as jnp
import numpy as np
import math

N = 10000
E = 320000
F_IN = 128
H = 128
C = 64


def setup_inputs(seed: int = 0) -> dict:
    key = jax.random.key(seed)
    ks = jax.random.split(key, 16)
    x = jax.random.normal(ks[0], (N, F_IN), dtype=jnp.float32)
    edge_index = jax.random.randint(ks[1], (2, E), 0, N, dtype=jnp.int32)

    def unif(k, shape, stdv):
        return jax.random.uniform(k, shape, minval=-stdv, maxval=stdv, dtype=jnp.float32)

    s = 1.0 / math.sqrt(H)
    sfc = 1.0 / math.sqrt(H)
    W1 = unif(ks[2], (F_IN, H), s)
    b1 = unif(ks[3], (H,), s)
    W2 = unif(ks[4], (H, H), s)
    b2 = unif(ks[5], (H,), s)
    W3 = unif(ks[6], (H, H), s)
    b3 = unif(ks[7], (H,), s)
    W4 = unif(ks[8], (H, H), s)
    b4 = unif(ks[9], (H,), s)
    Wfc = unif(ks[10], (H, C), sfc)
    bfc = unif(ks[11], (C,), sfc)
    return {
        'x': x, 'edge_index': edge_index,
        'W1': W1, 'b1': b1, 'W2': W2, 'b2': b2,
        'W3': W3, 'b3': b3, 'W4': W4, 'b4': b4,
        'Wfc': Wfc, 'bfc': bfc,
    }


def reference(x, edge_index, W1, b1, W2, b2, W3, b3, W4, b4, Wfc, bfc):
    # GCN layer: support = x @ W ; out = spmm(adj, support) + b
    # adj is the (unnormalized, binary) adjacency implied by edge_index;
    # spmm(adj, support) == scatter-add of gathered source rows into dst rows.
    src = edge_index[0]
    dst = edge_index[1]

    def gcn(h, W, b):
        support = h @ W
        msg = jnp.take(support, src, axis=0)            # gather (SparseCore)
        agg = jax.ops.segment_sum(msg, dst, num_segments=N)  # scatter-add
        return agg + b

    h = jax.nn.relu(gcn(x, W1, b1))
    # dropout is identity in eval mode (deterministic reference)
    h = jax.nn.relu(gcn(h, W2, b2))
    h = jax.nn.relu(gcn(h, W3, b3))
    h = jax.nn.relu(gcn(h, W4, b4))
    logits = h @ Wfc + bfc
    return jax.nn.log_softmax(logits, axis=1)

if __name__ == "__main__":
    import jax
    _d = setup_inputs()
    print(jax.jit(kernel)(*tuple(_d.values())))

</pallas_src>

<mosaic_0001>
#map = affine_map<(d0, d1) -> (0, 0, 0)>
module attributes {stable_mosaic.version = 14 : i64} {
  func.func @spmm(%arg0: i32, %arg1: i32, %arg2: memref<2x10000x64xf32, #tpu.memory_space<hbm>>, %arg3: memref<16x92x224xi32, #tpu.memory_space<hbm>>, %arg4: memref<16x92x224xi32, #tpu.memory_space<hbm>>, %arg5: memref<2x10000x64xf32, #tpu.memory_space<hbm>>, %arg6: memref<46x224xi32, #tpu.memory_space<vmem>>, %arg7: memref<46x224xi32, #tpu.memory_space<vmem>>, %arg8: memref<224x64xf32, #tpu.memory_space<vmem>>, %arg9: memref<224x64xf32, #tpu.memory_space<vmem>>, %arg10: memref<10016x64xf32, #tpu.memory_space<vmem_shared>>, %arg11: memref<10000x64xf32, #tpu.memory_space<vmem_shared>>, %arg12: memref<!tpu.dma_semaphore, #tpu.memory_space<semaphore_mem>>, %arg13: memref<!tpu.dma_semaphore, #tpu.memory_space<semaphore_mem>>, %arg14: memref<!tpu.dma_semaphore, #tpu.memory_space<semaphore_mem>>, %arg15: memref<!tpu.dma_semaphore, #tpu.memory_space<semaphore_mem>>) attributes {dimension_semantics = [#tpu.dimension_semantics<core_parallel>, #tpu.dimension_semantics<subcore_parallel>], iteration_bounds = array<i64: 2, 16>, scalar_prefetch = 0 : i64, scratch_operands = 10 : i64, tpu.core_type = #tpu.core_type<sc_vector_subcore>, window_params = [{transform_indices = #map}, {transform_indices = #map}, {transform_indices = #map}, {transform_indices = #map}]} {
    %broadcast_in_dim3A = arith.constant 0.000000e+00 : f32
    %broadcast_in_dim3A_0 = vector.broadcast %broadcast_in_dim3A : f32 to vector<16xf32>
    %scan3A = arith.constant 0 : i32
    %scan3A_1 = arith.constant 224 : i32
    %scan3A_2 = arith.addi %scan3A, %scan3A_1 : i32
    %scan3A_3 = arith.constant 1 : i32
    scf.for %scan3A_220 = %scan3A to %scan3A_2 step %scan3A_3  : i32 {
      %mul3A_221 = arith.constant 1 : i32
      %mul3A_222 = arith.muli %scan3A_220, %mul3A_221 : i32
      %add3A_223 = arith.constant 0 : i32
      %add3A_224 = arith.addi %add3A_223, %mul3A_222 : i32
      %swap3A = arith.index_cast %add3A_224 : i32 to index
      %swap3A_225 = arith.constant 0 : index
      %swap3A_226 = tpu.vector_load %arg8[%swap3A, %swap3A_225] {strides = array<i32>} : memref<224x64xf32, #tpu.memory_space<vmem>>, vector<1x16xf32>,
      %swap3A_227 = vector.shape_cast %swap3A_226 : vector<1x16xf32> to vector<16xf32>
      %swap3A_228 = vector.shape_cast %broadcast_in_dim3A_0 : vector<16xf32> to vector<1x16xf32>
      tpu.vector_store %arg8[%swap3A, %swap3A_225], %swap3A_228 {strides = array<i32>} : memref<224x64xf32, #tpu.memory_space<vmem>>, vector<1x16xf32>,
      %swap3A_229 = arith.index_cast %add3A_224 : i32 to index
      %swap3A_230 = arith.constant 16 : index
      %swap3A_231 = tpu.vector_load %arg8[%swap3A_229, %swap3A_230] {strides = array<i32>} : memref<224x64xf32, #tpu.memory_space<vmem>>, vector<1x16xf32>,
      %swap3A_232 = vector.shape_cast %swap3A_231 : vector<1x16xf32> to vector<16xf32>
      %swap3A_233 = vector.shape_cast %broadcast_in_dim3A_0 : vector<16xf32> to vector<1x16xf32>
      tpu.vector_store %arg8[%swap3A_229, %swap3A_230], %swap3A_233 {strides = array<i32>} : memref<224x64xf32, #tpu.memory_space<vmem>>, vector<1x16xf32>,
      %swap3A_234 = arith.index_cast %add3A_224 : i32 to index
      %swap3A_235 = arith.constant 32 : index
      %swap3A_236 = tpu.vector_load %arg8[%swap3A_234, %swap3A_235] {strides = array<i32>} : memref<224x64xf32, #tpu.memory_space<vmem>>, vector<1x16xf32>,
      %swap3A_237 = vector.shape_cast %swap3A_236 : vector<1x16xf32> to vector<16xf32>
      %swap3A_238 = vector.shape_cast %broadcast_in_dim3A_0 : vector<16xf32> to vector<1x16xf32>
      tpu.vector_store %arg8[%swap3A_234, %swap3A_235], %swap3A_238 {strides = array<i32>} : memref<224x64xf32, #tpu.memory_space<vmem>>, vector<1x16xf32>,
      %swap3A_239 = arith.index_cast %add3A_224 : i32 to index
      %swap3A_240 = arith.constant 48 : index
      %swap3A_241 = tpu.vector_load %arg8[%swap3A_239, %swap3A_240] {strides = array<i32>} : memref<224x64xf32, #tpu.memory_space<vmem>>, vector<1x16xf32>,
      %swap3A_242 = vector.shape_cast %swap3A_241 : vector<1x16xf32> to vector<16xf32>
      %swap3A_243 = vector.shape_cast %broadcast_in_dim3A_0 : vector<16xf32> to vector<1x16xf32>
      tpu.vector_store %arg8[%swap3A_239, %swap3A_240], %swap3A_243 {strides = array<i32>} : memref<224x64xf32, #tpu.memory_space<vmem>>, vector<1x16xf32>,
    }
    %scan3A_4 = arith.constant 224 : i32
    %mul3A = arith.constant 626 : i32
    %mul3A_5 = arith.muli %arg1, %mul3A : i32
    %add3A = arith.constant 0 : i32
    %add3A_6 = arith.addi %mul3A_5, %add3A : i32
    %dma_start3A = arith.constant 0 : i32
    %dma_start3A_7 = arith.constant 0 : i32
    %dma_start3A_8 = tpu.memref_slice %arg8[%dma_start3A, %dma_start3A_7] : memref<224x64xf32, #tpu.memory_space<vmem>> -> memref<224x64xf32, #tpu.memory_space<vmem>>
    %dma_start3A_9 = arith.constant 0 : i32
    %dma_start3A_10 = tpu.memref_slice %arg10[%add3A_6, %dma_start3A_9] : memref<10016x64xf32, #tpu.memory_space<vmem_shared>> -> memref<224x64xf32, #tpu.memory_space<vmem_shared>>
    %dma_start3A_11 = arith.constant 0 : i32
    %dma_start3A_12 = tpu.memref_slice %arg10[%add3A_6, %dma_start3A_11] : memref<10016x64xf32, #tpu.memory_space<vmem_shared>> -> memref<224x64xf32, #tpu.memory_space<vmem_shared>>
    %dma_start3A_13 = arith.constant 0 : i32
    %dma_start3A_14 = arith.constant 0 : i32
    %dma_start3A_15 = tpu.memref_slice %arg8[%dma_start3A_13, %dma_start3A_14] : memref<224x64xf32, #tpu.memory_space<vmem>> -> memref<224x64xf32, #tpu.memory_space<vmem>>
    tpu.enqueue_dma source(%dma_start3A_15 : memref<224x64xf32, #tpu.memory_space<vmem>>) target(%dma_start3A_12 : memref<224x64xf32, #tpu.memory_space<vmem_shared>>) target_semaphore(%arg14 : memref<!tpu.dma_semaphore, #tpu.memory_space<semaphore_mem>>)
    %mul3A_16 = arith.constant 626 : i32
    %mul3A_17 = arith.muli %arg1, %mul3A_16 : i32
    %add3A_18 = arith.constant 224 : i32
    %add3A_19 = arith.addi %mul3A_17, %add3A_18 : i32
    %dma_start3A_20 = arith.constant 0 : i32
    %dma_start3A_21 = arith.constant 0 : i32
    %dma_start3A_22 = tpu.memref_slice %arg8[%dma_start3A_20, %dma_start3A_21] : memref<224x64xf32, #tpu.memory_space<vmem>> -> memref<224x64xf32, #tpu.memory_space<vmem>>
    %dma_start3A_23 = arith.constant 0 : i32
    %dma_start3A_24 = tpu.memref_slice %arg10[%add3A_19, %dma_start3A_23] : memref<10016x64xf32, #tpu.memory_space<vmem_shared>> -> memref<224x64xf32, #tpu.memory_space<vmem_shared>>
    %dma_start3A_25 = arith.constant 0 : i32
    %dma_start3A_26 = tpu.memref_slice %arg10[%add3A_19, %dma_start3A_25] : memref<10016x64xf32, #tpu.memory_space<vmem_shared>> -> memref<224x64xf32, #tpu.memory_space<vmem_shared>>
    %dma_start3A_27 = arith.constant 0 : i32
    %dma_start3A_28 = arith.constant 0 : i32
    %dma_start3A_29 = tpu.memref_slice %arg8[%dma_start3A_27, %dma_start3A_28] : memref<224x64xf32, #tpu.memory_space<vmem>> -> memref<224x64xf32, #tpu.memory_space<vmem>>
    tpu.enqueue_dma source(%dma_start3A_29 : memref<224x64xf32, #tpu.memory_space<vmem>>) target(%dma_start3A_26 : memref<224x64xf32, #tpu.memory_space<vmem_shared>>) target_semaphore(%arg14 : memref<!tpu.dma_semaphore, #tpu.memory_space<semaphore_mem>>)
    %mul3A_30 = arith.constant 626 : i32
    %mul3A_31 = arith.muli %arg1, %mul3A_30 : i32
    %add3A_32 = arith.constant 448 : i32
    %add3A_33 = arith.addi %mul3A_31, %add3A_32 : i32
    %dma_start3A_34 = arith.constant 0 : i32
    %dma_start3A_35 = arith.constant 0 : i32
    %dma_start3A_36 = tpu.memref_slice %arg8[%dma_start3A_34, %dma_start3A_35] : memref<224x64xf32, #tpu.memory_space<vmem>> -> memref<178x64xf32, #tpu.memory_space<vmem>>
    %dma_start3A_37 = arith.constant 0 : i32
    %dma_start3A_38 = tpu.memref_slice %arg10[%add3A_33, %dma_start3A_37] : memref<10016x64xf32, #tpu.memory_space<vmem_shared>> -> memref<178x64xf32, #tpu.memory_space<vmem_shared>>
    %dma_start3A_39 = arith.constant 0 : i32
    %dma_start3A_40 = tpu.memref_slice %arg10[%add3A_33, %dma_start3A_39] : memref<10016x64xf32, #tpu.memory_space<vmem_shared>> -> memref<178x64xf32, #tpu.memory_space<vmem_shared>>
    %dma_start3A_41 = arith.constant 0 : i32
    %dma_start3A_42 = arith.constant 0 : i32
    %dma_start3A_43 = tpu.memref_slice %arg8[%dma_start3A_41, %dma_start3A_42] : memref<224x64xf32, #tpu.memory_space<vmem>> -> memref<178x64xf32, #tpu.memory_space<vmem>>
    tpu.enqueue_dma source(%dma_start3A_43 : memref<178x64xf32, #tpu.memory_space<vmem>>) target(%dma_start3A_40 : memref<178x64xf32, #tpu.memory_space<vmem_shared>>) target_semaphore(%arg14 : memref<!tpu.dma_semaphore, #tpu.memory_space<semaphore_mem>>)
    %lt3A = arith.constant 15 : i32
    %lt3A_44 = arith.cmpi slt, %arg1, %lt3A : i32
    %convert_element_type3A = arith.extui %lt3A_44 : i1 to i32
    %cond3A = arith.constant 0 : i32
    %cond3A_45 = arith.cmpi ne, %convert_element_type3A, %cond3A : i32
    scf.if %cond3A_45 {
      %mul3A_220 = arith.constant 624 : i32
      %mul3A_221 = arith.muli %arg1, %mul3A_220 : i32
      %mul3A_222 = arith.constant 624 : i32
      %mul3A_223 = arith.muli %arg1, %mul3A_222 : i32
      %dma_start3A_224 = arith.constant 0 : i32
      %dma_start3A_225 = tpu.memref_slice %arg11[%mul3A_223, %dma_start3A_224] : memref<10000x64xf32, #tpu.memory_space<vmem_shared>> -> memref<624x64xf32, #tpu.memory_space<vmem_shared>>
      %dma_start3A_226 = arith.constant 0 : i32
      %dma_start3A_227 = arith.constant 0 : i32
      %dma_start3A_228 = tpu.memref_slice %arg2[%arg0, %dma_start3A_226, %dma_start3A_227] : memref<2x10000x64xf32, #tpu.memory_space<hbm>> -> memref<1x10000x64xf32, #tpu.memory_space<hbm>>
      %dma_start3A_229 = tpu.memref_squeeze %dma_start3A_228 : memref<1x10000x64xf32, #tpu.memory_space<hbm>> -> memref<10000x64xf32, #tpu.memory_space<hbm>>
      %dma_start3A_230 = arith.constant 0 : i32
      %dma_start3A_231 = tpu.memref_slice %dma_start3A_229[%mul3A_221, %dma_start3A_230] : memref<10000x64xf32, #tpu.memory_space<hbm>> -> memref<624x64xf32, #tpu.memory_space<hbm>>
      tpu.enqueue_dma source(%dma_start3A_231 : memref<624x64xf32, #tpu.memory_space<hbm>>) target(%dma_start3A_225 : memref<624x64xf32, #tpu.memory_space<vmem_shared>>) target_semaphore(%arg15 : memref<!tpu.dma_semaphore, #tpu.memory_space<semaphore_mem>>)
    } else {
    }
    %eq3A = arith.constant 15 : i32
    %eq3A_46 = arith.cmpi eq, %arg1, %eq3A : i32
    %convert_element_type3A_47 = arith.extui %eq3A_46 : i1 to i32
    %cond3A_48 = arith.constant 0 : i32
    %cond3A_49 = arith.cmpi ne, %convert_element_type3A_47, %cond3A_48 : i32
    scf.if %cond3A_49 {
      %dma_start3A_220 = arith.constant 9360 : i32
      %dma_start3A_221 = arith.constant 0 : i32
      %dma_start3A_222 = tpu.memref_slice %arg11[%dma_start3A_220, %dma_start3A_221] : memref<10000x64xf32, #tpu.memory_space<vmem_shared>> -> memref<640x64xf32, #tpu.memory_space<vmem_shared>>
      %dma_start3A_223 = arith.constant 0 : i32
      %dma_start3A_224 = arith.constant 0 : i32
      %dma_start3A_225 = tpu.memref_slice %arg2[%arg0, %dma_start3A_223, %dma_start3A_224] : memref<2x10000x64xf32, #tpu.memory_space<hbm>> -> memref<1x10000x64xf32, #tpu.memory_space<hbm>>
      %dma_start3A_226 = tpu.memref_squeeze %dma_start3A_225 : memref<1x10000x64xf32, #tpu.memory_space<hbm>> -> memref<10000x64xf32, #tpu.memory_space<hbm>>
      %dma_start3A_227 = arith.constant 9360 : i32
      %dma_start3A_228 = arith.constant 0 : i32
      %dma_start3A_229 = tpu.memref_slice %dma_start3A_226[%dma_start3A_227, %dma_start3A_228] : memref<10000x64xf32, #tpu.memory_space<hbm>> -> memref<640x64xf32, #tpu.memory_space<hbm>>
      tpu.enqueue_dma source(%dma_start3A_229 : memref<640x64xf32, #tpu.memory_space<hbm>>) target(%dma_start3A_222 : memref<640x64xf32, #tpu.memory_space<vmem_shared>>) target_semaphore(%arg15 : memref<!tpu.dma_semaphore, #tpu.memory_space<semaphore_mem>>)
    } else {
    }
    %dma_start3A_50 = arith.constant 0 : i32
    %dma_start3A_51 = arith.constant 0 : i32
    %dma_start3A_52 = tpu.memref_slice %arg3[%arg1, %dma_start3A_50, %dma_start3A_51] : memref<16x92x224xi32, #tpu.memory_space<hbm>> -> memref<1x92x224xi32, #tpu.memory_space<hbm>>
    %dma_start3A_53 = tpu.memref_squeeze %dma_start3A_52 : memref<1x92x224xi32, #tpu.memory_space<hbm>> -> memref<92x224xi32, #tpu.memory_space<hbm>>
    %dma_start3A_54 = arith.constant 0 : i32
    %dma_start3A_55 = arith.constant 0 : i32
    %dma_start3A_56 = tpu.memref_slice %dma_start3A_53[%dma_start3A_54, %dma_start3A_55] : memref<92x224xi32, #tpu.memory_space<hbm>> -> memref<46x224xi32, #tpu.memory_space<hbm>>
    %dma_start3A_57 = arith.constant 0 : i32
    %dma_start3A_58 = arith.constant 0 : i32
    %dma_start3A_59 = tpu.memref_slice %arg3[%arg1, %dma_start3A_57, %dma_start3A_58] : memref<16x92x224xi32, #tpu.memory_space<hbm>> -> memref<1x92x224xi32, #tpu.memory_space<hbm>>
    %dma_start3A_60 = tpu.memref_squeeze %dma_start3A_59 : memref<1x92x224xi32, #tpu.memory_space<hbm>> -> memref<92x224xi32, #tpu.memory_space<hbm>>
    %dma_start3A_61 = arith.constant 0 : i32
    %dma_start3A_62 = arith.constant 0 : i32
    %dma_start3A_63 = tpu.memref_slice %dma_start3A_60[%dma_start3A_61, %dma_start3A_62] : memref<92x224xi32, #tpu.memory_space<hbm>> -> memref<46x224xi32, #tpu.memory_space<hbm>>
    tpu.enqueue_dma source(%dma_start3A_63 : memref<46x224xi32, #tpu.memory_space<hbm>>) target(%arg6 : memref<46x224xi32, #tpu.memory_space<vmem>>) target_semaphore(%arg12 : memref<!tpu.dma_semaphore, #tpu.memory_space<semaphore_mem>>)
    %dma_start3A_64 = arith.constant 0 : i32
    %dma_start3A_65 = arith.constant 0 : i32
    %dma_start3A_66 = tpu.memref_slice %arg4[%arg1, %dma_start3A_64, %dma_start3A_65] : memref<16x92x224xi32, #tpu.memory_space<hbm>> -> memref<1x92x224xi32, #tpu.memory_space<hbm>>
    %dma_start3A_67 = tpu.memref_squeeze %dma_start3A_66 : memref<1x92x224xi32, #tpu.memory_space<hbm>> -> memref<92x224xi32, #tpu.memory_space<hbm>>
    %dma_start3A_68 = arith.constant 0 : i32
    %dma_start3A_69 = arith.constant 0 : i32
    %dma_start3A_70 = tpu.memref_slice %dma_start3A_67[%dma_start3A_68, %dma_start3A_69] : memref<92x224xi32, #tpu.memory_space<hbm>> -> memref<46x224xi32, #tpu.memory_space<hbm>>
    %dma_start3A_71 = arith.constant 0 : i32
    %dma_start3A_72 = arith.constant 0 : i32
    %dma_start3A_73 = tpu.memref_slice %arg4[%arg1, %dma_start3A_71, %dma_start3A_72] : memref<16x92x224xi32, #tpu.memory_space<hbm>> -> memref<1x92x224xi32, #tpu.memory_space<hbm>>
    %dma_start3A_74 = tpu.memref_squeeze %dma_start3A_73 : memref<1x92x224xi32, #tpu.memory_space<hbm>> -> memref<92x224xi32, #tpu.memory_space<hbm>>
    %dma_start3A_75 = arith.constant 0 : i32
    %dma_start3A_76 = arith.constant 0 : i32
    %dma_start3A_77 = tpu.memref_slice %dma_start3A_74[%dma_start3A_75, %dma_start3A_76] : memref<92x224xi32, #tpu.memory_space<hbm>> -> memref<46x224xi32, #tpu.memory_space<hbm>>
    tpu.enqueue_dma source(%dma_start3A_77 : memref<46x224xi32, #tpu.memory_space<hbm>>) target(%arg7 : memref<46x224xi32, #tpu.memory_space<vmem>>) target_semaphore(%arg13 : memref<!tpu.dma_semaphore, #tpu.memory_space<semaphore_mem>>)
    %mul3A_78 = arith.constant 626 : i32
    %mul3A_79 = arith.muli %arg1, %mul3A_78 : i32
    %add3A_80 = arith.constant 0 : i32
    %add3A_81 = arith.addi %mul3A_79, %add3A_80 : i32
    %dma_wait3A = arith.constant 0 : i32
    %dma_wait3A_82 = arith.constant 0 : i32
    %dma_wait3A_83 = tpu.memref_slice %arg8[%dma_wait3A, %dma_wait3A_82] : memref<224x64xf32, #tpu.memory_space<vmem>> -> memref<224x64xf32, #tpu.memory_space<vmem>>
    %dma_wait3A_84 = arith.constant 0 : i32
    %dma_wait3A_85 = tpu.memref_slice %arg10[%add3A_81, %dma_wait3A_84] : memref<10016x64xf32, #tpu.memory_space<vmem_shared>> -> memref<224x64xf32, #tpu.memory_space<vmem_shared>>
    %dma_wait3A_86 = arith.constant 0 : i32
    %dma_wait3A_87 = tpu.memref_slice %arg10[%add3A_81, %dma_wait3A_86] : memref<10016x64xf32, #tpu.memory_space<vmem_shared>> -> memref<224x64xf32, #tpu.memory_space<vmem_shared>>
    %dma_wait3A_88 = arith.constant 0 : i32
    %dma_wait3A_89 = arith.constant 0 : i32
    %dma_wait3A_90 = tpu.memref_slice %arg8[%dma_wait3A_88, %dma_wait3A_89] : memref<224x64xf32, #tpu.memory_space<vmem>> -> memref<224x64xf32, #tpu.memory_space<vmem>>
    tpu.wait_dma2 semaphore(%arg14 : memref<!tpu.dma_semaphore, #tpu.memory_space<semaphore_mem>>) src(%dma_wait3A_90 : memref<224x64xf32, #tpu.memory_space<vmem>>) dst(%dma_wait3A_87 : memref<224x64xf32, #tpu.memory_space<vmem_shared>>)
    %mul3A_91 = arith.constant 626 : i32
    %mul3A_92 = arith.muli %arg1, %mul3A_91 : i32
    %add3A_93 = arith.constant 224 : i32
    %add3A_94 = arith.addi %mul3A_92, %add3A_93 : i32
    %dma_wait3A_95 = arith.constant 0 : i32
    %dma_wait3A_96 = arith.constant 0 : i32
    %dma_wait3A_97 = tpu.memref_slice %arg8[%dma_wait3A_95, %dma_wait3A_96] : memref<224x64xf32, #tpu.memory_space<vmem>> -> memref<224x64xf32, #tpu.memory_space<vmem>>
    %dma_wait3A_98 = arith.constant 0 : i32
    %dma_wait3A_99 = tpu.memref_slice %arg10[%add3A_94, %dma_wait3A_98] : memref<10016x64xf32, #tpu.memory_space<vmem_shared>> -> memref<224x64xf32, #tpu.memory_space<vmem_shared>>
    %dma_wait3A_100 = arith.constant 0 : i32
    %dma_wait3A_101 = tpu.memref_slice %arg10[%add3A_94, %dma_wait3A_100] : memref<10016x64xf32, #tpu.memory_space<vmem_shared>> -> memref<224x64xf32, #tpu.memory_space<vmem_shared>>
    %dma_wait3A_102 = arith.constant 0 : i32
    %dma_wait3A_103 = arith.constant 0 : i32
    %dma_wait3A_104 = tpu.memref_slice %arg8[%dma_wait3A_102, %dma_wait3A_103] : memref<224x64xf32, #tpu.memory_space<vmem>> -> memref<224x64xf32, #tpu.memory_space<vmem>>
    tpu.wait_dma2 semaphore(%arg14 : memref<!tpu.dma_semaphore, #tpu.memory_space<semaphore_mem>>) src(%dma_wait3A_104 : memref<224x64xf32, #tpu.memory_space<vmem>>) dst(%dma_wait3A_101 : memref<224x64xf32, #tpu.memory_space<vmem_shared>>)
    %mul3A_105 = arith.constant 626 : i32
    %mul3A_106 = arith.muli %arg1, %mul3A_105 : i32
    %add3A_107 = arith.constant 448 : i32
    %add3A_108 = arith.addi %mul3A_106, %add3A_107 : i32
    %dma_wait3A_109 = arith.constant 0 : i32
    %dma_wait3A_110 = arith.constant 0 : i32
    %dma_wait3A_111 = tpu.memref_slice %arg8[%dma_wait3A_109, %dma_wait3A_110] : memref<224x64xf32, #tpu.memory_space<vmem>> -> memref<178x64xf32, #tpu.memory_space<vmem>>
    %dma_wait3A_112 = arith.constant 0 : i32
    %dma_wait3A_113 = tpu.memref_slice %arg10[%add3A_108, %dma_wait3A_112] : memref<10016x64xf32, #tpu.memory_space<vmem_shared>> -> memref<178x64xf32, #tpu.memory_space<vmem_shared>>
    %dma_wait3A_114 = arith.constant 0 : i32
    %dma_wait3A_115 = tpu.memref_slice %arg10[%add3A_108, %dma_wait3A_114] : memref<10016x64xf32, #tpu.memory_space<vmem_shared>> -> memref<178x64xf32, #tpu.memory_space<vmem_shared>>
    %dma_wait3A_116 = arith.constant 0 : i32
    %dma_wait3A_117 = arith.constant 0 : i32
    %dma_wait3A_118 = tpu.memref_slice %arg8[%dma_wait3A_116, %dma_wait3A_117] : memref<224x64xf32, #tpu.memory_space<vmem>> -> memref<178x64xf32, #tpu.memory_space<vmem>>
    tpu.wait_dma2 semaphore(%arg14 : memref<!tpu.dma_semaphore, #tpu.memory_space<semaphore_mem>>) src(%dma_wait3A_118 : memref<178x64xf32, #tpu.memory_space<vmem>>) dst(%dma_wait3A_115 : memref<178x64xf32, #tpu.memory_space<vmem_shared>>)
    %lt3A_119 = arith.constant 15 : i32
    %lt3A_120 = arith.cmpi slt, %arg1, %lt3A_119 : i32
    %convert_element_type3A_121 = arith.extui %lt3A_120 : i1 to i32
    %cond3A_122 = arith.constant 0 : i32
    %cond3A_123 = arith.cmpi ne, %convert_element_type3A_121, %cond3A_122 : i32
    scf.if %cond3A_123 {
      %mul3A_220 = arith.constant 624 : i32
      %mul3A_221 = arith.muli %arg1, %mul3A_220 : i32
      %mul3A_222 = arith.constant 624 : i32
      %mul3A_223 = arith.muli %arg1, %mul3A_222 : i32
      %dma_wait3A_224 = arith.constant 0 : i32
      %dma_wait3A_225 = tpu.memref_slice %arg11[%mul3A_223, %dma_wait3A_224] : memref<10000x64xf32, #tpu.memory_space<vmem_shared>> -> memref<624x64xf32, #tpu.memory_space<vmem_shared>>
      %dma_wait3A_226 = arith.constant 0 : i32
      %dma_wait3A_227 = arith.constant 0 : i32
      %dma_wait3A_228 = tpu.memref_slice %arg2[%arg0, %dma_wait3A_226, %dma_wait3A_227] : memref<2x10000x64xf32, #tpu.memory_space<hbm>> -> memref<1x10000x64xf32, #tpu.memory_space<hbm>>
      %dma_wait3A_229 = tpu.memref_squeeze %dma_wait3A_228 : memref<1x10000x64xf32, #tpu.memory_space<hbm>> -> memref<10000x64xf32, #tpu.memory_space<hbm>>
      %dma_wait3A_230 = arith.constant 0 : i32
      %dma_wait3A_231 = tpu.memref_slice %dma_wait3A_229[%mul3A_221, %dma_wait3A_230] : memref<10000x64xf32, #tpu.memory_space<hbm>> -> memref<624x64xf32, #tpu.memory_space<hbm>>
      tpu.wait_dma2 semaphore(%arg15 : memref<!tpu.dma_semaphore, #tpu.memory_space<semaphore_mem>>) src(%dma_wait3A_231 : memref<624x64xf32, #tpu.memory_space<hbm>>) dst(%dma_wait3A_225 : memref<624x64xf32, #tpu.memory_space<vmem_shared>>)
    } else {
    }
    %eq3A_124 = arith.constant 15 : i32
    %eq3A_125 = arith.cmpi eq, %arg1, %eq3A_124 : i32
    %convert_element_type3A_126 = arith.extui %eq3A_125 : i1 to i32
    %cond3A_127 = arith.constant 0 : i32
    %cond3A_128 = arith.cmpi ne, %convert_element_type3A_126, %cond3A_127 : i32
    scf.if %cond3A_128 {
      %dma_wait3A_220 = arith.constant 9360 : i32
      %dma_wait3A_221 = arith.constant 0 : i32
      %dma_wait3A_222 = tpu.memref_slice %arg11[%dma_wait3A_220, %dma_wait3A_221] : memref<10000x64xf32, #tpu.memory_space<vmem_shared>> -> memref<640x64xf32, #tpu.memory_space<vmem_shared>>
      %dma_wait3A_223 = arith.constant 0 : i32
      %dma_wait3A_224 = arith.constant 0 : i32
      %dma_wait3A_225 = tpu.memref_slice %arg2[%arg0, %dma_wait3A_223, %dma_wait3A_224] : memref<2x10000x64xf32, #tpu.memory_space<hbm>> -> memref<1x10000x64xf32, #tpu.memory_space<hbm>>
      %dma_wait3A_226 = tpu.memref_squeeze %dma_wait3A_225 : memref<1x10000x64xf32, #tpu.memory_space<hbm>> -> memref<10000x64xf32, #tpu.memory_space<hbm>>
      %dma_wait3A_227 = arith.constant 9360 : i32
      %dma_wait3A_228 = arith.constant 0 : i32
      %dma_wait3A_229 = tpu.memref_slice %dma_wait3A_226[%dma_wait3A_227, %dma_wait3A_228] : memref<10000x64xf32, #tpu.memory_space<hbm>> -> memref<640x64xf32, #tpu.memory_space<hbm>>
      tpu.wait_dma2 semaphore(%arg15 : memref<!tpu.dma_semaphore, #tpu.memory_space<semaphore_mem>>) src(%dma_wait3A_229 : memref<640x64xf32, #tpu.memory_space<hbm>>) dst(%dma_wait3A_222 : memref<640x64xf32, #tpu.memory_space<vmem_shared>>)
    } else {
    }
    %dma_wait3A_129 = arith.constant 0 : i32
    %dma_wait3A_130 = arith.constant 0 : i32
    %dma_wait3A_131 = tpu.memref_slice %arg3[%arg1, %dma_wait3A_129, %dma_wait3A_130] : memref<16x92x224xi32, #tpu.memory_space<hbm>> -> memref<1x92x224xi32, #tpu.memory_space<hbm>>
    %dma_wait3A_132 = tpu.memref_squeeze %dma_wait3A_131 : memref<1x92x224xi32, #tpu.memory_space<hbm>> -> memref<92x224xi32, #tpu.memory_space<hbm>>
    %dma_wait3A_133 = arith.constant 0 : i32
    %dma_wait3A_134 = arith.constant 0 : i32
    %dma_wait3A_135 = tpu.memref_slice %dma_wait3A_132[%dma_wait3A_133, %dma_wait3A_134] : memref<92x224xi32, #tpu.memory_space<hbm>> -> memref<46x224xi32, #tpu.memory_space<hbm>>
    %dma_wait3A_136 = arith.constant 0 : i32
    %dma_wait3A_137 = arith.constant 0 : i32
    %dma_wait3A_138 = tpu.memref_slice %arg3[%arg1, %dma_wait3A_136, %dma_wait3A_137] : memref<16x92x224xi32, #tpu.memory_space<hbm>> -> memref<1x92x224xi32, #tpu.memory_space<hbm>>
    %dma_wait3A_139 = tpu.memref_squeeze %dma_wait3A_138 : memref<1x92x224xi32, #tpu.memory_space<hbm>> -> memref<92x224xi32, #tpu.memory_space<hbm>>
    %dma_wait3A_140 = arith.constant 0 : i32
    %dma_wait3A_141 = arith.constant 0 : i32
    %dma_wait3A_142 = tpu.memref_slice %dma_wait3A_139[%dma_wait3A_140, %dma_wait3A_141] : memref<92x224xi32, #tpu.memory_space<hbm>> -> memref<46x224xi32, #tpu.memory_space<hbm>>
    tpu.wait_dma2 semaphore(%arg12 : memref<!tpu.dma_semaphore, #tpu.memory_space<semaphore_mem>>) src(%dma_wait3A_142 : memref<46x224xi32, #tpu.memory_space<hbm>>) dst(%arg6 : memref<46x224xi32, #tpu.memory_space<vmem>>)
    %dma_wait3A_143 = arith.constant 0 : i32
    %dma_wait3A_144 = arith.constant 0 : i32
    %dma_wait3A_145 = tpu.memref_slice %arg4[%arg1, %dma_wait3A_143, %dma_wait3A_144] : memref<16x92x224xi32, #tpu.memory_space<hbm>> -> memref<1x92x224xi32, #tpu.memory_space<hbm>>
    %dma_wait3A_146 = tpu.memref_squeeze %dma_wait3A_145 : memref<1x92x224xi32, #tpu.memory_space<hbm>> -> memref<92x224xi32, #tpu.memory_space<hbm>>
    %dma_wait3A_147 = arith.constant 0 : i32
    %dma_wait3A_148 = arith.constant 0 : i32
    %dma_wait3A_149 = tpu.memref_slice %dma_wait3A_146[%dma_wait3A_147, %dma_wait3A_148] : memref<92x224xi32, #tpu.memory_space<hbm>> -> memref<46x224xi32, #tpu.memory_space<hbm>>
    %dma_wait3A_150 = arith.constant 0 : i32
    %dma_wait3A_151 = arith.constant 0 : i32
    %dma_wait3A_152 = tpu.memref_slice %arg4[%arg1, %dma_wait3A_150, %dma_wait3A_151] : memref<16x92x224xi32, #tpu.memory_space<hbm>> -> memref<1x92x224xi32, #tpu.memory_space<hbm>>
    %dma_wait3A_153 = tpu.memref_squeeze %dma_wait3A_152 : memref<1x92x224xi32, #tpu.memory_space<hbm>> -> memref<92x224xi32, #tpu.memory_space<hbm>>
    %dma_wait3A_154 = arith.constant 0 : i32
    %dma_wait3A_155 = arith.constant 0 : i32
    %dma_wait3A_156 = tpu.memref_slice %dma_wait3A_153[%dma_wait3A_154, %dma_wait3A_155] : memref<92x224xi32, #tpu.memory_space<hbm>> -> memref<46x224xi32, #tpu.memory_space<hbm>>
    tpu.wait_dma2 semaphore(%arg13 : memref<!tpu.dma_semaphore, #tpu.memory_space<semaphore_mem>>) src(%dma_wait3A_156 : memref<46x224xi32, #tpu.memory_space<hbm>>) dst(%arg7 : memref<46x224xi32, #tpu.memory_space<vmem>>)
    %barrier3A = arith.constant 0 : index
    tpu.barrier barrier_id(%barrier3A)
    %dma_start3A_157 = arith.constant 0 : i32
    %dma_start3A_158 = arith.constant 0 : i32
    %dma_start3A_159 = tpu.memref_slice %arg6[%dma_start3A_157, %dma_start3A_158] : memref<46x224xi32, #tpu.memory_space<vmem>> -> memref<1x224xi32, #tpu.memory_space<vmem>>
    %dma_start3A_160 = tpu.memref_squeeze %dma_start3A_159 : memref<1x224xi32, #tpu.memory_space<vmem>> -> memref<224xi32, #tpu.memory_space<vmem>>
    %dma_start3A_161 = arith.constant 0 : i32
    %dma_start3A_162 = arith.constant 0 : i32
    %dma_start3A_163 = tpu.memref_slice %arg11[%dma_start3A_161, %dma_start3A_162] : memref<10000x64xf32, #tpu.memory_space<vmem_shared>> -> memref<10000x64xf32, #tpu.memory_space<vmem_shared>>
    tpu.enqueue_indirect_dma source(%dma_start3A_163 : memref<10000x64xf32, #tpu.memory_space<vmem_shared>>) target(%arg8 : memref<224x64xf32, #tpu.memory_space<vmem>>) offsets(%dma_start3A_160 : memref<224xi32, #tpu.memory_space<vmem>>) semaphore(%arg12 : memref<!tpu.dma_semaphore, #tpu.memory_space<semaphore_mem>>)
    %scan3A_164 = arith.constant 0 : i32
    %scan3A_165 = arith.constant 23 : i32
    %scan3A_166 = arith.addi %scan3A_164, %scan3A_165 : i32
    %scan3A_167 = arith.constant 1 : i32
    scf.for %scan3A_220 = %scan3A_164 to %scan3A_166 step %scan3A_167  : i32 {
      %mul3A_221 = arith.constant 1 : i32
      %mul3A_222 = arith.muli %scan3A_220, %mul3A_221 : i32
      %add3A_223 = arith.constant 0 : i32
      %add3A_224 = arith.addi %add3A_223, %mul3A_222 : i32
      %mul3A_225 = arith.constant 2 : i32
      %mul3A_226 = arith.muli %mul3A_225, %add3A_224 : i32
      %dma_wait3A_227 = arith.constant 0 : i32
      %dma_wait3A_228 = tpu.memref_slice %arg6[%mul3A_226, %dma_wait3A_227] : memref<46x224xi32, #tpu.memory_space<vmem>> -> memref<1x224xi32, #tpu.memory_space<vmem>>
      %dma_wait3A_229 = tpu.memref_squeeze %dma_wait3A_228 : memref<1x224xi32, #tpu.memory_space<vmem>> -> memref<224xi32, #tpu.memory_space<vmem>>
      %dma_wait3A_230 = arith.constant 0 : i32
      %dma_wait3A_231 = arith.constant 0 : i32
      %dma_wait3A_232 = tpu.memref_slice %arg11[%dma_wait3A_230, %dma_wait3A_231] : memref<10000x64xf32, #tpu.memory_space<vmem_shared>> -> memref<10000x64xf32, #tpu.memory_space<vmem_shared>>
      tpu.wait_indirect_dma semaphore(%arg12 : memref<!tpu.dma_semaphore, #tpu.memory_space<semaphore_mem>>) src(%dma_wait3A_232 : memref<10000x64xf32, #tpu.memory_space<vmem_shared>>) dst(%arg8 : memref<224x64xf32, #tpu.memory_space<vmem>>)
      %dma_start3A_233 = arith.constant 0 : i32
      %dma_start3A_234 = tpu.memref_slice %arg7[%mul3A_226, %dma_start3A_233] : memref<46x224xi32, #tpu.memory_space<vmem>> -> memref<1x224xi32, #tpu.memory_space<vmem>>
      %dma_start3A_235 = tpu.memref_squeeze %dma_start3A_234 : memref<1x224xi32, #tpu.memory_space<vmem>> -> memref<224xi32, #tpu.memory_space<vmem>>
      %dma_start3A_236 = arith.constant 0 : i32
      %dma_start3A_237 = arith.constant 0 : i32
      %dma_start3A_238 = tpu.memref_slice %arg10[%dma_start3A_236, %dma_start3A_237] : memref<10016x64xf32, #tpu.memory_space<vmem_shared>> -> memref<10016x64xf32, #tpu.memory_space<vmem_shared>>
      tpu.enqueue_indirect_dma source(%arg8 : memref<224x64xf32, #tpu.memory_space<vmem>>) target(%dma_start3A_238 : memref<10016x64xf32, #tpu.memory_space<vmem_shared>>) offsets(%dma_start3A_235 : memref<224xi32, #tpu.memory_space<vmem>>) semaphore(%arg14 : memref<!tpu.dma_semaphore, #tpu.memory_space<semaphore_mem>>) {add = true}
      %gt3A = arith.constant 0 : i32
      %gt3A_239 = arith.cmpi sgt, %add3A_224, %gt3A : i32
      %convert_element_type3A_240 = arith.extui %gt3A_239 : i1 to i32
      %cond3A_241 = arith.constant 0 : i32
      %cond3A_242 = arith.cmpi ne, %convert_element_type3A_240, %cond3A_241 : i32
      scf.if %cond3A_242 {
        %sub3A = arith.constant 1 : i32
        %sub3A_272 = arith.subi %mul3A_226, %sub3A : i32
        %dma_wait3A_273 = arith.constant 0 : i32
        %dma_wait3A_274 = tpu.memref_slice %arg7[%sub3A_272, %dma_wait3A_273] : memref<46x224xi32, #tpu.memory_space<vmem>> -> memref<1x224xi32, #tpu.memory_space<vmem>>
        %dma_wait3A_275 = tpu.memref_squeeze %dma_wait3A_274 : memref<1x224xi32, #tpu.memory_space<vmem>> -> memref<224xi32, #tpu.memory_space<vmem>>
        %dma_wait3A_276 = arith.constant 0 : i32
        %dma_wait3A_277 = arith.constant 0 : i32
        %dma_wait3A_278 = tpu.memref_slice %arg10[%dma_wait3A_276, %dma_wait3A_277] : memref<10016x64xf32, #tpu.memory_space<vmem_shared>> -> memref<10016x64xf32, #tpu.memory_space<vmem_shared>>
        tpu.wait_indirect_dma semaphore(%arg15 : memref<!tpu.dma_semaphore, #tpu.memory_space<semaphore_mem>>) src(%arg9 : memref<224x64xf32, #tpu.memory_space<vmem>>) dst(%dma_wait3A_278 : memref<10016x64xf32, #tpu.memory_space<vmem_shared>>)
      } else {
      }
      %add3A_243 = arith.constant 1 : i32
      %add3A_244 = arith.addi %mul3A_226, %add3A_243 : i32
      %dma_start3A_245 = arith.constant 0 : i32
      %dma_start3A_246 = tpu.memref_slice %arg6[%add3A_244, %dma_start3A_245] : memref<46x224xi32, #tpu.memory_space<vmem>> -> memref<1x224xi32, #tpu.memory_space<vmem>>
      %dma_start3A_247 = tpu.memref_squeeze %dma_start3A_246 : memref<1x224xi32, #tpu.memory_space<vmem>> -> memref<224xi32, #tpu.memory_space<vmem>>
      %dma_start3A_248 = arith.constant 0 : i32
      %dma_start3A_249 = arith.constant 0 : i32
      %dma_start3A_250 = tpu.memref_slice %arg11[%dma_start3A_248, %dma_start3A_249] : memref<10000x64xf32, #tpu.memory_space<vmem_shared>> -> memref<10000x64xf32, #tpu.memory_space<vmem_shared>>
      tpu.enqueue_indirect_dma source(%dma_start3A_250 : memref<10000x64xf32, #tpu.memory_space<vmem_shared>>) target(%arg9 : memref<224x64xf32, #tpu.memory_space<vmem>>) offsets(%dma_start3A_247 : memref<224xi32, #tpu.memory_space<vmem>>) semaphore(%arg13 : memref<!tpu.dma_semaphore, #tpu.memory_space<semaphore_mem>>)
      %add3A_251 = arith.constant 1 : i32
      %add3A_252 = arith.addi %mul3A_226, %add3A_251 : i32
      %dma_wait3A_253 = arith.constant 0 : i32
      %dma_wait3A_254 = tpu.memref_slice %arg6[%add3A_252, %dma_wait3A_253] : memref<46x224xi32, #tpu.memory_space<vmem>> -> memref<1x224xi32, #tpu.memory_space<vmem>>
      %dma_wait3A_255 = tpu.memref_squeeze %dma_wait3A_254 : memref<1x224xi32, #tpu.memory_space<vmem>> -> memref<224xi32, #tpu.memory_space<vmem>>
      %dma_wait3A_256 = arith.constant 0 : i32
      %dma_wait3A_257 = arith.constant 0 : i32
      %dma_wait3A_258 = tpu.memref_slice %arg11[%dma_wait3A_256, %dma_wait3A_257] : memref<10000x64xf32, #tpu.memory_space<vmem_shared>> -> memref<10000x64xf32, #tpu.memory_space<vmem_shared>>
      tpu.wait_indirect_dma semaphore(%arg13 : memref<!tpu.dma_semaphore, #tpu.memory_space<semaphore_mem>>) src(%dma_wait3A_258 : memref<10000x64xf32, #tpu.memory_space<vmem_shared>>) dst(%arg9 : memref<224x64xf32, #tpu.memory_space<vmem>>)
      %add3A_259 = arith.constant 1 : i32
      %add3A_260 = arith.addi %mul3A_226, %add3A_259 : i32
      %dma_start3A_261 = arith.constant 0 : i32
      %dma_start3A_262 = tpu.memref_slice %arg7[%add3A_260, %dma_start3A_261] : memref<46x224xi32, #tpu.memory_space<vmem>> -> memref<1x224xi32, #tpu.memory_space<vmem>>
      %dma_start3A_263 = tpu.memref_squeeze %dma_start3A_262 : memref<1x224xi32, #tpu.memory_space<vmem>> -> memref<224xi32, #tpu.memory_space<vmem>>
      %dma_start3A_264 = arith.constant 0 : i32
      %dma_start3A_265 = arith.constant 0 : i32
      %dma_start3A_266 = tpu.memref_slice %arg10[%dma_start3A_264, %dma_start3A_265] : memref<10016x64xf32, #tpu.memory_space<vmem_shared>> -> memref<10016x64xf32, #tpu.memory_space<vmem_shared>>
      tpu.enqueue_indirect_dma source(%arg9 : memref<224x64xf32, #tpu.memory_space<vmem>>) target(%dma_start3A_266 : memref<10016x64xf32, #tpu.memory_space<vmem_shared>>) offsets(%dma_start3A_263 : memref<224xi32, #tpu.memory_space<vmem>>) semaphore(%arg15 : memref<!tpu.dma_semaphore, #tpu.memory_space<semaphore_mem>>) {add = true}
      %lt3A_267 = arith.constant 22 : i32
      %lt3A_268 = arith.cmpi slt, %add3A_224, %lt3A_267 : i32
      %convert_element_type3A_269 = arith.extui %lt3A_268 : i1 to i32
      %cond3A_270 = arith.constant 0 : i32
      %cond3A_271 = arith.cmpi ne, %convert_element_type3A_269, %cond3A_270 : i32
      scf.if %cond3A_271 {
        %dma_wait3A_272 = arith.constant 0 : i32
        %dma_wait3A_273 = tpu.memref_slice %arg7[%mul3A_226, %dma_wait3A_272] : memref<46x224xi32, #tpu.memory_space<vmem>> -> memref<1x224xi32, #tpu.memory_space<vmem>>
        %dma_wait3A_274 = tpu.memref_squeeze %dma_wait3A_273 : memref<1x224xi32, #tpu.memory_space<vmem>> -> memref<224xi32, #tpu.memory_space<vmem>>
        %dma_wait3A_275 = arith.constant 0 : i32
        %dma_wait3A_276 = arith.constant 0 : i32
        %dma_wait3A_277 = tpu.memref_slice %arg10[%dma_wait3A_275, %dma_wait3A_276] : memref<10016x64xf32, #tpu.memory_space<vmem_shared>> -> memref<10016x64xf32, #tpu.memory_space<vmem_shared>>
        tpu.wait_indirect_dma semaphore(%arg14 : memref<!tpu.dma_semaphore, #tpu.memory_space<semaphore_mem>>) src(%arg8 : memref<224x64xf32, #tpu.memory_space<vmem>>) dst(%dma_wait3A_277 : memref<10016x64xf32, #tpu.memory_space<vmem_shared>>)
        %add3A_278 = arith.constant 2 : i32
        %add3A_279 = arith.addi %mul3A_226, %add3A_278 : i32
        %dma_start3A_280 = arith.constant 0 : i32
        %dma_start3A_281 = tpu.memref_slice %arg6[%add3A_279, %dma_start3A_280] : memref<46x224xi32, #tpu.memory_space<vmem>> -> memref<1x224xi32, #tpu.memory_space<vmem>>
        %dma_start3A_282 = tpu.memref_squeeze %dma_start3A_281 : memref<1x224xi32, #tpu.memory_space<vmem>> -> memref<224xi32, #tpu.memory_space<vmem>>
        %dma_start3A_283 = arith.constant 0 : i32
        %dma_start3A_284 = arith.constant 0 : i32
        %dma_start3A_285 = tpu.memref_slice %arg11[%dma_start3A_283, %dma_start3A_284] : memref<10000x64xf32, #tpu.memory_space<vmem_shared>> -> memref<10000x64xf32, #tpu.memory_space<vmem_shared>>
        tpu.enqueue_indirect_dma source(%dma_start3A_285 : memref<10000x64xf32, #tpu.memory_space<vmem_shared>>) target(%arg8 : memref<224x64xf32, #tpu.memory_space<vmem>>) offsets(%dma_start3A_282 : memref<224xi32, #tpu.memory_space<vmem>>) semaphore(%arg12 : memref<!tpu.dma_semaphore, #tpu.memory_space<semaphore_mem>>)
      } else {
      }
    }
    %scan3A_168 = arith.constant 23 : i32
    %dma_wait3A_169 = arith.constant 44 : i32
    %dma_wait3A_170 = arith.constant 0 : i32
    %dma_wait3A_171 = tpu.memref_slice %arg7[%dma_wait3A_169, %dma_wait3A_170] : memref<46x224xi32, #tpu.memory_space<vmem>> -> memref<1x224xi32, #tpu.memory_space<vmem>>
    %dma_wait3A_172 = tpu.memref_squeeze %dma_wait3A_171 : memref<1x224xi32, #tpu.memory_space<vmem>> -> memref<224xi32, #tpu.memory_space<vmem>>
    %dma_wait3A_173 = arith.constant 0 : i32
    %dma_wait3A_174 = arith.constant 0 : i32
    %dma_wait3A_175 = tpu.memref_slice %arg10[%dma_wait3A_173, %dma_wait3A_174] : memref<10016x64xf32, #tpu.memory_space<vmem_shared>> -> memref<10016x64xf32, #tpu.memory_space<vmem_shared>>
    tpu.wait_indirect_dma semaphore(%arg14 : memref<!tpu.dma_semaphore, #tpu.memory_space<semaphore_mem>>) src(%arg8 : memref<224x64xf32, #tpu.memory_space<vmem>>) dst(%dma_wait3A_175 : memref<10016x64xf32, #tpu.memory_space<vmem_shared>>)
    %dma_wait3A_176 = arith.constant 45 : i32
    %dma_wait3A_177 = arith.constant 0 : i32
    %dma_wait3A_178 = tpu.memref_slice %arg7[%dma_wait3A_176, %dma_wait3A_177] : memref<46x224xi32, #tpu.memory_space<vmem>> -> memref<1x224xi32, #tpu.memory_space<vmem>>
    %dma_wait3A_179 = tpu.memref_squeeze %dma_wait3A_178 : memref<1x224xi32, #tpu.memory_space<vmem>> -> memref<224xi32, #tpu.memory_space<vmem>>
    %dma_wait3A_180 = arith.constant 0 : i32
    %dma_wait3A_181 = arith.constant 0 : i32
    %dma_wait3A_182 = tpu.memref_slice %arg10[%dma_wait3A_180, %dma_wait3A_181] : memref<10016x64xf32, #tpu.memory_space<vmem_shared>> -> memref<10016x64xf32, #tpu.memory_space<vmem_shared>>
    tpu.wait_indirect_dma semaphore(%arg15 : memref<!tpu.dma_semaphore, #tpu.memory_space<semaphore_mem>>) src(%arg9 : memref<224x64xf32, #tpu.memory_space<vmem>>) dst(%dma_wait3A_182 : memref<10016x64xf32, #tpu.memory_space<vmem_shared>>)
    "tpu.region"() ({
      %run_scoped3A = tpu.sem_alloc : memref<!tpu.dma_semaphore, #tpu.memory_space<semaphore_mem>>
      %dma_start3A_220 = arith.constant 0 : i32
      %dma_start3A_221 = arith.constant 0 : i32
      %dma_start3A_222 = tpu.memref_slice %arg3[%arg1, %dma_start3A_220, %dma_start3A_221] : memref<16x92x224xi32, #tpu.memory_space<hbm>> -> memref<1x92x224xi32, #tpu.memory_space<hbm>>
      %dma_start3A_223 = tpu.memref_squeeze %dma_start3A_222 : memref<1x92x224xi32, #tpu.memory_space<hbm>> -> memref<92x224xi32, #tpu.memory_space<hbm>>
      %dma_start3A_224 = arith.constant 46 : i32
      %dma_start3A_225 = arith.constant 0 : i32
      %dma_start3A_226 = tpu.memref_slice %dma_start3A_223[%dma_start3A_224, %dma_start3A_225] : memref<92x224xi32, #tpu.memory_space<hbm>> -> memref<46x224xi32, #tpu.memory_space<hbm>>
      %dma_start3A_227 = arith.constant 0 : i32
      %dma_start3A_228 = arith.constant 0 : i32
      %dma_start3A_229 = tpu.memref_slice %arg3[%arg1, %dma_start3A_227, %dma_start3A_228] : memref<16x92x224xi32, #tpu.memory_space<hbm>> -> memref<1x92x224xi32, #tpu.memory_space<hbm>>
      %dma_start3A_230 = tpu.memref_squeeze %dma_start3A_229 : memref<1x92x224xi32, #tpu.memory_space<hbm>> -> memref<92x224xi32, #tpu.memory_space<hbm>>
      %dma_start3A_231 = arith.constant 46 : i32
      %dma_start3A_232 = arith.constant 0 : i32
      %dma_start3A_233 = tpu.memref_slice %dma_start3A_230[%dma_start3A_231, %dma_start3A_232] : memref<92x224xi32, #tpu.memory_space<hbm>> -> memref<46x224xi32, #tpu.memory_space<hbm>>
      tpu.enqueue_dma source(%dma_start3A_233 : memref<46x224xi32, #tpu.memory_space<hbm>>) target(%arg6 : memref<46x224xi32, #tpu.memory_space<vmem>>) target_semaphore(%run_scoped3A : memref<!tpu.dma_semaphore, #tpu.memory_space<semaphore_mem>>)
      %dma_wait3A_234 = arith.constant 0 : i32
      %dma_wait3A_235 = arith.constant 0 : i32
      %dma_wait3A_236 = tpu.memref_slice %arg3[%arg1, %dma_wait3A_234, %dma_wait3A_235] : memref<16x92x224xi32, #tpu.memory_space<hbm>> -> memref<1x92x224xi32, #tpu.memory_space<hbm>>
      %dma_wait3A_237 = tpu.memref_squeeze %dma_wait3A_236 : memref<1x92x224xi32, #tpu.memory_space<hbm>> -> memref<92x224xi32, #tpu.memory_space<hbm>>
      %dma_wait3A_238 = arith.constant 46 : i32
      %dma_wait3A_239 = arith.constant 0 : i32
      %dma_wait3A_240 = tpu.memref_slice %dma_wait3A_237[%dma_wait3A_238, %dma_wait3A_239] : memref<92x224xi32, #tpu.memory_space<hbm>> -> memref<46x224xi32, #tpu.memory_space<hbm>>
      %dma_wait3A_241 = arith.constant 0 : i32
      %dma_wait3A_242 = arith.constant 0 : i32
      %dma_wait3A_243 = tpu.memref_slice %arg3[%arg1, %dma_wait3A_241, %dma_wait3A_242] : memref<16x92x224xi32, #tpu.memory_space<hbm>> -> memref<1x92x224xi32, #tpu.memory_space<hbm>>
      %dma_wait3A_244 = tpu.memref_squeeze %dma_wait3A_243 : memref<1x92x224xi32, #tpu.memory_space<hbm>> -> memref<92x224xi32, #tpu.memory_space<hbm>>
      %dma_wait3A_245 = arith.constant 46 : i32
      %dma_wait3A_246 = arith.constant 0 : i32
      %dma_wait3A_247 = tpu.memref_slice %dma_wait3A_244[%dma_wait3A_245, %dma_wait3A_246] : memref<92x224xi32, #tpu.memory_space<hbm>> -> memref<46x224xi32, #tpu.memory_space<hbm>>
      tpu.wait_dma2 semaphore(%run_scoped3A : memref<!tpu.dma_semaphore, #tpu.memory_space<semaphore_mem>>) src(%dma_wait3A_247 : memref<46x224xi32, #tpu.memory_space<hbm>>) dst(%arg6 : memref<46x224xi32, #tpu.memory_space<vmem>>)
      tpu.yield
    }) : () -> ()
    "tpu.region"() ({
      %run_scoped3A = tpu.sem_alloc : memref<!tpu.dma_semaphore, #tpu.memory_space<semaphore_mem>>
      %dma_start3A_220 = arith.constant 0 : i32
      %dma_start3A_221 = arith.constant 0 : i32
      %dma_start3A_222 = tpu.memref_slice %arg4[%arg1, %dma_start3A_220, %dma_start3A_221] : memref<16x92x224xi32, #tpu.memory_space<hbm>> -> memref<1x92x224xi32, #tpu.memory_space<hbm>>
      %dma_start3A_223 = tpu.memref_squeeze %dma_start3A_222 : memref<1x92x224xi32, #tpu.memory_space<hbm>> -> memref<92x224xi32, #tpu.memory_space<hbm>>
      %dma_start3A_224 = arith.constant 46 : i32
      %dma_start3A_225 = arith.constant 0 : i32
      %dma_start3A_226 = tpu.memref_slice %dma_start3A_223[%dma_start3A_224, %dma_start3A_225] : memref<92x224xi32, #tpu.memory_space<hbm>> -> memref<46x224xi32, #tpu.memory_space<hbm>>
      %dma_start3A_227 = arith.constant 0 : i32
      %dma_start3A_228 = arith.constant 0 : i32
      %dma_start3A_229 = tpu.memref_slice %arg4[%arg1, %dma_start3A_227, %dma_start3A_228] : memref<16x92x224xi32, #tpu.memory_space<hbm>> -> memref<1x92x224xi32, #tpu.memory_space<hbm>>
      %dma_start3A_230 = tpu.memref_squeeze %dma_start3A_229 : memref<1x92x224xi32, #tpu.memory_space<hbm>> -> memref<92x224xi32, #tpu.memory_space<hbm>>
      %dma_start3A_231 = arith.constant 46 : i32
      %dma_start3A_232 = arith.constant 0 : i32
      %dma_start3A_233 = tpu.memref_slice %dma_start3A_230[%dma_start3A_231, %dma_start3A_232] : memref<92x224xi32, #tpu.memory_space<hbm>> -> memref<46x224xi32, #tpu.memory_space<hbm>>
      tpu.enqueue_dma source(%dma_start3A_233 : memref<46x224xi32, #tpu.memory_space<hbm>>) target(%arg7 : memref<46x224xi32, #tpu.memory_space<vmem>>) target_semaphore(%run_scoped3A : memref<!tpu.dma_semaphore, #tpu.memory_space<semaphore_mem>>)
      %dma_wait3A_234 = arith.constant 0 : i32
      %dma_wait3A_235 = arith.constant 0 : i32
      %dma_wait3A_236 = tpu.memref_slice %arg4[%arg1, %dma_wait3A_234, %dma_wait3A_235] : memref<16x92x224xi32, #tpu.memory_space<hbm>> -> memref<1x92x224xi32, #tpu.memory_space<hbm>>
      %dma_wait3A_237 = tpu.memref_squeeze %dma_wait3A_236 : memref<1x92x224xi32, #tpu.memory_space<hbm>> -> memref<92x224xi32, #tpu.memory_space<hbm>>
      %dma_wait3A_238 = arith.constant 46 : i32
      %dma_wait3A_239 = arith.constant 0 : i32
      %dma_wait3A_240 = tpu.memref_slice %dma_wait3A_237[%dma_wait3A_238, %dma_wait3A_239] : memref<92x224xi32, #tpu.memory_space<hbm>> -> memref<46x224xi32, #tpu.memory_space<hbm>>
      %dma_wait3A_241 = arith.constant 0 : i32
      %dma_wait3A_242 = arith.constant 0 : i32
      %dma_wait3A_243 = tpu.memref_slice %arg4[%arg1, %dma_wait3A_241, %dma_wait3A_242] : memref<16x92x224xi32, #tpu.memory_space<hbm>> -> memref<1x92x224xi32, #tpu.memory_space<hbm>>
      %dma_wait3A_244 = tpu.memref_squeeze %dma_wait3A_243 : memref<1x92x224xi32, #tpu.memory_space<hbm>> -> memref<92x224xi32, #tpu.memory_space<hbm>>
      %dma_wait3A_245 = arith.constant 46 : i32
      %dma_wait3A_246 = arith.constant 0 : i32
      %dma_wait3A_247 = tpu.memref_slice %dma_wait3A_244[%dma_wait3A_245, %dma_wait3A_246] : memref<92x224xi32, #tpu.memory_space<hbm>> -> memref<46x224xi32, #tpu.memory_space<hbm>>
      tpu.wait_dma2 semaphore(%run_scoped3A : memref<!tpu.dma_semaphore, #tpu.memory_space<semaphore_mem>>) src(%dma_wait3A_247 : memref<46x224xi32, #tpu.memory_space<hbm>>) dst(%arg7 : memref<46x224xi32, #tpu.memory_space<vmem>>)
      tpu.yield
    }) : () -> ()
    %dma_start3A_183 = arith.constant 0 : i32
    %dma_start3A_184 = arith.constant 0 : i32
    %dma_start3A_185 = tpu.memref_slice %arg6[%dma_start3A_183, %dma_start3A_184] : memref<46x224xi32, #tpu.memory_space<vmem>> -> memref<1x224xi32, #tpu.memory_space<vmem>>
    %dma_start3A_186 = tpu.memref_squeeze %dma_start3A_185 : memref<1x224xi32, #tpu.memory_space<vmem>> -> memref<224xi32, #tpu.memory_space<vmem>>
    %dma_start3A_187 = arith.constant 0 : i32
    %dma_start3A_188 = arith.constant 0 : i32
    %dma_start3A_189 = tpu.memref_slice %arg11[%dma_start3A_187, %dma_start3A_188] : memref<10000x64xf32, #tpu.memory_space<vmem_shared>> -> memref<10000x64xf32, #tpu.memory_space<vmem_shared>>
    tpu.enqueue_indirect_dma source(%dma_start3A_189 : memref<10000x64xf32, #tpu.memory_space<vmem_shared>>) target(%arg8 : memref<224x64xf32, #tpu.memory_space<vmem>>) offsets(%dma_start3A_186 : memref<224xi32, #tpu.memory_space<vmem>>) semaphore(%arg12 : memref<!tpu.dma_semaphore, #tpu.memory_space<semaphore_mem>>)
    %scan3A_190 = arith.constant 0 : i32
    %scan3A_191 = arith.constant 23 : i32
    %scan3A_192 = arith.addi %scan3A_190, %scan3A_191 : i32
    %scan3A_193 = arith.constant 1 : i32
    scf.for %scan3A_220 = %scan3A_190 to %scan3A_192 step %scan3A_193  : i32 {
      %mul3A_221 = arith.constant 1 : i32
      %mul3A_222 = arith.muli %scan3A_220, %mul3A_221 : i32
      %add3A_223 = arith.constant 0 : i32
      %add3A_224 = arith.addi %add3A_223, %mul3A_222 : i32
      %mul3A_225 = arith.constant 2 : i32
      %mul3A_226 = arith.muli %mul3A_225, %add3A_224 : i32
      %dma_wait3A_227 = arith.constant 0 : i32
      %dma_wait3A_228 = tpu.memref_slice %arg6[%mul3A_226, %dma_wait3A_227] : memref<46x224xi32, #tpu.memory_space<vmem>> -> memref<1x224xi32, #tpu.memory_space<vmem>>
      %dma_wait3A_229 = tpu.memref_squeeze %dma_wait3A_228 : memref<1x224xi32, #tpu.memory_space<vmem>> -> memref<224xi32, #tpu.memory_space<vmem>>
      %dma_wait3A_230 = arith.constant 0 : i32
      %dma_wait3A_231 = arith.constant 0 : i32
      %dma_wait3A_232 = tpu.memref_slice %arg11[%dma_wait3A_230, %dma_wait3A_231] : memref<10000x64xf32, #tpu.memory_space<vmem_shared>> -> memref<10000x64xf32, #tpu.memory_space<vmem_shared>>
      tpu.wait_indirect_dma semaphore(%arg12 : memref<!tpu.dma_semaphore, #tpu.memory_space<semaphore_mem>>) src(%dma_wait3A_232 : memref<10000x64xf32, #tpu.memory_space<vmem_shared>>) dst(%arg8 : memref<224x64xf32, #tpu.memory_space<vmem>>)
      %dma_start3A_233 = arith.constant 0 : i32
      %dma_start3A_234 = tpu.memref_slice %arg7[%mul3A_226, %dma_start3A_233] : memref<46x224xi32, #tpu.memory_space<vmem>> -> memref<1x224xi32, #tpu.memory_space<vmem>>
      %dma_start3A_235 = tpu.memref_squeeze %dma_start3A_234 : memref<1x224xi32, #tpu.memory_space<vmem>> -> memref<224xi32, #tpu.memory_space<vmem>>
      %dma_start3A_236 = arith.constant 0 : i32
      %dma_start3A_237 = arith.constant 0 : i32
      %dma_start3A_238 = tpu.memref_slice %arg10[%dma_start3A_236, %dma_start3A_237] : memref<10016x64xf32, #tpu.memory_space<vmem_shared>> -> memref<10016x64xf32, #tpu.memory_space<vmem_shared>>
      tpu.enqueue_indirect_dma source(%arg8 : memref<224x64xf32, #tpu.memory_space<vmem>>) target(%dma_start3A_238 : memref<10016x64xf32, #tpu.memory_space<vmem_shared>>) offsets(%dma_start3A_235 : memref<224xi32, #tpu.memory_space<vmem>>) semaphore(%arg14 : memref<!tpu.dma_semaphore, #tpu.memory_space<semaphore_mem>>) {add = true}
      %gt3A = arith.constant 0 : i32
      %gt3A_239 = arith.cmpi sgt, %add3A_224, %gt3A : i32
      %convert_element_type3A_240 = arith.extui %gt3A_239 : i1 to i32
      %cond3A_241 = arith.constant 0 : i32
      %cond3A_242 = arith.cmpi ne, %convert_element_type3A_240, %cond3A_241 : i32
      scf.if %cond3A_242 {
        %sub3A = arith.constant 1 : i32
        %sub3A_272 = arith.subi %mul3A_226, %sub3A : i32
        %dma_wait3A_273 = arith.constant 0 : i32
        %dma_wait3A_274 = tpu.memref_slice %arg7[%sub3A_272, %dma_wait3A_273] : memref<46x224xi32, #tpu.memory_space<vmem>> -> memref<1x224xi32, #tpu.memory_space<vmem>>
        %dma_wait3A_275 = tpu.memref_squeeze %dma_wait3A_274 : memref<1x224xi32, #tpu.memory_space<vmem>> -> memref<224xi32, #tpu.memory_space<vmem>>
        %dma_wait3A_276 = arith.constant 0 : i32
        %dma_wait3A_277 = arith.constant 0 : i32
        %dma_wait3A_278 = tpu.memref_slice %arg10[%dma_wait3A_276, %dma_wait3A_277] : memref<10016x64xf32, #tpu.memory_space<vmem_shared>> -> memref<10016x64xf32, #tpu.memory_space<vmem_shared>>
        tpu.wait_indirect_dma semaphore(%arg15 : memref<!tpu.dma_semaphore, #tpu.memory_space<semaphore_mem>>) src(%arg9 : memref<224x64xf32, #tpu.memory_space<vmem>>) dst(%dma_wait3A_278 : memref<10016x64xf32, #tpu.memory_space<vmem_shared>>)
      } else {
      }
      %add3A_243 = arith.constant 1 : i32
      %add3A_244 = arith.addi %mul3A_226, %add3A_243 : i32
      %dma_start3A_245 = arith.constant 0 : i32
      %dma_start3A_246 = tpu.memref_slice %arg6[%add3A_244, %dma_start3A_245] : memref<46x224xi32, #tpu.memory_space<vmem>> -> memref<1x224xi32, #tpu.memory_space<vmem>>
      %dma_start3A_247 = tpu.memref_squeeze %dma_start3A_246 : memref<1x224xi32, #tpu.memory_space<vmem>> -> memref<224xi32, #tpu.memory_space<vmem>>
      %dma_start3A_248 = arith.constant 0 : i32
      %dma_start3A_249 = arith.constant 0 : i32
      %dma_start3A_250 = tpu.memref_slice %arg11[%dma_start3A_248, %dma_start3A_249] : memref<10000x64xf32, #tpu.memory_space<vmem_shared>> -> memref<10000x64xf32, #tpu.memory_space<vmem_shared>>
      tpu.enqueue_indirect_dma source(%dma_start3A_250 : memref<10000x64xf32, #tpu.memory_space<vmem_shared>>) target(%arg9 : memref<224x64xf32, #tpu.memory_space<vmem>>) offsets(%dma_start3A_247 : memref<224xi32, #tpu.memory_space<vmem>>) semaphore(%arg13 : memref<!tpu.dma_semaphore, #tpu.memory_space<semaphore_mem>>)
      %add3A_251 = arith.constant 1 : i32
      %add3A_252 = arith.addi %mul3A_226, %add3A_251 : i32
      %dma_wait3A_253 = arith.constant 0 : i32
      %dma_wait3A_254 = tpu.memref_slice %arg6[%add3A_252, %dma_wait3A_253] : memref<46x224xi32, #tpu.memory_space<vmem>> -> memref<1x224xi32, #tpu.memory_space<vmem>>
      %dma_wait3A_255 = tpu.memref_squeeze %dma_wait3A_254 : memref<1x224xi32, #tpu.memory_space<vmem>> -> memref<224xi32, #tpu.memory_space<vmem>>
      %dma_wait3A_256 = arith.constant 0 : i32
      %dma_wait3A_257 = arith.constant 0 : i32
      %dma_wait3A_258 = tpu.memref_slice %arg11[%dma_wait3A_256, %dma_wait3A_257] : memref<10000x64xf32, #tpu.memory_space<vmem_shared>> -> memref<10000x64xf32, #tpu.memory_space<vmem_shared>>
      tpu.wait_indirect_dma semaphore(%arg13 : memref<!tpu.dma_semaphore, #tpu.memory_space<semaphore_mem>>) src(%dma_wait3A_258 : memref<10000x64xf32, #tpu.memory_space<vmem_shared>>) dst(%arg9 : memref<224x64xf32, #tpu.memory_space<vmem>>)
      %add3A_259 = arith.constant 1 : i32
      %add3A_260 = arith.addi %mul3A_226, %add3A_259 : i32
      %dma_start3A_261 = arith.constant 0 : i32
      %dma_start3A_262 = tpu.memref_slice %arg7[%add3A_260, %dma_start3A_261] : memref<46x224xi32, #tpu.memory_space<vmem>> -> memref<1x224xi32, #tpu.memory_space<vmem>>
      %dma_start3A_263 = tpu.memref_squeeze %dma_start3A_262 : memref<1x224xi32, #tpu.memory_space<vmem>> -> memref<224xi32, #tpu.memory_space<vmem>>
      %dma_start3A_264 = arith.constant 0 : i32
      %dma_start3A_265 = arith.constant 0 : i32
      %dma_start3A_266 = tpu.memref_slice %arg10[%dma_start3A_264, %dma_start3A_265] : memref<10016x64xf32, #tpu.memory_space<vmem_shared>> -> memref<10016x64xf32, #tpu.memory_space<vmem_shared>>
      tpu.enqueue_indirect_dma source(%arg9 : memref<224x64xf32, #tpu.memory_space<vmem>>) target(%dma_start3A_266 : memref<10016x64xf32, #tpu.memory_space<vmem_shared>>) offsets(%dma_start3A_263 : memref<224xi32, #tpu.memory_space<vmem>>) semaphore(%arg15 : memref<!tpu.dma_semaphore, #tpu.memory_space<semaphore_mem>>) {add = true}
      %lt3A_267 = arith.constant 22 : i32
      %lt3A_268 = arith.cmpi slt, %add3A_224, %lt3A_267 : i32
      %convert_element_type3A_269 = arith.extui %lt3A_268 : i1 to i32
      %cond3A_270 = arith.constant 0 : i32
      %cond3A_271 = arith.cmpi ne, %convert_element_type3A_269, %cond3A_270 : i32
      scf.if %cond3A_271 {
        %dma_wait3A_272 = arith.constant 0 : i32
        %dma_wait3A_273 = tpu.memref_slice %arg7[%mul3A_226, %dma_wait3A_272] : memref<46x224xi32, #tpu.memory_space<vmem>> -> memref<1x224xi32, #tpu.memory_space<vmem>>
        %dma_wait3A_274 = tpu.memref_squeeze %dma_wait3A_273 : memref<1x224xi32, #tpu.memory_space<vmem>> -> memref<224xi32, #tpu.memory_space<vmem>>
        %dma_wait3A_275 = arith.constant 0 : i32
        %dma_wait3A_276 = arith.constant 0 : i32
        %dma_wait3A_277 = tpu.memref_slice %arg10[%dma_wait3A_275, %dma_wait3A_276] : memref<10016x64xf32, #tpu.memory_space<vmem_shared>> -> memref<10016x64xf32, #tpu.memory_space<vmem_shared>>
        tpu.wait_indirect_dma semaphore(%arg14 : memref<!tpu.dma_semaphore, #tpu.memory_space<semaphore_mem>>) src(%arg8 : memref<224x64xf32, #tpu.memory_space<vmem>>) dst(%dma_wait3A_277 : memref<10016x64xf32, #tpu.memory_space<vmem_shared>>)
        %add3A_278 = arith.constant 2 : i32
        %add3A_279 = arith.addi %mul3A_226, %add3A_278 : i32
        %dma_start3A_280 = arith.constant 0 : i32
        %dma_start3A_281 = tpu.memref_slice %arg6[%add3A_279, %dma_start3A_280] : memref<46x224xi32, #tpu.memory_space<vmem>> -> memref<1x224xi32, #tpu.memory_space<vmem>>
        %dma_start3A_282 = tpu.memref_squeeze %dma_start3A_281 : memref<1x224xi32, #tpu.memory_space<vmem>> -> memref<224xi32, #tpu.memory_space<vmem>>
        %dma_start3A_283 = arith.constant 0 : i32
        %dma_start3A_284 = arith.constant 0 : i32
        %dma_start3A_285 = tpu.memref_slice %arg11[%dma_start3A_283, %dma_start3A_284] : memref<10000x64xf32, #tpu.memory_space<vmem_shared>> -> memref<10000x64xf32, #tpu.memory_space<vmem_shared>>
        tpu.enqueue_indirect_dma source(%dma_start3A_285 : memref<10000x64xf32, #tpu.memory_space<vmem_shared>>) target(%arg8 : memref<224x64xf32, #tpu.memory_space<vmem>>) offsets(%dma_start3A_282 : memref<224xi32, #tpu.memory_space<vmem>>) semaphore(%arg12 : memref<!tpu.dma_semaphore, #tpu.memory_space<semaphore_mem>>)
      } else {
      }
    }
    %scan3A_194 = arith.constant 23 : i32
    %dma_wait3A_195 = arith.constant 44 : i32
    %dma_wait3A_196 = arith.constant 0 : i32
    %dma_wait3A_197 = tpu.memref_slice %arg7[%dma_wait3A_195, %dma_wait3A_196] : memref<46x224xi32, #tpu.memory_space<vmem>> -> memref<1x224xi32, #tpu.memory_space<vmem>>
    %dma_wait3A_198 = tpu.memref_squeeze %dma_wait3A_197 : memref<1x224xi32, #tpu.memory_space<vmem>> -> memref<224xi32, #tpu.memory_space<vmem>>
    %dma_wait3A_199 = arith.constant 0 : i32
    %dma_wait3A_200 = arith.constant 0 : i32
    %dma_wait3A_201 = tpu.memref_slice %arg10[%dma_wait3A_199, %dma_wait3A_200] : memref<10016x64xf32, #tpu.memory_space<vmem_shared>> -> memref<10016x64xf32, #tpu.memory_space<vmem_shared>>
    tpu.wait_indirect_dma semaphore(%arg14 : memref<!tpu.dma_semaphore, #tpu.memory_space<semaphore_mem>>) src(%arg8 : memref<224x64xf32, #tpu.memory_space<vmem>>) dst(%dma_wait3A_201 : memref<10016x64xf32, #tpu.memory_space<vmem_shared>>)
    %dma_wait3A_202 = arith.constant 45 : i32
    %dma_wait3A_203 = arith.constant 0 : i32
    %dma_wait3A_204 = tpu.memref_slice %arg7[%dma_wait3A_202, %dma_wait3A_203] : memref<46x224xi32, #tpu.memory_space<vmem>> -> memref<1x224xi32, #tpu.memory_space<vmem>>
    %dma_wait3A_205 = tpu.memref_squeeze %dma_wait3A_204 : memref<1x224xi32, #tpu.memory_space<vmem>> -> memref<224xi32, #tpu.memory_space<vmem>>
    %dma_wait3A_206 = arith.constant 0 : i32
    %dma_wait3A_207 = arith.constant 0 : i32
    %dma_wait3A_208 = tpu.memref_slice %arg10[%dma_wait3A_206, %dma_wait3A_207] : memref<10016x64xf32, #tpu.memory_space<vmem_shared>> -> memref<10016x64xf32, #tpu.memory_space<vmem_shared>>
    tpu.wait_indirect_dma semaphore(%arg15 : memref<!tpu.dma_semaphore, #tpu.memory_space<semaphore_mem>>) src(%arg9 : memref<224x64xf32, #tpu.memory_space<vmem>>) dst(%dma_wait3A_208 : memref<10016x64xf32, #tpu.memory_space<vmem_shared>>)
    %barrier3A_209 = arith.constant 0 : index
    tpu.barrier barrier_id(%barrier3A_209)
    %lt3A_210 = arith.constant 15 : i32
    %lt3A_211 = arith.cmpi slt, %arg1, %lt3A_210 : i32
    %convert_element_type3A_212 = arith.extui %lt3A_211 : i1 to i32
    %cond3A_213 = arith.constant 0 : i32
    %cond3A_214 = arith.cmpi ne, %convert_element_type3A_212, %cond3A_213 : i32
    scf.if %cond3A_214 {
      %mul3A_220 = arith.constant 624 : i32
      %mul3A_221 = arith.muli %arg1, %mul3A_220 : i32
      %mul3A_222 = arith.constant 624 : i32
      %mul3A_223 = arith.muli %arg1, %mul3A_222 : i32
      "tpu.region"() ({
        %run_scoped3A = tpu.sem_alloc : memref<!tpu.dma_semaphore, #tpu.memory_space<semaphore_mem>>
        %dma_start3A_224 = arith.constant 0 : i32
        %dma_start3A_225 = arith.constant 0 : i32
        %dma_start3A_226 = tpu.memref_slice %arg5[%arg0, %dma_start3A_224, %dma_start3A_225] : memref<2x10000x64xf32, #tpu.memory_space<hbm>> -> memref<1x10000x64xf32, #tpu.memory_space<hbm>>
        %dma_start3A_227 = tpu.memref_squeeze %dma_start3A_226 : memref<1x10000x64xf32, #tpu.memory_space<hbm>> -> memref<10000x64xf32, #tpu.memory_space<hbm>>
        %dma_start3A_228 = arith.constant 0 : i32
        %dma_start3A_229 = tpu.memref_slice %dma_start3A_227[%mul3A_223, %dma_start3A_228] : memref<10000x64xf32, #tpu.memory_space<hbm>> -> memref<624x64xf32, #tpu.memory_space<hbm>>
        %dma_start3A_230 = arith.constant 0 : i32
        %dma_start3A_231 = tpu.memref_slice %arg10[%mul3A_221, %dma_start3A_230] : memref<10016x64xf32, #tpu.memory_space<vmem_shared>> -> memref<624x64xf32, #tpu.memory_space<vmem_shared>>
        tpu.enqueue_dma source(%dma_start3A_231 : memref<624x64xf32, #tpu.memory_space<vmem_shared>>) target(%dma_start3A_229 : memref<624x64xf32, #tpu.memory_space<hbm>>) target_semaphore(%run_scoped3A : memref<!tpu.dma_semaphore, #tpu.memory_space<semaphore_mem>>)
        %dma_wait3A_232 = arith.constant 0 : i32
        %dma_wait3A_233 = arith.constant 0 : i32
        %dma_wait3A_234 = tpu.memref_slice %arg5[%arg0, %dma_wait3A_232, %dma_wait3A_233] : memref<2x10000x64xf32, #tpu.memory_space<hbm>> -> memref<1x10000x64xf32, #tpu.memory_space<hbm>>
        %dma_wait3A_235 = tpu.memref_squeeze %dma_wait3A_234 : memref<1x10000x64xf32, #tpu.memory_space<hbm>> -> memref<10000x64xf32, #tpu.memory_space<hbm>>
        %dma_wait3A_236 = arith.constant 0 : i32
        %dma_wait3A_237 = tpu.memref_slice %dma_wait3A_235[%mul3A_223, %dma_wait3A_236] : memref<10000x64xf32, #tpu.memory_space<hbm>> -> memref<624x64xf32, #tpu.memory_space<hbm>>
        %dma_wait3A_238 = arith.constant 0 : i32
        %dma_wait3A_239 = tpu.memref_slice %arg10[%mul3A_221, %dma_wait3A_238] : memref<10016x64xf32, #tpu.memory_space<vmem_shared>> -> memref<624x64xf32, #tpu.memory_space<vmem_shared>>
        tpu.wait_dma2 semaphore(%run_scoped3A : memref<!tpu.dma_semaphore, #tpu.memory_space<semaphore_mem>>) src(%dma_wait3A_239 : memref<624x64xf32, #tpu.memory_space<vmem_shared>>) dst(%dma_wait3A_237 : memref<624x64xf32, #tpu.memory_space<hbm>>)
        tpu.yield
      }) : () -> ()
    } else {
    }
    %eq3A_215 = arith.constant 15 : i32
    %eq3A_216 = arith.cmpi eq, %arg1, %eq3A_215 : i32
    %convert_element_type3A_217 = arith.extui %eq3A_216 : i1 to i32
    %cond3A_218 = arith.constant 0 : i32
    %cond3A_219 = arith.cmpi ne, %convert_element_type3A_217, %cond3A_218 : i32
    scf.if %cond3A_219 {
      "tpu.region"() ({
        %run_scoped3A = tpu.sem_alloc : memref<!tpu.dma_semaphore, #tpu.memory_space<semaphore_mem>>
        %dma_start3A_220 = arith.constant 0 : i32
        %dma_start3A_221 = arith.constant 0 : i32
        %dma_start3A_222 = tpu.memref_slice %arg5[%arg0, %dma_start3A_220, %dma_start3A_221] : memref<2x10000x64xf32, #tpu.memory_space<hbm>> -> memref<1x10000x64xf32, #tpu.memory_space<hbm>>
        %dma_start3A_223 = tpu.memref_squeeze %dma_start3A_222 : memref<1x10000x64xf32, #tpu.memory_space<hbm>> -> memref<10000x64xf32, #tpu.memory_space<hbm>>
        %dma_start3A_224 = arith.constant 9360 : i32
        %dma_start3A_225 = arith.constant 0 : i32
        %dma_start3A_226 = tpu.memref_slice %dma_start3A_223[%dma_start3A_224, %dma_start3A_225] : memref<10000x64xf32, #tpu.memory_space<hbm>> -> memref<640x64xf32, #tpu.memory_space<hbm>>
        %dma_start3A_227 = arith.constant 9360 : i32
        %dma_start3A_228 = arith.constant 0 : i32
        %dma_start3A_229 = tpu.memref_slice %arg10[%dma_start3A_227, %dma_start3A_228] : memref<10016x64xf32, #tpu.memory_space<vmem_shared>> -> memref<640x64xf32, #tpu.memory_space<vmem_shared>>
        tpu.enqueue_dma source(%dma_start3A_229 : memref<640x64xf32, #tpu.memory_space<vmem_shared>>) target(%dma_start3A_226 : memref<640x64xf32, #tpu.memory_space<hbm>>) target_semaphore(%run_scoped3A : memref<!tpu.dma_semaphore, #tpu.memory_space<semaphore_mem>>)
        %dma_wait3A_230 = arith.constant 0 : i32
        %dma_wait3A_231 = arith.constant 0 : i32
        %dma_wait3A_232 = tpu.memref_slice %arg5[%arg0, %dma_wait3A_230, %dma_wait3A_231] : memref<2x10000x64xf32, #tpu.memory_space<hbm>> -> memref<1x10000x64xf32, #tpu.memory_space<hbm>>
        %dma_wait3A_233 = tpu.memref_squeeze %dma_wait3A_232 : memref<1x10000x64xf32, #tpu.memory_space<hbm>> -> memref<10000x64xf32, #tpu.memory_space<hbm>>
        %dma_wait3A_234 = arith.constant 9360 : i32
        %dma_wait3A_235 = arith.constant 0 : i32
        %dma_wait3A_236 = tpu.memref_slice %dma_wait3A_233[%dma_wait3A_234, %dma_wait3A_235] : memref<10000x64xf32, #tpu.memory_space<hbm>> -> memref<640x64xf32, #tpu.memory_space<hbm>>
        %dma_wait3A_237 = arith.constant 9360 : i32
        %dma_wait3A_238 = arith.constant 0 : i32
        %dma_wait3A_239 = tpu.memref_slice %arg10[%dma_wait3A_237, %dma_wait3A_238] : memref<10016x64xf32, #tpu.memory_space<vmem_shared>> -> memref<640x64xf32, #tpu.memory_space<vmem_shared>>
        tpu.wait_dma2 semaphore(%run_scoped3A : memref<!tpu.dma_semaphore, #tpu.memory_space<semaphore_mem>>) src(%dma_wait3A_239 : memref<640x64xf32, #tpu.memory_space<vmem_shared>>) dst(%dma_wait3A_236 : memref<640x64xf32, #tpu.memory_space<hbm>>)
        tpu.yield
      }) : () -> ()
    } else {
    }
    return
  }
}

#map = affine_map<(d0, d1) -> (0, 0, 0)>
module attributes {stable_mosaic.version = 14 : i64} {
  func.func @spmm(%arg0: i32, %arg1: i32, %arg2: memref<2x10000x64xf32, #tpu.memory_space<hbm>>, %arg3: memref<16x92x224xi32, #tpu.memory_space<hbm>>, %arg4: memref<16x92x224xi32, #tpu.memory_space<hbm>>, %arg5: memref<2x10000x64xf32, #tpu.memory_space<hbm>>, %arg6: memref<46x224xi32, #tpu.memory_space<vmem>>, %arg7: memref<46x224xi32, #tpu.memory_space<vmem>>, %arg8: memref<224x64xf32, #tpu.memory_space<vmem>>, %arg9: memref<224x64xf32, #tpu.memory_space<vmem>>, %arg10: memref<10016x64xf32, #tpu.memory_space<vmem_shared>>, %arg11: memref<10000x64xf32, #tpu.memory_space<vmem_shared>>, %arg12: memref<!tpu.dma_semaphore, #tpu.memory_space<semaphore_mem>>, %arg13: memref<!tpu.dma_semaphore, #tpu.memory_space<semaphore_mem>>, %arg14: memref<!tpu.dma_semaphore, #tpu.memory_space<semaphore_mem>>, %arg15: memref<!tpu.dma_semaphore, #tpu.memory_space<semaphore_mem>>) attributes {dimension_semantics = [#tpu.dimension_semantics<core_parallel>, #tpu.dimension_semantics<subcore_parallel>], iteration_bounds = array<i64: 2, 16>, scalar_prefetch = 0 : i64, scratch_operands = 10 : i64, tpu.core_type = #tpu.core_type<sc_vector_subcore>, window_params = [{transform_indices = #map}, {transform_indices = #map}, {transform_indices = #map}, {transform_indices = #map}]} {
    %broadcast_in_dim3A = arith.constant 0.000000e+00 : f32
    %broadcast_in_dim3A_0 = vector.broadcast %broadcast_in_dim3A : f32 to vector<16xf32>
    %scan3A = arith.constant 0 : i32
    %scan3A_1 = arith.constant 224 : i32
    %scan3A_2 = arith.addi %scan3A, %scan3A_1 : i32
    %scan3A_3 = arith.constant 1 : i32
    scf.for %scan3A_220 = %scan3A to %scan3A_2 step %scan3A_3  : i32 {
      %mul3A_221 = arith.constant 1 : i32
      %mul3A_222 = arith.muli %scan3A_220, %mul3A_221 : i32
      %add3A_223 = arith.constant 0 : i32
      %add3A_224 = arith.addi %add3A_223, %mul3A_222 : i32
      %swap3A = arith.index_cast %add3A_224 : i32 to index
      %swap3A_225 = arith.constant 0 : index
      %swap3A_226 = tpu.vector_load %arg8[%swap3A, %swap3A_225] {strides = array<i32>} : memref<224x64xf32, #tpu.memory_space<vmem>>, vector<1x16xf32>,
      %swap3A_227 = vector.shape_cast %swap3A_226 : vector<1x16xf32> to vector<16xf32>
      %swap3A_228 = vector.shape_cast %broadcast_in_dim3A_0 : vector<16xf32> to vector<1x16xf32>
      tpu.vector_store %arg8[%swap3A, %swap3A_225], %swap3A_228 {strides = array<i32>} : memref<224x64xf32, #tpu.memory_space<vmem>>, vector<1x16xf32>,
      %swap3A_229 = arith.index_cast %add3A_224 : i32 to index
      %swap3A_230 = arith.constant 16 : index
      %swap3A_231 = tpu.vector_load %arg8[%swap3A_229, %swap3A_230] {strides = array<i32>} : memref<224x64xf32, #tpu.memory_space<vmem>>, vector<1x16xf32>,
      %swap3A_232 = vector.shape_cast %swap3A_231 : vector<1x16xf32> to vector<16xf32>
      %swap3A_233 = vector.shape_cast %broadcast_in_dim3A_0 : vector<16xf32> to vector<1x16xf32>
      tpu.vector_store %arg8[%swap3A_229, %swap3A_230], %swap3A_233 {strides = array<i32>} : memref<224x64xf32, #tpu.memory_space<vmem>>, vector<1x16xf32>,
      %swap3A_234 = arith.index_cast %add3A_224 : i32 to index
      %swap3A_235 = arith.constant 32 : index
      %swap3A_236 = tpu.vector_load %arg8[%swap3A_234, %swap3A_235] {strides = array<i32>} : memref<224x64xf32, #tpu.memory_space<vmem>>, vector<1x16xf32>,
      %swap3A_237 = vector.shape_cast %swap3A_236 : vector<1x16xf32> to vector<16xf32>
      %swap3A_238 = vector.shape_cast %broadcast_in_dim3A_0 : vector<16xf32> to vector<1x16xf32>
      tpu.vector_store %arg8[%swap3A_234, %swap3A_235], %swap3A_238 {strides = array<i32>} : memref<224x64xf32, #tpu.memory_space<vmem>>, vector<1x16xf32>,
      %swap3A_239 = arith.index_cast %add3A_224 : i32 to index
      %swap3A_240 = arith.constant 48 : index
      %swap3A_241 = tpu.vector_load %arg8[%swap3A_239, %swap3A_240] {strides = array<i32>} : memref<224x64xf32, #tpu.memory_space<vmem>>, vector<1x16xf32>,
      %swap3A_242 = vector.shape_cast %swap3A_241 : vector<1x16xf32> to vector<16xf32>
      %swap3A_243 = vector.shape_cast %broadcast_in_dim3A_0 : vector<16xf32> to vector<1x16xf32>
      tpu.vector_store %arg8[%swap3A_239, %swap3A_240], %swap3A_243 {strides = array<i32>} : memref<224x64xf32, #tpu.memory_space<vmem>>, vector<1x16xf32>,
    }
    %scan3A_4 = arith.constant 224 : i32
    %mul3A = arith.constant 626 : i32
    %mul3A_5 = arith.muli %arg1, %mul3A : i32
    %add3A = arith.constant 0 : i32
    %add3A_6 = arith.addi %mul3A_5, %add3A : i32
    %dma_start3A = arith.constant 0 : i32
    %dma_start3A_7 = arith.constant 0 : i32
    %dma_start3A_8 = tpu.memref_slice %arg8[%dma_start3A, %dma_start3A_7] : memref<224x64xf32, #tpu.memory_space<vmem>> -> memref<224x64xf32, #tpu.memory_space<vmem>>
    %dma_start3A_9 = arith.constant 0 : i32
    %dma_start3A_10 = tpu.memref_slice %arg10[%add3A_6, %dma_start3A_9] : memref<10016x64xf32, #tpu.memory_space<vmem_shared>> -> memref<224x64xf32, #tpu.memory_space<vmem_shared>>
    %dma_start3A_11 = arith.constant 0 : i32
    %dma_start3A_12 = tpu.memref_slice %arg10[%add3A_6, %dma_start3A_11] : memref<10016x64xf32, #tpu.memory_space<vmem_shared>> -> memref<224x64xf32, #tpu.memory_space<vmem_shared>>
    %dma_start3A_13 = arith.constant 0 : i32
    %dma_start3A_14 = arith.constant 0 : i32
    %dma_start3A_15 = tpu.memref_slice %arg8[%dma_start3A_13, %dma_start3A_14] : memref<224x64xf32, #tpu.memory_space<vmem>> -> memref<224x64xf32, #tpu.memory_space<vmem>>
    tpu.enqueue_dma source(%dma_start3A_15 : memref<224x64xf32, #tpu.memory_space<vmem>>) target(%dma_start3A_12 : memref<224x64xf32, #tpu.memory_space<vmem_shared>>) target_semaphore(%arg14 : memref<!tpu.dma_semaphore, #tpu.memory_space<semaphore_mem>>)
    %mul3A_16 = arith.constant 626 : i32
    %mul3A_17 = arith.muli %arg1, %mul3A_16 : i32
    %add3A_18 = arith.constant 224 : i32
    %add3A_19 = arith.addi %mul3A_17, %add3A_18 : i32
    %dma_start3A_20 = arith.constant 0 : i32
    %dma_start3A_21 = arith.constant 0 : i32
    %dma_start3A_22 = tpu.memref_slice %arg8[%dma_start3A_20, %dma_start3A_21] : memref<224x64xf32, #tpu.memory_space<vmem>> -> memref<224x64xf32, #tpu.memory_space<vmem>>
    %dma_start3A_23 = arith.constant 0 : i32
    %dma_start3A_24 = tpu.memref_slice %arg10[%add3A_19, %dma_start3A_23] : memref<10016x64xf32, #tpu.memory_space<vmem_shared>> -> memref<224x64xf32, #tpu.memory_space<vmem_shared>>
    %dma_start3A_25 = arith.constant 0 : i32
    %dma_start3A_26 = tpu.memref_slice %arg10[%add3A_19, %dma_start3A_25] : memref<10016x64xf32, #tpu.memory_space<vmem_shared>> -> memref<224x64xf32, #tpu.memory_space<vmem_shared>>
    %dma_start3A_27 = arith.constant 0 : i32
    %dma_start3A_28 = arith.constant 0 : i32
    %dma_start3A_29 = tpu.memref_slice %arg8[%dma_start3A_27, %dma_start3A_28] : memref<224x64xf32, #tpu.memory_space<vmem>> -> memref<224x64xf32, #tpu.memory_space<vmem>>
    tpu.enqueue_dma source(%dma_start3A_29 : memref<224x64xf32, #tpu.memory_space<vmem>>) target(%dma_start3A_26 : memref<224x64xf32, #tpu.memory_space<vmem_shared>>) target_semaphore(%arg14 : memref<!tpu.dma_semaphore, #tpu.memory_space<semaphore_mem>>)
    %mul3A_30 = arith.constant 626 : i32
    %mul3A_31 = arith.muli %arg1, %mul3A_30 : i32
    %add3A_32 = arith.constant 448 : i32
    %add3A_33 = arith.addi %mul3A_31, %add3A_32 : i32
    %dma_start3A_34 = arith.constant 0 : i32
    %dma_start3A_35 = arith.constant 0 : i32
    %dma_start3A_36 = tpu.memref_slice %arg8[%dma_start3A_34, %dma_start3A_35] : memref<224x64xf32, #tpu.memory_space<vmem>> -> memref<178x64xf32, #tpu.memory_space<vmem>>
    %dma_start3A_37 = arith.constant 0 : i32
    %dma_start3A_38 = tpu.memref_slice %arg10[%add3A_33, %dma_start3A_37] : memref<10016x64xf32, #tpu.memory_space<vmem_shared>> -> memref<178x64xf32, #tpu.memory_space<vmem_shared>>
    %dma_start3A_39 = arith.constant 0 : i32
    %dma_start3A_40 = tpu.memref_slice %arg10[%add3A_33, %dma_start3A_39] : memref<10016x64xf32, #tpu.memory_space<vmem_shared>> -> memref<178x64xf32, #tpu.memory_space<vmem_shared>>
    %dma_start3A_41 = arith.constant 0 : i32
    %dma_start3A_42 = arith.constant 0 : i32
    %dma_start3A_43 = tpu.memref_slice %arg8[%dma_start3A_41, %dma_start3A_42] : memref<224x64xf32, #tpu.memory_space<vmem>> -> memref<178x64xf32, #tpu.memory_space<vmem>>
    tpu.enqueue_dma source(%dma_start3A_43 : memref<178x64xf32, #tpu.memory_space<vmem>>) target(%dma_start3A_40 : memref<178x64xf32, #tpu.memory_space<vmem_shared>>) target_semaphore(%arg14 : memref<!tpu.dma_semaphore, #tpu.memory_space<semaphore_mem>>)
    %lt3A = arith.constant 15 : i32
    %lt3A_44 = arith.cmpi slt, %arg1, %lt3A : i32
    %convert_element_type3A = arith.extui %lt3A_44 : i1 to i32
    %cond3A = arith.constant 0 : i32
    %cond3A_45 = arith.cmpi ne, %convert_element_type3A, %cond3A : i32
    scf.if %cond3A_45 {
      %mul3A_220 = arith.constant 624 : i32
      %mul3A_221 = arith.muli %arg1, %mul3A_220 : i32
      %mul3A_222 = arith.constant 624 : i32
      %mul3A_223 = arith.muli %arg1, %mul3A_222 : i32
      %dma_start3A_224 = arith.constant 0 : i32
      %dma_start3A_225 = tpu.memref_slice %arg11[%mul3A_223, %dma_start3A_224] : memref<10000x64xf32, #tpu.memory_space<vmem_shared>> -> memref<624x64xf32, #tpu.memory_space<vmem_shared>>
      %dma_start3A_226 = arith.constant 0 : i32
      %dma_start3A_227 = arith.constant 0 : i32
      %dma_start3A_228 = tpu.memref_slice %arg2[%arg0, %dma_start3A_226, %dma_start3A_227] : memref<2x10000x64xf32, #tpu.memory_space<hbm>> -> memref<1x10000x64xf32, #tpu.memory_space<hbm>>
      %dma_start3A_229 = tpu.memref_squeeze %dma_start3A_228 : memref<1x10000x64xf32, #tpu.memory_space<hbm>> -> memref<10000x64xf32, #tpu.memory_space<hbm>>
      %dma_start3A_230 = arith.constant 0 : i32
      %dma_start3A_231 = tpu.memref_slice %dma_start3A_229[%mul3A_221, %dma_start3A_230] : memref<10000x64xf32, #tpu.memory_space<hbm>> -> memref<624x64xf32, #tpu.memory_space<hbm>>
      tpu.enqueue_dma source(%dma_start3A_231 : memref<624x64xf32, #tpu.memory_space<hbm>>) target(%dma_start3A_225 : memref<624x64xf32, #tpu.memory_space<vmem_shared>>) target_semaphore(%arg15 : memref<!tpu.dma_semaphore, #tpu.memory_space<semaphore_mem>>)
    } else {
    }
    %eq3A = arith.constant 15 : i32
    %eq3A_46 = arith.cmpi eq, %arg1, %eq3A : i32
    %convert_element_type3A_47 = arith.extui %eq3A_46 : i1 to i32
    %cond3A_48 = arith.constant 0 : i32
    %cond3A_49 = arith.cmpi ne, %convert_element_type3A_47, %cond3A_48 : i32
    scf.if %cond3A_49 {
      %dma_start3A_220 = arith.constant 9360 : i32
      %dma_start3A_221 = arith.constant 0 : i32
      %dma_start3A_222 = tpu.memref_slice %arg11[%dma_start3A_220, %dma_start3A_221] : memref<10000x64xf32, #tpu.memory_space<vmem_shared>> -> memref<640x64xf32, #tpu.memory_space<vmem_shared>>
      %dma_start3A_223 = arith.constant 0 : i32
      %dma_start3A_224 = arith.constant 0 : i32
      %dma_start3A_225 = tpu.memref_slice %arg2[%arg0, %dma_start3A_223, %dma_start3A_224] : memref<2x10000x64xf32, #tpu.memory_space<hbm>> -> memref<1x10000x64xf32, #tpu.memory_space<hbm>>
      %dma_start3A_226 = tpu.memref_squeeze %dma_start3A_225 : memref<1x10000x64xf32, #tpu.memory_space<hbm>> -> memref<10000x64xf32, #tpu.memory_space<hbm>>
      %dma_start3A_227 = arith.constant 9360 : i32
      %dma_start3A_228 = arith.constant 0 : i32
      %dma_start3A_229 = tpu.memref_slice %dma_start3A_226[%dma_start3A_227, %dma_start3A_228] : memref<10000x64xf32, #tpu.memory_space<hbm>> -> memref<640x64xf32, #tpu.memory_space<hbm>>
      tpu.enqueue_dma source(%dma_start3A_229 : memref<640x64xf32, #tpu.memory_space<hbm>>) target(%dma_start3A_222 : memref<640x64xf32, #tpu.memory_space<vmem_shared>>) target_semaphore(%arg15 : memref<!tpu.dma_semaphore, #tpu.memory_space<semaphore_mem>>)
    } else {
    }
    %dma_start3A_50 = arith.constant 0 : i32
    %dma_start3A_51 = arith.constant 0 : i32
    %dma_start3A_52 = tpu.memref_slice %arg3[%arg1, %dma_start3A_50, %dma_start3A_51] : memref<16x92x224xi32, #tpu.memory_space<hbm>> -> memref<1x92x224xi32, #tpu.memory_space<hbm>>
    %dma_start3A_53 = tpu.memref_squeeze %dma_start3A_52 : memref<1x92x224xi32, #tpu.memory_space<hbm>> -> memref<92x224xi32, #tpu.memory_space<hbm>>
    %dma_start3A_54 = arith.constant 0 : i32
    %dma_start3A_55 = arith.constant 0 : i32
    %dma_start3A_56 = tpu.memref_slice %dma_start3A_53[%dma_start3A_54, %dma_start3A_55] : memref<92x224xi32, #tpu.memory_space<hbm>> -> memref<46x224xi32, #tpu.memory_space<hbm>>
    %dma_start3A_57 = arith.constant 0 : i32
    %dma_start3A_58 = arith.constant 0 : i32
    %dma_start3A_59 = tpu.memref_slice %arg3[%arg1, %dma_start3A_57, %dma_start3A_58] : memref<16x92x224xi32, #tpu.memory_space<hbm>> -> memref<1x92x224xi32, #tpu.memory_space<hbm>>
    %dma_start3A_60 = tpu.memref_squeeze %dma_start3A_59 : memref<1x92x224xi32, #tpu.memory_space<hbm>> -> memref<92x224xi32, #tpu.memory_space<hbm>>
    %dma_start3A_61 = arith.constant 0 : i32
    %dma_start3A_62 = arith.constant 0 : i32
    %dma_start3A_63 = tpu.memref_slice %dma_start3A_60[%dma_start3A_61, %dma_start3A_62] : memref<92x224xi32, #tpu.memory_space<hbm>> -> memref<46x224xi32, #tpu.memory_space<hbm>>
    tpu.enqueue_dma source(%dma_start3A_63 : memref<46x224xi32, #tpu.memory_space<hbm>>) target(%arg6 : memref<46x224xi32, #tpu.memory_space<vmem>>) target_semaphore(%arg12 : memref<!tpu.dma_semaphore, #tpu.memory_space<semaphore_mem>>)
    %dma_start3A_64 = arith.constant 0 : i32
    %dma_start3A_65 = arith.constant 0 : i32
    %dma_start3A_66 = tpu.memref_slice %arg4[%arg1, %dma_start3A_64, %dma_start3A_65] : memref<16x92x224xi32, #tpu.memory_space<hbm>> -> memref<1x92x224xi32, #tpu.memory_space<hbm>>
    %dma_start3A_67 = tpu.memref_squeeze %dma_start3A_66 : memref<1x92x224xi32, #tpu.memory_space<hbm>> -> memref<92x224xi32, #tpu.memory_space<hbm>>
    %dma_start3A_68 = arith.constant 0 : i32
    %dma_start3A_69 = arith.constant 0 : i32
    %dma_start3A_70 = tpu.memref_slice %dma_start3A_67[%dma_start3A_68, %dma_start3A_69] : memref<92x224xi32, #tpu.memory_space<hbm>> -> memref<46x224xi32, #tpu.memory_space<hbm>>
    %dma_start3A_71 = arith.constant 0 : i32
    %dma_start3A_72 = arith.constant 0 : i32
    %dma_start3A_73 = tpu.memref_slice %arg4[%arg1, %dma_start3A_71, %dma_start3A_72] : memref<16x92x224xi32, #tpu.memory_space<hbm>> -> memref<1x92x224xi32, #tpu.memory_space<hbm>>
    %dma_start3A_74 = tpu.memref_squeeze %dma_start3A_73 : memref<1x92x224xi32, #tpu.memory_space<hbm>> -> memref<92x224xi32, #tpu.memory_space<hbm>>
    %dma_start3A_75 = arith.constant 0 : i32
    %dma_start3A_76 = arith.constant 0 : i32
    %dma_start3A_77 = tpu.memref_slice %dma_start3A_74[%dma_start3A_75, %dma_start3A_76] : memref<92x224xi32, #tpu.memory_space<hbm>> -> memref<46x224xi32, #tpu.memory_space<hbm>>
    tpu.enqueue_dma source(%dma_start3A_77 : memref<46x224xi32, #tpu.memory_space<hbm>>) target(%arg7 : memref<46x224xi32, #tpu.memory_space<vmem>>) target_semaphore(%arg13 : memref<!tpu.dma_semaphore, #tpu.memory_space<semaphore_mem>>)
    %mul3A_78 = arith.constant 626 : i32
    %mul3A_79 = arith.muli %arg1, %mul3A_78 : i32
    %add3A_80 = arith.constant 0 : i32
    %add3A_81 = arith.addi %mul3A_79, %add3A_80 : i32
    %dma_wait3A = arith.constant 0 : i32
    %dma_wait3A_82 = arith.constant 0 : i32
    %dma_wait3A_83 = tpu.memref_slice %arg8[%dma_wait3A, %dma_wait3A_82] : memref<224x64xf32, #tpu.memory_space<vmem>> -> memref<224x64xf32, #tpu.memory_space<vmem>>
    %dma_wait3A_84 = arith.constant 0 : i32
    %dma_wait3A_85 = tpu.memref_slice %arg10[%add3A_81, %dma_wait3A_84] : memref<10016x64xf32, #tpu.memory_space<vmem_shared>> -> memref<224x64xf32, #tpu.memory_space<vmem_shared>>
    %dma_wait3A_86 = arith.constant 0 : i32
    %dma_wait3A_87 = tpu.memref_slice %arg10[%add3A_81, %dma_wait3A_86] : memref<10016x64xf32, #tpu.memory_space<vmem_shared>> -> memref<224x64xf32, #tpu.memory_space<vmem_shared>>
    %dma_wait3A_88 = arith.constant 0 : i32
    %dma_wait3A_89 = arith.constant 0 : i32
    %dma_wait3A_90 = tpu.memref_slice %arg8[%dma_wait3A_88, %dma_wait3A_89] : memref<224x64xf32, #tpu.memory_space<vmem>> -> memref<224x64xf32, #tpu.memory_space<vmem>>
    tpu.wait_dma2 semaphore(%arg14 : memref<!tpu.dma_semaphore, #tpu.memory_space<semaphore_mem>>) src(%dma_wait3A_90 : memref<224x64xf32, #tpu.memory_space<vmem>>) dst(%dma_wait3A_87 : memref<224x64xf32, #tpu.memory_space<vmem_shared>>)
    %mul3A_91 = arith.constant 626 : i32
    %mul3A_92 = arith.muli %arg1, %mul3A_91 : i32
    %add3A_93 = arith.constant 224 : i32
    %add3A_94 = arith.addi %mul3A_92, %add3A_93 : i32
    %dma_wait3A_95 = arith.constant 0 : i32
    %dma_wait3A_96 = arith.constant 0 : i32
    %dma_wait3A_97 = tpu.memref_slice %arg8[%dma_wait3A_95, %dma_wait3A_96] : memref<224x64xf32, #tpu.memory_space<vmem>> -> memref<224x64xf32, #tpu.memory_space<vmem>>
    %dma_wait3A_98 = arith.constant 0 : i32
    %dma_wait3A_99 = tpu.memref_slice %arg10[%add3A_94, %dma_wait3A_98] : memref<10016x64xf32, #tpu.memory_space<vmem_shared>> -> memref<224x64xf32, #tpu.memory_space<vmem_shared>>
    %dma_wait3A_100 = arith.constant 0 : i32
    %dma_wait3A_101 = tpu.memref_slice %arg10[%add3A_94, %dma_wait3A_100] : memref<10016x64xf32, #tpu.memory_space<vmem_shared>> -> memref<224x64xf32, #tpu.memory_space<vmem_shared>>
    %dma_wait3A_102 = arith.constant 0 : i32
    %dma_wait3A_103 = arith.constant 0 : i32
    %dma_wait3A_104 = tpu.memref_slice %arg8[%dma_wait3A_102, %dma_wait3A_103] : memref<224x64xf32, #tpu.memory_space<vmem>> -> memref<224x64xf32, #tpu.memory_space<vmem>>
    tpu.wait_dma2 semaphore(%arg14 : memref<!tpu.dma_semaphore, #tpu.memory_space<semaphore_mem>>) src(%dma_wait3A_104 : memref<224x64xf32, #tpu.memory_space<vmem>>) dst(%dma_wait3A_101 : memref<224x64xf32, #tpu.memory_space<vmem_shared>>)
    %mul3A_105 = arith.constant 626 : i32
    %mul3A_106 = arith.muli %arg1, %mul3A_105 : i32
    %add3A_107 = arith.constant 448 : i32
    %add3A_108 = arith.addi %mul3A_106, %add3A_107 : i32
    %dma_wait3A_109 = arith.constant 0 : i32
    %dma_wait3A_110 = arith.constant 0 : i32
    %dma_wait3A_111 = tpu.memref_slice %arg8[%dma_wait3A_109, %dma_wait3A_110] : memref<224x64xf32, #tpu.memory_space<vmem>> -> memref<178x64xf32, #tpu.memory_space<vmem>>
    %dma_wait3A_112 = arith.constant 0 : i32
    %dma_wait3A_113 = tpu.memref_slice %arg10[%add3A_108, %dma_wait3A_112] : memref<10016x64xf32, #tpu.memory_space<vmem_shared>> -> memref<178x64xf32, #tpu.memory_space<vmem_shared>>
    %dma_wait3A_114 = arith.constant 0 : i32
    %dma_wait3A_115 = tpu.memref_slice %arg10[%add3A_108, %dma_wait3A_114] : memref<10016x64xf32, #tpu.memory_space<vmem_shared>> -> memref<178x64xf32, #tpu.memory_space<vmem_shared>>
    %dma_wait3A_116 = arith.constant 0 : i32
    %dma_wait3A_117 = arith.constant 0 : i32
    %dma_wait3A_118 = tpu.memref_slice %arg8[%dma_wait3A_116, %dma_wait3A_117] : memref<224x64xf32, #tpu.memory_space<vmem>> -> memref<178x64xf32, #tpu.memory_space<vmem>>
    tpu.wait_dma2 semaphore(%arg14 : memref<!tpu.dma_semaphore, #tpu.memory_space<semaphore_mem>>) src(%dma_wait3A_118 : memref<178x64xf32, #tpu.memory_space<vmem>>) dst(%dma_wait3A_115 : memref<178x64xf32, #tpu.memory_space<vmem_shared>>)
    %lt3A_119 = arith.constant 15 : i32
    %lt3A_120 = arith.cmpi slt, %arg1, %lt3A_119 : i32
    %convert_element_type3A_121 = arith.extui %lt3A_120 : i1 to i32
    %cond3A_122 = arith.constant 0 : i32
    %cond3A_123 = arith.cmpi ne, %convert_element_type3A_121, %cond3A_122 : i32
    scf.if %cond3A_123 {
      %mul3A_220 = arith.constant 624 : i32
      %mul3A_221 = arith.muli %arg1, %mul3A_220 : i32
      %mul3A_222 = arith.constant 624 : i32
      %mul3A_223 = arith.muli %arg1, %mul3A_222 : i32
      %dma_wait3A_224 = arith.constant 0 : i32
      %dma_wait3A_225 = tpu.memref_slice %arg11[%mul3A_223, %dma_wait3A_224] : memref<10000x64xf32, #tpu.memory_space<vmem_shared>> -> memref<624x64xf32, #tpu.memory_space<vmem_shared>>
      %dma_wait3A_226 = arith.constant 0 : i32
      %dma_wait3A_227 = arith.constant 0 : i32
      %dma_wait3A_228 = tpu.memref_slice %arg2[%arg0, %dma_wait3A_226, %dma_wait3A_227] : memref<2x10000x64xf32, #tpu.memory_space<hbm>> -> memref<1x10000x64xf32, #tpu.memory_space<hbm>>
      %dma_wait3A_229 = tpu.memref_squeeze %dma_wait3A_228 : memref<1x10000x64xf32, #tpu.memory_space<hbm>> -> memref<10000x64xf32, #tpu.memory_space<hbm>>
      %dma_wait3A_230 = arith.constant 0 : i32
      %dma_wait3A_231 = tpu.memref_slice %dma_wait3A_229[%mul3A_221, %dma_wait3A_230] : memref<10000x64xf32, #tpu.memory_space<hbm>> -> memref<624x64xf32, #tpu.memory_space<hbm>>
      tpu.wait_dma2 semaphore(%arg15 : memref<!tpu.dma_semaphore, #tpu.memory_space<semaphore_mem>>) src(%dma_wait3A_231 : memref<624x64xf32, #tpu.memory_space<hbm>>) dst(%dma_wait3A_225 : memref<624x64xf32, #tpu.memory_space<vmem_shared>>)
    } else {
    }
    %eq3A_124 = arith.constant 15 : i32
    %eq3A_125 = arith.cmpi eq, %arg1, %eq3A_124 : i32
    %convert_element_type3A_126 = arith.extui %eq3A_125 : i1 to i32
    %cond3A_127 = arith.constant 0 : i32
    %cond3A_128 = arith.cmpi ne, %convert_element_type3A_126, %cond3A_127 : i32
    scf.if %cond3A_128 {
      %dma_wait3A_220 = arith.constant 9360 : i32
      %dma_wait3A_221 = arith.constant 0 : i32
      %dma_wait3A_222 = tpu.memref_slice %arg11[%dma_wait3A_220, %dma_wait3A_221] : memref<10000x64xf32, #tpu.memory_space<vmem_shared>> -> memref<640x64xf32, #tpu.memory_space<vmem_shared>>
      %dma_wait3A_223 = arith.constant 0 : i32
      %dma_wait3A_224 = arith.constant 0 : i32
      %dma_wait3A_225 = tpu.memref_slice %arg2[%arg0, %dma_wait3A_223, %dma_wait3A_224] : memref<2x10000x64xf32, #tpu.memory_space<hbm>> -> memref<1x10000x64xf32, #tpu.memory_space<hbm>>
      %dma_wait3A_226 = tpu.memref_squeeze %dma_wait3A_225 : memref<1x10000x64xf32, #tpu.memory_space<hbm>> -> memref<10000x64xf32, #tpu.memory_space<hbm>>
      %dma_wait3A_227 = arith.constant 9360 : i32
      %dma_wait3A_228 = arith.constant 0 : i32
      %dma_wait3A_229 = tpu.memref_slice %dma_wait3A_226[%dma_wait3A_227, %dma_wait3A_228] : memref<10000x64xf32, #tpu.memory_space<hbm>> -> memref<640x64xf32, #tpu.memory_space<hbm>>
      tpu.wait_dma2 semaphore(%arg15 : memref<!tpu.dma_semaphore, #tpu.memory_space<semaphore_mem>>) src(%dma_wait3A_229 : memref<640x64xf32, #tpu.memory_space<hbm>>) dst(%dma_wait3A_222 : memref<640x64xf32, #tpu.memory_space<vmem_shared>>)
    } else {
    }
    %dma_wait3A_129 = arith.constant 0 : i32
    %dma_wait3A_130 = arith.constant 0 : i32
    %dma_wait3A_131 = tpu.memref_slice %arg3[%arg1, %dma_wait3A_129, %dma_wait3A_130] : memref<16x92x224xi32, #tpu.memory_space<hbm>> -> memref<1x92x224xi32, #tpu.memory_space<hbm>>
    %dma_wait3A_132 = tpu.memref_squeeze %dma_wait3A_131 : memref<1x92x224xi32, #tpu.memory_space<hbm>> -> memref<92x224xi32, #tpu.memory_space<hbm>>
    %dma_wait3A_133 = arith.constant 0 : i32
    %dma_wait3A_134 = arith.constant 0 : i32
    %dma_wait3A_135 = tpu.memref_slice %dma_wait3A_132[%dma_wait3A_133, %dma_wait3A_134] : memref<92x224xi32, #tpu.memory_space<hbm>> -> memref<46x224xi32, #tpu.memory_space<hbm>>
    %dma_wait3A_136 = arith.constant 0 : i32
    %dma_wait3A_137 = arith.constant 0 : i32
    %dma_wait3A_138 = tpu.memref_slice %arg3[%arg1, %dma_wait3A_136, %dma_wait3A_137] : memref<16x92x224xi32, #tpu.memory_space<hbm>> -> memref<1x92x224xi32, #tpu.memory_space<hbm>>
    %dma_wait3A_139 = tpu.memref_squeeze %dma_wait3A_138 : memref<1x92x224xi32, #tpu.memory_space<hbm>> -> memref<92x224xi32, #tpu.memory_space<hbm>>
    %dma_wait3A_140 = arith.constant 0 : i32
    %dma_wait3A_141 = arith.constant 0 : i32
    %dma_wait3A_142 = tpu.memref_slice %dma_wait3A_139[%dma_wait3A_140, %dma_wait3A_141] : memref<92x224xi32, #tpu.memory_space<hbm>> -> memref<46x224xi32, #tpu.memory_space<hbm>>
    tpu.wait_dma2 semaphore(%arg12 : memref<!tpu.dma_semaphore, #tpu.memory_space<semaphore_mem>>) src(%dma_wait3A_142 : memref<46x224xi32, #tpu.memory_space<hbm>>) dst(%arg6 : memref<46x224xi32, #tpu.memory_space<vmem>>)
    %dma_wait3A_143 = arith.constant 0 : i32
    %dma_wait3A_144 = arith.constant 0 : i32
    %dma_wait3A_145 = tpu.memref_slice %arg4[%arg1, %dma_wait3A_143, %dma_wait3A_144] : memref<16x92x224xi32, #tpu.memory_space<hbm>> -> memref<1x92x224xi32, #tpu.memory_space<hbm>>
    %dma_wait3A_146 = tpu.memref_squeeze %dma_wait3A_145 : memref<1x92x224xi32, #tpu.memory_space<hbm>> -> memref<92x224xi32, #tpu.memory_space<hbm>>
    %dma_wait3A_147 = arith.constant 0 : i32
    %dma_wait3A_148 = arith.constant 0 : i32
    %dma_wait3A_149 = tpu.memref_slice %dma_wait3A_146[%dma_wait3A_147, %dma_wait3A_148] : memref<92x224xi32, #tpu.memory_space<hbm>> -> memref<46x224xi32, #tpu.memory_space<hbm>>
    %dma_wait3A_150 = arith.constant 0 : i32
    %dma_wait3A_151 = arith.constant 0 : i32
    %dma_wait3A_152 = tpu.memref_slice %arg4[%arg1, %dma_wait3A_150, %dma_wait3A_151] : memref<16x92x224xi32, #tpu.memory_space<hbm>> -> memref<1x92x224xi32, #tpu.memory_space<hbm>>
    %dma_wait3A_153 = tpu.memref_squeeze %dma_wait3A_152 : memref<1x92x224xi32, #tpu.memory_space<hbm>> -> memref<92x224xi32, #tpu.memory_space<hbm>>
    %dma_wait3A_154 = arith.constant 0 : i32
    %dma_wait3A_155 = arith.constant 0 : i32
    %dma_wait3A_156 = tpu.memref_slice %dma_wait3A_153[%dma_wait3A_154, %dma_wait3A_155] : memref<92x224xi32, #tpu.memory_space<hbm>> -> memref<46x224xi32, #tpu.memory_space<hbm>>
    tpu.wait_dma2 semaphore(%arg13 : memref<!tpu.dma_semaphore, #tpu.memory_space<semaphore_mem>>) src(%dma_wait3A_156 : memref<46x224xi32, #tpu.memory_space<hbm>>) dst(%arg7 : memref<46x224xi32, #tpu.memory_space<vmem>>)
    %barrier3A = arith.constant 0 : index
    tpu.barrier barrier_id(%barrier3A)
    %dma_start3A_157 = arith.constant 0 : i32
    %dma_start3A_158 = arith.constant 0 : i32
    %dma_start3A_159 = tpu.memref_slice %arg6[%dma_start3A_157, %dma_start3A_158] : memref<46x224xi32, #tpu.memory_space<vmem>> -> memref<1x224xi32, #tpu.memory_space<vmem>>
    %dma_start3A_160 = tpu.memref_squeeze %dma_start3A_159 : memref<1x224xi32, #tpu.memory_space<vmem>> -> memref<224xi32, #tpu.memory_space<vmem>>
    %dma_start3A_161 = arith.constant 0 : i32
    %dma_start3A_162 = arith.constant 0 : i32
    %dma_start3A_163 = tpu.memref_slice %arg11[%dma_start3A_161, %dma_start3A_162] : memref<10000x64xf32, #tpu.memory_space<vmem_shared>> -> memref<10000x64xf32, #tpu.memory_space<vmem_shared>>
    tpu.enqueue_indirect_dma source(%dma_start3A_163 : memref<10000x64xf32, #tpu.memory_space<vmem_shared>>) target(%arg8 : memref<224x64xf32, #tpu.memory_space<vmem>>) offsets(%dma_start3A_160 : memref<224xi32, #tpu.memory_space<vmem>>) semaphore(%arg12 : memref<!tpu.dma_semaphore, #tpu.memory_space<semaphore_mem>>)
    %scan3A_164 = arith.constant 0 : i32
    %scan3A_165 = arith.constant 23 : i32
    %scan3A_166 = arith.addi %scan3A_164, %scan3A_165 : i32
    %scan3A_167 = arith.constant 1 : i32
    scf.for %scan3A_220 = %scan3A_164 to %scan3A_166 step %scan3A_167  : i32 {
      %mul3A_221 = arith.constant 1 : i32
      %mul3A_222 = arith.muli %scan3A_220, %mul3A_221 : i32
      %add3A_223 = arith.constant 0 : i32
      %add3A_224 = arith.addi %add3A_223, %mul3A_222 : i32
      %mul3A_225 = arith.constant 2 : i32
      %mul3A_226 = arith.muli %mul3A_225, %add3A_224 : i32
      %dma_wait3A_227 = arith.constant 0 : i32
      %dma_wait3A_228 = tpu.memref_slice %arg6[%mul3A_226, %dma_wait3A_227] : memref<46x224xi32, #tpu.memory_space<vmem>> -> memref<1x224xi32, #tpu.memory_space<vmem>>
      %dma_wait3A_229 = tpu.memref_squeeze %dma_wait3A_228 : memref<1x224xi32, #tpu.memory_space<vmem>> -> memref<224xi32, #tpu.memory_space<vmem>>
      %dma_wait3A_230 = arith.constant 0 : i32
      %dma_wait3A_231 = arith.constant 0 : i32
      %dma_wait3A_232 = tpu.memref_slice %arg11[%dma_wait3A_230, %dma_wait3A_231] : memref<10000x64xf32, #tpu.memory_space<vmem_shared>> -> memref<10000x64xf32, #tpu.memory_space<vmem_shared>>
      tpu.wait_indirect_dma semaphore(%arg12 : memref<!tpu.dma_semaphore, #tpu.memory_space<semaphore_mem>>) src(%dma_wait3A_232 : memref<10000x64xf32, #tpu.memory_space<vmem_shared>>) dst(%arg8 : memref<224x64xf32, #tpu.memory_space<vmem>>)
      %dma_start3A_233 = arith.constant 0 : i32
      %dma_start3A_234 = tpu.memref_slice %arg7[%mul3A_226, %dma_start3A_233] : memref<46x224xi32, #tpu.memory_space<vmem>> -> memref<1x224xi32, #tpu.memory_space<vmem>>
      %dma_start3A_235 = tpu.memref_squeeze %dma_start3A_234 : memref<1x224xi32, #tpu.memory_space<vmem>> -> memref<224xi32, #tpu.memory_space<vmem>>
      %dma_start3A_236 = arith.constant 0 : i32
      %dma_start3A_237 = arith.constant 0 : i32
      %dma_start3A_238 = tpu.memref_slice %arg10[%dma_start3A_236, %dma_start3A_237] : memref<10016x64xf32, #tpu.memory_space<vmem_shared>> -> memref<10016x64xf32, #tpu.memory_space<vmem_shared>>
      tpu.enqueue_indirect_dma source(%arg8 : memref<224x64xf32, #tpu.memory_space<vmem>>) target(%dma_start3A_238 : memref<10016x64xf32, #tpu.memory_space<vmem_shared>>) offsets(%dma_start3A_235 : memref<224xi32, #tpu.memory_space<vmem>>) semaphore(%arg14 : memref<!tpu.dma_semaphore, #tpu.memory_space<semaphore_mem>>) {add = true}
      %gt3A = arith.constant 0 : i32
      %gt3A_239 = arith.cmpi sgt, %add3A_224, %gt3A : i32
      %convert_element_type3A_240 = arith.extui %gt3A_239 : i1 to i32
      %cond3A_241 = arith.constant 0 : i32
      %cond3A_242 = arith.cmpi ne, %convert_element_type3A_240, %cond3A_241 : i32
      scf.if %cond3A_242 {
        %sub3A = arith.constant 1 : i32
        %sub3A_272 = arith.subi %mul3A_226, %sub3A : i32
        %dma_wait3A_273 = arith.constant 0 : i32
        %dma_wait3A_274 = tpu.memref_slice %arg7[%sub3A_272, %dma_wait3A_273] : memref<46x224xi32, #tpu.memory_space<vmem>> -> memref<1x224xi32, #tpu.memory_space<vmem>>
        %dma_wait3A_275 = tpu.memref_squeeze %dma_wait3A_274 : memref<1x224xi32, #tpu.memory_space<vmem>> -> memref<224xi32, #tpu.memory_space<vmem>>
        %dma_wait3A_276 = arith.constant 0 : i32
        %dma_wait3A_277 = arith.constant 0 : i32
        %dma_wait3A_278 = tpu.memref_slice %arg10[%dma_wait3A_276, %dma_wait3A_277] : memref<10016x64xf32, #tpu.memory_space<vmem_shared>> -> memref<10016x64xf32, #tpu.memory_space<vmem_shared>>
        tpu.wait_indirect_dma semaphore(%arg15 : memref<!tpu.dma_semaphore, #tpu.memory_space<semaphore_mem>>) src(%arg9 : memref<224x64xf32, #tpu.memory_space<vmem>>) dst(%dma_wait3A_278 : memref<10016x64xf32, #tpu.memory_space<vmem_shared>>)
      } else {
      }
      %add3A_243 = arith.constant 1 : i32
      %add3A_244 = arith.addi %mul3A_226, %add3A_243 : i32
      %dma_start3A_245 = arith.constant 0 : i32
      %dma_start3A_246 = tpu.memref_slice %arg6[%add3A_244, %dma_start3A_245] : memref<46x224xi32, #tpu.memory_space<vmem>> -> memref<1x224xi32, #tpu.memory_space<vmem>>
      %dma_start3A_247 = tpu.memref_squeeze %dma_start3A_246 : memref<1x224xi32, #tpu.memory_space<vmem>> -> memref<224xi32, #tpu.memory_space<vmem>>
      %dma_start3A_248 = arith.constant 0 : i32
      %dma_start3A_249 = arith.constant 0 : i32
      %dma_start3A_250 = tpu.memref_slice %arg11[%dma_start3A_248, %dma_start3A_249] : memref<10000x64xf32, #tpu.memory_space<vmem_shared>> -> memref<10000x64xf32, #tpu.memory_space<vmem_shared>>
      tpu.enqueue_indirect_dma source(%dma_start3A_250 : memref<10000x64xf32, #tpu.memory_space<vmem_shared>>) target(%arg9 : memref<224x64xf32, #tpu.memory_space<vmem>>) offsets(%dma_start3A_247 : memref<224xi32, #tpu.memory_space<vmem>>) semaphore(%arg13 : memref<!tpu.dma_semaphore, #tpu.memory_space<semaphore_mem>>)
      %add3A_251 = arith.constant 1 : i32
      %add3A_252 = arith.addi %mul3A_226, %add3A_251 : i32
      %dma_wait3A_253 = arith.constant 0 : i32
      %dma_wait3A_254 = tpu.memref_slice %arg6[%add3A_252, %dma_wait3A_253] : memref<46x224xi32, #tpu.memory_space<vmem>> -> memref<1x224xi32, #tpu.memory_space<vmem>>
      %dma_wait3A_255 = tpu.memref_squeeze %dma_wait3A_254 : memref<1x224xi32, #tpu.memory_space<vmem>> -> memref<224xi32, #tpu.memory_space<vmem>>
      %dma_wait3A_256 = arith.constant 0 : i32
      %dma_wait3A_257 = arith.constant 0 : i32
      %dma_wait3A_258 = tpu.memref_slice %arg11[%dma_wait3A_256, %dma_wait3A_257] : memref<10000x64xf32, #tpu.memory_space<vmem_shared>> -> memref<10000x64xf32, #tpu.memory_space<vmem_shared>>
      tpu.wait_indirect_dma semaphore(%arg13 : memref<!tpu.dma_semaphore, #tpu.memory_space<semaphore_mem>>) src(%dma_wait3A_258 : memref<10000x64xf32, #tpu.memory_space<vmem_shared>>) dst(%arg9 : memref<224x64xf32, #tpu.memory_space<vmem>>)
      %add3A_259 = arith.constant 1 : i32
      %add3A_260 = arith.addi %mul3A_226, %add3A_259 : i32
      %dma_start3A_261 = arith.constant 0 : i32
      %dma_start3A_262 = tpu.memref_slice %arg7[%add3A_260, %dma_start3A_261] : memref<46x224xi32, #tpu.memory_space<vmem>> -> memref<1x224xi32, #tpu.memory_space<vmem>>
      %dma_start3A_263 = tpu.memref_squeeze %dma_start3A_262 : memref<1x224xi32, #tpu.memory_space<vmem>> -> memref<224xi32, #tpu.memory_space<vmem>>
      %dma_start3A_264 = arith.constant 0 : i32
      %dma_start3A_265 = arith.constant 0 : i32
      %dma_start3A_266 = tpu.memref_slice %arg10[%dma_start3A_264, %dma_start3A_265] : memref<10016x64xf32, #tpu.memory_space<vmem_shared>> -> memref<10016x64xf32, #tpu.memory_space<vmem_shared>>
      tpu.enqueue_indirect_dma source(%arg9 : memref<224x64xf32, #tpu.memory_space<vmem>>) target(%dma_start3A_266 : memref<10016x64xf32, #tpu.memory_space<vmem_shared>>) offsets(%dma_start3A_263 : memref<224xi32, #tpu.memory_space<vmem>>) semaphore(%arg15 : memref<!tpu.dma_semaphore, #tpu.memory_space<semaphore_mem>>) {add = true}
      %lt3A_267 = arith.constant 22 : i32
      %lt3A_268 = arith.cmpi slt, %add3A_224, %lt3A_267 : i32
      %convert_element_type3A_269 = arith.extui %lt3A_268 : i1 to i32
      %cond3A_270 = arith.constant 0 : i32
      %cond3A_271 = arith.cmpi ne, %convert_element_type3A_269, %cond3A_270 : i32
      scf.if %cond3A_271 {
        %dma_wait3A_272 = arith.constant 0 : i32
        %dma_wait3A_273 = tpu.memref_slice %arg7[%mul3A_226, %dma_wait3A_272] : memref<46x224xi32, #tpu.memory_space<vmem>> -> memref<1x224xi32, #tpu.memory_space<vmem>>
        %dma_wait3A_274 = tpu.memref_squeeze %dma_wait3A_273 : memref<1x224xi32, #tpu.memory_space<vmem>> -> memref<224xi32, #tpu.memory_space<vmem>>
        %dma_wait3A_275 = arith.constant 0 : i32
        %dma_wait3A_276 = arith.constant 0 : i32
        %dma_wait3A_277 = tpu.memref_slice %arg10[%dma_wait3A_275, %dma_wait3A_276] : memref<10016x64xf32, #tpu.memory_space<vmem_shared>> -> memref<10016x64xf32, #tpu.memory_space<vmem_shared>>
        tpu.wait_indirect_dma semaphore(%arg14 : memref<!tpu.dma_semaphore, #tpu.memory_space<semaphore_mem>>) src(%arg8 : memref<224x64xf32, #tpu.memory_space<vmem>>) dst(%dma_wait3A_277 : memref<10016x64xf32, #tpu.memory_space<vmem_shared>>)
        %add3A_278 = arith.constant 2 : i32
        %add3A_279 = arith.addi %mul3A_226, %add3A_278 : i32
        %dma_start3A_280 = arith.constant 0 : i32
        %dma_start3A_281 = tpu.memref_slice %arg6[%add3A_279, %dma_start3A_280] : memref<46x224xi32, #tpu.memory_space<vmem>> -> memref<1x224xi32, #tpu.memory_space<vmem>>
        %dma_start3A_282 = tpu.memref_squeeze %dma_start3A_281 : memref<1x224xi32, #tpu.memory_space<vmem>> -> memref<224xi32, #tpu.memory_space<vmem>>
        %dma_start3A_283 = arith.constant 0 : i32
        %dma_start3A_284 = arith.constant 0 : i32
        %dma_start3A_285 = tpu.memref_slice %arg11[%dma_start3A_283, %dma_start3A_284] : memref<10000x64xf32, #tpu.memory_space<vmem_shared>> -> memref<10000x64xf32, #tpu.memory_space<vmem_shared>>
        tpu.enqueue_indirect_dma source(%dma_start3A_285 : memref<10000x64xf32, #tpu.memory_space<vmem_shared>>) target(%arg8 : memref<224x64xf32, #tpu.memory_space<vmem>>) offsets(%dma_start3A_282 : memref<224xi32, #tpu.memory_space<vmem>>) semaphore(%arg12 : memref<!tpu.dma_semaphore, #tpu.memory_space<semaphore_mem>>)
      } else {
      }
    }
    %scan3A_168 = arith.constant 23 : i32
    %dma_wait3A_169 = arith.constant 44 : i32
    %dma_wait3A_170 = arith.constant 0 : i32
    %dma_wait3A_171 = tpu.memref_slice %arg7[%dma_wait3A_169, %dma_wait3A_170] : memref<46x224xi32, #tpu.memory_space<vmem>> -> memref<1x224xi32, #tpu.memory_space<vmem>>
    %dma_wait3A_172 = tpu.memref_squeeze %dma_wait3A_171 : memref<1x224xi32, #tpu.memory_space<vmem>> -> memref<224xi32, #tpu.memory_space<vmem>>
    %dma_wait3A_173 = arith.constant 0 : i32
    %dma_wait3A_174 = arith.constant 0 : i32
    %dma_wait3A_175 = tpu.memref_slice %arg10[%dma_wait3A_173, %dma_wait3A_174] : memref<10016x64xf32, #tpu.memory_space<vmem_shared>> -> memref<10016x64xf32, #tpu.memory_space<vmem_shared>>
    tpu.wait_indirect_dma semaphore(%arg14 : memref<!tpu.dma_semaphore, #tpu.memory_space<semaphore_mem>>) src(%arg8 : memref<224x64xf32, #tpu.memory_space<vmem>>) dst(%dma_wait3A_175 : memref<10016x64xf32, #tpu.memory_space<vmem_shared>>)
    %dma_wait3A_176 = arith.constant 45 : i32
    %dma_wait3A_177 = arith.constant 0 : i32
    %dma_wait3A_178 = tpu.memref_slice %arg7[%dma_wait3A_176, %dma_wait3A_177] : memref<46x224xi32, #tpu.memory_space<vmem>> -> memref<1x224xi32, #tpu.memory_space<vmem>>
    %dma_wait3A_179 = tpu.memref_squeeze %dma_wait3A_178 : memref<1x224xi32, #tpu.memory_space<vmem>> -> memref<224xi32, #tpu.memory_space<vmem>>
    %dma_wait3A_180 = arith.constant 0 : i32
    %dma_wait3A_181 = arith.constant 0 : i32
    %dma_wait3A_182 = tpu.memref_slice %arg10[%dma_wait3A_180, %dma_wait3A_181] : memref<10016x64xf32, #tpu.memory_space<vmem_shared>> -> memref<10016x64xf32, #tpu.memory_space<vmem_shared>>
    tpu.wait_indirect_dma semaphore(%arg15 : memref<!tpu.dma_semaphore, #tpu.memory_space<semaphore_mem>>) src(%arg9 : memref<224x64xf32, #tpu.memory_space<vmem>>) dst(%dma_wait3A_182 : memref<10016x64xf32, #tpu.memory_space<vmem_shared>>)
    "tpu.region"() ({
      %run_scoped3A = tpu.sem_alloc : memref<!tpu.dma_semaphore, #tpu.memory_space<semaphore_mem>>
      %dma_start3A_220 = arith.constant 0 : i32
      %dma_start3A_221 = arith.constant 0 : i32
      %dma_start3A_222 = tpu.memref_slice %arg3[%arg1, %dma_start3A_220, %dma_start3A_221] : memref<16x92x224xi32, #tpu.memory_space<hbm>> -> memref<1x92x224xi32, #tpu.memory_space<hbm>>
      %dma_start3A_223 = tpu.memref_squeeze %dma_start3A_222 : memref<1x92x224xi32, #tpu.memory_space<hbm>> -> memref<92x224xi32, #tpu.memory_space<hbm>>
      %dma_start3A_224 = arith.constant 46 : i32
      %dma_start3A_225 = arith.constant 0 : i32
      %dma_start3A_226 = tpu.memref_slice %dma_start3A_223[%dma_start3A_224, %dma_start3A_225] : memref<92x224xi32, #tpu.memory_space<hbm>> -> memref<46x224xi32, #tpu.memory_space<hbm>>
      %dma_start3A_227 = arith.constant 0 : i32
      %dma_start3A_228 = arith.constant 0 : i32
      %dma_start3A_229 = tpu.memref_slice %arg3[%arg1, %dma_start3A_227, %dma_start3A_228] : memref<16x92x224xi32, #tpu.memory_space<hbm>> -> memref<1x92x224xi32, #tpu.memory_space<hbm>>
      %dma_start3A_230 = tpu.memref_squeeze %dma_start3A_229 : memref<1x92x224xi32, #tpu.memory_space<hbm>> -> memref<92x224xi32, #tpu.memory_space<hbm>>
      %dma_start3A_231 = arith.constant 46 : i32
      %dma_start3A_232 = arith.constant 0 : i32
      %dma_start3A_233 = tpu.memref_slice %dma_start3A_230[%dma_start3A_231, %dma_start3A_232] : memref<92x224xi32, #tpu.memory_space<hbm>> -> memref<46x224xi32, #tpu.memory_space<hbm>>
      tpu.enqueue_dma source(%dma_start3A_233 : memref<46x224xi32, #tpu.memory_space<hbm>>) target(%arg6 : memref<46x224xi32, #tpu.memory_space<vmem>>) target_semaphore(%run_scoped3A : memref<!tpu.dma_semaphore, #tpu.memory_space<semaphore_mem>>)
      %dma_wait3A_234 = arith.constant 0 : i32
      %dma_wait3A_235 = arith.constant 0 : i32
      %dma_wait3A_236 = tpu.memref_slice %arg3[%arg1, %dma_wait3A_234, %dma_wait3A_235] : memref<16x92x224xi32, #tpu.memory_space<hbm>> -> memref<1x92x224xi32, #tpu.memory_space<hbm>>
      %dma_wait3A_237 = tpu.memref_squeeze %dma_wait3A_236 : memref<1x92x224xi32, #tpu.memory_space<hbm>> -> memref<92x224xi32, #tpu.memory_space<hbm>>
      %dma_wait3A_238 = arith.constant 46 : i32
      %dma_wait3A_239 = arith.constant 0 : i32
      %dma_wait3A_240 = tpu.memref_slice %dma_wait3A_237[%dma_wait3A_238, %dma_wait3A_239] : memref<92x224xi32, #tpu.memory_space<hbm>> -> memref<46x224xi32, #tpu.memory_space<hbm>>
      %dma_wait3A_241 = arith.constant 0 : i32
      %dma_wait3A_242 = arith.constant 0 : i32
      %dma_wait3A_243 = tpu.memref_slice %arg3[%arg1, %dma_wait3A_241, %dma_wait3A_242] : memref<16x92x224xi32, #tpu.memory_space<hbm>> -> memref<1x92x224xi32, #tpu.memory_space<hbm>>
      %dma_wait3A_244 = tpu.memref_squeeze %dma_wait3A_243 : memref<1x92x224xi32, #tpu.memory_space<hbm>> -> memref<92x224xi32, #tpu.memory_space<hbm>>
      %dma_wait3A_245 = arith.constant 46 : i32
      %dma_wait3A_246 = arith.constant 0 : i32
      %dma_wait3A_247 = tpu.memref_slice %dma_wait3A_244[%dma_wait3A_245, %dma_wait3A_246] : memref<92x224xi32, #tpu.memory_space<hbm>> -> memref<46x224xi32, #tpu.memory_space<hbm>>
      tpu.wait_dma2 semaphore(%run_scoped3A : memref<!tpu.dma_semaphore, #tpu.memory_space<semaphore_mem>>) src(%dma_wait3A_247 : memref<46x224xi32, #tpu.memory_space<hbm>>) dst(%arg6 : memref<46x224xi32, #tpu.memory_space<vmem>>)
      tpu.yield
    }) : () -> ()
    "tpu.region"() ({
      %run_scoped3A = tpu.sem_alloc : memref<!tpu.dma_semaphore, #tpu.memory_space<semaphore_mem>>
      %dma_start3A_220 = arith.constant 0 : i32
      %dma_start3A_221 = arith.constant 0 : i32
      %dma_start3A_222 = tpu.memref_slice %arg4[%arg1, %dma_start3A_220, %dma_start3A_221] : memref<16x92x224xi32, #tpu.memory_space<hbm>> -> memref<1x92x224xi32, #tpu.memory_space<hbm>>
      %dma_start3A_223 = tpu.memref_squeeze %dma_start3A_222 : memref<1x92x224xi32, #tpu.memory_space<hbm>> -> memref<92x224xi32, #tpu.memory_space<hbm>>
      %dma_start3A_224 = arith.constant 46 : i32
      %dma_start3A_225 = arith.constant 0 : i32
      %dma_start3A_226 = tpu.memref_slice %dma_start3A_223[%dma_start3A_224, %dma_start3A_225] : memref<92x224xi32, #tpu.memory_space<hbm>> -> memref<46x224xi32, #tpu.memory_space<hbm>>
      %dma_start3A_227 = arith.constant 0 : i32
      %dma_start3A_228 = arith.constant 0 : i32
      %dma_start3A_229 = tpu.memref_slice %arg4[%arg1, %dma_start3A_227, %dma_start3A_228] : memref<16x92x224xi32, #tpu.memory_space<hbm>> -> memref<1x92x224xi32, #tpu.memory_space<hbm>>
      %dma_start3A_230 = tpu.memref_squeeze %dma_start3A_229 : memref<1x92x224xi32, #tpu.memory_space<hbm>> -> memref<92x224xi32, #tpu.memory_space<hbm>>
      %dma_start3A_231 = arith.constant 46 : i32
      %dma_start3A_232 = arith.constant 0 : i32
      %dma_start3A_233 = tpu.memref_slice %dma_start3A_230[%dma_start3A_231, %dma_start3A_232] : memref<92x224xi32, #tpu.memory_space<hbm>> -> memref<46x224xi32, #tpu.memory_space<hbm>>
      tpu.enqueue_dma source(%dma_start3A_233 : memref<46x224xi32, #tpu.memory_space<hbm>>) target(%arg7 : memref<46x224xi32, #tpu.memory_space<vmem>>) target_semaphore(%run_scoped3A : memref<!tpu.dma_semaphore, #tpu.memory_space<semaphore_mem>>)
      %dma_wait3A_234 = arith.constant 0 : i32
      %dma_wait3A_235 = arith.constant 0 : i32
      %dma_wait3A_236 = tpu.memref_slice %arg4[%arg1, %dma_wait3A_234, %dma_wait3A_235] : memref<16x92x224xi32, #tpu.memory_space<hbm>> -> memref<1x92x224xi32, #tpu.memory_space<hbm>>
      %dma_wait3A_237 = tpu.memref_squeeze %dma_wait3A_236 : memref<1x92x224xi32, #tpu.memory_space<hbm>> -> memref<92x224xi32, #tpu.memory_space<hbm>>
      %dma_wait3A_238 = arith.constant 46 : i32
      %dma_wait3A_239 = arith.constant 0 : i32
      %dma_wait3A_240 = tpu.memref_slice %dma_wait3A_237[%dma_wait3A_238, %dma_wait3A_239] : memref<92x224xi32, #tpu.memory_space<hbm>> -> memref<46x224xi32, #tpu.memory_space<hbm>>
      %dma_wait3A_241 = arith.constant 0 : i32
      %dma_wait3A_242 = arith.constant 0 : i32
      %dma_wait3A_243 = tpu.memref_slice %arg4[%arg1, %dma_wait3A_241, %dma_wait3A_242] : memref<16x92x224xi32, #tpu.memory_space<hbm>> -> memref<1x92x224xi32, #tpu.memory_space<hbm>>
      %dma_wait3A_244 = tpu.memref_squeeze %dma_wait3A_243 : memref<1x92x224xi32, #tpu.memory_space<hbm>> -> memref<92x224xi32, #tpu.memory_space<hbm>>
      %dma_wait3A_245 = arith.constant 46 : i32
      %dma_wait3A_246 = arith.constant 0 : i32
      %dma_wait3A_247 = tpu.memref_slice %dma_wait3A_244[%dma_wait3A_245, %dma_wait3A_246] : memref<92x224xi32, #tpu.memory_space<hbm>> -> memref<46x224xi32, #tpu.memory_space<hbm>>
      tpu.wait_dma2 semaphore(%run_scoped3A : memref<!tpu.dma_semaphore, #tpu.memory_space<semaphore_mem>>) src(%dma_wait3A_247 : memref<46x224xi32, #tpu.memory_space<hbm>>) dst(%arg7 : memref<46x224xi32, #tpu.memory_space<vmem>>)
      tpu.yield
    }) : () -> ()
    %dma_start3A_183 = arith.constant 0 : i32
    %dma_start3A_184 = arith.constant 0 : i32
    %dma_start3A_185 = tpu.memref_slice %arg6[%dma_start3A_183, %dma_start3A_184] : memref<46x224xi32, #tpu.memory_space<vmem>> -> memref<1x224xi32, #tpu.memory_space<vmem>>
    %dma_start3A_186 = tpu.memref_squeeze %dma_start3A_185 : memref<1x224xi32, #tpu.memory_space<vmem>> -> memref<224xi32, #tpu.memory_space<vmem>>
    %dma_start3A_187 = arith.constant 0 : i32
    %dma_start3A_188 = arith.constant 0 : i32
    %dma_start3A_189 = tpu.memref_slice %arg11[%dma_start3A_187, %dma_start3A_188] : memref<10000x64xf32, #tpu.memory_space<vmem_shared>> -> memref<10000x64xf32, #tpu.memory_space<vmem_shared>>
    tpu.enqueue_indirect_dma source(%dma_start3A_189 : memref<10000x64xf32, #tpu.memory_space<vmem_shared>>) target(%arg8 : memref<224x64xf32, #tpu.memory_space<vmem>>) offsets(%dma_start3A_186 : memref<224xi32, #tpu.memory_space<vmem>>) semaphore(%arg12 : memref<!tpu.dma_semaphore, #tpu.memory_space<semaphore_mem>>)
    %scan3A_190 = arith.constant 0 : i32
    %scan3A_191 = arith.constant 23 : i32
    %scan3A_192 = arith.addi %scan3A_190, %scan3A_191 : i32
    %scan3A_193 = arith.constant 1 : i32
    scf.for %scan3A_220 = %scan3A_190 to %scan3A_192 step %scan3A_193  : i32 {
      %mul3A_221 = arith.constant 1 : i32
      %mul3A_222 = arith.muli %scan3A_220, %mul3A_221 : i32
      %add3A_223 = arith.constant 0 : i32
      %add3A_224 = arith.addi %add3A_223, %mul3A_222 : i32
      %mul3A_225 = arith.constant 2 : i32
      %mul3A_226 = arith.muli %mul3A_225, %add3A_224 : i32
      %dma_wait3A_227 = arith.constant 0 : i32
      %dma_wait3A_228 = tpu.memref_slice %arg6[%mul3A_226, %dma_wait3A_227] : memref<46x224xi32, #tpu.memory_space<vmem>> -> memref<1x224xi32, #tpu.memory_space<vmem>>
      %dma_wait3A_229 = tpu.memref_squeeze %dma_wait3A_228 : memref<1x224xi32, #tpu.memory_space<vmem>> -> memref<224xi32, #tpu.memory_space<vmem>>
      %dma_wait3A_230 = arith.constant 0 : i32
      %dma_wait3A_231 = arith.constant 0 : i32
      %dma_wait3A_232 = tpu.memref_slice %arg11[%dma_wait3A_230, %dma_wait3A_231] : memref<10000x64xf32, #tpu.memory_space<vmem_shared>> -> memref<10000x64xf32, #tpu.memory_space<vmem_shared>>
      tpu.wait_indirect_dma semaphore(%arg12 : memref<!tpu.dma_semaphore, #tpu.memory_space<semaphore_mem>>) src(%dma_wait3A_232 : memref<10000x64xf32, #tpu.memory_space<vmem_shared>>) dst(%arg8 : memref<224x64xf32, #tpu.memory_space<vmem>>)
      %dma_start3A_233 = arith.constant 0 : i32
      %dma_start3A_234 = tpu.memref_slice %arg7[%mul3A_226, %dma_start3A_233] : memref<46x224xi32, #tpu.memory_space<vmem>> -> memref<1x224xi32, #tpu.memory_space<vmem>>
      %dma_start3A_235 = tpu.memref_squeeze %dma_start3A_234 : memref<1x224xi32, #tpu.memory_space<vmem>> -> memref<224xi32, #tpu.memory_space<vmem>>
      %dma_start3A_236 = arith.constant 0 : i32
      %dma_start3A_237 = arith.constant 0 : i32
      %dma_start3A_238 = tpu.memref_slice %arg10[%dma_start3A_236, %dma_start3A_237] : memref<10016x64xf32, #tpu.memory_space<vmem_shared>> -> memref<10016x64xf32, #tpu.memory_space<vmem_shared>>
      tpu.enqueue_indirect_dma source(%arg8 : memref<224x64xf32, #tpu.memory_space<vmem>>) target(%dma_start3A_238 : memref<10016x64xf32, #tpu.memory_space<vmem_shared>>) offsets(%dma_start3A_235 : memref<224xi32, #tpu.memory_space<vmem>>) semaphore(%arg14 : memref<!tpu.dma_semaphore, #tpu.memory_space<semaphore_mem>>) {add = true}
      %gt3A = arith.constant 0 : i32
      %gt3A_239 = arith.cmpi sgt, %add3A_224, %gt3A : i32
      %convert_element_type3A_240 = arith.extui %gt3A_239 : i1 to i32
      %cond3A_241 = arith.constant 0 : i32
      %cond3A_242 = arith.cmpi ne, %convert_element_type3A_240, %cond3A_241 : i32
      scf.if %cond3A_242 {
        %sub3A = arith.constant 1 : i32
        %sub3A_272 = arith.subi %mul3A_226, %sub3A : i32
        %dma_wait3A_273 = arith.constant 0 : i32
        %dma_wait3A_274 = tpu.memref_slice %arg7[%sub3A_272, %dma_wait3A_273] : memref<46x224xi32, #tpu.memory_space<vmem>> -> memref<1x224xi32, #tpu.memory_space<vmem>>
        %dma_wait3A_275 = tpu.memref_squeeze %dma_wait3A_274 : memref<1x224xi32, #tpu.memory_space<vmem>> -> memref<224xi32, #tpu.memory_space<vmem>>
        %dma_wait3A_276 = arith.constant 0 : i32
        %dma_wait3A_277 = arith.constant 0 : i32
        %dma_wait3A_278 = tpu.memref_slice %arg10[%dma_wait3A_276, %dma_wait3A_277] : memref<10016x64xf32, #tpu.memory_space<vmem_shared>> -> memref<10016x64xf32, #tpu.memory_space<vmem_shared>>
        tpu.wait_indirect_dma semaphore(%arg15 : memref<!tpu.dma_semaphore, #tpu.memory_space<semaphore_mem>>) src(%arg9 : memref<224x64xf32, #tpu.memory_space<vmem>>) dst(%dma_wait3A_278 : memref<10016x64xf32, #tpu.memory_space<vmem_shared>>)
      } else {
      }
      %add3A_243 = arith.constant 1 : i32
      %add3A_244 = arith.addi %mul3A_226, %add3A_243 : i32
      %dma_start3A_245 = arith.constant 0 : i32
      %dma_start3A_246 = tpu.memref_slice %arg6[%add3A_244, %dma_start3A_245] : memref<46x224xi32, #tpu.memory_space<vmem>> -> memref<1x224xi32, #tpu.memory_space<vmem>>
      %dma_start3A_247 = tpu.memref_squeeze %dma_start3A_246 : memref<1x224xi32, #tpu.memory_space<vmem>> -> memref<224xi32, #tpu.memory_space<vmem>>
      %dma_start3A_248 = arith.constant 0 : i32
      %dma_start3A_249 = arith.constant 0 : i32
      %dma_start3A_250 = tpu.memref_slice %arg11[%dma_start3A_248, %dma_start3A_249] : memref<10000x64xf32, #tpu.memory_space<vmem_shared>> -> memref<10000x64xf32, #tpu.memory_space<vmem_shared>>
      tpu.enqueue_indirect_dma source(%dma_start3A_250 : memref<10000x64xf32, #tpu.memory_space<vmem_shared>>) target(%arg9 : memref<224x64xf32, #tpu.memory_space<vmem>>) offsets(%dma_start3A_247 : memref<224xi32, #tpu.memory_space<vmem>>) semaphore(%arg13 : memref<!tpu.dma_semaphore, #tpu.memory_space<semaphore_mem>>)
      %add3A_251 = arith.constant 1 : i32
      %add3A_252 = arith.addi %mul3A_226, %add3A_251 : i32
      %dma_wait3A_253 = arith.constant 0 : i32
      %dma_wait3A_254 = tpu.memref_slice %arg6[%add3A_252, %dma_wait3A_253] : memref<46x224xi32, #tpu.memory_space<vmem>> -> memref<1x224xi32, #tpu.memory_space<vmem>>
      %dma_wait3A_255 = tpu.memref_squeeze %dma_wait3A_254 : memref<1x224xi32, #tpu.memory_space<vmem>> -> memref<224xi32, #tpu.memory_space<vmem>>
      %dma_wait3A_256 = arith.constant 0 : i32
      %dma_wait3A_257 = arith.constant 0 : i32
      %dma_wait3A_258 = tpu.memref_slice %arg11[%dma_wait3A_256, %dma_wait3A_257] : memref<10000x64xf32, #tpu.memory_space<vmem_shared>> -> memref<10000x64xf32, #tpu.memory_space<vmem_shared>>
      tpu.wait_indirect_dma semaphore(%arg13 : memref<!tpu.dma_semaphore, #tpu.memory_space<semaphore_mem>>) src(%dma_wait3A_258 : memref<10000x64xf32, #tpu.memory_space<vmem_shared>>) dst(%arg9 : memref<224x64xf32, #tpu.memory_space<vmem>>)
      %add3A_259 = arith.constant 1 : i32
      %add3A_260 = arith.addi %mul3A_226, %add3A_259 : i32
      %dma_start3A_261 = arith.constant 0 : i32
      %dma_start3A_262 = tpu.memref_slice %arg7[%add3A_260, %dma_start3A_261] : memref<46x224xi32, #tpu.memory_space<vmem>> -> memref<1x224xi32, #tpu.memory_space<vmem>>
      %dma_start3A_263 = tpu.memref_squeeze %dma_start3A_262 : memref<1x224xi32, #tpu.memory_space<vmem>> -> memref<224xi32, #tpu.memory_space<vmem>>
      %dma_start3A_264 = arith.constant 0 : i32
      %dma_start3A_265 = arith.constant 0 : i32
      %dma_start3A_266 = tpu.memref_slice %arg10[%dma_start3A_264, %dma_start3A_265] : memref<10016x64xf32, #tpu.memory_space<vmem_shared>> -> memref<10016x64xf32, #tpu.memory_space<vmem_shared>>
      tpu.enqueue_indirect_dma source(%arg9 : memref<224x64xf32, #tpu.memory_space<vmem>>) target(%dma_start3A_266 : memref<10016x64xf32, #tpu.memory_space<vmem_shared>>) offsets(%dma_start3A_263 : memref<224xi32, #tpu.memory_space<vmem>>) semaphore(%arg15 : memref<!tpu.dma_semaphore, #tpu.memory_space<semaphore_mem>>) {add = true}
      %lt3A_267 = arith.constant 22 : i32
      %lt3A_268 = arith.cmpi slt, %add3A_224, %lt3A_267 : i32
      %convert_element_type3A_269 = arith.extui %lt3A_268 : i1 to i32
      %cond3A_270 = arith.constant 0 : i32
      %cond3A_271 = arith.cmpi ne, %convert_element_type3A_269, %cond3A_270 : i32
      scf.if %cond3A_271 {
        %dma_wait3A_272 = arith.constant 0 : i32
        %dma_wait3A_273 = tpu.memref_slice %arg7[%mul3A_226, %dma_wait3A_272] : memref<46x224xi32, #tpu.memory_space<vmem>> -> memref<1x224xi32, #tpu.memory_space<vmem>>
        %dma_wait3A_274 = tpu.memref_squeeze %dma_wait3A_273 : memref<1x224xi32, #tpu.memory_space<vmem>> -> memref<224xi32, #tpu.memory_space<vmem>>
        %dma_wait3A_275 = arith.constant 0 : i32
        %dma_wait3A_276 = arith.constant 0 : i32
        %dma_wait3A_277 = tpu.memref_slice %arg10[%dma_wait3A_275, %dma_wait3A_276] : memref<10016x64xf32, #tpu.memory_space<vmem_shared>> -> memref<10016x64xf32, #tpu.memory_space<vmem_shared>>
        tpu.wait_indirect_dma semaphore(%arg14 : memref<!tpu.dma_semaphore, #tpu.memory_space<semaphore_mem>>) src(%arg8 : memref<224x64xf32, #tpu.memory_space<vmem>>) dst(%dma_wait3A_277 : memref<10016x64xf32, #tpu.memory_space<vmem_shared>>)
        %add3A_278 = arith.constant 2 : i32
        %add3A_279 = arith.addi %mul3A_226, %add3A_278 : i32
        %dma_start3A_280 = arith.constant 0 : i32
        %dma_start3A_281 = tpu.memref_slice %arg6[%add3A_279, %dma_start3A_280] : memref<46x224xi32, #tpu.memory_space<vmem>> -> memref<1x224xi32, #tpu.memory_space<vmem>>
        %dma_start3A_282 = tpu.memref_squeeze %dma_start3A_281 : memref<1x224xi32, #tpu.memory_space<vmem>> -> memref<224xi32, #tpu.memory_space<vmem>>
        %dma_start3A_283 = arith.constant 0 : i32
        %dma_start3A_284 = arith.constant 0 : i32
        %dma_start3A_285 = tpu.memref_slice %arg11[%dma_start3A_283, %dma_start3A_284] : memref<10000x64xf32, #tpu.memory_space<vmem_shared>> -> memref<10000x64xf32, #tpu.memory_space<vmem_shared>>
        tpu.enqueue_indirect_dma source(%dma_start3A_285 : memref<10000x64xf32, #tpu.memory_space<vmem_shared>>) target(%arg8 : memref<224x64xf32, #tpu.memory_space<vmem>>) offsets(%dma_start3A_282 : memref<224xi32, #tpu.memory_space<vmem>>) semaphore(%arg12 : memref<!tpu.dma_semaphore, #tpu.memory_space<semaphore_mem>>)
      } else {
      }
    }
    %scan3A_194 = arith.constant 23 : i32
    %dma_wait3A_195 = arith.constant 44 : i32
    %dma_wait3A_196 = arith.constant 0 : i32
    %dma_wait3A_197 = tpu.memref_slice %arg7[%dma_wait3A_195, %dma_wait3A_196] : memref<46x224xi32, #tpu.memory_space<vmem>> -> memref<1x224xi32, #tpu.memory_space<vmem>>
    %dma_wait3A_198 = tpu.memref_squeeze %dma_wait3A_197 : memref<1x224xi32, #tpu.memory_space<vmem>> -> memref<224xi32, #tpu.memory_space<vmem>>
    %dma_wait3A_199 = arith.constant 0 : i32
    %dma_wait3A_200 = arith.constant 0 : i32
    %dma_wait3A_201 = tpu.memref_slice %arg10[%dma_wait3A_199, %dma_wait3A_200] : memref<10016x64xf32, #tpu.memory_space<vmem_shared>> -> memref<10016x64xf32, #tpu.memory_space<vmem_shared>>
    tpu.wait_indirect_dma semaphore(%arg14 : memref<!tpu.dma_semaphore, #tpu.memory_space<semaphore_mem>>) src(%arg8 : memref<224x64xf32, #tpu.memory_space<vmem>>) dst(%dma_wait3A_201 : memref<10016x64xf32, #tpu.memory_space<vmem_shared>>)
    %dma_wait3A_202 = arith.constant 45 : i32
    %dma_wait3A_203 = arith.constant 0 : i32
    %dma_wait3A_204 = tpu.memref_slice %arg7[%dma_wait3A_202, %dma_wait3A_203] : memref<46x224xi32, #tpu.memory_space<vmem>> -> memref<1x224xi32, #tpu.memory_space<vmem>>
    %dma_wait3A_205 = tpu.memref_squeeze %dma_wait3A_204 : memref<1x224xi32, #tpu.memory_space<vmem>> -> memref<224xi32, #tpu.memory_space<vmem>>
    %dma_wait3A_206 = arith.constant 0 : i32
    %dma_wait3A_207 = arith.constant 0 : i32
    %dma_wait3A_208 = tpu.memref_slice %arg10[%dma_wait3A_206, %dma_wait3A_207] : memref<10016x64xf32, #tpu.memory_space<vmem_shared>> -> memref<10016x64xf32, #tpu.memory_space<vmem_shared>>
    tpu.wait_indirect_dma semaphore(%arg15 : memref<!tpu.dma_semaphore, #tpu.memory_space<semaphore_mem>>) src(%arg9 : memref<224x64xf32, #tpu.memory_space<vmem>>) dst(%dma_wait3A_208 : memref<10016x64xf32, #tpu.memory_space<vmem_shared>>)
    %barrier3A_209 = arith.constant 0 : index
    tpu.barrier barrier_id(%barrier3A_209)
    %lt3A_210 = arith.constant 15 : i32
    %lt3A_211 = arith.cmpi slt, %arg1, %lt3A_210 : i32
    %convert_element_type3A_212 = arith.extui %lt3A_211 : i1 to i32
    %cond3A_213 = arith.constant 0 : i32
    %cond3A_214 = arith.cmpi ne, %convert_element_type3A_212, %cond3A_213 : i32
    scf.if %cond3A_214 {
      %mul3A_220 = arith.constant 624 : i32
      %mul3A_221 = arith.muli %arg1, %mul3A_220 : i32
      %mul3A_222 = arith.constant 624 : i32
      %mul3A_223 = arith.muli %arg1, %mul3A_222 : i32
      "tpu.region"() ({
        %run_scoped3A = tpu.sem_alloc : memref<!tpu.dma_semaphore, #tpu.memory_space<semaphore_mem>>
        %dma_start3A_224 = arith.constant 0 : i32
        %dma_start3A_225 = arith.constant 0 : i32
        %dma_start3A_226 = tpu.memref_slice %arg5[%arg0, %dma_start3A_224, %dma_start3A_225] : memref<2x10000x64xf32, #tpu.memory_space<hbm>> -> memref<1x10000x64xf32, #tpu.memory_space<hbm>>
        %dma_start3A_227 = tpu.memref_squeeze %dma_start3A_226 : memref<1x10000x64xf32, #tpu.memory_space<hbm>> -> memref<10000x64xf32, #tpu.memory_space<hbm>>
        %dma_start3A_228 = arith.constant 0 : i32
        %dma_start3A_229 = tpu.memref_slice %dma_start3A_227[%mul3A_223, %dma_start3A_228] : memref<10000x64xf32, #tpu.memory_space<hbm>> -> memref<624x64xf32, #tpu.memory_space<hbm>>
        %dma_start3A_230 = arith.constant 0 : i32
        %dma_start3A_231 = tpu.memref_slice %arg10[%mul3A_221, %dma_start3A_230] : memref<10016x64xf32, #tpu.memory_space<vmem_shared>> -> memref<624x64xf32, #tpu.memory_space<vmem_shared>>
        tpu.enqueue_dma source(%dma_start3A_231 : memref<624x64xf32, #tpu.memory_space<vmem_shared>>) target(%dma_start3A_229 : memref<624x64xf32, #tpu.memory_space<hbm>>) target_semaphore(%run_scoped3A : memref<!tpu.dma_semaphore, #tpu.memory_space<semaphore_mem>>)
        %dma_wait3A_232 = arith.constant 0 : i32
        %dma_wait3A_233 = arith.constant 0 : i32
        %dma_wait3A_234 = tpu.memref_slice %arg5[%arg0, %dma_wait3A_232, %dma_wait3A_233] : memref<2x10000x64xf32, #tpu.memory_space<hbm>> -> memref<1x10000x64xf32, #tpu.memory_space<hbm>>
        %dma_wait3A_235 = tpu.memref_squeeze %dma_wait3A_234 : memref<1x10000x64xf32, #tpu.memory_space<hbm>> -> memref<10000x64xf32, #tpu.memory_space<hbm>>
        %dma_wait3A_236 = arith.constant 0 : i32
        %dma_wait3A_237 = tpu.memref_slice %dma_wait3A_235[%mul3A_223, %dma_wait3A_236] : memref<10000x64xf32, #tpu.memory_space<hbm>> -> memref<624x64xf32, #tpu.memory_space<hbm>>
        %dma_wait3A_238 = arith.constant 0 : i32
        %dma_wait3A_239 = tpu.memref_slice %arg10[%mul3A_221, %dma_wait3A_238] : memref<10016x64xf32, #tpu.memory_space<vmem_shared>> -> memref<624x64xf32, #tpu.memory_space<vmem_shared>>
        tpu.wait_dma2 semaphore(%run_scoped3A : memref<!tpu.dma_semaphore, #tpu.memory_space<semaphore_mem>>) src(%dma_wait3A_239 : memref<624x64xf32, #tpu.memory_space<vmem_shared>>) dst(%dma_wait3A_237 : memref<624x64xf32, #tpu.memory_space<hbm>>)
        tpu.yield
      }) : () -> ()
    } else {
    }
    %eq3A_215 = arith.constant 15 : i32
    %eq3A_216 = arith.cmpi eq, %arg1, %eq3A_215 : i32
    %convert_element_type3A_217 = arith.extui %eq3A_216 : i1 to i32
    %cond3A_218 = arith.constant 0 : i32
    %cond3A_219 = arith.cmpi ne, %convert_element_type3A_217, %cond3A_218 : i32
    scf.if %cond3A_219 {
      "tpu.region"() ({
        %run_scoped3A = tpu.sem_alloc : memref<!tpu.dma_semaphore, #tpu.memory_space<semaphore_mem>>
        %dma_start3A_220 = arith.constant 0 : i32
        %dma_start3A_221 = arith.constant 0 : i32
        %dma_start3A_222 = tpu.memref_slice %arg5[%arg0, %dma_start3A_220, %dma_start3A_221] : memref<2x10000x64xf32, #tpu.memory_space<hbm>> -> memref<1x10000x64xf32, #tpu.memory_space<hbm>>
        %dma_start3A_223 = tpu.memref_squeeze %dma_start3A_222 : memref<1x10000x64xf32, #tpu.memory_space<hbm>> -> memref<10000x64xf32, #tpu.memory_space<hbm>>
        %dma_start3A_224 = arith.constant 9360 : i32
        %dma_start3A_225 = arith.constant 0 : i32
        %dma_start3A_226 = tpu.memref_slice %dma_start3A_223[%dma_start3A_224, %dma_start3A_225] : memref<10000x64xf32, #tpu.memory_space<hbm>> -> memref<640x64xf32, #tpu.memory_space<hbm>>
        %dma_start3A_227 = arith.constant 9360 : i32
        %dma_start3A_228 = arith.constant 0 : i32
        %dma_start3A_229 = tpu.memref_slice %arg10[%dma_start3A_227, %dma_start3A_228] : memref<10016x64xf32, #tpu.memory_space<vmem_shared>> -> memref<640x64xf32, #tpu.memory_space<vmem_shared>>
        tpu.enqueue_dma source(%dma_start3A_229 : memref<640x64xf32, #tpu.memory_space<vmem_shared>>) target(%dma_start3A_226 : memref<640x64xf32, #tpu.memory_space<hbm>>) target_semaphore(%run_scoped3A : memref<!tpu.dma_semaphore, #tpu.memory_space<semaphore_mem>>)
        %dma_wait3A_230 = arith.constant 0 : i32
        %dma_wait3A_231 = arith.constant 0 : i32
        %dma_wait3A_232 = tpu.memref_slice %arg5[%arg0, %dma_wait3A_230, %dma_wait3A_231] : memref<2x10000x64xf32, #tpu.memory_space<hbm>> -> memref<1x10000x64xf32, #tpu.memory_space<hbm>>
        %dma_wait3A_233 = tpu.memref_squeeze %dma_wait3A_232 : memref<1x10000x64xf32, #tpu.memory_space<hbm>> -> memref<10000x64xf32, #tpu.memory_space<hbm>>
        %dma_wait3A_234 = arith.constant 9360 : i32
        %dma_wait3A_235 = arith.constant 0 : i32
        %dma_wait3A_236 = tpu.memref_slice %dma_wait3A_233[%dma_wait3A_234, %dma_wait3A_235] : memref<10000x64xf32, #tpu.memory_space<hbm>> -> memref<640x64xf32, #tpu.memory_space<hbm>>
        %dma_wait3A_237 = arith.constant 9360 : i32
        %dma_wait3A_238 = arith.constant 0 : i32
        %dma_wait3A_239 = tpu.memref_slice %arg10[%dma_wait3A_237, %dma_wait3A_238] : memref<10016x64xf32, #tpu.memory_space<vmem_shared>> -> memref<640x64xf32, #tpu.memory_space<vmem_shared>>
        tpu.wait_dma2 semaphore(%run_scoped3A : memref<!tpu.dma_semaphore, #tpu.memory_space<semaphore_mem>>) src(%dma_wait3A_239 : memref<640x64xf32, #tpu.memory_space<vmem_shared>>) dst(%dma_wait3A_236 : memref<640x64xf32, #tpu.memory_space<hbm>>)
        tpu.yield
      }) : () -> ()
    } else {
    }
    return
  }
}

#map = affine_map<(d0, d1) -> (0, 0, 0)>
module attributes {stable_mosaic.version = 14 : i64} {
  func.func @spmm(%arg0: i32, %arg1: i32, %arg2: memref<2x10000x64xf32, #tpu.memory_space<hbm>>, %arg3: memref<16x92x224xi32, #tpu.memory_space<hbm>>, %arg4: memref<16x92x224xi32, #tpu.memory_space<hbm>>, %arg5: memref<2x10000x64xf32, #tpu.memory_space<hbm>>, %arg6: memref<46x224xi32, #tpu.memory_space<vmem>>, %arg7: memref<46x224xi32, #tpu.memory_space<vmem>>, %arg8: memref<224x64xf32, #tpu.memory_space<vmem>>, %arg9: memref<224x64xf32, #tpu.memory_space<vmem>>, %arg10: memref<10016x64xf32, #tpu.memory_space<vmem_shared>>, %arg11: memref<10000x64xf32, #tpu.memory_space<vmem_shared>>, %arg12: memref<!tpu.dma_semaphore, #tpu.memory_space<semaphore_mem>>, %arg13: memref<!tpu.dma_semaphore, #tpu.memory_space<semaphore_mem>>, %arg14: memref<!tpu.dma_semaphore, #tpu.memory_space<semaphore_mem>>, %arg15: memref<!tpu.dma_semaphore, #tpu.memory_space<semaphore_mem>>) attributes {dimension_semantics = [#tpu.dimension_semantics<core_parallel>, #tpu.dimension_semantics<subcore_parallel>], iteration_bounds = array<i64: 2, 16>, scalar_prefetch = 0 : i64, scratch_operands = 10 : i64, tpu.core_type = #tpu.core_type<sc_vector_subcore>, window_params = [{transform_indices = #map}, {transform_indices = #map}, {transform_indices = #map}, {transform_indices = #map}]} {
    %broadcast_in_dim3A = arith.constant 0.000000e+00 : f32
    %broadcast_in_dim3A_0 = vector.broadcast %broadcast_in_dim3A : f32 to vector<16xf32>
    %scan3A = arith.constant 0 : i32
    %scan3A_1 = arith.constant 224 : i32
    %scan3A_2 = arith.addi %scan3A, %scan3A_1 : i32
    %scan3A_3 = arith.constant 1 : i32
    scf.for %scan3A_220 = %scan3A to %scan3A_2 step %scan3A_3  : i32 {
      %mul3A_221 = arith.constant 1 : i32
      %mul3A_222 = arith.muli %scan3A_220, %mul3A_221 : i32
      %add3A_223 = arith.constant 0 : i32
      %add3A_224 = arith.addi %add3A_223, %mul3A_222 : i32
      %swap3A = arith.index_cast %add3A_224 : i32 to index
      %swap3A_225 = arith.constant 0 : index
      %swap3A_226 = tpu.vector_load %arg8[%swap3A, %swap3A_225] {strides = array<i32>} : memref<224x64xf32, #tpu.memory_space<vmem>>, vector<1x16xf32>,
      %swap3A_227 = vector.shape_cast %swap3A_226 : vector<1x16xf32> to vector<16xf32>
      %swap3A_228 = vector.shape_cast %broadcast_in_dim3A_0 : vector<16xf32> to vector<1x16xf32>
      tpu.vector_store %arg8[%swap3A, %swap3A_225], %swap3A_228 {strides = array<i32>} : memref<224x64xf32, #tpu.memory_space<vmem>>, vector<1x16xf32>,
      %swap3A_229 = arith.index_cast %add3A_224 : i32 to index
      %swap3A_230 = arith.constant 16 : index
      %swap3A_231 = tpu.vector_load %arg8[%swap3A_229, %swap3A_230] {strides = array<i32>} : memref<224x64xf32, #tpu.memory_space<vmem>>, vector<1x16xf32>,
      %swap3A_232 = vector.shape_cast %swap3A_231 : vector<1x16xf32> to vector<16xf32>
      %swap3A_233 = vector.shape_cast %broadcast_in_dim3A_0 : vector<16xf32> to vector<1x16xf32>
      tpu.vector_store %arg8[%swap3A_229, %swap3A_230], %swap3A_233 {strides = array<i32>} : memref<224x64xf32, #tpu.memory_space<vmem>>, vector<1x16xf32>,
      %swap3A_234 = arith.index_cast %add3A_224 : i32 to index
      %swap3A_235 = arith.constant 32 : index
      %swap3A_236 = tpu.vector_load %arg8[%swap3A_234, %swap3A_235] {strides = array<i32>} : memref<224x64xf32, #tpu.memory_space<vmem>>, vector<1x16xf32>,
      %swap3A_237 = vector.shape_cast %swap3A_236 : vector<1x16xf32> to vector<16xf32>
      %swap3A_238 = vector.shape_cast %broadcast_in_dim3A_0 : vector<16xf32> to vector<1x16xf32>
      tpu.vector_store %arg8[%swap3A_234, %swap3A_235], %swap3A_238 {strides = array<i32>} : memref<224x64xf32, #tpu.memory_space<vmem>>, vector<1x16xf32>,
      %swap3A_239 = arith.index_cast %add3A_224 : i32 to index
      %swap3A_240 = arith.constant 48 : index
      %swap3A_241 = tpu.vector_load %arg8[%swap3A_239, %swap3A_240] {strides = array<i32>} : memref<224x64xf32, #tpu.memory_space<vmem>>, vector<1x16xf32>,
      %swap3A_242 = vector.shape_cast %swap3A_241 : vector<1x16xf32> to vector<16xf32>
      %swap3A_243 = vector.shape_cast %broadcast_in_dim3A_0 : vector<16xf32> to vector<1x16xf32>
      tpu.vector_store %arg8[%swap3A_239, %swap3A_240], %swap3A_243 {strides = array<i32>} : memref<224x64xf32, #tpu.memory_space<vmem>>, vector<1x16xf32>,
    }
    %scan3A_4 = arith.constant 224 : i32
    %mul3A = arith.constant 626 : i32
    %mul3A_5 = arith.muli %arg1, %mul3A : i32
    %add3A = arith.constant 0 : i32
    %add3A_6 = arith.addi %mul3A_5, %add3A : i32
    %dma_start3A = arith.constant 0 : i32
    %dma_start3A_7 = arith.constant 0 : i32
    %dma_start3A_8 = tpu.memref_slice %arg8[%dma_start3A, %dma_start3A_7] : memref<224x64xf32, #tpu.memory_space<vmem>> -> memref<224x64xf32, #tpu.memory_space<vmem>>
    %dma_start3A_9 = arith.constant 0 : i32
    %dma_start3A_10 = tpu.memref_slice %arg10[%add3A_6, %dma_start3A_9] : memref<10016x64xf32, #tpu.memory_space<vmem_shared>> -> memref<224x64xf32, #tpu.memory_space<vmem_shared>>
    %dma_start3A_11 = arith.constant 0 : i32
    %dma_start3A_12 = tpu.memref_slice %arg10[%add3A_6, %dma_start3A_11] : memref<10016x64xf32, #tpu.memory_space<vmem_shared>> -> memref<224x64xf32, #tpu.memory_space<vmem_shared>>
    %dma_start3A_13 = arith.constant 0 : i32
    %dma_start3A_14 = arith.constant 0 : i32
    %dma_start3A_15 = tpu.memref_slice %arg8[%dma_start3A_13, %dma_start3A_14] : memref<224x64xf32, #tpu.memory_space<vmem>> -> memref<224x64xf32, #tpu.memory_space<vmem>>
    tpu.enqueue_dma source(%dma_start3A_15 : memref<224x64xf32, #tpu.memory_space<vmem>>) target(%dma_start3A_12 : memref<224x64xf32, #tpu.memory_space<vmem_shared>>) target_semaphore(%arg14 : memref<!tpu.dma_semaphore, #tpu.memory_space<semaphore_mem>>)
    %mul3A_16 = arith.constant 626 : i32
    %mul3A_17 = arith.muli %arg1, %mul3A_16 : i32
    %add3A_18 = arith.constant 224 : i32
    %add3A_19 = arith.addi %mul3A_17, %add3A_18 : i32
    %dma_start3A_20 = arith.constant 0 : i32
    %dma_start3A_21 = arith.constant 0 : i32
    %dma_start3A_22 = tpu.memref_slice %arg8[%dma_start3A_20, %dma_start3A_21] : memref<224x64xf32, #tpu.memory_space<vmem>> -> memref<224x64xf32, #tpu.memory_space<vmem>>
    %dma_start3A_23 = arith.constant 0 : i32
    %dma_start3A_24 = tpu.memref_slice %arg10[%add3A_19, %dma_start3A_23] : memref<10016x64xf32, #tpu.memory_space<vmem_shared>> -> memref<224x64xf32, #tpu.memory_space<vmem_shared>>
    %dma_start3A_25 = arith.constant 0 : i32
    %dma_start3A_26 = tpu.memref_slice %arg10[%add3A_19, %dma_start3A_25] : memref<10016x64xf32, #tpu.memory_space<vmem_shared>> -> memref<224x64xf32, #tpu.memory_space<vmem_shared>>
    %dma_start3A_27 = arith.constant 0 : i32
    %dma_start3A_28 = arith.constant 0 : i32
    %dma_start3A_29 = tpu.memref_slice %arg8[%dma_start3A_27, %dma_start3A_28] : memref<224x64xf32, #tpu.memory_space<vmem>> -> memref<224x64xf32, #tpu.memory_space<vmem>>
    tpu.enqueue_dma source(%dma_start3A_29 : memref<224x64xf32, #tpu.memory_space<vmem>>) target(%dma_start3A_26 : memref<224x64xf32, #tpu.memory_space<vmem_shared>>) target_semaphore(%arg14 : memref<!tpu.dma_semaphore, #tpu.memory_space<semaphore_mem>>)
    %mul3A_30 = arith.constant 626 : i32
    %mul3A_31 = arith.muli %arg1, %mul3A_30 : i32
    %add3A_32 = arith.constant 448 : i32
    %add3A_33 = arith.addi %mul3A_31, %add3A_32 : i32
    %dma_start3A_34 = arith.constant 0 : i32
    %dma_start3A_35 = arith.constant 0 : i32
    %dma_start3A_36 = tpu.memref_slice %arg8[%dma_start3A_34, %dma_start3A_35] : memref<224x64xf32, #tpu.memory_space<vmem>> -> memref<178x64xf32, #tpu.memory_space<vmem>>
    %dma_start3A_37 = arith.constant 0 : i32
    %dma_start3A_38 = tpu.memref_slice %arg10[%add3A_33, %dma_start3A_37] : memref<10016x64xf32, #tpu.memory_space<vmem_shared>> -> memref<178x64xf32, #tpu.memory_space<vmem_shared>>
    %dma_start3A_39 = arith.constant 0 : i32
    %dma_start3A_40 = tpu.memref_slice %arg10[%add3A_33, %dma_start3A_39] : memref<10016x64xf32, #tpu.memory_space<vmem_shared>> -> memref<178x64xf32, #tpu.memory_space<vmem_shared>>
    %dma_start3A_41 = arith.constant 0 : i32
    %dma_start3A_42 = arith.constant 0 : i32
    %dma_start3A_43 = tpu.memref_slice %arg8[%dma_start3A_41, %dma_start3A_42] : memref<224x64xf32, #tpu.memory_space<vmem>> -> memref<178x64xf32, #tpu.memory_space<vmem>>
    tpu.enqueue_dma source(%dma_start3A_43 : memref<178x64xf32, #tpu.memory_space<vmem>>) target(%dma_start3A_40 : memref<178x64xf32, #tpu.memory_space<vmem_shared>>) target_semaphore(%arg14 : memref<!tpu.dma_semaphore, #tpu.memory_space<semaphore_mem>>)
    %lt3A = arith.constant 15 : i32
    %lt3A_44 = arith.cmpi slt, %arg1, %lt3A : i32
    %convert_element_type3A = arith.extui %lt3A_44 : i1 to i32
    %cond3A = arith.constant 0 : i32
    %cond3A_45 = arith.cmpi ne, %convert_element_type3A, %cond3A : i32
    scf.if %cond3A_45 {
      %mul3A_220 = arith.constant 624 : i32
      %mul3A_221 = arith.muli %arg1, %mul3A_220 : i32
      %mul3A_222 = arith.constant 624 : i32
      %mul3A_223 = arith.muli %arg1, %mul3A_222 : i32
      %dma_start3A_224 = arith.constant 0 : i32
      %dma_start3A_225 = tpu.memref_slice %arg11[%mul3A_223, %dma_start3A_224] : memref<10000x64xf32, #tpu.memory_space<vmem_shared>> -> memref<624x64xf32, #tpu.memory_space<vmem_shared>>
      %dma_start3A_226 = arith.constant 0 : i32
      %dma_start3A_227 = arith.constant 0 : i32
      %dma_start3A_228 = tpu.memref_slice %arg2[%arg0, %dma_start3A_226, %dma_start3A_227] : memref<2x10000x64xf32, #tpu.memory_space<hbm>> -> memref<1x10000x64xf32, #tpu.memory_space<hbm>>
      %dma_start3A_229 = tpu.memref_squeeze %dma_start3A_228 : memref<1x10000x64xf32, #tpu.memory_space<hbm>> -> memref<10000x64xf32, #tpu.memory_space<hbm>>
      %dma_start3A_230 = arith.constant 0 : i32
      %dma_start3A_231 = tpu.memref_slice %dma_start3A_229[%mul3A_221, %dma_start3A_230] : memref<10000x64xf32, #tpu.memory_space<hbm>> -> memref<624x64xf32, #tpu.memory_space<hbm>>
      tpu.enqueue_dma source(%dma_start3A_231 : memref<624x64xf32, #tpu.memory_space<hbm>>) target(%dma_start3A_225 : memref<624x64xf32, #tpu.memory_space<vmem_shared>>) target_semaphore(%arg15 : memref<!tpu.dma_semaphore, #tpu.memory_space<semaphore_mem>>)
    } else {
    }
    %eq3A = arith.constant 15 : i32
    %eq3A_46 = arith.cmpi eq, %arg1, %eq3A : i32
    %convert_element_type3A_47 = arith.extui %eq3A_46 : i1 to i32
    %cond3A_48 = arith.constant 0 : i32
    %cond3A_49 = arith.cmpi ne, %convert_element_type3A_47, %cond3A_48 : i32
    scf.if %cond3A_49 {
      %dma_start3A_220 = arith.constant 9360 : i32
      %dma_start3A_221 = arith.constant 0 : i32
      %dma_start3A_222 = tpu.memref_slice %arg11[%dma_start3A_220, %dma_start3A_221] : memref<10000x64xf32, #tpu.memory_space<vmem_shared>> -> memref<640x64xf32, #tpu.memory_space<vmem_shared>>
      %dma_start3A_223 = arith.constant 0 : i32
      %dma_start3A_224 = arith.constant 0 : i32
      %dma_start3A_225 = tpu.memref_slice %arg2[%arg0, %dma_start3A_223, %dma_start3A_224] : memref<2x10000x64xf32, #tpu.memory_space<hbm>> -> memref<1x10000x64xf32, #tpu.memory_space<hbm>>
      %dma_start3A_226 = tpu.memref_squeeze %dma_start3A_225 : memref<1x10000x64xf32, #tpu.memory_space<hbm>> -> memref<10000x64xf32, #tpu.memory_space<hbm>>
      %dma_start3A_227 = arith.constant 9360 : i32
      %dma_start3A_228 = arith.constant 0 : i32
      %dma_start3A_229 = tpu.memref_slice %dma_start3A_226[%dma_start3A_227, %dma_start3A_228] : memref<10000x64xf32, #tpu.memory_space<hbm>> -> memref<640x64xf32, #tpu.memory_space<hbm>>
      tpu.enqueue_dma source(%dma_start3A_229 : memref<640x64xf32, #tpu.memory_space<hbm>>) target(%dma_start3A_222 : memref<640x64xf32, #tpu.memory_space<vmem_shared>>) target_semaphore(%arg15 : memref<!tpu.dma_semaphore, #tpu.memory_space<semaphore_mem>>)
    } else {
    }
    %dma_start3A_50 = arith.constant 0 : i32
    %dma_start3A_51 = arith.constant 0 : i32
    %dma_start3A_52 = tpu.memref_slice %arg3[%arg1, %dma_start3A_50, %dma_start3A_51] : memref<16x92x224xi32, #tpu.memory_space<hbm>> -> memref<1x92x224xi32, #tpu.memory_space<hbm>>
    %dma_start3A_53 = tpu.memref_squeeze %dma_start3A_52 : memref<1x92x224xi32, #tpu.memory_space<hbm>> -> memref<92x224xi32, #tpu.memory_space<hbm>>
    %dma_start3A_54 = arith.constant 0 : i32
    %dma_start3A_55 = arith.constant 0 : i32
    %dma_start3A_56 = tpu.memref_slice %dma_start3A_53[%dma_start3A_54, %dma_start3A_55] : memref<92x224xi32, #tpu.memory_space<hbm>> -> memref<46x224xi32, #tpu.memory_space<hbm>>
    %dma_start3A_57 = arith.constant 0 : i32
    %dma_start3A_58 = arith.constant 0 : i32
    %dma_start3A_59 = tpu.memref_slice %arg3[%arg1, %dma_start3A_57, %dma_start3A_58] : memref<16x92x224xi32, #tpu.memory_space<hbm>> -> memref<1x92x224xi32, #tpu.memory_space<hbm>>
    %dma_start3A_60 = tpu.memref_squeeze %dma_start3A_59 : memref<1x92x224xi32, #tpu.memory_space<hbm>> -> memref<92x224xi32, #tpu.memory_space<hbm>>
    %dma_start3A_61 = arith.constant 0 : i32
    %dma_start3A_62 = arith.constant 0 : i32
    %dma_start3A_63 = tpu.memref_slice %dma_start3A_60[%dma_start3A_61, %dma_start3A_62] : memref<92x224xi32, #tpu.memory_space<hbm>> -> memref<46x224xi32, #tpu.memory_space<hbm>>
    tpu.enqueue_dma source(%dma_start3A_63 : memref<46x224xi32, #tpu.memory_space<hbm>>) target(%arg6 : memref<46x224xi32, #tpu.memory_space<vmem>>) target_semaphore(%arg12 : memref<!tpu.dma_semaphore, #tpu.memory_space<semaphore_mem>>)
    %dma_start3A_64 = arith.constant 0 : i32
    %dma_start3A_65 = arith.constant 0 : i32
    %dma_start3A_66 = tpu.memref_slice %arg4[%arg1, %dma_start3A_64, %dma_start3A_65] : memref<16x92x224xi32, #tpu.memory_space<hbm>> -> memref<1x92x224xi32, #tpu.memory_space<hbm>>
    %dma_start3A_67 = tpu.memref_squeeze %dma_start3A_66 : memref<1x92x224xi32, #tpu.memory_space<hbm>> -> memref<92x224xi32, #tpu.memory_space<hbm>>
    %dma_start3A_68 = arith.constant 0 : i32
    %dma_start3A_69 = arith.constant 0 : i32
    %dma_start3A_70 = tpu.memref_slice %dma_start3A_67[%dma_start3A_68, %dma_start3A_69] : memref<92x224xi32, #tpu.memory_space<hbm>> -> memref<46x224xi32, #tpu.memory_space<hbm>>
    %dma_start3A_71 = arith.constant 0 : i32
    %dma_start3A_72 = arith.constant 0 : i32
    %dma_start3A_73 = tpu.memref_slice %arg4[%arg1, %dma_start3A_71, %dma_start3A_72] : memref<16x92x224xi32, #tpu.memory_space<hbm>> -> memref<1x92x224xi32, #tpu.memory_space<hbm>>
    %dma_start3A_74 = tpu.memref_squeeze %dma_start3A_73 : memref<1x92x224xi32, #tpu.memory_space<hbm>> -> memref<92x224xi32, #tpu.memory_space<hbm>>
    %dma_start3A_75 = arith.constant 0 : i32
    %dma_start3A_76 = arith.constant 0 : i32
    %dma_start3A_77 = tpu.memref_slice %dma_start3A_74[%dma_start3A_75, %dma_start3A_76] : memref<92x224xi32, #tpu.memory_space<hbm>> -> memref<46x224xi32, #tpu.memory_space<hbm>>
    tpu.enqueue_dma source(%dma_start3A_77 : memref<46x224xi32, #tpu.memory_space<hbm>>) target(%arg7 : memref<46x224xi32, #tpu.memory_space<vmem>>) target_semaphore(%arg13 : memref<!tpu.dma_semaphore, #tpu.memory_space<semaphore_mem>>)
    %mul3A_78 = arith.constant 626 : i32
    %mul3A_79 = arith.muli %arg1, %mul3A_78 : i32
    %add3A_80 = arith.constant 0 : i32
    %add3A_81 = arith.addi %mul3A_79, %add3A_80 : i32
    %dma_wait3A = arith.constant 0 : i32
    %dma_wait3A_82 = arith.constant 0 : i32
    %dma_wait3A_83 = tpu.memref_slice %arg8[%dma_wait3A, %dma_wait3A_82] : memref<224x64xf32, #tpu.memory_space<vmem>> -> memref<224x64xf32, #tpu.memory_space<vmem>>
    %dma_wait3A_84 = arith.constant 0 : i32
    %dma_wait3A_85 = tpu.memref_slice %arg10[%add3A_81, %dma_wait3A_84] : memref<10016x64xf32, #tpu.memory_space<vmem_shared>> -> memref<224x64xf32, #tpu.memory_space<vmem_shared>>
    %dma_wait3A_86 = arith.constant 0 : i32
    %dma_wait3A_87 = tpu.memref_slice %arg10[%add3A_81, %dma_wait3A_86] : memref<10016x64xf32, #tpu.memory_space<vmem_shared>> -> memref<224x64xf32, #tpu.memory_space<vmem_shared>>
    %dma_wait3A_88 = arith.constant 0 : i32
    %dma_wait3A_89 = arith.constant 0 : i32
    %dma_wait3A_90 = tpu.memref_slice %arg8[%dma_wait3A_88, %dma_wait3A_89] : memref<224x64xf32, #tpu.memory_space<vmem>> -> memref<224x64xf32, #tpu.memory_space<vmem>>
    tpu.wait_dma2 semaphore(%arg14 : memref<!tpu.dma_semaphore, #tpu.memory_space<semaphore_mem>>) src(%dma_wait3A_90 : memref<224x64xf32, #tpu.memory_space<vmem>>) dst(%dma_wait3A_87 : memref<224x64xf32, #tpu.memory_space<vmem_shared>>)
    %mul3A_91 = arith.constant 626 : i32
    %mul3A_92 = arith.muli %arg1, %mul3A_91 : i32
    %add3A_93 = arith.constant 224 : i32
    %add3A_94 = arith.addi %mul3A_92, %add3A_93 : i32
    %dma_wait3A_95 = arith.constant 0 : i32
    %dma_wait3A_96 = arith.constant 0 : i32
    %dma_wait3A_97 = tpu.memref_slice %arg8[%dma_wait3A_95, %dma_wait3A_96] : memref<224x64xf32, #tpu.memory_space<vmem>> -> memref<224x64xf32, #tpu.memory_space<vmem>>
    %dma_wait3A_98 = arith.constant 0 : i32
    %dma_wait3A_99 = tpu.memref_slice %arg10[%add3A_94, %dma_wait3A_98] : memref<10016x64xf32, #tpu.memory_space<vmem_shared>> -> memref<224x64xf32, #tpu.memory_space<vmem_shared>>
    %dma_wait3A_100 = arith.constant 0 : i32
    %dma_wait3A_101 = tpu.memref_slice %arg10[%add3A_94, %dma_wait3A_100] : memref<10016x64xf32, #tpu.memory_space<vmem_shared>> -> memref<224x64xf32, #tpu.memory_space<vmem_shared>>
    %dma_wait3A_102 = arith.constant 0 : i32
    %dma_wait3A_103 = arith.constant 0 : i32
    %dma_wait3A_104 = tpu.memref_slice %arg8[%dma_wait3A_102, %dma_wait3A_103] : memref<224x64xf32, #tpu.memory_space<vmem>> -> memref<224x64xf32, #tpu.memory_space<vmem>>
    tpu.wait_dma2 semaphore(%arg14 : memref<!tpu.dma_semaphore, #tpu.memory_space<semaphore_mem>>) src(%dma_wait3A_104 : memref<224x64xf32, #tpu.memory_space<vmem>>) dst(%dma_wait3A_101 : memref<224x64xf32, #tpu.memory_space<vmem_shared>>)
    %mul3A_105 = arith.constant 626 : i32
    %mul3A_106 = arith.muli %arg1, %mul3A_105 : i32
    %add3A_107 = arith.constant 448 : i32
    %add3A_108 = arith.addi %mul3A_106, %add3A_107 : i32
    %dma_wait3A_109 = arith.constant 0 : i32
    %dma_wait3A_110 = arith.constant 0 : i32
    %dma_wait3A_111 = tpu.memref_slice %arg8[%dma_wait3A_109, %dma_wait3A_110] : memref<224x64xf32, #tpu.memory_space<vmem>> -> memref<178x64xf32, #tpu.memory_space<vmem>>
    %dma_wait3A_112 = arith.constant 0 : i32
    %dma_wait3A_113 = tpu.memref_slice %arg10[%add3A_108, %dma_wait3A_112] : memref<10016x64xf32, #tpu.memory_space<vmem_shared>> -> memref<178x64xf32, #tpu.memory_space<vmem_shared>>
    %dma_wait3A_114 = arith.constant 0 : i32
    %dma_wait3A_115 = tpu.memref_slice %arg10[%add3A_108, %dma_wait3A_114] : memref<10016x64xf32, #tpu.memory_space<vmem_shared>> -> memref<178x64xf32, #tpu.memory_space<vmem_shared>>
    %dma_wait3A_116 = arith.constant 0 : i32
    %dma_wait3A_117 = arith.constant 0 : i32
    %dma_wait3A_118 = tpu.memref_slice %arg8[%dma_wait3A_116, %dma_wait3A_117] : memref<224x64xf32, #tpu.memory_space<vmem>> -> memref<178x64xf32, #tpu.memory_space<vmem>>
    tpu.wait_dma2 semaphore(%arg14 : memref<!tpu.dma_semaphore, #tpu.memory_space<semaphore_mem>>) src(%dma_wait3A_118 : memref<178x64xf32, #tpu.memory_space<vmem>>) dst(%dma_wait3A_115 : memref<178x64xf32, #tpu.memory_space<vmem_shared>>)
    %lt3A_119 = arith.constant 15 : i32
    %lt3A_120 = arith.cmpi slt, %arg1, %lt3A_119 : i32
    %convert_element_type3A_121 = arith.extui %lt3A_120 : i1 to i32
    %cond3A_122 = arith.constant 0 : i32
    %cond3A_123 = arith.cmpi ne, %convert_element_type3A_121, %cond3A_122 : i32
    scf.if %cond3A_123 {
      %mul3A_220 = arith.constant 624 : i32
      %mul3A_221 = arith.muli %arg1, %mul3A_220 : i32
      %mul3A_222 = arith.constant 624 : i32
      %mul3A_223 = arith.muli %arg1, %mul3A_222 : i32
      %dma_wait3A_224 = arith.constant 0 : i32
      %dma_wait3A_225 = tpu.memref_slice %arg11[%mul3A_223, %dma_wait3A_224] : memref<10000x64xf32, #tpu.memory_space<vmem_shared>> -> memref<624x64xf32, #tpu.memory_space<vmem_shared>>
      %dma_wait3A_226 = arith.constant 0 : i32
      %dma_wait3A_227 = arith.constant 0 : i32
      %dma_wait3A_228 = tpu.memref_slice %arg2[%arg0, %dma_wait3A_226, %dma_wait3A_227] : memref<2x10000x64xf32, #tpu.memory_space<hbm>> -> memref<1x10000x64xf32, #tpu.memory_space<hbm>>
      %dma_wait3A_229 = tpu.memref_squeeze %dma_wait3A_228 : memref<1x10000x64xf32, #tpu.memory_space<hbm>> -> memref<10000x64xf32, #tpu.memory_space<hbm>>
      %dma_wait3A_230 = arith.constant 0 : i32
      %dma_wait3A_231 = tpu.memref_slice %dma_wait3A_229[%mul3A_221, %dma_wait3A_230] : memref<10000x64xf32, #tpu.memory_space<hbm>> -> memref<624x64xf32, #tpu.memory_space<hbm>>
      tpu.wait_dma2 semaphore(%arg15 : memref<!tpu.dma_semaphore, #tpu.memory_space<semaphore_mem>>) src(%dma_wait3A_231 : memref<624x64xf32, #tpu.memory_space<hbm>>) dst(%dma_wait3A_225 : memref<624x64xf32, #tpu.memory_space<vmem_shared>>)
    } else {
    }
    %eq3A_124 = arith.constant 15 : i32
    %eq3A_125 = arith.cmpi eq, %arg1, %eq3A_124 : i32
    %convert_element_type3A_126 = arith.extui %eq3A_125 : i1 to i32
    %cond3A_127 = arith.constant 0 : i32
    %cond3A_128 = arith.cmpi ne, %convert_element_type3A_126, %cond3A_127 : i32
    scf.if %cond3A_128 {
      %dma_wait3A_220 = arith.constant 9360 : i32
      %dma_wait3A_221 = arith.constant 0 : i32
      %dma_wait3A_222 = tpu.memref_slice %arg11[%dma_wait3A_220, %dma_wait3A_221] : memref<10000x64xf32, #tpu.memory_space<vmem_shared>> -> memref<640x64xf32, #tpu.memory_space<vmem_shared>>
      %dma_wait3A_223 = arith.constant 0 : i32
      %dma_wait3A_224 = arith.constant 0 : i32
      %dma_wait3A_225 = tpu.memref_slice %arg2[%arg0, %dma_wait3A_223, %dma_wait3A_224] : memref<2x10000x64xf32, #tpu.memory_space<hbm>> -> memref<1x10000x64xf32, #tpu.memory_space<hbm>>
      %dma_wait3A_226 = tpu.memref_squeeze %dma_wait3A_225 : memref<1x10000x64xf32, #tpu.memory_space<hbm>> -> memref<10000x64xf32, #tpu.memory_space<hbm>>
      %dma_wait3A_227 = arith.constant 9360 : i32
      %dma_wait3A_228 = arith.constant 0 : i32
      %dma_wait3A_229 = tpu.memref_slice %dma_wait3A_226[%dma_wait3A_227, %dma_wait3A_228] : memref<10000x64xf32, #tpu.memory_space<hbm>> -> memref<640x64xf32, #tpu.memory_space<hbm>>
      tpu.wait_dma2 semaphore(%arg15 : memref<!tpu.dma_semaphore, #tpu.memory_space<semaphore_mem>>) src(%dma_wait3A_229 : memref<640x64xf32, #tpu.memory_space<hbm>>) dst(%dma_wait3A_222 : memref<640x64xf32, #tpu.memory_space<vmem_shared>>)
    } else {
    }
    %dma_wait3A_129 = arith.constant 0 : i32
    %dma_wait3A_130 = arith.constant 0 : i32
    %dma_wait3A_131 = tpu.memref_slice %arg3[%arg1, %dma_wait3A_129, %dma_wait3A_130] : memref<16x92x224xi32, #tpu.memory_space<hbm>> -> memref<1x92x224xi32, #tpu.memory_space<hbm>>
    %dma_wait3A_132 = tpu.memref_squeeze %dma_wait3A_131 : memref<1x92x224xi32, #tpu.memory_space<hbm>> -> memref<92x224xi32, #tpu.memory_space<hbm>>
    %dma_wait3A_133 = arith.constant 0 : i32
    %dma_wait3A_134 = arith.constant 0 : i32
    %dma_wait3A_135 = tpu.memref_slice %dma_wait3A_132[%dma_wait3A_133, %dma_wait3A_134] : memref<92x224xi32, #tpu.memory_space<hbm>> -> memref<46x224xi32, #tpu.memory_space<hbm>>
    %dma_wait3A_136 = arith.constant 0 : i32
    %dma_wait3A_137 = arith.constant 0 : i32
    %dma_wait3A_138 = tpu.memref_slice %arg3[%arg1, %dma_wait3A_136, %dma_wait3A_137] : memref<16x92x224xi32, #tpu.memory_space<hbm>> -> memref<1x92x224xi32, #tpu.memory_space<hbm>>
    %dma_wait3A_139 = tpu.memref_squeeze %dma_wait3A_138 : memref<1x92x224xi32, #tpu.memory_space<hbm>> -> memref<92x224xi32, #tpu.memory_space<hbm>>
    %dma_wait3A_140 = arith.constant 0 : i32
    %dma_wait3A_141 = arith.constant 0 : i32
    %dma_wait3A_142 = tpu.memref_slice %dma_wait3A_139[%dma_wait3A_140, %dma_wait3A_141] : memref<92x224xi32, #tpu.memory_space<hbm>> -> memref<46x224xi32, #tpu.memory_space<hbm>>
    tpu.wait_dma2 semaphore(%arg12 : memref<!tpu.dma_semaphore, #tpu.memory_space<semaphore_mem>>) src(%dma_wait3A_142 : memref<46x224xi32, #tpu.memory_space<hbm>>) dst(%arg6 : memref<46x224xi32, #tpu.memory_space<vmem>>)
    %dma_wait3A_143 = arith.constant 0 : i32
    %dma_wait3A_144 = arith.constant 0 : i32
    %dma_wait3A_145 = tpu.memref_slice %arg4[%arg1, %dma_wait3A_143, %dma_wait3A_144] : memref<16x92x224xi32, #tpu.memory_space<hbm>> -> memref<1x92x224xi32, #tpu.memory_space<hbm>>
    %dma_wait3A_146 = tpu.memref_squeeze %dma_wait3A_145 : memref<1x92x224xi32, #tpu.memory_space<hbm>> -> memref<92x224xi32, #tpu.memory_space<hbm>>
    %dma_wait3A_147 = arith.constant 0 : i32
    %dma_wait3A_148 = arith.constant 0 : i32
    %dma_wait3A_149 = tpu.memref_slice %dma_wait3A_146[%dma_wait3A_147, %dma_wait3A_148] : memref<92x224xi32, #tpu.memory_space<hbm>> -> memref<46x224xi32, #tpu.memory_space<hbm>>
    %dma_wait3A_150 = arith.constant 0 : i32
    %dma_wait3A_151 = arith.constant 0 : i32
    %dma_wait3A_152 = tpu.memref_slice %arg4[%arg1, %dma_wait3A_150, %dma_wait3A_151] : memref<16x92x224xi32, #tpu.memory_space<hbm>> -> memref<1x92x224xi32, #tpu.memory_space<hbm>>
    %dma_wait3A_153 = tpu.memref_squeeze %dma_wait3A_152 : memref<1x92x224xi32, #tpu.memory_space<hbm>> -> memref<92x224xi32, #tpu.memory_space<hbm>>
    %dma_wait3A_154 = arith.constant 0 : i32
    %dma_wait3A_155 = arith.constant 0 : i32
    %dma_wait3A_156 = tpu.memref_slice %dma_wait3A_153[%dma_wait3A_154, %dma_wait3A_155] : memref<92x224xi32, #tpu.memory_space<hbm>> -> memref<46x224xi32, #tpu.memory_space<hbm>>
    tpu.wait_dma2 semaphore(%arg13 : memref<!tpu.dma_semaphore, #tpu.memory_space<semaphore_mem>>) src(%dma_wait3A_156 : memref<46x224xi32, #tpu.memory_space<hbm>>) dst(%arg7 : memref<46x224xi32, #tpu.memory_space<vmem>>)
    %barrier3A = arith.constant 0 : index
    tpu.barrier barrier_id(%barrier3A)
    %dma_start3A_157 = arith.constant 0 : i32
    %dma_start3A_158 = arith.constant 0 : i32
    %dma_start3A_159 = tpu.memref_slice %arg6[%dma_start3A_157, %dma_start3A_158] : memref<46x224xi32, #tpu.memory_space<vmem>> -> memref<1x224xi32, #tpu.memory_space<vmem>>
    %dma_start3A_160 = tpu.memref_squeeze %dma_start3A_159 : memref<1x224xi32, #tpu.memory_space<vmem>> -> memref<224xi32, #tpu.memory_space<vmem>>
    %dma_start3A_161 = arith.constant 0 : i32
    %dma_start3A_162 = arith.constant 0 : i32
    %dma_start3A_163 = tpu.memref_slice %arg11[%dma_start3A_161, %dma_start3A_162] : memref<10000x64xf32, #tpu.memory_space<vmem_shared>> -> memref<10000x64xf32, #tpu.memory_space<vmem_shared>>
    tpu.enqueue_indirect_dma source(%dma_start3A_163 : memref<10000x64xf32, #tpu.memory_space<vmem_shared>>) target(%arg8 : memref<224x64xf32, #tpu.memory_space<vmem>>) offsets(%dma_start3A_160 : memref<224xi32, #tpu.memory_space<vmem>>) semaphore(%arg12 : memref<!tpu.dma_semaphore, #tpu.memory_space<semaphore_mem>>)
    %scan3A_164 = arith.constant 0 : i32
    %scan3A_165 = arith.constant 23 : i32
    %scan3A_166 = arith.addi %scan3A_164, %scan3A_165 : i32
    %scan3A_167 = arith.constant 1 : i32
    scf.for %scan3A_220 = %scan3A_164 to %scan3A_166 step %scan3A_167  : i32 {
      %mul3A_221 = arith.constant 1 : i32
      %mul3A_222 = arith.muli %scan3A_220, %mul3A_221 : i32
      %add3A_223 = arith.constant 0 : i32
      %add3A_224 = arith.addi %add3A_223, %mul3A_222 : i32
      %mul3A_225 = arith.constant 2 : i32
      %mul3A_226 = arith.muli %mul3A_225, %add3A_224 : i32
      %dma_wait3A_227 = arith.constant 0 : i32
      %dma_wait3A_228 = tpu.memref_slice %arg6[%mul3A_226, %dma_wait3A_227] : memref<46x224xi32, #tpu.memory_space<vmem>> -> memref<1x224xi32, #tpu.memory_space<vmem>>
      %dma_wait3A_229 = tpu.memref_squeeze %dma_wait3A_228 : memref<1x224xi32, #tpu.memory_space<vmem>> -> memref<224xi32, #tpu.memory_space<vmem>>
      %dma_wait3A_230 = arith.constant 0 : i32
      %dma_wait3A_231 = arith.constant 0 : i32
      %dma_wait3A_232 = tpu.memref_slice %arg11[%dma_wait3A_230, %dma_wait3A_231] : memref<10000x64xf32, #tpu.memory_space<vmem_shared>> -> memref<10000x64xf32, #tpu.memory_space<vmem_shared>>
      tpu.wait_indirect_dma semaphore(%arg12 : memref<!tpu.dma_semaphore, #tpu.memory_space<semaphore_mem>>) src(%dma_wait3A_232 : memref<10000x64xf32, #tpu.memory_space<vmem_shared>>) dst(%arg8 : memref<224x64xf32, #tpu.memory_space<vmem>>)
      %dma_start3A_233 = arith.constant 0 : i32
      %dma_start3A_234 = tpu.memref_slice %arg7[%mul3A_226, %dma_start3A_233] : memref<46x224xi32, #tpu.memory_space<vmem>> -> memref<1x224xi32, #tpu.memory_space<vmem>>
      %dma_start3A_235 = tpu.memref_squeeze %dma_start3A_234 : memref<1x224xi32, #tpu.memory_space<vmem>> -> memref<224xi32, #tpu.memory_space<vmem>>
      %dma_start3A_236 = arith.constant 0 : i32
      %dma_start3A_237 = arith.constant 0 : i32
      %dma_start3A_238 = tpu.memref_slice %arg10[%dma_start3A_236, %dma_start3A_237] : memref<10016x64xf32, #tpu.memory_space<vmem_shared>> -> memref<10016x64xf32, #tpu.memory_space<vmem_shared>>
      tpu.enqueue_indirect_dma source(%arg8 : memref<224x64xf32, #tpu.memory_space<vmem>>) target(%dma_start3A_238 : memref<10016x64xf32, #tpu.memory_space<vmem_shared>>) offsets(%dma_start3A_235 : memref<224xi32, #tpu.memory_space<vmem>>) semaphore(%arg14 : memref<!tpu.dma_semaphore, #tpu.memory_space<semaphore_mem>>) {add = true}
      %gt3A = arith.constant 0 : i32
      %gt3A_239 = arith.cmpi sgt, %add3A_224, %gt3A : i32
      %convert_element_type3A_240 = arith.extui %gt3A_239 : i1 to i32
      %cond3A_241 = arith.constant 0 : i32
      %cond3A_242 = arith.cmpi ne, %convert_element_type3A_240, %cond3A_241 : i32
      scf.if %cond3A_242 {
        %sub3A = arith.constant 1 : i32
        %sub3A_272 = arith.subi %mul3A_226, %sub3A : i32
        %dma_wait3A_273 = arith.constant 0 : i32
        %dma_wait3A_274 = tpu.memref_slice %arg7[%sub3A_272, %dma_wait3A_273] : memref<46x224xi32, #tpu.memory_space<vmem>> -> memref<1x224xi32, #tpu.memory_space<vmem>>
        %dma_wait3A_275 = tpu.memref_squeeze %dma_wait3A_274 : memref<1x224xi32, #tpu.memory_space<vmem>> -> memref<224xi32, #tpu.memory_space<vmem>>
        %dma_wait3A_276 = arith.constant 0 : i32
        %dma_wait3A_277 = arith.constant 0 : i32
        %dma_wait3A_278 = tpu.memref_slice %arg10[%dma_wait3A_276, %dma_wait3A_277] : memref<10016x64xf32, #tpu.memory_space<vmem_shared>> -> memref<10016x64xf32, #tpu.memory_space<vmem_shared>>
        tpu.wait_indirect_dma semaphore(%arg15 : memref<!tpu.dma_semaphore, #tpu.memory_space<semaphore_mem>>) src(%arg9 : memref<224x64xf32, #tpu.memory_space<vmem>>) dst(%dma_wait3A_278 : memref<10016x64xf32, #tpu.memory_space<vmem_shared>>)
      } else {
      }
      %add3A_243 = arith.constant 1 : i32
      %add3A_244 = arith.addi %mul3A_226, %add3A_243 : i32
      %dma_start3A_245 = arith.constant 0 : i32
      %dma_start3A_246 = tpu.memref_slice %arg6[%add3A_244, %dma_start3A_245] : memref<46x224xi32, #tpu.memory_space<vmem>> -> memref<1x224xi32, #tpu.memory_space<vmem>>
      %dma_start3A_247 = tpu.memref_squeeze %dma_start3A_246 : memref<1x224xi32, #tpu.memory_space<vmem>> -> memref<224xi32, #tpu.memory_space<vmem>>
      %dma_start3A_248 = arith.constant 0 : i32
      %dma_start3A_249 = arith.constant 0 : i32
      %dma_start3A_250 = tpu.memref_slice %arg11[%dma_start3A_248, %dma_start3A_249] : memref<10000x64xf32, #tpu.memory_space<vmem_shared>> -> memref<10000x64xf32, #tpu.memory_space<vmem_shared>>
      tpu.enqueue_indirect_dma source(%dma_start3A_250 : memref<10000x64xf32, #tpu.memory_space<vmem_shared>>) target(%arg9 : memref<224x64xf32, #tpu.memory_space<vmem>>) offsets(%dma_start3A_247 : memref<224xi32, #tpu.memory_space<vmem>>) semaphore(%arg13 : memref<!tpu.dma_semaphore, #tpu.memory_space<semaphore_mem>>)
      %add3A_251 = arith.constant 1 : i32
      %add3A_252 = arith.addi %mul3A_226, %add3A_251 : i32
      %dma_wait3A_253 = arith.constant 0 : i32
      %dma_wait3A_254 = tpu.memref_slice %arg6[%add3A_252, %dma_wait3A_253] : memref<46x224xi32, #tpu.memory_space<vmem>> -> memref<1x224xi32, #tpu.memory_space<vmem>>
      %dma_wait3A_255 = tpu.memref_squeeze %dma_wait3A_254 : memref<1x224xi32, #tpu.memory_space<vmem>> -> memref<224xi32, #tpu.memory_space<vmem>>
      %dma_wait3A_256 = arith.constant 0 : i32
      %dma_wait3A_257 = arith.constant 0 : i32
      %dma_wait3A_258 = tpu.memref_slice %arg11[%dma_wait3A_256, %dma_wait3A_257] : memref<10000x64xf32, #tpu.memory_space<vmem_shared>> -> memref<10000x64xf32, #tpu.memory_space<vmem_shared>>
      tpu.wait_indirect_dma semaphore(%arg13 : memref<!tpu.dma_semaphore, #tpu.memory_space<semaphore_mem>>) src(%dma_wait3A_258 : memref<10000x64xf32, #tpu.memory_space<vmem_shared>>) dst(%arg9 : memref<224x64xf32, #tpu.memory_space<vmem>>)
      %add3A_259 = arith.constant 1 : i32
      %add3A_260 = arith.addi %mul3A_226, %add3A_259 : i32
      %dma_start3A_261 = arith.constant 0 : i32
      %dma_start3A_262 = tpu.memref_slice %arg7[%add3A_260, %dma_start3A_261] : memref<46x224xi32, #tpu.memory_space<vmem>> -> memref<1x224xi32, #tpu.memory_space<vmem>>
      %dma_start3A_263 = tpu.memref_squeeze %dma_start3A_262 : memref<1x224xi32, #tpu.memory_space<vmem>> -> memref<224xi32, #tpu.memory_space<vmem>>
      %dma_start3A_264 = arith.constant 0 : i32
      %dma_start3A_265 = arith.constant 0 : i32
      %dma_start3A_266 = tpu.memref_slice %arg10[%dma_start3A_264, %dma_start3A_265] : memref<10016x64xf32, #tpu.memory_space<vmem_shared>> -> memref<10016x64xf32, #tpu.memory_space<vmem_shared>>
      tpu.enqueue_indirect_dma source(%arg9 : memref<224x64xf32, #tpu.memory_space<vmem>>) target(%dma_start3A_266 : memref<10016x64xf32, #tpu.memory_space<vmem_shared>>) offsets(%dma_start3A_263 : memref<224xi32, #tpu.memory_space<vmem>>) semaphore(%arg15 : memref<!tpu.dma_semaphore, #tpu.memory_space<semaphore_mem>>) {add = true}
      %lt3A_267 = arith.constant 22 : i32
      %lt3A_268 = arith.cmpi slt, %add3A_224, %lt3A_267 : i32
      %convert_element_type3A_269 = arith.extui %lt3A_268 : i1 to i32
      %cond3A_270 = arith.constant 0 : i32
      %cond3A_271 = arith.cmpi ne, %convert_element_type3A_269, %cond3A_270 : i32
      scf.if %cond3A_271 {
        %dma_wait3A_272 = arith.constant 0 : i32
        %dma_wait3A_273 = tpu.memref_slice %arg7[%mul3A_226, %dma_wait3A_272] : memref<46x224xi32, #tpu.memory_space<vmem>> -> memref<1x224xi32, #tpu.memory_space<vmem>>
        %dma_wait3A_274 = tpu.memref_squeeze %dma_wait3A_273 : memref<1x224xi32, #tpu.memory_space<vmem>> -> memref<224xi32, #tpu.memory_space<vmem>>
        %dma_wait3A_275 = arith.constant 0 : i32
        %dma_wait3A_276 = arith.constant 0 : i32
        %dma_wait3A_277 = tpu.memref_slice %arg10[%dma_wait3A_275, %dma_wait3A_276] : memref<10016x64xf32, #tpu.memory_space<vmem_shared>> -> memref<10016x64xf32, #tpu.memory_space<vmem_shared>>
        tpu.wait_indirect_dma semaphore(%arg14 : memref<!tpu.dma_semaphore, #tpu.memory_space<semaphore_mem>>) src(%arg8 : memref<224x64xf32, #tpu.memory_space<vmem>>) dst(%dma_wait3A_277 : memref<10016x64xf32, #tpu.memory_space<vmem_shared>>)
        %add3A_278 = arith.constant 2 : i32
        %add3A_279 = arith.addi %mul3A_226, %add3A_278 : i32
        %dma_start3A_280 = arith.constant 0 : i32
        %dma_start3A_281 = tpu.memref_slice %arg6[%add3A_279, %dma_start3A_280] : memref<46x224xi32, #tpu.memory_space<vmem>> -> memref<1x224xi32, #tpu.memory_space<vmem>>
        %dma_start3A_282 = tpu.memref_squeeze %dma_start3A_281 : memref<1x224xi32, #tpu.memory_space<vmem>> -> memref<224xi32, #tpu.memory_space<vmem>>
        %dma_start3A_283 = arith.constant 0 : i32
        %dma_start3A_284 = arith.constant 0 : i32
        %dma_start3A_285 = tpu.memref_slice %arg11[%dma_start3A_283, %dma_start3A_284] : memref<10000x64xf32, #tpu.memory_space<vmem_shared>> -> memref<10000x64xf32, #tpu.memory_space<vmem_shared>>
        tpu.enqueue_indirect_dma source(%dma_start3A_285 : memref<10000x64xf32, #tpu.memory_space<vmem_shared>>) target(%arg8 : memref<224x64xf32, #tpu.memory_space<vmem>>) offsets(%dma_start3A_282 : memref<224xi32, #tpu.memory_space<vmem>>) semaphore(%arg12 : memref<!tpu.dma_semaphore, #tpu.memory_space<semaphore_mem>>)
      } else {
      }
    }
    %scan3A_168 = arith.constant 23 : i32
    %dma_wait3A_169 = arith.constant 44 : i32
    %dma_wait3A_170 = arith.constant 0 : i32
    %dma_wait3A_171 = tpu.memref_slice %arg7[%dma_wait3A_169, %dma_wait3A_170] : memref<46x224xi32, #tpu.memory_space<vmem>> -> memref<1x224xi32, #tpu.memory_space<vmem>>
    %dma_wait3A_172 = tpu.memref_squeeze %dma_wait3A_171 : memref<1x224xi32, #tpu.memory_space<vmem>> -> memref<224xi32, #tpu.memory_space<vmem>>
    %dma_wait3A_173 = arith.constant 0 : i32
    %dma_wait3A_174 = arith.constant 0 : i32
    %dma_wait3A_175 = tpu.memref_slice %arg10[%dma_wait3A_173, %dma_wait3A_174] : memref<10016x64xf32, #tpu.memory_space<vmem_shared>> -> memref<10016x64xf32, #tpu.memory_space<vmem_shared>>
    tpu.wait_indirect_dma semaphore(%arg14 : memref<!tpu.dma_semaphore, #tpu.memory_space<semaphore_mem>>) src(%arg8 : memref<224x64xf32, #tpu.memory_space<vmem>>) dst(%dma_wait3A_175 : memref<10016x64xf32, #tpu.memory_space<vmem_shared>>)
    %dma_wait3A_176 = arith.constant 45 : i32
    %dma_wait3A_177 = arith.constant 0 : i32
    %dma_wait3A_178 = tpu.memref_slice %arg7[%dma_wait3A_176, %dma_wait3A_177] : memref<46x224xi32, #tpu.memory_space<vmem>> -> memref<1x224xi32, #tpu.memory_space<vmem>>
    %dma_wait3A_179 = tpu.memref_squeeze %dma_wait3A_178 : memref<1x224xi32, #tpu.memory_space<vmem>> -> memref<224xi32, #tpu.memory_space<vmem>>
    %dma_wait3A_180 = arith.constant 0 : i32
    %dma_wait3A_181 = arith.constant 0 : i32
    %dma_wait3A_182 = tpu.memref_slice %arg10[%dma_wait3A_180, %dma_wait3A_181] : memref<10016x64xf32, #tpu.memory_space<vmem_shared>> -> memref<10016x64xf32, #tpu.memory_space<vmem_shared>>
    tpu.wait_indirect_dma semaphore(%arg15 : memref<!tpu.dma_semaphore, #tpu.memory_space<semaphore_mem>>) src(%arg9 : memref<224x64xf32, #tpu.memory_space<vmem>>) dst(%dma_wait3A_182 : memref<10016x64xf32, #tpu.memory_space<vmem_shared>>)
    "tpu.region"() ({
      %run_scoped3A = tpu.sem_alloc : memref<!tpu.dma_semaphore, #tpu.memory_space<semaphore_mem>>
      %dma_start3A_220 = arith.constant 0 : i32
      %dma_start3A_221 = arith.constant 0 : i32
      %dma_start3A_222 = tpu.memref_slice %arg3[%arg1, %dma_start3A_220, %dma_start3A_221] : memref<16x92x224xi32, #tpu.memory_space<hbm>> -> memref<1x92x224xi32, #tpu.memory_space<hbm>>
      %dma_start3A_223 = tpu.memref_squeeze %dma_start3A_222 : memref<1x92x224xi32, #tpu.memory_space<hbm>> -> memref<92x224xi32, #tpu.memory_space<hbm>>
      %dma_start3A_224 = arith.constant 46 : i32
      %dma_start3A_225 = arith.constant 0 : i32
      %dma_start3A_226 = tpu.memref_slice %dma_start3A_223[%dma_start3A_224, %dma_start3A_225] : memref<92x224xi32, #tpu.memory_space<hbm>> -> memref<46x224xi32, #tpu.memory_space<hbm>>
      %dma_start3A_227 = arith.constant 0 : i32
      %dma_start3A_228 = arith.constant 0 : i32
      %dma_start3A_229 = tpu.memref_slice %arg3[%arg1, %dma_start3A_227, %dma_start3A_228] : memref<16x92x224xi32, #tpu.memory_space<hbm>> -> memref<1x92x224xi32, #tpu.memory_space<hbm>>
      %dma_start3A_230 = tpu.memref_squeeze %dma_start3A_229 : memref<1x92x224xi32, #tpu.memory_space<hbm>> -> memref<92x224xi32, #tpu.memory_space<hbm>>
      %dma_start3A_231 = arith.constant 46 : i32
      %dma_start3A_232 = arith.constant 0 : i32
      %dma_start3A_233 = tpu.memref_slice %dma_start3A_230[%dma_start3A_231, %dma_start3A_232] : memref<92x224xi32, #tpu.memory_space<hbm>> -> memref<46x224xi32, #tpu.memory_space<hbm>>
      tpu.enqueue_dma source(%dma_start3A_233 : memref<46x224xi32, #tpu.memory_space<hbm>>) target(%arg6 : memref<46x224xi32, #tpu.memory_space<vmem>>) target_semaphore(%run_scoped3A : memref<!tpu.dma_semaphore, #tpu.memory_space<semaphore_mem>>)
      %dma_wait3A_234 = arith.constant 0 : i32
      %dma_wait3A_235 = arith.constant 0 : i32
      %dma_wait3A_236 = tpu.memref_slice %arg3[%arg1, %dma_wait3A_234, %dma_wait3A_235] : memref<16x92x224xi32, #tpu.memory_space<hbm>> -> memref<1x92x224xi32, #tpu.memory_space<hbm>>
      %dma_wait3A_237 = tpu.memref_squeeze %dma_wait3A_236 : memref<1x92x224xi32, #tpu.memory_space<hbm>> -> memref<92x224xi32, #tpu.memory_space<hbm>>
      %dma_wait3A_238 = arith.constant 46 : i32
      %dma_wait3A_239 = arith.constant 0 : i32
      %dma_wait3A_240 = tpu.memref_slice %dma_wait3A_237[%dma_wait3A_238, %dma_wait3A_239] : memref<92x224xi32, #tpu.memory_space<hbm>> -> memref<46x224xi32, #tpu.memory_space<hbm>>
      %dma_wait3A_241 = arith.constant 0 : i32
      %dma_wait3A_242 = arith.constant 0 : i32
      %dma_wait3A_243 = tpu.memref_slice %arg3[%arg1, %dma_wait3A_241, %dma_wait3A_242] : memref<16x92x224xi32, #tpu.memory_space<hbm>> -> memref<1x92x224xi32, #tpu.memory_space<hbm>>
      %dma_wait3A_244 = tpu.memref_squeeze %dma_wait3A_243 : memref<1x92x224xi32, #tpu.memory_space<hbm>> -> memref<92x224xi32, #tpu.memory_space<hbm>>
      %dma_wait3A_245 = arith.constant 46 : i32
      %dma_wait3A_246 = arith.constant 0 : i32
      %dma_wait3A_247 = tpu.memref_slice %dma_wait3A_244[%dma_wait3A_245, %dma_wait3A_246] : memref<92x224xi32, #tpu.memory_space<hbm>> -> memref<46x224xi32, #tpu.memory_space<hbm>>
      tpu.wait_dma2 semaphore(%run_scoped3A : memref<!tpu.dma_semaphore, #tpu.memory_space<semaphore_mem>>) src(%dma_wait3A_247 : memref<46x224xi32, #tpu.memory_space<hbm>>) dst(%arg6 : memref<46x224xi32, #tpu.memory_space<vmem>>)
      tpu.yield
    }) : () -> ()
    "tpu.region"() ({
      %run_scoped3A = tpu.sem_alloc : memref<!tpu.dma_semaphore, #tpu.memory_space<semaphore_mem>>
      %dma_start3A_220 = arith.constant 0 : i32
      %dma_start3A_221 = arith.constant 0 : i32
      %dma_start3A_222 = tpu.memref_slice %arg4[%arg1, %dma_start3A_220, %dma_start3A_221] : memref<16x92x224xi32, #tpu.memory_space<hbm>> -> memref<1x92x224xi32, #tpu.memory_space<hbm>>
      %dma_start3A_223 = tpu.memref_squeeze %dma_start3A_222 : memref<1x92x224xi32, #tpu.memory_space<hbm>> -> memref<92x224xi32, #tpu.memory_space<hbm>>
      %dma_start3A_224 = arith.constant 46 : i32
      %dma_start3A_225 = arith.constant 0 : i32
      %dma_start3A_226 = tpu.memref_slice %dma_start3A_223[%dma_start3A_224, %dma_start3A_225] : memref<92x224xi32, #tpu.memory_space<hbm>> -> memref<46x224xi32, #tpu.memory_space<hbm>>
      %dma_start3A_227 = arith.constant 0 : i32
      %dma_start3A_228 = arith.constant 0 : i32
      %dma_start3A_229 = tpu.memref_slice %arg4[%arg1, %dma_start3A_227, %dma_start3A_228] : memref<16x92x224xi32, #tpu.memory_space<hbm>> -> memref<1x92x224xi32, #tpu.memory_space<hbm>>
      %dma_start3A_230 = tpu.memref_squeeze %dma_start3A_229 : memref<1x92x224xi32, #tpu.memory_space<hbm>> -> memref<92x224xi32, #tpu.memory_space<hbm>>
      %dma_start3A_231 = arith.constant 46 : i32
      %dma_start3A_232 = arith.constant 0 : i32
      %dma_start3A_233 = tpu.memref_slice %dma_start3A_230[%dma_start3A_231, %dma_start3A_232] : memref<92x224xi32, #tpu.memory_space<hbm>> -> memref<46x224xi32, #tpu.memory_space<hbm>>
      tpu.enqueue_dma source(%dma_start3A_233 : memref<46x224xi32, #tpu.memory_space<hbm>>) target(%arg7 : memref<46x224xi32, #tpu.memory_space<vmem>>) target_semaphore(%run_scoped3A : memref<!tpu.dma_semaphore, #tpu.memory_space<semaphore_mem>>)
      %dma_wait3A_234 = arith.constant 0 : i32
      %dma_wait3A_235 = arith.constant 0 : i32
      %dma_wait3A_236 = tpu.memref_slice %arg4[%arg1, %dma_wait3A_234, %dma_wait3A_235] : memref<16x92x224xi32, #tpu.memory_space<hbm>> -> memref<1x92x224xi32, #tpu.memory_space<hbm>>
      %dma_wait3A_237 = tpu.memref_squeeze %dma_wait3A_236 : memref<1x92x224xi32, #tpu.memory_space<hbm>> -> memref<92x224xi32, #tpu.memory_space<hbm>>
      %dma_wait3A_238 = arith.constant 46 : i32
      %dma_wait3A_239 = arith.constant 0 : i32
      %dma_wait3A_240 = tpu.memref_slice %dma_wait3A_237[%dma_wait3A_238, %dma_wait3A_239] : memref<92x224xi32, #tpu.memory_space<hbm>> -> memref<46x224xi32, #tpu.memory_space<hbm>>
      %dma_wait3A_241 = arith.constant 0 : i32
      %dma_wait3A_242 = arith.constant 0 : i32
      %dma_wait3A_243 = tpu.memref_slice %arg4[%arg1, %dma_wait3A_241, %dma_wait3A_242] : memref<16x92x224xi32, #tpu.memory_space<hbm>> -> memref<1x92x224xi32, #tpu.memory_space<hbm>>
      %dma_wait3A_244 = tpu.memref_squeeze %dma_wait3A_243 : memref<1x92x224xi32, #tpu.memory_space<hbm>> -> memref<92x224xi32, #tpu.memory_space<hbm>>
      %dma_wait3A_245 = arith.constant 46 : i32
      %dma_wait3A_246 = arith.constant 0 : i32
      %dma_wait3A_247 = tpu.memref_slice %dma_wait3A_244[%dma_wait3A_245, %dma_wait3A_246] : memref<92x224xi32, #tpu.memory_space<hbm>> -> memref<46x224xi32, #tpu.memory_space<hbm>>
      tpu.wait_dma2 semaphore(%run_scoped3A : memref<!tpu.dma_semaphore, #tpu.memory_space<semaphore_mem>>) src(%dma_wait3A_247 : memref<46x224xi32, #tpu.memory_space<hbm>>) dst(%arg7 : memref<46x224xi32, #tpu.memory_space<vmem>>)
      tpu.yield
    }) : () -> ()
    %dma_start3A_183 = arith.constant 0 : i32
    %dma_start3A_184 = arith.constant 0 : i32
    %dma_start3A_185 = tpu.memref_slice %arg6[%dma_start3A_183, %dma_start3A_184] : memref<46x224xi32, #tpu.memory_space<vmem>> -> memref<1x224xi32, #tpu.memory_space<vmem>>
    %dma_start3A_186 = tpu.memref_squeeze %dma_start3A_185 : memref<1x224xi32, #tpu.memory_space<vmem>> -> memref<224xi32, #tpu.memory_space<vmem>>
    %dma_start3A_187 = arith.constant 0 : i32
    %dma_start3A_188 = arith.constant 0 : i32
    %dma_start3A_189 = tpu.memref_slice %arg11[%dma_start3A_187, %dma_start3A_188] : memref<10000x64xf32, #tpu.memory_space<vmem_shared>> -> memref<10000x64xf32, #tpu.memory_space<vmem_shared>>
    tpu.enqueue_indirect_dma source(%dma_start3A_189 : memref<10000x64xf32, #tpu.memory_space<vmem_shared>>) target(%arg8 : memref<224x64xf32, #tpu.memory_space<vmem>>) offsets(%dma_start3A_186 : memref<224xi32, #tpu.memory_space<vmem>>) semaphore(%arg12 : memref<!tpu.dma_semaphore, #tpu.memory_space<semaphore_mem>>)
    %scan3A_190 = arith.constant 0 : i32
    %scan3A_191 = arith.constant 23 : i32
    %scan3A_192 = arith.addi %scan3A_190, %scan3A_191 : i32
    %scan3A_193 = arith.constant 1 : i32
    scf.for %scan3A_220 = %scan3A_190 to %scan3A_192 step %scan3A_193  : i32 {
      %mul3A_221 = arith.constant 1 : i32
      %mul3A_222 = arith.muli %scan3A_220, %mul3A_221 : i32
      %add3A_223 = arith.constant 0 : i32
      %add3A_224 = arith.addi %add3A_223, %mul3A_222 : i32
      %mul3A_225 = arith.constant 2 : i32
      %mul3A_226 = arith.muli %mul3A_225, %add3A_224 : i32
      %dma_wait3A_227 = arith.constant 0 : i32
      %dma_wait3A_228 = tpu.memref_slice %arg6[%mul3A_226, %dma_wait3A_227] : memref<46x224xi32, #tpu.memory_space<vmem>> -> memref<1x224xi32, #tpu.memory_space<vmem>>
      %dma_wait3A_229 = tpu.memref_squeeze %dma_wait3A_228 : memref<1x224xi32, #tpu.memory_space<vmem>> -> memref<224xi32, #tpu.memory_space<vmem>>
      %dma_wait3A_230 = arith.constant 0 : i32
      %dma_wait3A_231 = arith.constant 0 : i32
      %dma_wait3A_232 = tpu.memref_slice %arg11[%dma_wait3A_230, %dma_wait3A_231] : memref<10000x64xf32, #tpu.memory_space<vmem_shared>> -> memref<10000x64xf32, #tpu.memory_space<vmem_shared>>
      tpu.wait_indirect_dma semaphore(%arg12 : memref<!tpu.dma_semaphore, #tpu.memory_space<semaphore_mem>>) src(%dma_wait3A_232 : memref<10000x64xf32, #tpu.memory_space<vmem_shared>>) dst(%arg8 : memref<224x64xf32, #tpu.memory_space<vmem>>)
      %dma_start3A_233 = arith.constant 0 : i32
      %dma_start3A_234 = tpu.memref_slice %arg7[%mul3A_226, %dma_start3A_233] : memref<46x224xi32, #tpu.memory_space<vmem>> -> memref<1x224xi32, #tpu.memory_space<vmem>>
      %dma_start3A_235 = tpu.memref_squeeze %dma_start3A_234 : memref<1x224xi32, #tpu.memory_space<vmem>> -> memref<224xi32, #tpu.memory_space<vmem>>
      %dma_start3A_236 = arith.constant 0 : i32
      %dma_start3A_237 = arith.constant 0 : i32
      %dma_start3A_238 = tpu.memref_slice %arg10[%dma_start3A_236, %dma_start3A_237] : memref<10016x64xf32, #tpu.memory_space<vmem_shared>> -> memref<10016x64xf32, #tpu.memory_space<vmem_shared>>
      tpu.enqueue_indirect_dma source(%arg8 : memref<224x64xf32, #tpu.memory_space<vmem>>) target(%dma_start3A_238 : memref<10016x64xf32, #tpu.memory_space<vmem_shared>>) offsets(%dma_start3A_235 : memref<224xi32, #tpu.memory_space<vmem>>) semaphore(%arg14 : memref<!tpu.dma_semaphore, #tpu.memory_space<semaphore_mem>>) {add = true}
      %gt3A = arith.constant 0 : i32
      %gt3A_239 = arith.cmpi sgt, %add3A_224, %gt3A : i32
      %convert_element_type3A_240 = arith.extui %gt3A_239 : i1 to i32
      %cond3A_241 = arith.constant 0 : i32
      %cond3A_242 = arith.cmpi ne, %convert_element_type3A_240, %cond3A_241 : i32
      scf.if %cond3A_242 {
        %sub3A = arith.constant 1 : i32
        %sub3A_272 = arith.subi %mul3A_226, %sub3A : i32
        %dma_wait3A_273 = arith.constant 0 : i32
        %dma_wait3A_274 = tpu.memref_slice %arg7[%sub3A_272, %dma_wait3A_273] : memref<46x224xi32, #tpu.memory_space<vmem>> -> memref<1x224xi32, #tpu.memory_space<vmem>>
        %dma_wait3A_275 = tpu.memref_squeeze %dma_wait3A_274 : memref<1x224xi32, #tpu.memory_space<vmem>> -> memref<224xi32, #tpu.memory_space<vmem>>
        %dma_wait3A_276 = arith.constant 0 : i32
        %dma_wait3A_277 = arith.constant 0 : i32
        %dma_wait3A_278 = tpu.memref_slice %arg10[%dma_wait3A_276, %dma_wait3A_277] : memref<10016x64xf32, #tpu.memory_space<vmem_shared>> -> memref<10016x64xf32, #tpu.memory_space<vmem_shared>>
        tpu.wait_indirect_dma semaphore(%arg15 : memref<!tpu.dma_semaphore, #tpu.memory_space<semaphore_mem>>) src(%arg9 : memref<224x64xf32, #tpu.memory_space<vmem>>) dst(%dma_wait3A_278 : memref<10016x64xf32, #tpu.memory_space<vmem_shared>>)
      } else {
      }
      %add3A_243 = arith.constant 1 : i32
      %add3A_244 = arith.addi %mul3A_226, %add3A_243 : i32
      %dma_start3A_245 = arith.constant 0 : i32
      %dma_start3A_246 = tpu.memref_slice %arg6[%add3A_244, %dma_start3A_245] : memref<46x224xi32, #tpu.memory_space<vmem>> -> memref<1x224xi32, #tpu.memory_space<vmem>>
      %dma_start3A_247 = tpu.memref_squeeze %dma_start3A_246 : memref<1x224xi32, #tpu.memory_space<vmem>> -> memref<224xi32, #tpu.memory_space<vmem>>
      %dma_start3A_248 = arith.constant 0 : i32
      %dma_start3A_249 = arith.constant 0 : i32
      %dma_start3A_250 = tpu.memref_slice %arg11[%dma_start3A_248, %dma_start3A_249] : memref<10000x64xf32, #tpu.memory_space<vmem_shared>> -> memref<10000x64xf32, #tpu.memory_space<vmem_shared>>
      tpu.enqueue_indirect_dma source(%dma_start3A_250 : memref<10000x64xf32, #tpu.memory_space<vmem_shared>>) target(%arg9 : memref<224x64xf32, #tpu.memory_space<vmem>>) offsets(%dma_start3A_247 : memref<224xi32, #tpu.memory_space<vmem>>) semaphore(%arg13 : memref<!tpu.dma_semaphore, #tpu.memory_space<semaphore_mem>>)
      %add3A_251 = arith.constant 1 : i32
      %add3A_252 = arith.addi %mul3A_226, %add3A_251 : i32
      %dma_wait3A_253 = arith.constant 0 : i32
      %dma_wait3A_254 = tpu.memref_slice %arg6[%add3A_252, %dma_wait3A_253] : memref<46x224xi32, #tpu.memory_space<vmem>> -> memref<1x224xi32, #tpu.memory_space<vmem>>
      %dma_wait3A_255 = tpu.memref_squeeze %dma_wait3A_254 : memref<1x224xi32, #tpu.memory_space<vmem>> -> memref<224xi32, #tpu.memory_space<vmem>>
      %dma_wait3A_256 = arith.constant 0 : i32
      %dma_wait3A_257 = arith.constant 0 : i32
      %dma_wait3A_258 = tpu.memref_slice %arg11[%dma_wait3A_256, %dma_wait3A_257] : memref<10000x64xf32, #tpu.memory_space<vmem_shared>> -> memref<10000x64xf32, #tpu.memory_space<vmem_shared>>
      tpu.wait_indirect_dma semaphore(%arg13 : memref<!tpu.dma_semaphore, #tpu.memory_space<semaphore_mem>>) src(%dma_wait3A_258 : memref<10000x64xf32, #tpu.memory_space<vmem_shared>>) dst(%arg9 : memref<224x64xf32, #tpu.memory_space<vmem>>)
      %add3A_259 = arith.constant 1 : i32
      %add3A_260 = arith.addi %mul3A_226, %add3A_259 : i32
      %dma_start3A_261 = arith.constant 0 : i32
      %dma_start3A_262 = tpu.memref_slice %arg7[%add3A_260, %dma_start3A_261] : memref<46x224xi32, #tpu.memory_space<vmem>> -> memref<1x224xi32, #tpu.memory_space<vmem>>
      %dma_start3A_263 = tpu.memref_squeeze %dma_start3A_262 : memref<1x224xi32, #tpu.memory_space<vmem>> -> memref<224xi32, #tpu.memory_space<vmem>>
      %dma_start3A_264 = arith.constant 0 : i32
      %dma_start3A_265 = arith.constant 0 : i32
      %dma_start3A_266 = tpu.memref_slice %arg10[%dma_start3A_264, %dma_start3A_265] : memref<10016x64xf32, #tpu.memory_space<vmem_shared>> -> memref<10016x64xf32, #tpu.memory_space<vmem_shared>>
      tpu.enqueue_indirect_dma source(%arg9 : memref<224x64xf32, #tpu.memory_space<vmem>>) target(%dma_start3A_266 : memref<10016x64xf32, #tpu.memory_space<vmem_shared>>) offsets(%dma_start3A_263 : memref<224xi32, #tpu.memory_space<vmem>>) semaphore(%arg15 : memref<!tpu.dma_semaphore, #tpu.memory_space<semaphore_mem>>) {add = true}
      %lt3A_267 = arith.constant 22 : i32
      %lt3A_268 = arith.cmpi slt, %add3A_224, %lt3A_267 : i32
      %convert_element_type3A_269 = arith.extui %lt3A_268 : i1 to i32
      %cond3A_270 = arith.constant 0 : i32
      %cond3A_271 = arith.cmpi ne, %convert_element_type3A_269, %cond3A_270 : i32
      scf.if %cond3A_271 {
        %dma_wait3A_272 = arith.constant 0 : i32
        %dma_wait3A_273 = tpu.memref_slice %arg7[%mul3A_226, %dma_wait3A_272] : memref<46x224xi32, #tpu.memory_space<vmem>> -> memref<1x224xi32, #tpu.memory_space<vmem>>
        %dma_wait3A_274 = tpu.memref_squeeze %dma_wait3A_273 : memref<1x224xi32, #tpu.memory_space<vmem>> -> memref<224xi32, #tpu.memory_space<vmem>>
        %dma_wait3A_275 = arith.constant 0 : i32
        %dma_wait3A_276 = arith.constant 0 : i32
        %dma_wait3A_277 = tpu.memref_slice %arg10[%dma_wait3A_275, %dma_wait3A_276] : memref<10016x64xf32, #tpu.memory_space<vmem_shared>> -> memref<10016x64xf32, #tpu.memory_space<vmem_shared>>
        tpu.wait_indirect_dma semaphore(%arg14 : memref<!tpu.dma_semaphore, #tpu.memory_space<semaphore_mem>>) src(%arg8 : memref<224x64xf32, #tpu.memory_space<vmem>>) dst(%dma_wait3A_277 : memref<10016x64xf32, #tpu.memory_space<vmem_shared>>)
        %add3A_278 = arith.constant 2 : i32
        %add3A_279 = arith.addi %mul3A_226, %add3A_278 : i32
        %dma_start3A_280 = arith.constant 0 : i32
        %dma_start3A_281 = tpu.memref_slice %arg6[%add3A_279, %dma_start3A_280] : memref<46x224xi32, #tpu.memory_space<vmem>> -> memref<1x224xi32, #tpu.memory_space<vmem>>
        %dma_start3A_282 = tpu.memref_squeeze %dma_start3A_281 : memref<1x224xi32, #tpu.memory_space<vmem>> -> memref<224xi32, #tpu.memory_space<vmem>>
        %dma_start3A_283 = arith.constant 0 : i32
        %dma_start3A_284 = arith.constant 0 : i32
        %dma_start3A_285 = tpu.memref_slice %arg11[%dma_start3A_283, %dma_start3A_284] : memref<10000x64xf32, #tpu.memory_space<vmem_shared>> -> memref<10000x64xf32, #tpu.memory_space<vmem_shared>>
        tpu.enqueue_indirect_dma source(%dma_start3A_285 : memref<10000x64xf32, #tpu.memory_space<vmem_shared>>) target(%arg8 : memref<224x64xf32, #tpu.memory_space<vmem>>) offsets(%dma_start3A_282 : memref<224xi32, #tpu.memory_space<vmem>>) semaphore(%arg12 : memref<!tpu.dma_semaphore, #tpu.memory_space<semaphore_mem>>)
      } else {
      }
    }
    %scan3A_194 = arith.constant 23 : i32
    %dma_wait3A_195 = arith.constant 44 : i32
    %dma_wait3A_196 = arith.constant 0 : i32
    %dma_wait3A_197 = tpu.memref_slice %arg7[%dma_wait3A_195, %dma_wait3A_196] : memref<46x224xi32, #tpu.memory_space<vmem>> -> memref<1x224xi32, #tpu.memory_space<vmem>>
    %dma_wait3A_198 = tpu.memref_squeeze %dma_wait3A_197 : memref<1x224xi32, #tpu.memory_space<vmem>> -> memref<224xi32, #tpu.memory_space<vmem>>
    %dma_wait3A_199 = arith.constant 0 : i32
    %dma_wait3A_200 = arith.constant 0 : i32
    %dma_wait3A_201 = tpu.memref_slice %arg10[%dma_wait3A_199, %dma_wait3A_200] : memref<10016x64xf32, #tpu.memory_space<vmem_shared>> -> memref<10016x64xf32, #tpu.memory_space<vmem_shared>>
    tpu.wait_indirect_dma semaphore(%arg14 : memref<!tpu.dma_semaphore, #tpu.memory_space<semaphore_mem>>) src(%arg8 : memref<224x64xf32, #tpu.memory_space<vmem>>) dst(%dma_wait3A_201 : memref<10016x64xf32, #tpu.memory_space<vmem_shared>>)
    %dma_wait3A_202 = arith.constant 45 : i32
    %dma_wait3A_203 = arith.constant 0 : i32
    %dma_wait3A_204 = tpu.memref_slice %arg7[%dma_wait3A_202, %dma_wait3A_203] : memref<46x224xi32, #tpu.memory_space<vmem>> -> memref<1x224xi32, #tpu.memory_space<vmem>>
    %dma_wait3A_205 = tpu.memref_squeeze %dma_wait3A_204 : memref<1x224xi32, #tpu.memory_space<vmem>> -> memref<224xi32, #tpu.memory_space<vmem>>
    %dma_wait3A_206 = arith.constant 0 : i32
    %dma_wait3A_207 = arith.constant 0 : i32
    %dma_wait3A_208 = tpu.memref_slice %arg10[%dma_wait3A_206, %dma_wait3A_207] : memref<10016x64xf32, #tpu.memory_space<vmem_shared>> -> memref<10016x64xf32, #tpu.memory_space<vmem_shared>>
    tpu.wait_indirect_dma semaphore(%arg15 : memref<!tpu.dma_semaphore, #tpu.memory_space<semaphore_mem>>) src(%arg9 : memref<224x64xf32, #tpu.memory_space<vmem>>) dst(%dma_wait3A_208 : memref<10016x64xf32, #tpu.memory_space<vmem_shared>>)
    %barrier3A_209 = arith.constant 0 : index
    tpu.barrier barrier_id(%barrier3A_209)
    %lt3A_210 = arith.constant 15 : i32
    %lt3A_211 = arith.cmpi slt, %arg1, %lt3A_210 : i32
    %convert_element_type3A_212 = arith.extui %lt3A_211 : i1 to i32
    %cond3A_213 = arith.constant 0 : i32
    %cond3A_214 = arith.cmpi ne, %convert_element_type3A_212, %cond3A_213 : i32
    scf.if %cond3A_214 {
      %mul3A_220 = arith.constant 624 : i32
      %mul3A_221 = arith.muli %arg1, %mul3A_220 : i32
      %mul3A_222 = arith.constant 624 : i32
      %mul3A_223 = arith.muli %arg1, %mul3A_222 : i32
      "tpu.region"() ({
        %run_scoped3A = tpu.sem_alloc : memref<!tpu.dma_semaphore, #tpu.memory_space<semaphore_mem>>
        %dma_start3A_224 = arith.constant 0 : i32
        %dma_start3A_225 = arith.constant 0 : i32
        %dma_start3A_226 = tpu.memref_slice %arg5[%arg0, %dma_start3A_224, %dma_start3A_225] : memref<2x10000x64xf32, #tpu.memory_space<hbm>> -> memref<1x10000x64xf32, #tpu.memory_space<hbm>>
        %dma_start3A_227 = tpu.memref_squeeze %dma_start3A_226 : memref<1x10000x64xf32, #tpu.memory_space<hbm>> -> memref<10000x64xf32, #tpu.memory_space<hbm>>
        %dma_start3A_228 = arith.constant 0 : i32
        %dma_start3A_229 = tpu.memref_slice %dma_start3A_227[%mul3A_223, %dma_start3A_228] : memref<10000x64xf32, #tpu.memory_space<hbm>> -> memref<624x64xf32, #tpu.memory_space<hbm>>
        %dma_start3A_230 = arith.constant 0 : i32
        %dma_start3A_231 = tpu.memref_slice %arg10[%mul3A_221, %dma_start3A_230] : memref<10016x64xf32, #tpu.memory_space<vmem_shared>> -> memref<624x64xf32, #tpu.memory_space<vmem_shared>>
        tpu.enqueue_dma source(%dma_start3A_231 : memref<624x64xf32, #tpu.memory_space<vmem_shared>>) target(%dma_start3A_229 : memref<624x64xf32, #tpu.memory_space<hbm>>) target_semaphore(%run_scoped3A : memref<!tpu.dma_semaphore, #tpu.memory_space<semaphore_mem>>)
        %dma_wait3A_232 = arith.constant 0 : i32
        %dma_wait3A_233 = arith.constant 0 : i32
        %dma_wait3A_234 = tpu.memref_slice %arg5[%arg0, %dma_wait3A_232, %dma_wait3A_233] : memref<2x10000x64xf32, #tpu.memory_space<hbm>> -> memref<1x10000x64xf32, #tpu.memory_space<hbm>>
        %dma_wait3A_235 = tpu.memref_squeeze %dma_wait3A_234 : memref<1x10000x64xf32, #tpu.memory_space<hbm>> -> memref<10000x64xf32, #tpu.memory_space<hbm>>
        %dma_wait3A_236 = arith.constant 0 : i32
        %dma_wait3A_237 = tpu.memref_slice %dma_wait3A_235[%mul3A_223, %dma_wait3A_236] : memref<10000x64xf32, #tpu.memory_space<hbm>> -> memref<624x64xf32, #tpu.memory_space<hbm>>
        %dma_wait3A_238 = arith.constant 0 : i32
        %dma_wait3A_239 = tpu.memref_slice %arg10[%mul3A_221, %dma_wait3A_238] : memref<10016x64xf32, #tpu.memory_space<vmem_shared>> -> memref<624x64xf32, #tpu.memory_space<vmem_shared>>
        tpu.wait_dma2 semaphore(%run_scoped3A : memref<!tpu.dma_semaphore, #tpu.memory_space<semaphore_mem>>) src(%dma_wait3A_239 : memref<624x64xf32, #tpu.memory_space<vmem_shared>>) dst(%dma_wait3A_237 : memref<624x64xf32, #tpu.memory_space<hbm>>)
        tpu.yield
      }) : () -> ()
    } else {
    }
    %eq3A_215 = arith.constant 15 : i32
    %eq3A_216 = arith.cmpi eq, %arg1, %eq3A_215 : i32
    %convert_element_type3A_217 = arith.extui %eq3A_216 : i1 to i32
    %cond3A_218 = arith.constant 0 : i32
    %cond3A_219 = arith.cmpi ne, %convert_element_type3A_217, %cond3A_218 : i32
    scf.if %cond3A_219 {
      "tpu.region"() ({
        %run_scoped3A = tpu.sem_alloc : memref<!tpu.dma_semaphore, #tpu.memory_space<semaphore_mem>>
        %dma_start3A_220 = arith.constant 0 : i32
        %dma_start3A_221 = arith.constant 0 : i32
        %dma_start3A_222 = tpu.memref_slice %arg5[%arg0, %dma_start3A_220, %dma_start3A_221] : memref<2x10000x64xf32, #tpu.memory_space<hbm>> -> memref<1x10000x64xf32, #tpu.memory_space<hbm>>
        %dma_start3A_223 = tpu.memref_squeeze %dma_start3A_222 : memref<1x10000x64xf32, #tpu.memory_space<hbm>> -> memref<10000x64xf32, #tpu.memory_space<hbm>>
        %dma_start3A_224 = arith.constant 9360 : i32
        %dma_start3A_225 = arith.constant 0 : i32
        %dma_start3A_226 = tpu.memref_slice %dma_start3A_223[%dma_start3A_224, %dma_start3A_225] : memref<10000x64xf32, #tpu.memory_space<hbm>> -> memref<640x64xf32, #tpu.memory_space<hbm>>
        %dma_start3A_227 = arith.constant 9360 : i32
        %dma_start3A_228 = arith.constant 0 : i32
        %dma_start3A_229 = tpu.memref_slice %arg10[%dma_start3A_227, %dma_start3A_228] : memref<10016x64xf32, #tpu.memory_space<vmem_shared>> -> memref<640x64xf32, #tpu.memory_space<vmem_shared>>
        tpu.enqueue_dma source(%dma_start3A_229 : memref<640x64xf32, #tpu.memory_space<vmem_shared>>) target(%dma_start3A_226 : memref<640x64xf32, #tpu.memory_space<hbm>>) target_semaphore(%run_scoped3A : memref<!tpu.dma_semaphore, #tpu.memory_space<semaphore_mem>>)
        %dma_wait3A_230 = arith.constant 0 : i32
        %dma_wait3A_231 = arith.constant 0 : i32
        %dma_wait3A_232 = tpu.memref_slice %arg5[%arg0, %dma_wait3A_230, %dma_wait3A_231] : memref<2x10000x64xf32, #tpu.memory_space<hbm>> -> memref<1x10000x64xf32, #tpu.memory_space<hbm>>
        %dma_wait3A_233 = tpu.memref_squeeze %dma_wait3A_232 : memref<1x10000x64xf32, #tpu.memory_space<hbm>> -> memref<10000x64xf32, #tpu.memory_space<hbm>>
        %dma_wait3A_234 = arith.constant 9360 : i32
        %dma_wait3A_235 = arith.constant 0 : i32
        %dma_wait3A_236 = tpu.memref_slice %dma_wait3A_233[%dma_wait3A_234, %dma_wait3A_235] : memref<10000x64xf32, #tpu.memory_space<hbm>> -> memref<640x64xf32, #tpu.memory_space<hbm>>
        %dma_wait3A_237 = arith.constant 9360 : i32
        %dma_wait3A_238 = arith.constant 0 : i32
        %dma_wait3A_239 = tpu.memref_slice %arg10[%dma_wait3A_237, %dma_wait3A_238] : memref<10016x64xf32, #tpu.memory_space<vmem_shared>> -> memref<640x64xf32, #tpu.memory_space<vmem_shared>>
        tpu.wait_dma2 semaphore(%run_scoped3A : memref<!tpu.dma_semaphore, #tpu.memory_space<semaphore_mem>>) src(%dma_wait3A_239 : memref<640x64xf32, #tpu.memory_space<vmem_shared>>) dst(%dma_wait3A_236 : memref<640x64xf32, #tpu.memory_space<hbm>>)
        tpu.yield
      }) : () -> ()
    } else {
    }
    return
  }
}

#map = affine_map<(d0, d1) -> (0, 0, 0)>
module attributes {stable_mosaic.version = 14 : i64} {
  func.func @spmm(%arg0: i32, %arg1: i32, %arg2: memref<2x10000x64xf32, #tpu.memory_space<hbm>>, %arg3: memref<16x92x224xi32, #tpu.memory_space<hbm>>, %arg4: memref<16x92x224xi32, #tpu.memory_space<hbm>>, %arg5: memref<2x10000x64xf32, #tpu.memory_space<hbm>>, %arg6: memref<46x224xi32, #tpu.memory_space<vmem>>, %arg7: memref<46x224xi32, #tpu.memory_space<vmem>>, %arg8: memref<224x64xf32, #tpu.memory_space<vmem>>, %arg9: memref<224x64xf32, #tpu.memory_space<vmem>>, %arg10: memref<10016x64xf32, #tpu.memory_space<vmem_shared>>, %arg11: memref<10000x64xf32, #tpu.memory_space<vmem_shared>>, %arg12: memref<!tpu.dma_semaphore, #tpu.memory_space<semaphore_mem>>, %arg13: memref<!tpu.dma_semaphore, #tpu.memory_space<semaphore_mem>>, %arg14: memref<!tpu.dma_semaphore, #tpu.memory_space<semaphore_mem>>, %arg15: memref<!tpu.dma_semaphore, #tpu.memory_space<semaphore_mem>>) attributes {dimension_semantics = [#tpu.dimension_semantics<core_parallel>, #tpu.dimension_semantics<subcore_parallel>], iteration_bounds = array<i64: 2, 16>, scalar_prefetch = 0 : i64, scratch_operands = 10 : i64, tpu.core_type = #tpu.core_type<sc_vector_subcore>, window_params = [{transform_indices = #map}, {transform_indices = #map}, {transform_indices = #map}, {transform_indices = #map}]} {
    %broadcast_in_dim3A = arith.constant 0.000000e+00 : f32
    %broadcast_in_dim3A_0 = vector.broadcast %broadcast_in_dim3A : f32 to vector<16xf32>
    %scan3A = arith.constant 0 : i32
    %scan3A_1 = arith.constant 224 : i32
    %scan3A_2 = arith.addi %scan3A, %scan3A_1 : i32
    %scan3A_3 = arith.constant 1 : i32
    scf.for %scan3A_220 = %scan3A to %scan3A_2 step %scan3A_3  : i32 {
      %mul3A_221 = arith.constant 1 : i32
      %mul3A_222 = arith.muli %scan3A_220, %mul3A_221 : i32
      %add3A_223 = arith.constant 0 : i32
      %add3A_224 = arith.addi %add3A_223, %mul3A_222 : i32
      %swap3A = arith.index_cast %add3A_224 : i32 to index
      %swap3A_225 = arith.constant 0 : index
      %swap3A_226 = tpu.vector_load %arg8[%swap3A, %swap3A_225] {strides = array<i32>} : memref<224x64xf32, #tpu.memory_space<vmem>>, vector<1x16xf32>,
      %swap3A_227 = vector.shape_cast %swap3A_226 : vector<1x16xf32> to vector<16xf32>
      %swap3A_228 = vector.shape_cast %broadcast_in_dim3A_0 : vector<16xf32> to vector<1x16xf32>
      tpu.vector_store %arg8[%swap3A, %swap3A_225], %swap3A_228 {strides = array<i32>} : memref<224x64xf32, #tpu.memory_space<vmem>>, vector<1x16xf32>,
      %swap3A_229 = arith.index_cast %add3A_224 : i32 to index
      %swap3A_230 = arith.constant 16 : index
      %swap3A_231 = tpu.vector_load %arg8[%swap3A_229, %swap3A_230] {strides = array<i32>} : memref<224x64xf32, #tpu.memory_space<vmem>>, vector<1x16xf32>,
      %swap3A_232 = vector.shape_cast %swap3A_231 : vector<1x16xf32> to vector<16xf32>
      %swap3A_233 = vector.shape_cast %broadcast_in_dim3A_0 : vector<16xf32> to vector<1x16xf32>
      tpu.vector_store %arg8[%swap3A_229, %swap3A_230], %swap3A_233 {strides = array<i32>} : memref<224x64xf32, #tpu.memory_space<vmem>>, vector<1x16xf32>,
      %swap3A_234 = arith.index_cast %add3A_224 : i32 to index
      %swap3A_235 = arith.constant 32 : index
      %swap3A_236 = tpu.vector_load %arg8[%swap3A_234, %swap3A_235] {strides = array<i32>} : memref<224x64xf32, #tpu.memory_space<vmem>>, vector<1x16xf32>,
      %swap3A_237 = vector.shape_cast %swap3A_236 : vector<1x16xf32> to vector<16xf32>
      %swap3A_238 = vector.shape_cast %broadcast_in_dim3A_0 : vector<16xf32> to vector<1x16xf32>
      tpu.vector_store %arg8[%swap3A_234, %swap3A_235], %swap3A_238 {strides = array<i32>} : memref<224x64xf32, #tpu.memory_space<vmem>>, vector<1x16xf32>,
      %swap3A_239 = arith.index_cast %add3A_224 : i32 to index
      %swap3A_240 = arith.constant 48 : index
      %swap3A_241 = tpu.vector_load %arg8[%swap3A_239, %swap3A_240] {strides = array<i32>} : memref<224x64xf32, #tpu.memory_space<vmem>>, vector<1x16xf32>,
      %swap3A_242 = vector.shape_cast %swap3A_241 : vector<1x16xf32> to vector<16xf32>
      %swap3A_243 = vector.shape_cast %broadcast_in_dim3A_0 : vector<16xf32> to vector<1x16xf32>
      tpu.vector_store %arg8[%swap3A_239, %swap3A_240], %swap3A_243 {strides = array<i32>} : memref<224x64xf32, #tpu.memory_space<vmem>>, vector<1x16xf32>,
    }
    %scan3A_4 = arith.constant 224 : i32
    %mul3A = arith.constant 626 : i32
    %mul3A_5 = arith.muli %arg1, %mul3A : i32
    %add3A = arith.constant 0 : i32
    %add3A_6 = arith.addi %mul3A_5, %add3A : i32
    %dma_start3A = arith.constant 0 : i32
    %dma_start3A_7 = arith.constant 0 : i32
    %dma_start3A_8 = tpu.memref_slice %arg8[%dma_start3A, %dma_start3A_7] : memref<224x64xf32, #tpu.memory_space<vmem>> -> memref<224x64xf32, #tpu.memory_space<vmem>>
    %dma_start3A_9 = arith.constant 0 : i32
    %dma_start3A_10 = tpu.memref_slice %arg10[%add3A_6, %dma_start3A_9] : memref<10016x64xf32, #tpu.memory_space<vmem_shared>> -> memref<224x64xf32, #tpu.memory_space<vmem_shared>>
    %dma_start3A_11 = arith.constant 0 : i32
    %dma_start3A_12 = tpu.memref_slice %arg10[%add3A_6, %dma_start3A_11] : memref<10016x64xf32, #tpu.memory_space<vmem_shared>> -> memref<224x64xf32, #tpu.memory_space<vmem_shared>>
    %dma_start3A_13 = arith.constant 0 : i32
    %dma_start3A_14 = arith.constant 0 : i32
    %dma_start3A_15 = tpu.memref_slice %arg8[%dma_start3A_13, %dma_start3A_14] : memref<224x64xf32, #tpu.memory_space<vmem>> -> memref<224x64xf32, #tpu.memory_space<vmem>>
    tpu.enqueue_dma source(%dma_start3A_15 : memref<224x64xf32, #tpu.memory_space<vmem>>) target(%dma_start3A_12 : memref<224x64xf32, #tpu.memory_space<vmem_shared>>) target_semaphore(%arg14 : memref<!tpu.dma_semaphore, #tpu.memory_space<semaphore_mem>>)
    %mul3A_16 = arith.constant 626 : i32
    %mul3A_17 = arith.muli %arg1, %mul3A_16 : i32
    %add3A_18 = arith.constant 224 : i32
    %add3A_19 = arith.addi %mul3A_17, %add3A_18 : i32
    %dma_start3A_20 = arith.constant 0 : i32
    %dma_start3A_21 = arith.constant 0 : i32
    %dma_start3A_22 = tpu.memref_slice %arg8[%dma_start3A_20, %dma_start3A_21] : memref<224x64xf32, #tpu.memory_space<vmem>> -> memref<224x64xf32, #tpu.memory_space<vmem>>
    %dma_start3A_23 = arith.constant 0 : i32
    %dma_start3A_24 = tpu.memref_slice %arg10[%add3A_19, %dma_start3A_23] : memref<10016x64xf32, #tpu.memory_space<vmem_shared>> -> memref<224x64xf32, #tpu.memory_space<vmem_shared>>
    %dma_start3A_25 = arith.constant 0 : i32
    %dma_start3A_26 = tpu.memref_slice %arg10[%add3A_19, %dma_start3A_25] : memref<10016x64xf32, #tpu.memory_space<vmem_shared>> -> memref<224x64xf32, #tpu.memory_space<vmem_shared>>
    %dma_start3A_27 = arith.constant 0 : i32
    %dma_start3A_28 = arith.constant 0 : i32
    %dma_start3A_29 = tpu.memref_slice %arg8[%dma_start3A_27, %dma_start3A_28] : memref<224x64xf32, #tpu.memory_space<vmem>> -> memref<224x64xf32, #tpu.memory_space<vmem>>
    tpu.enqueue_dma source(%dma_start3A_29 : memref<224x64xf32, #tpu.memory_space<vmem>>) target(%dma_start3A_26 : memref<224x64xf32, #tpu.memory_space<vmem_shared>>) target_semaphore(%arg14 : memref<!tpu.dma_semaphore, #tpu.memory_space<semaphore_mem>>)
    %mul3A_30 = arith.constant 626 : i32
    %mul3A_31 = arith.muli %arg1, %mul3A_30 : i32
    %add3A_32 = arith.constant 448 : i32
    %add3A_33 = arith.addi %mul3A_31, %add3A_32 : i32
    %dma_start3A_34 = arith.constant 0 : i32
    %dma_start3A_35 = arith.constant 0 : i32
    %dma_start3A_36 = tpu.memref_slice %arg8[%dma_start3A_34, %dma_start3A_35] : memref<224x64xf32, #tpu.memory_space<vmem>> -> memref<178x64xf32, #tpu.memory_space<vmem>>
    %dma_start3A_37 = arith.constant 0 : i32
    %dma_start3A_38 = tpu.memref_slice %arg10[%add3A_33, %dma_start3A_37] : memref<10016x64xf32, #tpu.memory_space<vmem_shared>> -> memref<178x64xf32, #tpu.memory_space<vmem_shared>>
    %dma_start3A_39 = arith.constant 0 : i32
    %dma_start3A_40 = tpu.memref_slice %arg10[%add3A_33, %dma_start3A_39] : memref<10016x64xf32, #tpu.memory_space<vmem_shared>> -> memref<178x64xf32, #tpu.memory_space<vmem_shared>>
    %dma_start3A_41 = arith.constant 0 : i32
    %dma_start3A_42 = arith.constant 0 : i32
    %dma_start3A_43 = tpu.memref_slice %arg8[%dma_start3A_41, %dma_start3A_42] : memref<224x64xf32, #tpu.memory_space<vmem>> -> memref<178x64xf32, #tpu.memory_space<vmem>>
    tpu.enqueue_dma source(%dma_start3A_43 : memref<178x64xf32, #tpu.memory_space<vmem>>) target(%dma_start3A_40 : memref<178x64xf32, #tpu.memory_space<vmem_shared>>) target_semaphore(%arg14 : memref<!tpu.dma_semaphore, #tpu.memory_space<semaphore_mem>>)
    %lt3A = arith.constant 15 : i32
    %lt3A_44 = arith.cmpi slt, %arg1, %lt3A : i32
    %convert_element_type3A = arith.extui %lt3A_44 : i1 to i32
    %cond3A = arith.constant 0 : i32
    %cond3A_45 = arith.cmpi ne, %convert_element_type3A, %cond3A : i32
    scf.if %cond3A_45 {
      %mul3A_220 = arith.constant 624 : i32
      %mul3A_221 = arith.muli %arg1, %mul3A_220 : i32
      %mul3A_222 = arith.constant 624 : i32
      %mul3A_223 = arith.muli %arg1, %mul3A_222 : i32
      %dma_start3A_224 = arith.constant 0 : i32
      %dma_start3A_225 = tpu.memref_slice %arg11[%mul3A_223, %dma_start3A_224] : memref<10000x64xf32, #tpu.memory_space<vmem_shared>> -> memref<624x64xf32, #tpu.memory_space<vmem_shared>>
      %dma_start3A_226 = arith.constant 0 : i32
      %dma_start3A_227 = arith.constant 0 : i32
      %dma_start3A_228 = tpu.memref_slice %arg2[%arg0, %dma_start3A_226, %dma_start3A_227] : memref<2x10000x64xf32, #tpu.memory_space<hbm>> -> memref<1x10000x64xf32, #tpu.memory_space<hbm>>
      %dma_start3A_229 = tpu.memref_squeeze %dma_start3A_228 : memref<1x10000x64xf32, #tpu.memory_space<hbm>> -> memref<10000x64xf32, #tpu.memory_space<hbm>>
      %dma_start3A_230 = arith.constant 0 : i32
      %dma_start3A_231 = tpu.memref_slice %dma_start3A_229[%mul3A_221, %dma_start3A_230] : memref<10000x64xf32, #tpu.memory_space<hbm>> -> memref<624x64xf32, #tpu.memory_space<hbm>>
      tpu.enqueue_dma source(%dma_start3A_231 : memref<624x64xf32, #tpu.memory_space<hbm>>) target(%dma_start3A_225 : memref<624x64xf32, #tpu.memory_space<vmem_shared>>) target_semaphore(%arg15 : memref<!tpu.dma_semaphore, #tpu.memory_space<semaphore_mem>>)
    } else {
    }
    %eq3A = arith.constant 15 : i32
    %eq3A_46 = arith.cmpi eq, %arg1, %eq3A : i32
    %convert_element_type3A_47 = arith.extui %eq3A_46 : i1 to i32
    %cond3A_48 = arith.constant 0 : i32
    %cond3A_49 = arith.cmpi ne, %convert_element_type3A_47, %cond3A_48 : i32
    scf.if %cond3A_49 {
      %dma_start3A_220 = arith.constant 9360 : i32
      %dma_start3A_221 = arith.constant 0 : i32
      %dma_start3A_222 = tpu.memref_slice %arg11[%dma_start3A_220, %dma_start3A_221] : memref<10000x64xf32, #tpu.memory_space<vmem_shared>> -> memref<640x64xf32, #tpu.memory_space<vmem_shared>>
      %dma_start3A_223 = arith.constant 0 : i32
      %dma_start3A_224 = arith.constant 0 : i32
      %dma_start3A_225 = tpu.memref_slice %arg2[%arg0, %dma_start3A_223, %dma_start3A_224] : memref<2x10000x64xf32, #tpu.memory_space<hbm>> -> memref<1x10000x64xf32, #tpu.memory_space<hbm>>
      %dma_start3A_226 = tpu.memref_squeeze %dma_start3A_225 : memref<1x10000x64xf32, #tpu.memory_space<hbm>> -> memref<10000x64xf32, #tpu.memory_space<hbm>>
      %dma_start3A_227 = arith.constant 9360 : i32
      %dma_start3A_228 = arith.constant 0 : i32
      %dma_start3A_229 = tpu.memref_slice %dma_start3A_226[%dma_start3A_227, %dma_start3A_228] : memref<10000x64xf32, #tpu.memory_space<hbm>> -> memref<640x64xf32, #tpu.memory_space<hbm>>
      tpu.enqueue_dma source(%dma_start3A_229 : memref<640x64xf32, #tpu.memory_space<hbm>>) target(%dma_start3A_222 : memref<640x64xf32, #tpu.memory_space<vmem_shared>>) target_semaphore(%arg15 : memref<!tpu.dma_semaphore, #tpu.memory_space<semaphore_mem>>)
    } else {
    }
    %dma_start3A_50 = arith.constant 0 : i32
    %dma_start3A_51 = arith.constant 0 : i32
    %dma_start3A_52 = tpu.memref_slice %arg3[%arg1, %dma_start3A_50, %dma_start3A_51] : memref<16x92x224xi32, #tpu.memory_space<hbm>> -> memref<1x92x224xi32, #tpu.memory_space<hbm>>
    %dma_start3A_53 = tpu.memref_squeeze %dma_start3A_52 : memref<1x92x224xi32, #tpu.memory_space<hbm>> -> memref<92x224xi32, #tpu.memory_space<hbm>>
    %dma_start3A_54 = arith.constant 0 : i32
    %dma_start3A_55 = arith.constant 0 : i32
    %dma_start3A_56 = tpu.memref_slice %dma_start3A_53[%dma_start3A_54, %dma_start3A_55] : memref<92x224xi32, #tpu.memory_space<hbm>> -> memref<46x224xi32, #tpu.memory_space<hbm>>
    %dma_start3A_57 = arith.constant 0 : i32
    %dma_start3A_58 = arith.constant 0 : i32
    %dma_start3A_59 = tpu.memref_slice %arg3[%arg1, %dma_start3A_57, %dma_start3A_58] : memref<16x92x224xi32, #tpu.memory_space<hbm>> -> memref<1x92x224xi32, #tpu.memory_space<hbm>>
    %dma_start3A_60 = tpu.memref_squeeze %dma_start3A_59 : memref<1x92x224xi32, #tpu.memory_space<hbm>> -> memref<92x224xi32, #tpu.memory_space<hbm>>
    %dma_start3A_61 = arith.constant 0 : i32
    %dma_start3A_62 = arith.constant 0 : i32
    %dma_start3A_63 = tpu.memref_slice %dma_start3A_60[%dma_start3A_61, %dma_start3A_62] : memref<92x224xi32, #tpu.memory_space<hbm>> -> memref<46x224xi32, #tpu.memory_space<hbm>>
    tpu.enqueue_dma source(%dma_start3A_63 : memref<46x224xi32, #tpu.memory_space<hbm>>) target(%arg6 : memref<46x224xi32, #tpu.memory_space<vmem>>) target_semaphore(%arg12 : memref<!tpu.dma_semaphore, #tpu.memory_space<semaphore_mem>>)
    %dma_start3A_64 = arith.constant 0 : i32
    %dma_start3A_65 = arith.constant 0 : i32
    %dma_start3A_66 = tpu.memref_slice %arg4[%arg1, %dma_start3A_64, %dma_start3A_65] : memref<16x92x224xi32, #tpu.memory_space<hbm>> -> memref<1x92x224xi32, #tpu.memory_space<hbm>>
    %dma_start3A_67 = tpu.memref_squeeze %dma_start3A_66 : memref<1x92x224xi32, #tpu.memory_space<hbm>> -> memref<92x224xi32, #tpu.memory_space<hbm>>
    %dma_start3A_68 = arith.constant 0 : i32
    %dma_start3A_69 = arith.constant 0 : i32
    %dma_start3A_70 = tpu.memref_slice %dma_start3A_67[%dma_start3A_68, %dma_start3A_69] : memref<92x224xi32, #tpu.memory_space<hbm>> -> memref<46x224xi32, #tpu.memory_space<hbm>>
    %dma_start3A_71 = arith.constant 0 : i32
    %dma_start3A_72 = arith.constant 0 : i32
    %dma_start3A_73 = tpu.memref_slice %arg4[%arg1, %dma_start3A_71, %dma_start3A_72] : memref<16x92x224xi32, #tpu.memory_space<hbm>> -> memref<1x92x224xi32, #tpu.memory_space<hbm>>
    %dma_start3A_74 = tpu.memref_squeeze %dma_start3A_73 : memref<1x92x224xi32, #tpu.memory_space<hbm>> -> memref<92x224xi32, #tpu.memory_space<hbm>>
    %dma_start3A_75 = arith.constant 0 : i32
    %dma_start3A_76 = arith.constant 0 : i32
    %dma_start3A_77 = tpu.memref_slice %dma_start3A_74[%dma_start3A_75, %dma_start3A_76] : memref<92x224xi32, #tpu.memory_space<hbm>> -> memref<46x224xi32, #tpu.memory_space<hbm>>
    tpu.enqueue_dma source(%dma_start3A_77 : memref<46x224xi32, #tpu.memory_space<hbm>>) target(%arg7 : memref<46x224xi32, #tpu.memory_space<vmem>>) target_semaphore(%arg13 : memref<!tpu.dma_semaphore, #tpu.memory_space<semaphore_mem>>)
    %mul3A_78 = arith.constant 626 : i32
    %mul3A_79 = arith.muli %arg1, %mul3A_78 : i32
    %add3A_80 = arith.constant 0 : i32
    %add3A_81 = arith.addi %mul3A_79, %add3A_80 : i32
    %dma_wait3A = arith.constant 0 : i32
    %dma_wait3A_82 = arith.constant 0 : i32
    %dma_wait3A_83 = tpu.memref_slice %arg8[%dma_wait3A, %dma_wait3A_82] : memref<224x64xf32, #tpu.memory_space<vmem>> -> memref<224x64xf32, #tpu.memory_space<vmem>>
    %dma_wait3A_84 = arith.constant 0 : i32
    %dma_wait3A_85 = tpu.memref_slice %arg10[%add3A_81, %dma_wait3A_84] : memref<10016x64xf32, #tpu.memory_space<vmem_shared>> -> memref<224x64xf32, #tpu.memory_space<vmem_shared>>
    %dma_wait3A_86 = arith.constant 0 : i32
    %dma_wait3A_87 = tpu.memref_slice %arg10[%add3A_81, %dma_wait3A_86] : memref<10016x64xf32, #tpu.memory_space<vmem_shared>> -> memref<224x64xf32, #tpu.memory_space<vmem_shared>>
    %dma_wait3A_88 = arith.constant 0 : i32
    %dma_wait3A_89 = arith.constant 0 : i32
    %dma_wait3A_90 = tpu.memref_slice %arg8[%dma_wait3A_88, %dma_wait3A_89] : memref<224x64xf32, #tpu.memory_space<vmem>> -> memref<224x64xf32, #tpu.memory_space<vmem>>
    tpu.wait_dma2 semaphore(%arg14 : memref<!tpu.dma_semaphore, #tpu.memory_space<semaphore_mem>>) src(%dma_wait3A_90 : memref<224x64xf32, #tpu.memory_space<vmem>>) dst(%dma_wait3A_87 : memref<224x64xf32, #tpu.memory_space<vmem_shared>>)
    %mul3A_91 = arith.constant 626 : i32
    %mul3A_92 = arith.muli %arg1, %mul3A_91 : i32
    %add3A_93 = arith.constant 224 : i32
    %add3A_94 = arith.addi %mul3A_92, %add3A_93 : i32
    %dma_wait3A_95 = arith.constant 0 : i32
    %dma_wait3A_96 = arith.constant 0 : i32
    %dma_wait3A_97 = tpu.memref_slice %arg8[%dma_wait3A_95, %dma_wait3A_96] : memref<224x64xf32, #tpu.memory_space<vmem>> -> memref<224x64xf32, #tpu.memory_space<vmem>>
    %dma_wait3A_98 = arith.constant 0 : i32
    %dma_wait3A_99 = tpu.memref_slice %arg10[%add3A_94, %dma_wait3A_98] : memref<10016x64xf32, #tpu.memory_space<vmem_shared>> -> memref<224x64xf32, #tpu.memory_space<vmem_shared>>
    %dma_wait3A_100 = arith.constant 0 : i32
    %dma_wait3A_101 = tpu.memref_slice %arg10[%add3A_94, %dma_wait3A_100] : memref<10016x64xf32, #tpu.memory_space<vmem_shared>> -> memref<224x64xf32, #tpu.memory_space<vmem_shared>>
    %dma_wait3A_102 = arith.constant 0 : i32
    %dma_wait3A_103 = arith.constant 0 : i32
    %dma_wait3A_104 = tpu.memref_slice %arg8[%dma_wait3A_102, %dma_wait3A_103] : memref<224x64xf32, #tpu.memory_space<vmem>> -> memref<224x64xf32, #tpu.memory_space<vmem>>
    tpu.wait_dma2 semaphore(%arg14 : memref<!tpu.dma_semaphore, #tpu.memory_space<semaphore_mem>>) src(%dma_wait3A_104 : memref<224x64xf32, #tpu.memory_space<vmem>>) dst(%dma_wait3A_101 : memref<224x64xf32, #tpu.memory_space<vmem_shared>>)
    %mul3A_105 = arith.constant 626 : i32
    %mul3A_106 = arith.muli %arg1, %mul3A_105 : i32
    %add3A_107 = arith.constant 448 : i32
    %add3A_108 = arith.addi %mul3A_106, %add3A_107 : i32
    %dma_wait3A_109 = arith.constant 0 : i32
    %dma_wait3A_110 = arith.constant 0 : i32
    %dma_wait3A_111 = tpu.memref_slice %arg8[%dma_wait3A_109, %dma_wait3A_110] : memref<224x64xf32, #tpu.memory_space<vmem>> -> memref<178x64xf32, #tpu.memory_space<vmem>>
    %dma_wait3A_112 = arith.constant 0 : i32
    %dma_wait3A_113 = tpu.memref_slice %arg10[%add3A_108, %dma_wait3A_112] : memref<10016x64xf32, #tpu.memory_space<vmem_shared>> -> memref<178x64xf32, #tpu.memory_space<vmem_shared>>
    %dma_wait3A_114 = arith.constant 0 : i32
    %dma_wait3A_115 = tpu.memref_slice %arg10[%add3A_108, %dma_wait3A_114] : memref<10016x64xf32, #tpu.memory_space<vmem_shared>> -> memref<178x64xf32, #tpu.memory_space<vmem_shared>>
    %dma_wait3A_116 = arith.constant 0 : i32
    %dma_wait3A_117 = arith.constant 0 : i32
    %dma_wait3A_118 = tpu.memref_slice %arg8[%dma_wait3A_116, %dma_wait3A_117] : memref<224x64xf32, #tpu.memory_space<vmem>> -> memref<178x64xf32, #tpu.memory_space<vmem>>
    tpu.wait_dma2 semaphore(%arg14 : memref<!tpu.dma_semaphore, #tpu.memory_space<semaphore_mem>>) src(%dma_wait3A_118 : memref<178x64xf32, #tpu.memory_space<vmem>>) dst(%dma_wait3A_115 : memref<178x64xf32, #tpu.memory_space<vmem_shared>>)
    %lt3A_119 = arith.constant 15 : i32
    %lt3A_120 = arith.cmpi slt, %arg1, %lt3A_119 : i32
    %convert_element_type3A_121 = arith.extui %lt3A_120 : i1 to i32
    %cond3A_122 = arith.constant 0 : i32
    %cond3A_123 = arith.cmpi ne, %convert_element_type3A_121, %cond3A_122 : i32
    scf.if %cond3A_123 {
      %mul3A_220 = arith.constant 624 : i32
      %mul3A_221 = arith.muli %arg1, %mul3A_220 : i32
      %mul3A_222 = arith.constant 624 : i32
      %mul3A_223 = arith.muli %arg1, %mul3A_222 : i32
      %dma_wait3A_224 = arith.constant 0 : i32
      %dma_wait3A_225 = tpu.memref_slice %arg11[%mul3A_223, %dma_wait3A_224] : memref<10000x64xf32, #tpu.memory_space<vmem_shared>> -> memref<624x64xf32, #tpu.memory_space<vmem_shared>>
      %dma_wait3A_226 = arith.constant 0 : i32
      %dma_wait3A_227 = arith.constant 0 : i32
      %dma_wait3A_228 = tpu.memref_slice %arg2[%arg0, %dma_wait3A_226, %dma_wait3A_227] : memref<2x10000x64xf32, #tpu.memory_space<hbm>> -> memref<1x10000x64xf32, #tpu.memory_space<hbm>>
      %dma_wait3A_229 = tpu.memref_squeeze %dma_wait3A_228 : memref<1x10000x64xf32, #tpu.memory_space<hbm>> -> memref<10000x64xf32, #tpu.memory_space<hbm>>
      %dma_wait3A_230 = arith.constant 0 : i32
      %dma_wait3A_231 = tpu.memref_slice %dma_wait3A_229[%mul3A_221, %dma_wait3A_230] : memref<10000x64xf32, #tpu.memory_space<hbm>> -> memref<624x64xf32, #tpu.memory_space<hbm>>
      tpu.wait_dma2 semaphore(%arg15 : memref<!tpu.dma_semaphore, #tpu.memory_space<semaphore_mem>>) src(%dma_wait3A_231 : memref<624x64xf32, #tpu.memory_space<hbm>>) dst(%dma_wait3A_225 : memref<624x64xf32, #tpu.memory_space<vmem_shared>>)
    } else {
    }
    %eq3A_124 = arith.constant 15 : i32
    %eq3A_125 = arith.cmpi eq, %arg1, %eq3A_124 : i32
    %convert_element_type3A_126 = arith.extui %eq3A_125 : i1 to i32
    %cond3A_127 = arith.constant 0 : i32
    %cond3A_128 = arith.cmpi ne, %convert_element_type3A_126, %cond3A_127 : i32
    scf.if %cond3A_128 {
      %dma_wait3A_220 = arith.constant 9360 : i32
      %dma_wait3A_221 = arith.constant 0 : i32
      %dma_wait3A_222 = tpu.memref_slice %arg11[%dma_wait3A_220, %dma_wait3A_221] : memref<10000x64xf32, #tpu.memory_space<vmem_shared>> -> memref<640x64xf32, #tpu.memory_space<vmem_shared>>
      %dma_wait3A_223 = arith.constant 0 : i32
      %dma_wait3A_224 = arith.constant 0 : i32
      %dma_wait3A_225 = tpu.memref_slice %arg2[%arg0, %dma_wait3A_223, %dma_wait3A_224] : memref<2x10000x64xf32, #tpu.memory_space<hbm>> -> memref<1x10000x64xf32, #tpu.memory_space<hbm>>
      %dma_wait3A_226 = tpu.memref_squeeze %dma_wait3A_225 : memref<1x10000x64xf32, #tpu.memory_space<hbm>> -> memref<10000x64xf32, #tpu.memory_space<hbm>>
      %dma_wait3A_227 = arith.constant 9360 : i32
      %dma_wait3A_228 = arith.constant 0 : i32
      %dma_wait3A_229 = tpu.memref_slice %dma_wait3A_226[%dma_wait3A_227, %dma_wait3A_228] : memref<10000x64xf32, #tpu.memory_space<hbm>> -> memref<640x64xf32, #tpu.memory_space<hbm>>
      tpu.wait_dma2 semaphore(%arg15 : memref<!tpu.dma_semaphore, #tpu.memory_space<semaphore_mem>>) src(%dma_wait3A_229 : memref<640x64xf32, #tpu.memory_space<hbm>>) dst(%dma_wait3A_222 : memref<640x64xf32, #tpu.memory_space<vmem_shared>>)
    } else {
    }
    %dma_wait3A_129 = arith.constant 0 : i32
    %dma_wait3A_130 = arith.constant 0 : i32
    %dma_wait3A_131 = tpu.memref_slice %arg3[%arg1, %dma_wait3A_129, %dma_wait3A_130] : memref<16x92x224xi32, #tpu.memory_space<hbm>> -> memref<1x92x224xi32, #tpu.memory_space<hbm>>
    %dma_wait3A_132 = tpu.memref_squeeze %dma_wait3A_131 : memref<1x92x224xi32, #tpu.memory_space<hbm>> -> memref<92x224xi32, #tpu.memory_space<hbm>>
    %dma_wait3A_133 = arith.constant 0 : i32
    %dma_wait3A_134 = arith.constant 0 : i32
    %dma_wait3A_135 = tpu.memref_slice %dma_wait3A_132[%dma_wait3A_133, %dma_wait3A_134] : memref<92x224xi32, #tpu.memory_space<hbm>> -> memref<46x224xi32, #tpu.memory_space<hbm>>
    %dma_wait3A_136 = arith.constant 0 : i32
    %dma_wait3A_137 = arith.constant 0 : i32
    %dma_wait3A_138 = tpu.memref_slice %arg3[%arg1, %dma_wait3A_136, %dma_wait3A_137] : memref<16x92x224xi32, #tpu.memory_space<hbm>> -> memref<1x92x224xi32, #tpu.memory_space<hbm>>
    %dma_wait3A_139 = tpu.memref_squeeze %dma_wait3A_138 : memref<1x92x224xi32, #tpu.memory_space<hbm>> -> memref<92x224xi32, #tpu.memory_space<hbm>>
    %dma_wait3A_140 = arith.constant 0 : i32
    %dma_wait3A_141 = arith.constant 0 : i32
    %dma_wait3A_142 = tpu.memref_slice %dma_wait3A_139[%dma_wait3A_140, %dma_wait3A_141] : memref<92x224xi32, #tpu.memory_space<hbm>> -> memref<46x224xi32, #tpu.memory_space<hbm>>
    tpu.wait_dma2 semaphore(%arg12 : memref<!tpu.dma_semaphore, #tpu.memory_space<semaphore_mem>>) src(%dma_wait3A_142 : memref<46x224xi32, #tpu.memory_space<hbm>>) dst(%arg6 : memref<46x224xi32, #tpu.memory_space<vmem>>)
    %dma_wait3A_143 = arith.constant 0 : i32
    %dma_wait3A_144 = arith.constant 0 : i32
    %dma_wait3A_145 = tpu.memref_slice %arg4[%arg1, %dma_wait3A_143, %dma_wait3A_144] : memref<16x92x224xi32, #tpu.memory_space<hbm>> -> memref<1x92x224xi32, #tpu.memory_space<hbm>>
    %dma_wait3A_146 = tpu.memref_squeeze %dma_wait3A_145 : memref<1x92x224xi32, #tpu.memory_space<hbm>> -> memref<92x224xi32, #tpu.memory_space<hbm>>
    %dma_wait3A_147 = arith.constant 0 : i32
    %dma_wait3A_148 = arith.constant 0 : i32
    %dma_wait3A_149 = tpu.memref_slice %dma_wait3A_146[%dma_wait3A_147, %dma_wait3A_148] : memref<92x224xi32, #tpu.memory_space<hbm>> -> memref<46x224xi32, #tpu.memory_space<hbm>>
    %dma_wait3A_150 = arith.constant 0 : i32
    %dma_wait3A_151 = arith.constant 0 : i32
    %dma_wait3A_152 = tpu.memref_slice %arg4[%arg1, %dma_wait3A_150, %dma_wait3A_151] : memref<16x92x224xi32, #tpu.memory_space<hbm>> -> memref<1x92x224xi32, #tpu.memory_space<hbm>>
    %dma_wait3A_153 = tpu.memref_squeeze %dma_wait3A_152 : memref<1x92x224xi32, #tpu.memory_space<hbm>> -> memref<92x224xi32, #tpu.memory_space<hbm>>
    %dma_wait3A_154 = arith.constant 0 : i32
    %dma_wait3A_155 = arith.constant 0 : i32
    %dma_wait3A_156 = tpu.memref_slice %dma_wait3A_153[%dma_wait3A_154, %dma_wait3A_155] : memref<92x224xi32, #tpu.memory_space<hbm>> -> memref<46x224xi32, #tpu.memory_space<hbm>>
    tpu.wait_dma2 semaphore(%arg13 : memref<!tpu.dma_semaphore, #tpu.memory_space<semaphore_mem>>) src(%dma_wait3A_156 : memref<46x224xi32, #tpu.memory_space<hbm>>) dst(%arg7 : memref<46x224xi32, #tpu.memory_space<vmem>>)
    %barrier3A = arith.constant 0 : index
    tpu.barrier barrier_id(%barrier3A)
    %dma_start3A_157 = arith.constant 0 : i32
    %dma_start3A_158 = arith.constant 0 : i32
    %dma_start3A_159 = tpu.memref_slice %arg6[%dma_start3A_157, %dma_start3A_158] : memref<46x224xi32, #tpu.memory_space<vmem>> -> memref<1x224xi32, #tpu.memory_space<vmem>>
    %dma_start3A_160 = tpu.memref_squeeze %dma_start3A_159 : memref<1x224xi32, #tpu.memory_space<vmem>> -> memref<224xi32, #tpu.memory_space<vmem>>
    %dma_start3A_161 = arith.constant 0 : i32
    %dma_start3A_162 = arith.constant 0 : i32
    %dma_start3A_163 = tpu.memref_slice %arg11[%dma_start3A_161, %dma_start3A_162] : memref<10000x64xf32, #tpu.memory_space<vmem_shared>> -> memref<10000x64xf32, #tpu.memory_space<vmem_shared>>
    tpu.enqueue_indirect_dma source(%dma_start3A_163 : memref<10000x64xf32, #tpu.memory_space<vmem_shared>>) target(%arg8 : memref<224x64xf32, #tpu.memory_space<vmem>>) offsets(%dma_start3A_160 : memref<224xi32, #tpu.memory_space<vmem>>) semaphore(%arg12 : memref<!tpu.dma_semaphore, #tpu.memory_space<semaphore_mem>>)
    %scan3A_164 = arith.constant 0 : i32
    %scan3A_165 = arith.constant 23 : i32
    %scan3A_166 = arith.addi %scan3A_164, %scan3A_165 : i32
    %scan3A_167 = arith.constant 1 : i32
    scf.for %scan3A_220 = %scan3A_164 to %scan3A_166 step %scan3A_167  : i32 {
      %mul3A_221 = arith.constant 1 : i32
      %mul3A_222 = arith.muli %scan3A_220, %mul3A_221 : i32
      %add3A_223 = arith.constant 0 : i32
      %add3A_224 = arith.addi %add3A_223, %mul3A_222 : i32
      %mul3A_225 = arith.constant 2 : i32
      %mul3A_226 = arith.muli %mul3A_225, %add3A_224 : i32
      %dma_wait3A_227 = arith.constant 0 : i32
      %dma_wait3A_228 = tpu.memref_slice %arg6[%mul3A_226, %dma_wait3A_227] : memref<46x224xi32, #tpu.memory_space<vmem>> -> memref<1x224xi32, #tpu.memory_space<vmem>>
      %dma_wait3A_229 = tpu.memref_squeeze %dma_wait3A_228 : memref<1x224xi32, #tpu.memory_space<vmem>> -> memref<224xi32, #tpu.memory_space<vmem>>
      %dma_wait3A_230 = arith.constant 0 : i32
      %dma_wait3A_231 = arith.constant 0 : i32
      %dma_wait3A_232 = tpu.memref_slice %arg11[%dma_wait3A_230, %dma_wait3A_231] : memref<10000x64xf32, #tpu.memory_space<vmem_shared>> -> memref<10000x64xf32, #tpu.memory_space<vmem_shared>>
      tpu.wait_indirect_dma semaphore(%arg12 : memref<!tpu.dma_semaphore, #tpu.memory_space<semaphore_mem>>) src(%dma_wait3A_232 : memref<10000x64xf32, #tpu.memory_space<vmem_shared>>) dst(%arg8 : memref<224x64xf32, #tpu.memory_space<vmem>>)
      %dma_start3A_233 = arith.constant 0 : i32
      %dma_start3A_234 = tpu.memref_slice %arg7[%mul3A_226, %dma_start3A_233] : memref<46x224xi32, #tpu.memory_space<vmem>> -> memref<1x224xi32, #tpu.memory_space<vmem>>
      %dma_start3A_235 = tpu.memref_squeeze %dma_start3A_234 : memref<1x224xi32, #tpu.memory_space<vmem>> -> memref<224xi32, #tpu.memory_space<vmem>>
      %dma_start3A_236 = arith.constant 0 : i32
      %dma_start3A_237 = arith.constant 0 : i32
      %dma_start3A_238 = tpu.memref_slice %arg10[%dma_start3A_236, %dma_start3A_237] : memref<10016x64xf32, #tpu.memory_space<vmem_shared>> -> memref<10016x64xf32, #tpu.memory_space<vmem_shared>>
      tpu.enqueue_indirect_dma source(%arg8 : memref<224x64xf32, #tpu.memory_space<vmem>>) target(%dma_start3A_238 : memref<10016x64xf32, #tpu.memory_space<vmem_shared>>) offsets(%dma_start3A_235 : memref<224xi32, #tpu.memory_space<vmem>>) semaphore(%arg14 : memref<!tpu.dma_semaphore, #tpu.memory_space<semaphore_mem>>) {add = true}
      %gt3A = arith.constant 0 : i32
      %gt3A_239 = arith.cmpi sgt, %add3A_224, %gt3A : i32
      %convert_element_type3A_240 = arith.extui %gt3A_239 : i1 to i32
      %cond3A_241 = arith.constant 0 : i32
      %cond3A_242 = arith.cmpi ne, %convert_element_type3A_240, %cond3A_241 : i32
      scf.if %cond3A_242 {
        %sub3A = arith.constant 1 : i32
        %sub3A_272 = arith.subi %mul3A_226, %sub3A : i32
        %dma_wait3A_273 = arith.constant 0 : i32
        %dma_wait3A_274 = tpu.memref_slice %arg7[%sub3A_272, %dma_wait3A_273] : memref<46x224xi32, #tpu.memory_space<vmem>> -> memref<1x224xi32, #tpu.memory_space<vmem>>
        %dma_wait3A_275 = tpu.memref_squeeze %dma_wait3A_274 : memref<1x224xi32, #tpu.memory_space<vmem>> -> memref<224xi32, #tpu.memory_space<vmem>>
        %dma_wait3A_276 = arith.constant 0 : i32
        %dma_wait3A_277 = arith.constant 0 : i32
        %dma_wait3A_278 = tpu.memref_slice %arg10[%dma_wait3A_276, %dma_wait3A_277] : memref<10016x64xf32, #tpu.memory_space<vmem_shared>> -> memref<10016x64xf32, #tpu.memory_space<vmem_shared>>
        tpu.wait_indirect_dma semaphore(%arg15 : memref<!tpu.dma_semaphore, #tpu.memory_space<semaphore_mem>>) src(%arg9 : memref<224x64xf32, #tpu.memory_space<vmem>>) dst(%dma_wait3A_278 : memref<10016x64xf32, #tpu.memory_space<vmem_shared>>)
      } else {
      }
      %add3A_243 = arith.constant 1 : i32
      %add3A_244 = arith.addi %mul3A_226, %add3A_243 : i32
      %dma_start3A_245 = arith.constant 0 : i32
      %dma_start3A_246 = tpu.memref_slice %arg6[%add3A_244, %dma_start3A_245] : memref<46x224xi32, #tpu.memory_space<vmem>> -> memref<1x224xi32, #tpu.memory_space<vmem>>
      %dma_start3A_247 = tpu.memref_squeeze %dma_start3A_246 : memref<1x224xi32, #tpu.memory_space<vmem>> -> memref<224xi32, #tpu.memory_space<vmem>>
      %dma_start3A_248 = arith.constant 0 : i32
      %dma_start3A_249 = arith.constant 0 : i32
      %dma_start3A_250 = tpu.memref_slice %arg11[%dma_start3A_248, %dma_start3A_249] : memref<10000x64xf32, #tpu.memory_space<vmem_shared>> -> memref<10000x64xf32, #tpu.memory_space<vmem_shared>>
      tpu.enqueue_indirect_dma source(%dma_start3A_250 : memref<10000x64xf32, #tpu.memory_space<vmem_shared>>) target(%arg9 : memref<224x64xf32, #tpu.memory_space<vmem>>) offsets(%dma_start3A_247 : memref<224xi32, #tpu.memory_space<vmem>>) semaphore(%arg13 : memref<!tpu.dma_semaphore, #tpu.memory_space<semaphore_mem>>)
      %add3A_251 = arith.constant 1 : i32
      %add3A_252 = arith.addi %mul3A_226, %add3A_251 : i32
      %dma_wait3A_253 = arith.constant 0 : i32
      %dma_wait3A_254 = tpu.memref_slice %arg6[%add3A_252, %dma_wait3A_253] : memref<46x224xi32, #tpu.memory_space<vmem>> -> memref<1x224xi32, #tpu.memory_space<vmem>>
      %dma_wait3A_255 = tpu.memref_squeeze %dma_wait3A_254 : memref<1x224xi32, #tpu.memory_space<vmem>> -> memref<224xi32, #tpu.memory_space<vmem>>
      %dma_wait3A_256 = arith.constant 0 : i32
      %dma_wait3A_257 = arith.constant 0 : i32
      %dma_wait3A_258 = tpu.memref_slice %arg11[%dma_wait3A_256, %dma_wait3A_257] : memref<10000x64xf32, #tpu.memory_space<vmem_shared>> -> memref<10000x64xf32, #tpu.memory_space<vmem_shared>>
      tpu.wait_indirect_dma semaphore(%arg13 : memref<!tpu.dma_semaphore, #tpu.memory_space<semaphore_mem>>) src(%dma_wait3A_258 : memref<10000x64xf32, #tpu.memory_space<vmem_shared>>) dst(%arg9 : memref<224x64xf32, #tpu.memory_space<vmem>>)
      %add3A_259 = arith.constant 1 : i32
      %add3A_260 = arith.addi %mul3A_226, %add3A_259 : i32
      %dma_start3A_261 = arith.constant 0 : i32
      %dma_start3A_262 = tpu.memref_slice %arg7[%add3A_260, %dma_start3A_261] : memref<46x224xi32, #tpu.memory_space<vmem>> -> memref<1x224xi32, #tpu.memory_space<vmem>>
      %dma_start3A_263 = tpu.memref_squeeze %dma_start3A_262 : memref<1x224xi32, #tpu.memory_space<vmem>> -> memref<224xi32, #tpu.memory_space<vmem>>
      %dma_start3A_264 = arith.constant 0 : i32
      %dma_start3A_265 = arith.constant 0 : i32
      %dma_start3A_266 = tpu.memref_slice %arg10[%dma_start3A_264, %dma_start3A_265] : memref<10016x64xf32, #tpu.memory_space<vmem_shared>> -> memref<10016x64xf32, #tpu.memory_space<vmem_shared>>
      tpu.enqueue_indirect_dma source(%arg9 : memref<224x64xf32, #tpu.memory_space<vmem>>) target(%dma_start3A_266 : memref<10016x64xf32, #tpu.memory_space<vmem_shared>>) offsets(%dma_start3A_263 : memref<224xi32, #tpu.memory_space<vmem>>) semaphore(%arg15 : memref<!tpu.dma_semaphore, #tpu.memory_space<semaphore_mem>>) {add = true}
      %lt3A_267 = arith.constant 22 : i32
      %lt3A_268 = arith.cmpi slt, %add3A_224, %lt3A_267 : i32
      %convert_element_type3A_269 = arith.extui %lt3A_268 : i1 to i32
      %cond3A_270 = arith.constant 0 : i32
      %cond3A_271 = arith.cmpi ne, %convert_element_type3A_269, %cond3A_270 : i32
      scf.if %cond3A_271 {
        %dma_wait3A_272 = arith.constant 0 : i32
        %dma_wait3A_273 = tpu.memref_slice %arg7[%mul3A_226, %dma_wait3A_272] : memref<46x224xi32, #tpu.memory_space<vmem>> -> memref<1x224xi32, #tpu.memory_space<vmem>>
        %dma_wait3A_274 = tpu.memref_squeeze %dma_wait3A_273 : memref<1x224xi32, #tpu.memory_space<vmem>> -> memref<224xi32, #tpu.memory_space<vmem>>
        %dma_wait3A_275 = arith.constant 0 : i32
        %dma_wait3A_276 = arith.constant 0 : i32
        %dma_wait3A_277 = tpu.memref_slice %arg10[%dma_wait3A_275, %dma_wait3A_276] : memref<10016x64xf32, #tpu.memory_space<vmem_shared>> -> memref<10016x64xf32, #tpu.memory_space<vmem_shared>>
        tpu.wait_indirect_dma semaphore(%arg14 : memref<!tpu.dma_semaphore, #tpu.memory_space<semaphore_mem>>) src(%arg8 : memref<224x64xf32, #tpu.memory_space<vmem>>) dst(%dma_wait3A_277 : memref<10016x64xf32, #tpu.memory_space<vmem_shared>>)
        %add3A_278 = arith.constant 2 : i32
        %add3A_279 = arith.addi %mul3A_226, %add3A_278 : i32
        %dma_start3A_280 = arith.constant 0 : i32
        %dma_start3A_281 = tpu.memref_slice %arg6[%add3A_279, %dma_start3A_280] : memref<46x224xi32, #tpu.memory_space<vmem>> -> memref<1x224xi32, #tpu.memory_space<vmem>>
        %dma_start3A_282 = tpu.memref_squeeze %dma_start3A_281 : memref<1x224xi32, #tpu.memory_space<vmem>> -> memref<224xi32, #tpu.memory_space<vmem>>
        %dma_start3A_283 = arith.constant 0 : i32
        %dma_start3A_284 = arith.constant 0 : i32
        %dma_start3A_285 = tpu.memref_slice %arg11[%dma_start3A_283, %dma_start3A_284] : memref<10000x64xf32, #tpu.memory_space<vmem_shared>> -> memref<10000x64xf32, #tpu.memory_space<vmem_shared>>
        tpu.enqueue_indirect_dma source(%dma_start3A_285 : memref<10000x64xf32, #tpu.memory_space<vmem_shared>>) target(%arg8 : memref<224x64xf32, #tpu.memory_space<vmem>>) offsets(%dma_start3A_282 : memref<224xi32, #tpu.memory_space<vmem>>) semaphore(%arg12 : memref<!tpu.dma_semaphore, #tpu.memory_space<semaphore_mem>>)
      } else {
      }
    }
    %scan3A_168 = arith.constant 23 : i32
    %dma_wait3A_169 = arith.constant 44 : i32
    %dma_wait3A_170 = arith.constant 0 : i32
    %dma_wait3A_171 = tpu.memref_slice %arg7[%dma_wait3A_169, %dma_wait3A_170] : memref<46x224xi32, #tpu.memory_space<vmem>> -> memref<1x224xi32, #tpu.memory_space<vmem>>
    %dma_wait3A_172 = tpu.memref_squeeze %dma_wait3A_171 : memref<1x224xi32, #tpu.memory_space<vmem>> -> memref<224xi32, #tpu.memory_space<vmem>>
    %dma_wait3A_173 = arith.constant 0 : i32
    %dma_wait3A_174 = arith.constant 0 : i32
    %dma_wait3A_175 = tpu.memref_slice %arg10[%dma_wait3A_173, %dma_wait3A_174] : memref<10016x64xf32, #tpu.memory_space<vmem_shared>> -> memref<10016x64xf32, #tpu.memory_space<vmem_shared>>
    tpu.wait_indirect_dma semaphore(%arg14 : memref<!tpu.dma_semaphore, #tpu.memory_space<semaphore_mem>>) src(%arg8 : memref<224x64xf32, #tpu.memory_space<vmem>>) dst(%dma_wait3A_175 : memref<10016x64xf32, #tpu.memory_space<vmem_shared>>)
    %dma_wait3A_176 = arith.constant 45 : i32
    %dma_wait3A_177 = arith.constant 0 : i32
    %dma_wait3A_178 = tpu.memref_slice %arg7[%dma_wait3A_176, %dma_wait3A_177] : memref<46x224xi32, #tpu.memory_space<vmem>> -> memref<1x224xi32, #tpu.memory_space<vmem>>
    %dma_wait3A_179 = tpu.memref_squeeze %dma_wait3A_178 : memref<1x224xi32, #tpu.memory_space<vmem>> -> memref<224xi32, #tpu.memory_space<vmem>>
    %dma_wait3A_180 = arith.constant 0 : i32
    %dma_wait3A_181 = arith.constant 0 : i32
    %dma_wait3A_182 = tpu.memref_slice %arg10[%dma_wait3A_180, %dma_wait3A_181] : memref<10016x64xf32, #tpu.memory_space<vmem_shared>> -> memref<10016x64xf32, #tpu.memory_space<vmem_shared>>
    tpu.wait_indirect_dma semaphore(%arg15 : memref<!tpu.dma_semaphore, #tpu.memory_space<semaphore_mem>>) src(%arg9 : memref<224x64xf32, #tpu.memory_space<vmem>>) dst(%dma_wait3A_182 : memref<10016x64xf32, #tpu.memory_space<vmem_shared>>)
    "tpu.region"() ({
      %run_scoped3A = tpu.sem_alloc : memref<!tpu.dma_semaphore, #tpu.memory_space<semaphore_mem>>
      %dma_start3A_220 = arith.constant 0 : i32
      %dma_start3A_221 = arith.constant 0 : i32
      %dma_start3A_222 = tpu.memref_slice %arg3[%arg1, %dma_start3A_220, %dma_start3A_221] : memref<16x92x224xi32, #tpu.memory_space<hbm>> -> memref<1x92x224xi32, #tpu.memory_space<hbm>>
      %dma_start3A_223 = tpu.memref_squeeze %dma_start3A_222 : memref<1x92x224xi32, #tpu.memory_space<hbm>> -> memref<92x224xi32, #tpu.memory_space<hbm>>
      %dma_start3A_224 = arith.constant 46 : i32
      %dma_start3A_225 = arith.constant 0 : i32
      %dma_start3A_226 = tpu.memref_slice %dma_start3A_223[%dma_start3A_224, %dma_start3A_225] : memref<92x224xi32, #tpu.memory_space<hbm>> -> memref<46x224xi32, #tpu.memory_space<hbm>>
      %dma_start3A_227 = arith.constant 0 : i32
      %dma_start3A_228 = arith.constant 0 : i32
      %dma_start3A_229 = tpu.memref_slice %arg3[%arg1, %dma_start3A_227, %dma_start3A_228] : memref<16x92x224xi32, #tpu.memory_space<hbm>> -> memref<1x92x224xi32, #tpu.memory_space<hbm>>
      %dma_start3A_230 = tpu.memref_squeeze %dma_start3A_229 : memref<1x92x224xi32, #tpu.memory_space<hbm>> -> memref<92x224xi32, #tpu.memory_space<hbm>>
      %dma_start3A_231 = arith.constant 46 : i32
      %dma_start3A_232 = arith.constant 0 : i32
      %dma_start3A_233 = tpu.memref_slice %dma_start3A_230[%dma_start3A_231, %dma_start3A_232] : memref<92x224xi32, #tpu.memory_space<hbm>> -> memref<46x224xi32, #tpu.memory_space<hbm>>
      tpu.enqueue_dma source(%dma_start3A_233 : memref<46x224xi32, #tpu.memory_space<hbm>>) target(%arg6 : memref<46x224xi32, #tpu.memory_space<vmem>>) target_semaphore(%run_scoped3A : memref<!tpu.dma_semaphore, #tpu.memory_space<semaphore_mem>>)
      %dma_wait3A_234 = arith.constant 0 : i32
      %dma_wait3A_235 = arith.constant 0 : i32
      %dma_wait3A_236 = tpu.memref_slice %arg3[%arg1, %dma_wait3A_234, %dma_wait3A_235] : memref<16x92x224xi32, #tpu.memory_space<hbm>> -> memref<1x92x224xi32, #tpu.memory_space<hbm>>
      %dma_wait3A_237 = tpu.memref_squeeze %dma_wait3A_236 : memref<1x92x224xi32, #tpu.memory_space<hbm>> -> memref<92x224xi32, #tpu.memory_space<hbm>>
      %dma_wait3A_238 = arith.constant 46 : i32
      %dma_wait3A_239 = arith.constant 0 : i32
      %dma_wait3A_240 = tpu.memref_slice %dma_wait3A_237[%dma_wait3A_238, %dma_wait3A_239] : memref<92x224xi32, #tpu.memory_space<hbm>> -> memref<46x224xi32, #tpu.memory_space<hbm>>
      %dma_wait3A_241 = arith.constant 0 : i32
      %dma_wait3A_242 = arith.constant 0 : i32
      %dma_wait3A_243 = tpu.memref_slice %arg3[%arg1, %dma_wait3A_241, %dma_wait3A_242] : memref<16x92x224xi32, #tpu.memory_space<hbm>> -> memref<1x92x224xi32, #tpu.memory_space<hbm>>
      %dma_wait3A_244 = tpu.memref_squeeze %dma_wait3A_243 : memref<1x92x224xi32, #tpu.memory_space<hbm>> -> memref<92x224xi32, #tpu.memory_space<hbm>>
      %dma_wait3A_245 = arith.constant 46 : i32
      %dma_wait3A_246 = arith.constant 0 : i32
      %dma_wait3A_247 = tpu.memref_slice %dma_wait3A_244[%dma_wait3A_245, %dma_wait3A_246] : memref<92x224xi32, #tpu.memory_space<hbm>> -> memref<46x224xi32, #tpu.memory_space<hbm>>
      tpu.wait_dma2 semaphore(%run_scoped3A : memref<!tpu.dma_semaphore, #tpu.memory_space<semaphore_mem>>) src(%dma_wait3A_247 : memref<46x224xi32, #tpu.memory_space<hbm>>) dst(%arg6 : memref<46x224xi32, #tpu.memory_space<vmem>>)
      tpu.yield
    }) : () -> ()
    "tpu.region"() ({
      %run_scoped3A = tpu.sem_alloc : memref<!tpu.dma_semaphore, #tpu.memory_space<semaphore_mem>>
      %dma_start3A_220 = arith.constant 0 : i32
      %dma_start3A_221 = arith.constant 0 : i32
      %dma_start3A_222 = tpu.memref_slice %arg4[%arg1, %dma_start3A_220, %dma_start3A_221] : memref<16x92x224xi32, #tpu.memory_space<hbm>> -> memref<1x92x224xi32, #tpu.memory_space<hbm>>
      %dma_start3A_223 = tpu.memref_squeeze %dma_start3A_222 : memref<1x92x224xi32, #tpu.memory_space<hbm>> -> memref<92x224xi32, #tpu.memory_space<hbm>>
      %dma_start3A_224 = arith.constant 46 : i32
      %dma_start3A_225 = arith.constant 0 : i32
      %dma_start3A_226 = tpu.memref_slice %dma_start3A_223[%dma_start3A_224, %dma_start3A_225] : memref<92x224xi32, #tpu.memory_space<hbm>> -> memref<46x224xi32, #tpu.memory_space<hbm>>
      %dma_start3A_227 = arith.constant 0 : i32
      %dma_start3A_228 = arith.constant 0 : i32
      %dma_start3A_229 = tpu.memref_slice %arg4[%arg1, %dma_start3A_227, %dma_start3A_228] : memref<16x92x224xi32, #tpu.memory_space<hbm>> -> memref<1x92x224xi32, #tpu.memory_space<hbm>>
      %dma_start3A_230 = tpu.memref_squeeze %dma_start3A_229 : memref<1x92x224xi32, #tpu.memory_space<hbm>> -> memref<92x224xi32, #tpu.memory_space<hbm>>
      %dma_start3A_231 = arith.constant 46 : i32
      %dma_start3A_232 = arith.constant 0 : i32
      %dma_start3A_233 = tpu.memref_slice %dma_start3A_230[%dma_start3A_231, %dma_start3A_232] : memref<92x224xi32, #tpu.memory_space<hbm>> -> memref<46x224xi32, #tpu.memory_space<hbm>>
      tpu.enqueue_dma source(%dma_start3A_233 : memref<46x224xi32, #tpu.memory_space<hbm>>) target(%arg7 : memref<46x224xi32, #tpu.memory_space<vmem>>) target_semaphore(%run_scoped3A : memref<!tpu.dma_semaphore, #tpu.memory_space<semaphore_mem>>)
      %dma_wait3A_234 = arith.constant 0 : i32
      %dma_wait3A_235 = arith.constant 0 : i32
      %dma_wait3A_236 = tpu.memref_slice %arg4[%arg1, %dma_wait3A_234, %dma_wait3A_235] : memref<16x92x224xi32, #tpu.memory_space<hbm>> -> memref<1x92x224xi32, #tpu.memory_space<hbm>>
      %dma_wait3A_237 = tpu.memref_squeeze %dma_wait3A_236 : memref<1x92x224xi32, #tpu.memory_space<hbm>> -> memref<92x224xi32, #tpu.memory_space<hbm>>
      %dma_wait3A_238 = arith.constant 46 : i32
      %dma_wait3A_239 = arith.constant 0 : i32
      %dma_wait3A_240 = tpu.memref_slice %dma_wait3A_237[%dma_wait3A_238, %dma_wait3A_239] : memref<92x224xi32, #tpu.memory_space<hbm>> -> memref<46x224xi32, #tpu.memory_space<hbm>>
      %dma_wait3A_241 = arith.constant 0 : i32
      %dma_wait3A_242 = arith.constant 0 : i32
      %dma_wait3A_243 = tpu.memref_slice %arg4[%arg1, %dma_wait3A_241, %dma_wait3A_242] : memref<16x92x224xi32, #tpu.memory_space<hbm>> -> memref<1x92x224xi32, #tpu.memory_space<hbm>>
      %dma_wait3A_244 = tpu.memref_squeeze %dma_wait3A_243 : memref<1x92x224xi32, #tpu.memory_space<hbm>> -> memref<92x224xi32, #tpu.memory_space<hbm>>
      %dma_wait3A_245 = arith.constant 46 : i32
      %dma_wait3A_246 = arith.constant 0 : i32
      %dma_wait3A_247 = tpu.memref_slice %dma_wait3A_244[%dma_wait3A_245, %dma_wait3A_246] : memref<92x224xi32, #tpu.memory_space<hbm>> -> memref<46x224xi32, #tpu.memory_space<hbm>>
      tpu.wait_dma2 semaphore(%run_scoped3A : memref<!tpu.dma_semaphore, #tpu.memory_space<semaphore_mem>>) src(%dma_wait3A_247 : memref<46x224xi32, #tpu.memory_space<hbm>>) dst(%arg7 : memref<46x224xi32, #tpu.memory_space<vmem>>)
      tpu.yield
    }) : () -> ()
    %dma_start3A_183 = arith.constant 0 : i32
    %dma_start3A_184 = arith.constant 0 : i32
    %dma_start3A_185 = tpu.memref_slice %arg6[%dma_start3A_183, %dma_start3A_184] : memref<46x224xi32, #tpu.memory_space<vmem>> -> memref<1x224xi32, #tpu.memory_space<vmem>>
    %dma_start3A_186 = tpu.memref_squeeze %dma_start3A_185 : memref<1x224xi32, #tpu.memory_space<vmem>> -> memref<224xi32, #tpu.memory_space<vmem>>
    %dma_start3A_187 = arith.constant 0 : i32
    %dma_start3A_188 = arith.constant 0 : i32
    %dma_start3A_189 = tpu.memref_slice %arg11[%dma_start3A_187, %dma_start3A_188] : memref<10000x64xf32, #tpu.memory_space<vmem_shared>> -> memref<10000x64xf32, #tpu.memory_space<vmem_shared>>
    tpu.enqueue_indirect_dma source(%dma_start3A_189 : memref<10000x64xf32, #tpu.memory_space<vmem_shared>>) target(%arg8 : memref<224x64xf32, #tpu.memory_space<vmem>>) offsets(%dma_start3A_186 : memref<224xi32, #tpu.memory_space<vmem>>) semaphore(%arg12 : memref<!tpu.dma_semaphore, #tpu.memory_space<semaphore_mem>>)
    %scan3A_190 = arith.constant 0 : i32
    %scan3A_191 = arith.constant 23 : i32
    %scan3A_192 = arith.addi %scan3A_190, %scan3A_191 : i32
    %scan3A_193 = arith.constant 1 : i32
    scf.for %scan3A_220 = %scan3A_190 to %scan3A_192 step %scan3A_193  : i32 {
      %mul3A_221 = arith.constant 1 : i32
      %mul3A_222 = arith.muli %scan3A_220, %mul3A_221 : i32
      %add3A_223 = arith.constant 0 : i32
      %add3A_224 = arith.addi %add3A_223, %mul3A_222 : i32
      %mul3A_225 = arith.constant 2 : i32
      %mul3A_226 = arith.muli %mul3A_225, %add3A_224 : i32
      %dma_wait3A_227 = arith.constant 0 : i32
      %dma_wait3A_228 = tpu.memref_slice %arg6[%mul3A_226, %dma_wait3A_227] : memref<46x224xi32, #tpu.memory_space<vmem>> -> memref<1x224xi32, #tpu.memory_space<vmem>>
      %dma_wait3A_229 = tpu.memref_squeeze %dma_wait3A_228 : memref<1x224xi32, #tpu.memory_space<vmem>> -> memref<224xi32, #tpu.memory_space<vmem>>
      %dma_wait3A_230 = arith.constant 0 : i32
      %dma_wait3A_231 = arith.constant 0 : i32
      %dma_wait3A_232 = tpu.memref_slice %arg11[%dma_wait3A_230, %dma_wait3A_231] : memref<10000x64xf32, #tpu.memory_space<vmem_shared>> -> memref<10000x64xf32, #tpu.memory_space<vmem_shared>>
      tpu.wait_indirect_dma semaphore(%arg12 : memref<!tpu.dma_semaphore, #tpu.memory_space<semaphore_mem>>) src(%dma_wait3A_232 : memref<10000x64xf32, #tpu.memory_space<vmem_shared>>) dst(%arg8 : memref<224x64xf32, #tpu.memory_space<vmem>>)
      %dma_start3A_233 = arith.constant 0 : i32
      %dma_start3A_234 = tpu.memref_slice %arg7[%mul3A_226, %dma_start3A_233] : memref<46x224xi32, #tpu.memory_space<vmem>> -> memref<1x224xi32, #tpu.memory_space<vmem>>
      %dma_start3A_235 = tpu.memref_squeeze %dma_start3A_234 : memref<1x224xi32, #tpu.memory_space<vmem>> -> memref<224xi32, #tpu.memory_space<vmem>>
      %dma_start3A_236 = arith.constant 0 : i32
      %dma_start3A_237 = arith.constant 0 : i32
      %dma_start3A_238 = tpu.memref_slice %arg10[%dma_start3A_236, %dma_start3A_237] : memref<10016x64xf32, #tpu.memory_space<vmem_shared>> -> memref<10016x64xf32, #tpu.memory_space<vmem_shared>>
      tpu.enqueue_indirect_dma source(%arg8 : memref<224x64xf32, #tpu.memory_space<vmem>>) target(%dma_start3A_238 : memref<10016x64xf32, #tpu.memory_space<vmem_shared>>) offsets(%dma_start3A_235 : memref<224xi32, #tpu.memory_space<vmem>>) semaphore(%arg14 : memref<!tpu.dma_semaphore, #tpu.memory_space<semaphore_mem>>) {add = true}
      %gt3A = arith.constant 0 : i32
      %gt3A_239 = arith.cmpi sgt, %add3A_224, %gt3A : i32
      %convert_element_type3A_240 = arith.extui %gt3A_239 : i1 to i32
      %cond3A_241 = arith.constant 0 : i32
      %cond3A_242 = arith.cmpi ne, %convert_element_type3A_240, %cond3A_241 : i32
      scf.if %cond3A_242 {
        %sub3A = arith.constant 1 : i32
        %sub3A_272 = arith.subi %mul3A_226, %sub3A : i32
        %dma_wait3A_273 = arith.constant 0 : i32
        %dma_wait3A_274 = tpu.memref_slice %arg7[%sub3A_272, %dma_wait3A_273] : memref<46x224xi32, #tpu.memory_space<vmem>> -> memref<1x224xi32, #tpu.memory_space<vmem>>
        %dma_wait3A_275 = tpu.memref_squeeze %dma_wait3A_274 : memref<1x224xi32, #tpu.memory_space<vmem>> -> memref<224xi32, #tpu.memory_space<vmem>>
        %dma_wait3A_276 = arith.constant 0 : i32
        %dma_wait3A_277 = arith.constant 0 : i32
        %dma_wait3A_278 = tpu.memref_slice %arg10[%dma_wait3A_276, %dma_wait3A_277] : memref<10016x64xf32, #tpu.memory_space<vmem_shared>> -> memref<10016x64xf32, #tpu.memory_space<vmem_shared>>
        tpu.wait_indirect_dma semaphore(%arg15 : memref<!tpu.dma_semaphore, #tpu.memory_space<semaphore_mem>>) src(%arg9 : memref<224x64xf32, #tpu.memory_space<vmem>>) dst(%dma_wait3A_278 : memref<10016x64xf32, #tpu.memory_space<vmem_shared>>)
      } else {
      }
      %add3A_243 = arith.constant 1 : i32
      %add3A_244 = arith.addi %mul3A_226, %add3A_243 : i32
      %dma_start3A_245 = arith.constant 0 : i32
      %dma_start3A_246 = tpu.memref_slice %arg6[%add3A_244, %dma_start3A_245] : memref<46x224xi32, #tpu.memory_space<vmem>> -> memref<1x224xi32, #tpu.memory_space<vmem>>
      %dma_start3A_247 = tpu.memref_squeeze %dma_start3A_246 : memref<1x224xi32, #tpu.memory_space<vmem>> -> memref<224xi32, #tpu.memory_space<vmem>>
      %dma_start3A_248 = arith.constant 0 : i32
      %dma_start3A_249 = arith.constant 0 : i32
      %dma_start3A_250 = tpu.memref_slice %arg11[%dma_start3A_248, %dma_start3A_249] : memref<10000x64xf32, #tpu.memory_space<vmem_shared>> -> memref<10000x64xf32, #tpu.memory_space<vmem_shared>>
      tpu.enqueue_indirect_dma source(%dma_start3A_250 : memref<10000x64xf32, #tpu.memory_space<vmem_shared>>) target(%arg9 : memref<224x64xf32, #tpu.memory_space<vmem>>) offsets(%dma_start3A_247 : memref<224xi32, #tpu.memory_space<vmem>>) semaphore(%arg13 : memref<!tpu.dma_semaphore, #tpu.memory_space<semaphore_mem>>)
      %add3A_251 = arith.constant 1 : i32
      %add3A_252 = arith.addi %mul3A_226, %add3A_251 : i32
      %dma_wait3A_253 = arith.constant 0 : i32
      %dma_wait3A_254 = tpu.memref_slice %arg6[%add3A_252, %dma_wait3A_253] : memref<46x224xi32, #tpu.memory_space<vmem>> -> memref<1x224xi32, #tpu.memory_space<vmem>>
      %dma_wait3A_255 = tpu.memref_squeeze %dma_wait3A_254 : memref<1x224xi32, #tpu.memory_space<vmem>> -> memref<224xi32, #tpu.memory_space<vmem>>
      %dma_wait3A_256 = arith.constant 0 : i32
      %dma_wait3A_257 = arith.constant 0 : i32
      %dma_wait3A_258 = tpu.memref_slice %arg11[%dma_wait3A_256, %dma_wait3A_257] : memref<10000x64xf32, #tpu.memory_space<vmem_shared>> -> memref<10000x64xf32, #tpu.memory_space<vmem_shared>>
      tpu.wait_indirect_dma semaphore(%arg13 : memref<!tpu.dma_semaphore, #tpu.memory_space<semaphore_mem>>) src(%dma_wait3A_258 : memref<10000x64xf32, #tpu.memory_space<vmem_shared>>) dst(%arg9 : memref<224x64xf32, #tpu.memory_space<vmem>>)
      %add3A_259 = arith.constant 1 : i32
      %add3A_260 = arith.addi %mul3A_226, %add3A_259 : i32
      %dma_start3A_261 = arith.constant 0 : i32
      %dma_start3A_262 = tpu.memref_slice %arg7[%add3A_260, %dma_start3A_261] : memref<46x224xi32, #tpu.memory_space<vmem>> -> memref<1x224xi32, #tpu.memory_space<vmem>>
      %dma_start3A_263 = tpu.memref_squeeze %dma_start3A_262 : memref<1x224xi32, #tpu.memory_space<vmem>> -> memref<224xi32, #tpu.memory_space<vmem>>
      %dma_start3A_264 = arith.constant 0 : i32
      %dma_start3A_265 = arith.constant 0 : i32
      %dma_start3A_266 = tpu.memref_slice %arg10[%dma_start3A_264, %dma_start3A_265] : memref<10016x64xf32, #tpu.memory_space<vmem_shared>> -> memref<10016x64xf32, #tpu.memory_space<vmem_shared>>
      tpu.enqueue_indirect_dma source(%arg9 : memref<224x64xf32, #tpu.memory_space<vmem>>) target(%dma_start3A_266 : memref<10016x64xf32, #tpu.memory_space<vmem_shared>>) offsets(%dma_start3A_263 : memref<224xi32, #tpu.memory_space<vmem>>) semaphore(%arg15 : memref<!tpu.dma_semaphore, #tpu.memory_space<semaphore_mem>>) {add = true}
      %lt3A_267 = arith.constant 22 : i32
      %lt3A_268 = arith.cmpi slt, %add3A_224, %lt3A_267 : i32
      %convert_element_type3A_269 = arith.extui %lt3A_268 : i1 to i32
      %cond3A_270 = arith.constant 0 : i32
      %cond3A_271 = arith.cmpi ne, %convert_element_type3A_269, %cond3A_270 : i32
      scf.if %cond3A_271 {
        %dma_wait3A_272 = arith.constant 0 : i32
        %dma_wait3A_273 = tpu.memref_slice %arg7[%mul3A_226, %dma_wait3A_272] : memref<46x224xi32, #tpu.memory_space<vmem>> -> memref<1x224xi32, #tpu.memory_space<vmem>>
        %dma_wait3A_274 = tpu.memref_squeeze %dma_wait3A_273 : memref<1x224xi32, #tpu.memory_space<vmem>> -> memref<224xi32, #tpu.memory_space<vmem>>
        %dma_wait3A_275 = arith.constant 0 : i32
        %dma_wait3A_276 = arith.constant 0 : i32
        %dma_wait3A_277 = tpu.memref_slice %arg10[%dma_wait3A_275, %dma_wait3A_276] : memref<10016x64xf32, #tpu.memory_space<vmem_shared>> -> memref<10016x64xf32, #tpu.memory_space<vmem_shared>>
        tpu.wait_indirect_dma semaphore(%arg14 : memref<!tpu.dma_semaphore, #tpu.memory_space<semaphore_mem>>) src(%arg8 : memref<224x64xf32, #tpu.memory_space<vmem>>) dst(%dma_wait3A_277 : memref<10016x64xf32, #tpu.memory_space<vmem_shared>>)
        %add3A_278 = arith.constant 2 : i32
        %add3A_279 = arith.addi %mul3A_226, %add3A_278 : i32
        %dma_start3A_280 = arith.constant 0 : i32
        %dma_start3A_281 = tpu.memref_slice %arg6[%add3A_279, %dma_start3A_280] : memref<46x224xi32, #tpu.memory_space<vmem>> -> memref<1x224xi32, #tpu.memory_space<vmem>>
        %dma_start3A_282 = tpu.memref_squeeze %dma_start3A_281 : memref<1x224xi32, #tpu.memory_space<vmem>> -> memref<224xi32, #tpu.memory_space<vmem>>
        %dma_start3A_283 = arith.constant 0 : i32
        %dma_start3A_284 = arith.constant 0 : i32
        %dma_start3A_285 = tpu.memref_slice %arg11[%dma_start3A_283, %dma_start3A_284] : memref<10000x64xf32, #tpu.memory_space<vmem_shared>> -> memref<10000x64xf32, #tpu.memory_space<vmem_shared>>
        tpu.enqueue_indirect_dma source(%dma_start3A_285 : memref<10000x64xf32, #tpu.memory_space<vmem_shared>>) target(%arg8 : memref<224x64xf32, #tpu.memory_space<vmem>>) offsets(%dma_start3A_282 : memref<224xi32, #tpu.memory_space<vmem>>) semaphore(%arg12 : memref<!tpu.dma_semaphore, #tpu.memory_space<semaphore_mem>>)
      } else {
      }
    }
    %scan3A_194 = arith.constant 23 : i32
    %dma_wait3A_195 = arith.constant 44 : i32
    %dma_wait3A_196 = arith.constant 0 : i32
    %dma_wait3A_197 = tpu.memref_slice %arg7[%dma_wait3A_195, %dma_wait3A_196] : memref<46x224xi32, #tpu.memory_space<vmem>> -> memref<1x224xi32, #tpu.memory_space<vmem>>
    %dma_wait3A_198 = tpu.memref_squeeze %dma_wait3A_197 : memref<1x224xi32, #tpu.memory_space<vmem>> -> memref<224xi32, #tpu.memory_space<vmem>>
    %dma_wait3A_199 = arith.constant 0 : i32
    %dma_wait3A_200 = arith.constant 0 : i32
    %dma_wait3A_201 = tpu.memref_slice %arg10[%dma_wait3A_199, %dma_wait3A_200] : memref<10016x64xf32, #tpu.memory_space<vmem_shared>> -> memref<10016x64xf32, #tpu.memory_space<vmem_shared>>
    tpu.wait_indirect_dma semaphore(%arg14 : memref<!tpu.dma_semaphore, #tpu.memory_space<semaphore_mem>>) src(%arg8 : memref<224x64xf32, #tpu.memory_space<vmem>>) dst(%dma_wait3A_201 : memref<10016x64xf32, #tpu.memory_space<vmem_shared>>)
    %dma_wait3A_202 = arith.constant 45 : i32
    %dma_wait3A_203 = arith.constant 0 : i32
    %dma_wait3A_204 = tpu.memref_slice %arg7[%dma_wait3A_202, %dma_wait3A_203] : memref<46x224xi32, #tpu.memory_space<vmem>> -> memref<1x224xi32, #tpu.memory_space<vmem>>
    %dma_wait3A_205 = tpu.memref_squeeze %dma_wait3A_204 : memref<1x224xi32, #tpu.memory_space<vmem>> -> memref<224xi32, #tpu.memory_space<vmem>>
    %dma_wait3A_206 = arith.constant 0 : i32
    %dma_wait3A_207 = arith.constant 0 : i32
    %dma_wait3A_208 = tpu.memref_slice %arg10[%dma_wait3A_206, %dma_wait3A_207] : memref<10016x64xf32, #tpu.memory_space<vmem_shared>> -> memref<10016x64xf32, #tpu.memory_space<vmem_shared>>
    tpu.wait_indirect_dma semaphore(%arg15 : memref<!tpu.dma_semaphore, #tpu.memory_space<semaphore_mem>>) src(%arg9 : memref<224x64xf32, #tpu.memory_space<vmem>>) dst(%dma_wait3A_208 : memref<10016x64xf32, #tpu.memory_space<vmem_shared>>)
    %barrier3A_209 = arith.constant 0 : index
    tpu.barrier barrier_id(%barrier3A_209)
    %lt3A_210 = arith.constant 15 : i32
    %lt3A_211 = arith.cmpi slt, %arg1, %lt3A_210 : i32
    %convert_element_type3A_212 = arith.extui %lt3A_211 : i1 to i32
    %cond3A_213 = arith.constant 0 : i32
    %cond3A_214 = arith.cmpi ne, %convert_element_type3A_212, %cond3A_213 : i32
    scf.if %cond3A_214 {
      %mul3A_220 = arith.constant 624 : i32
      %mul3A_221 = arith.muli %arg1, %mul3A_220 : i32
      %mul3A_222 = arith.constant 624 : i32
      %mul3A_223 = arith.muli %arg1, %mul3A_222 : i32
      "tpu.region"() ({
        %run_scoped3A = tpu.sem_alloc : memref<!tpu.dma_semaphore, #tpu.memory_space<semaphore_mem>>
        %dma_start3A_224 = arith.constant 0 : i32
        %dma_start3A_225 = arith.constant 0 : i32
        %dma_start3A_226 = tpu.memref_slice %arg5[%arg0, %dma_start3A_224, %dma_start3A_225] : memref<2x10000x64xf32, #tpu.memory_space<hbm>> -> memref<1x10000x64xf32, #tpu.memory_space<hbm>>
        %dma_start3A_227 = tpu.memref_squeeze %dma_start3A_226 : memref<1x10000x64xf32, #tpu.memory_space<hbm>> -> memref<10000x64xf32, #tpu.memory_space<hbm>>
        %dma_start3A_228 = arith.constant 0 : i32
        %dma_start3A_229 = tpu.memref_slice %dma_start3A_227[%mul3A_223, %dma_start3A_228] : memref<10000x64xf32, #tpu.memory_space<hbm>> -> memref<624x64xf32, #tpu.memory_space<hbm>>
        %dma_start3A_230 = arith.constant 0 : i32
        %dma_start3A_231 = tpu.memref_slice %arg10[%mul3A_221, %dma_start3A_230] : memref<10016x64xf32, #tpu.memory_space<vmem_shared>> -> memref<624x64xf32, #tpu.memory_space<vmem_shared>>
        tpu.enqueue_dma source(%dma_start3A_231 : memref<624x64xf32, #tpu.memory_space<vmem_shared>>) target(%dma_start3A_229 : memref<624x64xf32, #tpu.memory_space<hbm>>) target_semaphore(%run_scoped3A : memref<!tpu.dma_semaphore, #tpu.memory_space<semaphore_mem>>)
        %dma_wait3A_232 = arith.constant 0 : i32
        %dma_wait3A_233 = arith.constant 0 : i32
        %dma_wait3A_234 = tpu.memref_slice %arg5[%arg0, %dma_wait3A_232, %dma_wait3A_233] : memref<2x10000x64xf32, #tpu.memory_space<hbm>> -> memref<1x10000x64xf32, #tpu.memory_space<hbm>>
        %dma_wait3A_235 = tpu.memref_squeeze %dma_wait3A_234 : memref<1x10000x64xf32, #tpu.memory_space<hbm>> -> memref<10000x64xf32, #tpu.memory_space<hbm>>
        %dma_wait3A_236 = arith.constant 0 : i32
        %dma_wait3A_237 = tpu.memref_slice %dma_wait3A_235[%mul3A_223, %dma_wait3A_236] : memref<10000x64xf32, #tpu.memory_space<hbm>> -> memref<624x64xf32, #tpu.memory_space<hbm>>
        %dma_wait3A_238 = arith.constant 0 : i32
        %dma_wait3A_239 = tpu.memref_slice %arg10[%mul3A_221, %dma_wait3A_238] : memref<10016x64xf32, #tpu.memory_space<vmem_shared>> -> memref<624x64xf32, #tpu.memory_space<vmem_shared>>
        tpu.wait_dma2 semaphore(%run_scoped3A : memref<!tpu.dma_semaphore, #tpu.memory_space<semaphore_mem>>) src(%dma_wait3A_239 : memref<624x64xf32, #tpu.memory_space<vmem_shared>>) dst(%dma_wait3A_237 : memref<624x64xf32, #tpu.memory_space<hbm>>)
        tpu.yield
      }) : () -> ()
    } else {
    }
    %eq3A_215 = arith.constant 15 : i32
    %eq3A_216 = arith.cmpi eq, %arg1, %eq3A_215 : i32
    %convert_element_type3A_217 = arith.extui %eq3A_216 : i1 to i32
    %cond3A_218 = arith.constant 0 : i32
    %cond3A_219 = arith.cmpi ne, %convert_element_type3A_217, %cond3A_218 : i32
    scf.if %cond3A_219 {
      "tpu.region"() ({
        %run_scoped3A = tpu.sem_alloc : memref<!tpu.dma_semaphore, #tpu.memory_space<semaphore_mem>>
        %dma_start3A_220 = arith.constant 0 : i32
        %dma_start3A_221 = arith.constant 0 : i32
        %dma_start3A_222 = tpu.memref_slice %arg5[%arg0, %dma_start3A_220, %dma_start3A_221] : memref<2x10000x64xf32, #tpu.memory_space<hbm>> -> memref<1x10000x64xf32, #tpu.memory_space<hbm>>
        %dma_start3A_223 = tpu.memref_squeeze %dma_start3A_222 : memref<1x10000x64xf32, #tpu.memory_space<hbm>> -> memref<10000x64xf32, #tpu.memory_space<hbm>>
        %dma_start3A_224 = arith.constant 9360 : i32
        %dma_start3A_225 = arith.constant 0 : i32
        %dma_start3A_226 = tpu.memref_slice %dma_start3A_223[%dma_start3A_224, %dma_start3A_225] : memref<10000x64xf32, #tpu.memory_space<hbm>> -> memref<640x64xf32, #tpu.memory_space<hbm>>
        %dma_start3A_227 = arith.constant 9360 : i32
        %dma_start3A_228 = arith.constant 0 : i32
        %dma_start3A_229 = tpu.memref_slice %arg10[%dma_start3A_227, %dma_start3A_228] : memref<10016x64xf32, #tpu.memory_space<vmem_shared>> -> memref<640x64xf32, #tpu.memory_space<vmem_shared>>
        tpu.enqueue_dma source(%dma_start3A_229 : memref<640x64xf32, #tpu.memory_space<vmem_shared>>) target(%dma_start3A_226 : memref<640x64xf32, #tpu.memory_space<hbm>>) target_semaphore(%run_scoped3A : memref<!tpu.dma_semaphore, #tpu.memory_space<semaphore_mem>>)
        %dma_wait3A_230 = arith.constant 0 : i32
        %dma_wait3A_231 = arith.constant 0 : i32
        %dma_wait3A_232 = tpu.memref_slice %arg5[%arg0, %dma_wait3A_230, %dma_wait3A_231] : memref<2x10000x64xf32, #tpu.memory_space<hbm>> -> memref<1x10000x64xf32, #tpu.memory_space<hbm>>
        %dma_wait3A_233 = tpu.memref_squeeze %dma_wait3A_232 : memref<1x10000x64xf32, #tpu.memory_space<hbm>> -> memref<10000x64xf32, #tpu.memory_space<hbm>>
        %dma_wait3A_234 = arith.constant 9360 : i32
        %dma_wait3A_235 = arith.constant 0 : i32
        %dma_wait3A_236 = tpu.memref_slice %dma_wait3A_233[%dma_wait3A_234, %dma_wait3A_235] : memref<10000x64xf32, #tpu.memory_space<hbm>> -> memref<640x64xf32, #tpu.memory_space<hbm>>
        %dma_wait3A_237 = arith.constant 9360 : i32
        %dma_wait3A_238 = arith.constant 0 : i32
        %dma_wait3A_239 = tpu.memref_slice %arg10[%dma_wait3A_237, %dma_wait3A_238] : memref<10016x64xf32, #tpu.memory_space<vmem_shared>> -> memref<640x64xf32, #tpu.memory_space<vmem_shared>>
        tpu.wait_dma2 semaphore(%run_scoped3A : memref<!tpu.dma_semaphore, #tpu.memory_space<semaphore_mem>>) src(%dma_wait3A_239 : memref<640x64xf32, #tpu.memory_space<vmem_shared>>) dst(%dma_wait3A_236 : memref<640x64xf32, #tpu.memory_space<hbm>>)
        tpu.yield
      }) : () -> ()
    } else {
    }
    return
  }
}

module attributes {stable_mosaic.version = 14 : i64} {
  func.func @_mm_body(%arg0: i32, %arg1: memref<2000x128xf32, #tpu.memory_space<vmem>>, %arg2: memref<128x128xf32, #tpu.memory_space<vmem>>, %arg3: memref<2x2000x64xf32, #tpu.memory_space<vmem>>) attributes {dimension_semantics = [#tpu.dimension_semantics<arbitrary>], iteration_bounds = array<i64: 5>, scalar_prefetch = 0 : i64, scratch_operands = 0 : i64, tpu.core_type = #tpu.core_type<tc>, window_params = [{transform_indices = @transform_0, window_bounds = array<i64: 2000, 128>}, {pipeline_mode = #tpu.pipeline_mode<synchronous>, transform_indices = @transform_1, window_bounds = array<i64: 128, 128>}, {transform_indices = @transform_2, window_bounds = array<i64: 2, 2000, 64>}]} {
    %get3A = arith.constant 0 : index
    %get3A_0 = arith.constant 0 : index
    %get3A_1 = vector.load %arg1[%get3A, %get3A_0] : memref<2000x128xf32, #tpu.memory_space<vmem>>, vector<2000x128xf32>
    %get3A_2 = arith.constant 0 : index
    %get3A_3 = arith.constant 0 : index
    %get3A_4 = vector.load %arg2[%get3A_2, %get3A_3] : memref<128x128xf32, #tpu.memory_space<vmem>>, vector<128x128xf32>
    %dot_general3A = arith.constant dense<0.000000e+00> : vector<2000x128xf32>
    %dot_general3A_5 = tpu.matmul %get3A_1, %get3A_4, %dot_general3A {dimension_numbers = #tpu.dot_dimension_numbers<[1], [0], [0], [1], [0, 0, 1, 1], [], []>, transpose_lhs_hint = false} : vector<2000x128xf32>, vector<128x128xf32>, vector<2000x128xf32> -> vector<2000x128xf32>
    %slice3A = vector.extract_strided_slice %dot_general3A_5 {offsets = [0, 0], sizes = [2000, 64], strides = [1, 1]} : vector<2000x128xf32> to vector<2000x64xf32>
    %swap3A = arith.constant 0 : index
    %swap3A_6 = arith.constant 0 : index
    %swap3A_7 = arith.constant 0 : index
    %swap3A_8 = vector.load %arg3[%swap3A, %swap3A_6, %swap3A_7] : memref<2x2000x64xf32, #tpu.memory_space<vmem>>, vector<1x2000x64xf32>
    %swap3A_9 = vector.shape_cast %swap3A_8 : vector<1x2000x64xf32> to vector<2000x64xf32>
    %swap3A_10 = vector.shape_cast %slice3A : vector<2000x64xf32> to vector<1x2000x64xf32>
    tpu.vector_store %arg3[%swap3A, %swap3A_6, %swap3A_7], %swap3A_10 {strides = array<i32>} : memref<2x2000x64xf32, #tpu.memory_space<vmem>>, vector<1x2000x64xf32>,
    %slice3A_11 = vector.extract_strided_slice %dot_general3A_5 {offsets = [0, 64], sizes = [2000, 64], strides = [1, 1]} : vector<2000x128xf32> to vector<2000x64xf32>
    %swap3A_12 = arith.constant 1 : index
    %swap3A_13 = arith.constant 0 : index
    %swap3A_14 = arith.constant 0 : index
    %swap3A_15 = vector.load %arg3[%swap3A_12, %swap3A_13, %swap3A_14] : memref<2x2000x64xf32, #tpu.memory_space<vmem>>, vector<1x2000x64xf32>
    %swap3A_16 = vector.shape_cast %swap3A_15 : vector<1x2000x64xf32> to vector<2000x64xf32>
    %swap3A_17 = vector.shape_cast %slice3A_11 : vector<2000x64xf32> to vector<1x2000x64xf32>
    tpu.vector_store %arg3[%swap3A_12, %swap3A_13, %swap3A_14], %swap3A_17 {strides = array<i32>} : memref<2x2000x64xf32, #tpu.memory_space<vmem>>, vector<1x2000x64xf32>,
    return
  }
  func.func @transform_0(%arg0: i32) -> (i32, i32) {
    %c0_i32 = arith.constant 0 : i32
    %c0_i32_0 = arith.constant 0 : i32
    return %arg0, %c0_i32 : i32, i32
  }
  func.func @transform_1(%arg0: i32) -> (i32, i32) {
    %c0_i32 = arith.constant 0 : i32
    %c0_i32_0 = arith.constant 0 : i32
    %c0_i32_1 = arith.constant 0 : i32
    return %c0_i32, %c0_i32_0 : i32, i32
  }
  func.func @transform_2(%arg0: i32) -> (i32, i32, i32) {
    %c0_i32 = arith.constant 0 : i32
    %c0_i32_0 = arith.constant 0 : i32
    %c0_i32_1 = arith.constant 0 : i32
    return %c0_i32, %arg0, %c0_i32_0 : i32, i32, i32
  }
}

module attributes {stable_mosaic.version = 14 : i64} {
  func.func @_fuse_body(%arg0: i32, %arg1: memref<2x2000x64xf32, #tpu.memory_space<vmem>>, %arg2: memref<1x128xf32, #tpu.memory_space<vmem>>, %arg3: memref<128x128xf32, #tpu.memory_space<vmem>>, %arg4: memref<2x2000x64xf32, #tpu.memory_space<vmem>>) attributes {dimension_semantics = [#tpu.dimension_semantics<arbitrary>], iteration_bounds = array<i64: 5>, scalar_prefetch = 0 : i64, scratch_operands = 0 : i64, tpu.core_type = #tpu.core_type<tc>, window_params = [{transform_indices = @transform_0, window_bounds = array<i64: 2, 2000, 64>}, {pipeline_mode = #tpu.pipeline_mode<synchronous>, transform_indices = @transform_1, window_bounds = array<i64: 1, 128>}, {pipeline_mode = #tpu.pipeline_mode<synchronous>, transform_indices = @transform_2, window_bounds = array<i64: 128, 128>}, {transform_indices = @transform_3, window_bounds = array<i64: 2, 2000, 64>}]} {
    %get3A = arith.constant 0 : index
    %get3A_0 = arith.constant 0 : index
    %get3A_1 = arith.constant 0 : index
    %get3A_2 = vector.load %arg1[%get3A, %get3A_0, %get3A_1] : memref<2x2000x64xf32, #tpu.memory_space<vmem>>, vector<1x2000x64xf32>
    %get3A_3 = vector.shape_cast %get3A_2 : vector<1x2000x64xf32> to vector<2000x64xf32>
    %get3A_4 = arith.constant 1 : index
    %get3A_5 = arith.constant 0 : index
    %get3A_6 = arith.constant 0 : index
    %get3A_7 = vector.load %arg1[%get3A_4, %get3A_5, %get3A_6] : memref<2x2000x64xf32, #tpu.memory_space<vmem>>, vector<1x2000x64xf32>
    %get3A_8 = vector.shape_cast %get3A_7 : vector<1x2000x64xf32> to vector<2000x64xf32>
    %concatenate3A = tpu.concatenate %get3A_3, %get3A_8 in 1 : vector<2000x64xf32>, vector<2000x64xf32> -> vector<2000x128xf32>
    %get3A_9 = arith.constant 0 : index
    %get3A_10 = arith.constant 0 : index
    %get3A_11 = vector.load %arg2[%get3A_9, %get3A_10] : memref<1x128xf32, #tpu.memory_space<vmem>>, vector<1x128xf32>
    %add3A = vector.broadcast %get3A_11 : vector<1x128xf32> to vector<2000x128xf32>
    %add3A_12 = arith.addf %concatenate3A, %add3A : vector<2000x128xf32>
    %max3A = arith.constant 0.000000e+00 : f32
    %max3A_13 = vector.broadcast %max3A : f32 to vector<2000x128xf32>
    %max3A_14 = arith.maximumf %add3A_12, %max3A_13 : vector<2000x128xf32>
    %get3A_15 = arith.constant 0 : index
    %get3A_16 = arith.constant 0 : index
    %get3A_17 = vector.load %arg3[%get3A_15, %get3A_16] : memref<128x128xf32, #tpu.memory_space<vmem>>, vector<128x128xf32>
    %dot_general3A = arith.constant dense<0.000000e+00> : vector<2000x128xf32>
    %dot_general3A_18 = tpu.matmul %max3A_14, %get3A_17, %dot_general3A {dimension_numbers = #tpu.dot_dimension_numbers<[1], [0], [0], [1], [0, 0, 1, 1], [], []>, transpose_lhs_hint = false} : vector<2000x128xf32>, vector<128x128xf32>, vector<2000x128xf32> -> vector<2000x128xf32>
    %slice3A = vector.extract_strided_slice %dot_general3A_18 {offsets = [0, 0], sizes = [2000, 64], strides = [1, 1]} : vector<2000x128xf32> to vector<2000x64xf32>
    %swap3A = arith.constant 0 : index
    %swap3A_19 = arith.constant 0 : index
    %swap3A_20 = arith.constant 0 : index
    %swap3A_21 = vector.load %arg4[%swap3A, %swap3A_19, %swap3A_20] : memref<2x2000x64xf32, #tpu.memory_space<vmem>>, vector<1x2000x64xf32>
    %swap3A_22 = vector.shape_cast %swap3A_21 : vector<1x2000x64xf32> to vector<2000x64xf32>
    %swap3A_23 = vector.shape_cast %slice3A : vector<2000x64xf32> to vector<1x2000x64xf32>
    tpu.vector_store %arg4[%swap3A, %swap3A_19, %swap3A_20], %swap3A_23 {strides = array<i32>} : memref<2x2000x64xf32, #tpu.memory_space<vmem>>, vector<1x2000x64xf32>,
    %slice3A_24 = vector.extract_strided_slice %dot_general3A_18 {offsets = [0, 64], sizes = [2000, 64], strides = [1, 1]} : vector<2000x128xf32> to vector<2000x64xf32>
    %swap3A_25 = arith.constant 1 : index
    %swap3A_26 = arith.constant 0 : index
    %swap3A_27 = arith.constant 0 : index
    %swap3A_28 = vector.load %arg4[%swap3A_25, %swap3A_26, %swap3A_27] : memref<2x2000x64xf32, #tpu.memory_space<vmem>>, vector<1x2000x64xf32>
    %swap3A_29 = vector.shape_cast %swap3A_28 : vector<1x2000x64xf32> to vector<2000x64xf32>
    %swap3A_30 = vector.shape_cast %slice3A_24 : vector<2000x64xf32> to vector<1x2000x64xf32>
    tpu.vector_store %arg4[%swap3A_25, %swap3A_26, %swap3A_27], %swap3A_30 {strides = array<i32>} : memref<2x2000x64xf32, #tpu.memory_space<vmem>>, vector<1x2000x64xf32>,
    return
  }
  func.func @transform_0(%arg0: i32) -> (i32, i32, i32) {
    %c0_i32 = arith.constant 0 : i32
    %c0_i32_0 = arith.constant 0 : i32
    %c0_i32_1 = arith.constant 0 : i32
    return %c0_i32, %arg0, %c0_i32_0 : i32, i32, i32
  }
  func.func @transform_1(%arg0: i32) -> (i32, i32) {
    %c0_i32 = arith.constant 0 : i32
    %c0_i32_0 = arith.constant 0 : i32
    %c0_i32_1 = arith.constant 0 : i32
    return %c0_i32, %c0_i32_0 : i32, i32
  }
  func.func @transform_2(%arg0: i32) -> (i32, i32) {
    %c0_i32 = arith.constant 0 : i32
    %c0_i32_0 = arith.constant 0 : i32
    %c0_i32_1 = arith.constant 0 : i32
    return %c0_i32, %c0_i32_0 : i32, i32
  }
  func.func @transform_3(%arg0: i32) -> (i32, i32, i32) {
    %c0_i32 = arith.constant 0 : i32
    %c0_i32_0 = arith.constant 0 : i32
    %c0_i32_1 = arith.constant 0 : i32
    return %c0_i32, %arg0, %c0_i32_0 : i32, i32, i32
  }
}

module attributes {stable_mosaic.version = 14 : i64} {
  func.func @_final_body(%arg0: i32, %arg1: memref<2x2000x64xf32, #tpu.memory_space<vmem>>, %arg2: memref<1x128xf32, #tpu.memory_space<vmem>>, %arg3: memref<128x64xf32, #tpu.memory_space<vmem>>, %arg4: memref<1x64xf32, #tpu.memory_space<vmem>>, %arg5: memref<2000x64xf32, #tpu.memory_space<vmem>>) attributes {dimension_semantics = [#tpu.dimension_semantics<arbitrary>], iteration_bounds = array<i64: 5>, scalar_prefetch = 0 : i64, scratch_operands = 0 : i64, tpu.core_type = #tpu.core_type<tc>, window_params = [{transform_indices = @transform_0, window_bounds = array<i64: 2, 2000, 64>}, {pipeline_mode = #tpu.pipeline_mode<synchronous>, transform_indices = @transform_1, window_bounds = array<i64: 1, 128>}, {pipeline_mode = #tpu.pipeline_mode<synchronous>, transform_indices = @transform_2, window_bounds = array<i64: 128, 64>}, {pipeline_mode = #tpu.pipeline_mode<synchronous>, transform_indices = @transform_3, window_bounds = array<i64: 1, 64>}, {transform_indices = @transform_4, window_bounds = array<i64: 2000, 64>}]} {
    %get3A = arith.constant 0 : index
    %get3A_0 = arith.constant 0 : index
    %get3A_1 = arith.constant 0 : index
    %get3A_2 = vector.load %arg1[%get3A, %get3A_0, %get3A_1] : memref<2x2000x64xf32, #tpu.memory_space<vmem>>, vector<1x2000x64xf32>
    %get3A_3 = vector.shape_cast %get3A_2 : vector<1x2000x64xf32> to vector<2000x64xf32>
    %get3A_4 = arith.constant 1 : index
    %get3A_5 = arith.constant 0 : index
    %get3A_6 = arith.constant 0 : index
    %get3A_7 = vector.load %arg1[%get3A_4, %get3A_5, %get3A_6] : memref<2x2000x64xf32, #tpu.memory_space<vmem>>, vector<1x2000x64xf32>
    %get3A_8 = vector.shape_cast %get3A_7 : vector<1x2000x64xf32> to vector<2000x64xf32>
    %concatenate3A = tpu.concatenate %get3A_3, %get3A_8 in 1 : vector<2000x64xf32>, vector<2000x64xf32> -> vector<2000x128xf32>
    %get3A_9 = arith.constant 0 : index
    %get3A_10 = arith.constant 0 : index
    %get3A_11 = vector.load %arg2[%get3A_9, %get3A_10] : memref<1x128xf32, #tpu.memory_space<vmem>>, vector<1x128xf32>
    %add3A = vector.broadcast %get3A_11 : vector<1x128xf32> to vector<2000x128xf32>
    %add3A_12 = arith.addf %concatenate3A, %add3A : vector<2000x128xf32>
    %max3A = arith.constant 0.000000e+00 : f32
    %max3A_13 = vector.broadcast %max3A : f32 to vector<2000x128xf32>
    %max3A_14 = arith.maximumf %add3A_12, %max3A_13 : vector<2000x128xf32>
    %get3A_15 = arith.constant 0 : index
    %get3A_16 = arith.constant 0 : index
    %get3A_17 = vector.load %arg3[%get3A_15, %get3A_16] : memref<128x64xf32, #tpu.memory_space<vmem>>, vector<128x64xf32>
    %dot_general3A = arith.constant dense<0.000000e+00> : vector<2000x64xf32>
    %dot_general3A_18 = tpu.matmul %max3A_14, %get3A_17, %dot_general3A {dimension_numbers = #tpu.dot_dimension_numbers<[1], [0], [0], [1], [0, 0, 1, 1], [], []>, transpose_lhs_hint = false} : vector<2000x128xf32>, vector<128x64xf32>, vector<2000x64xf32> -> vector<2000x64xf32>
    %get3A_19 = arith.constant 0 : index
    %get3A_20 = arith.constant 0 : index
    %get3A_21 = vector.load %arg4[%get3A_19, %get3A_20] : memref<1x64xf32, #tpu.memory_space<vmem>>, vector<1x64xf32>
    %add3A_22 = vector.broadcast %get3A_21 : vector<1x64xf32> to vector<2000x64xf32>
    %add3A_23 = arith.addf %dot_general3A_18, %add3A_22 : vector<2000x64xf32>
    %reduce_max3A = arith.constant dense<0xFF800000> : vector<2000xf32>
    %reduce_max3A_24 = vector.multi_reduction <maximumf>, %add3A_23, %reduce_max3A [1] : vector<2000x64xf32> to vector<2000xf32>
    %broadcast_in_dim3A = vector.shape_cast %reduce_max3A_24 : vector<2000xf32> to vector<2000x1xf32>
    %sub3A = vector.broadcast %broadcast_in_dim3A : vector<2000x1xf32> to vector<2000x64xf32>
    %sub3A_25 = arith.subf %add3A_23, %sub3A : vector<2000x64xf32>
    %exp3A = math.exp %sub3A_25 : vector<2000x64xf32>
    %reduce_sum3A = arith.constant dense<0.000000e+00> : vector<2000xf32>
    %reduce_sum3A_26 = vector.multi_reduction <add>, %exp3A, %reduce_sum3A [1] : vector<2000x64xf32> to vector<2000xf32>
    %broadcast_in_dim3A_27 = vector.shape_cast %reduce_sum3A_26 : vector<2000xf32> to vector<2000x1xf32>
    %log3A = math.log %broadcast_in_dim3A_27 : vector<2000x1xf32>
    %add3A_28 = arith.addf %broadcast_in_dim3A, %log3A : vector<2000x1xf32>
    %sub3A_29 = vector.broadcast %add3A_28 : vector<2000x1xf32> to vector<2000x64xf32>
    %sub3A_30 = arith.subf %add3A_23, %sub3A_29 : vector<2000x64xf32>
    %swap3A = arith.constant 0 : index
    %swap3A_31 = arith.constant 0 : index
    %swap3A_32 = vector.load %arg5[%swap3A, %swap3A_31] : memref<2000x64xf32, #tpu.memory_space<vmem>>, vector<2000x64xf32>
    tpu.vector_store %arg5[%swap3A, %swap3A_31], %sub3A_30 {strides = array<i32>} : memref<2000x64xf32, #tpu.memory_space<vmem>>, vector<2000x64xf32>,
    return
  }
  func.func @transform_0(%arg0: i32) -> (i32, i32, i32) {
    %c0_i32 = arith.constant 0 : i32
    %c0_i32_0 = arith.constant 0 : i32
    %c0_i32_1 = arith.constant 0 : i32
    return %c0_i32, %arg0, %c0_i32_0 : i32, i32, i32
  }
  func.func @transform_1(%arg0: i32) -> (i32, i32) {
    %c0_i32 = arith.constant 0 : i32
    %c0_i32_0 = arith.constant 0 : i32
    %c0_i32_1 = arith.constant 0 : i32
    return %c0_i32, %c0_i32_0 : i32, i32
  }
  func.func @transform_2(%arg0: i32) -> (i32, i32) {
    %c0_i32 = arith.constant 0 : i32
    %c0_i32_0 = arith.constant 0 : i32
    %c0_i32_1 = arith.constant 0 : i32
    return %c0_i32, %c0_i32_0 : i32, i32
  }
  func.func @transform_3(%arg0: i32) -> (i32, i32) {
    %c0_i32 = arith.constant 0 : i32
    %c0_i32_0 = arith.constant 0 : i32
    %c0_i32_1 = arith.constant 0 : i32
    return %c0_i32, %c0_i32_0 : i32, i32
  }
  func.func @transform_4(%arg0: i32) -> (i32, i32) {
    %c0_i32 = arith.constant 0 : i32
    %c0_i32_0 = arith.constant 0 : i32
    return %arg0, %c0_i32 : i32, i32
  }
}

</mosaic_0001>

<sc_bundles>
// kernel: kernel.11.cloned.1.call-start
scs
__scs_entry_jumppad:
0x0: {  	(pc) =	sbr.rel $0x88, $3  }
0x1: {  	(tag) =	ssettag $0x0;
	lr =	simm.s32 $0x1  }
0x2: {  	[smem:$0x3F95] =	sst lr;
	_ =	strace $0xD0000000  }
0x3: {  	_ = 	snop  }
0x4: {  	_ = 	snop  }
0x5: {  	_ = 	snop  }
0x6: {  	_ = 	snop  }
0x7: {  	_ = 	snop  }
__scs_overlays_trampoline_lowered:
0x8: {  	[smem:$0x3FA4] =	sst s0  }
0x9: {  	[smem:$0x3FA5] =	sst s1  }
0xa: {  	[smem:$0x3FA6] =	sst s2  }
0xb: {  	[smem:$0x3FA7] =	sst s3  }
0xc: {  	[smem:$0x3FA8] =	sst s4  }
0xd: {  	[smem:$0x3FA9] =	sst s5  }
0xe: {  	[smem:$0x3FAA] =	sst s6  }
0xf: {  	[smem:$0x3FAB] =	sst s7  }
0x10: {  	[smem:$0x3FAC] =	sst s8  }
0x11: {  	[smem:$0x3FAD] =	sst s9;
	s0 =	simm.s32 @!p0 $0x0  }
0x12: {  	s1 =	sld [smem:$0x3F93];
	s0 =	simm.s32 @p0 $0x1  }
0x13: {  	[smem:$0x3FAE] =	sst s0;
	s0 =	simm.s32 @!p1 $0x0  }
0x14: {  	s2 =	sld [smem:$0x3F92];
	s0 =	simm.s32 @p1 $0x1  }
0x15: {  	[smem:$0x3FAF] =	sst s0;
	s0 =	simm.s32 @!p2 $0x0  }
0x16: {  	s3 =	sld [smem:$0x3FDB];
	s0 =	simm.s32 @p2 $0x1  }
0x17: {  	s4 =	simm.s32 $0x1BF5;
	[smem:$0x3FB1] =	sst s0  }
0x18: {  	s0 =	sld [smem:$0x3F94];
	_ =	swait.ge [sflag:s4], $0x0  }
0x19: {  	s7 =	sld [smem:$0x3F95]  }
0x1a: {  	s8 =	sadd.s32 $0xFFFFE003, lr  }
0x1b: {  	s9 =	sadd.s32 $0xFFFFFEF7, lr;
	s5 =	simm.s32 $0xFFFFFFFF;
	p2 =	slt.u32 s8, $0xFFFFF086  }
0x1c: {  	p1 =	slt.u32 s9, $0xF7A;
	s5 =	simm.s32 @!p2 $0x0  }
0x1d: {  	s5 =	simm.s32 @p1 $0x1;
	p0 =	seq.s32 s7, s2  }
0x1e: {  	s7 =	smul.u32 @!p0 $0xF7A, s2;
	p2 =	seq.s32 @!p0 s5, $0x0  }
0x1f: {  	s9 =	smul.u32 $0xF7A, s1;
	s8 =	simm.s32 @!p0 $0x1BF5;
	p2 =	por !p2, p0  }
0x20: {  	[sflag:s8] =	ssyncset.s32 @!p0 $0xFFFFF086;
	s6 =	sadd.s32 @!p0 s3, s7;
	s7 =	simm.s32 @!p0 $0x108  }
0x21: {  	s3 =	sadd.s32 s3, s9;
	s6 =	sadd.s32 @!p0 $0x88, s6;
	s7 =	simm.s32 @p2 $0x1082  }
0x22: {  	[simem:s7], [sflag:s8] =	dma.local @!p0 [hbm:s6], $0xF7A  }
0x23: {  	s9 =	sor.u32 $0xD0000000, s2;
	s6 =	simm.s32 $0x108;
	_ =	swait.ge @!p0 [sflag:s8], $0x0  }
0x24: {  	s3 =	sadd.s32 $0x88, s3;
	s6 =	simm.s32 @!p1 $0x1082;
	[sflag:s4] =	ssyncset.s32 $0xFFFFF086  }
0x25: {  	[simem:s6], [sflag:s4] =	dma.local [hbm:s3], $0xF7A  }
0x26: {  	[smem:$0x3F95] =	sst s1;
	(tag) =	ssettag s2;
	_ =	strace s9  }
0x27: {  	s1 =	sld [smem:$0x3FA5]  }
0x28: {  	s2 =	sld [smem:$0x3FA6]  }
0x29: {  	s4 =	sld [smem:$0x3FA8]  }
0x2a: {  	p0 =	seq.s32 s5, $0x0;
	s5 =	sld [smem:$0x3FA9]  }
0x2b: {  	s6 =	sld [smem:$0x3FAA]  }
0x2c: {  	s7 =	sld [smem:$0x3FAB]  }
0x2d: {  	s3 =	simm.s32 $0x108;
	s8 =	sld [smem:$0x3FAC]  }
0x2e: {  	s3 =	simm.s32 @!p0 $0x1082;
	s9 =	sld [smem:$0x3FAD]  }
0x2f: {  	lr =	sadd.s32 s0, s3;
	s0 =	sld [smem:$0x3FA4]  }
0x30: {  	s3 =	sld [smem:$0x3FA7]  }
0x31: {  	[smem:$0x3FB0] =	sst s10  }
0x32: {  	s10 =	sld [smem:$0x3FAE];
	_ =	sdelay $0x3  }
0x33: {  	p0 =	seq.s32 s10, $0x1;
	s10 =	sld [smem:$0x3FB0];
	_ =	sdelay $0x3  }
0x34: {  	[smem:$0x3FB0] =	sst s10  }
0x35: {  	s10 =	sld [smem:$0x3FAF];
	_ =	sdelay $0x3  }
0x36: {  	p1 =	seq.s32 s10, $0x1;
	s10 =	sld [smem:$0x3FB0];
	_ =	sdelay $0x3  }
0x37: {  	[smem:$0x3FB0] =	sst s10  }
0x38: {  	s10 =	sld [smem:$0x3FB1]  }
0x39: {  	_ = 	snop;
	(pc) =	sbr.ind lr, $3  }
0x3a: {  	_ = 	snop  }
0x3b: {  	_ = 	snop  }
0x3c: {  	p2 =	seq.s32 s10, $0x1;
	s10 =	sld [smem:$0x3FB0]  }
0x3d: {  	_ =	shalt  }
0x3e: {  	_ =	shalt  }
0x3f: {  	_ =	shalt  }
0x40: {  	_ =	shalt  }
0x41: {  	_ =	shalt  }
0x42: {  	_ =	shalt  }
0x43: {  	_ =	shalt  }
0x44: {  	_ =	shalt  }
0x45: {  	_ =	shalt  }
0x46: {  	_ =	shalt  }
0x47: {  	_ =	shalt  }
0x48: {  	_ =	shalt  }
0x49: {  	_ =	shalt  }
0x4a: {  	_ =	shalt  }
0x4b: {  	_ =	shalt  }
0x4c: {  	_ =	shalt  }
0x4d: {  	_ =	shalt  }
0x4e: {  	_ =	shalt  }
0x4f: {  	_ =	shalt  }
0x50: {  	_ =	shalt  }
0x51: {  	_ =	shalt  }
0x52: {  	_ =	shalt  }
0x53: {  	_ =	shalt  }
0x54: {  	_ =	shalt  }
0x55: {  	_ =	shalt  }
0x56: {  	_ =	shalt  }
0x57: {  	_ =	shalt  }
0x58: {  	_ =	shalt  }
0x59: {  	_ =	shalt  }
0x5a: {  	_ =	shalt  }
0x5b: {  	_ =	shalt  }
0x5c: {  	_ =	shalt  }
0x5d: {  	_ =	shalt  }
0x5e: {  	_ =	shalt  }
0x5f: {  	_ =	shalt  }
0x60: {  	_ =	shalt  }
0x61: {  	_ =	shalt  }
0x62: {  	_ =	shalt  }
0x63: {  	_ =	shalt  }
0x64: {  	_ =	shalt  }
0x65: {  	_ =	shalt  }
0x66: {  	_ =	shalt  }
0x67: {  	_ =	shalt  }
0x68: {  	_ =	shalt  }
0x69: {  	_ =	shalt  }
0x6a: {  	_ =	shalt  }
0x6b: {  	_ =	shalt  }
0x6c: {  	_ =	shalt  }
0x6d: {  	_ =	shalt  }
0x6e: {  	_ =	shalt  }
0x6f: {  	_ =	shalt  }
0x70: {  	_ =	shalt  }
0x71: {  	_ =	shalt  }
0x72: {  	_ =	shalt  }
0x73: {  	_ =	shalt  }
0x74: {  	_ =	shalt  }
0x75: {  	_ =	shalt  }
0x76: {  	_ =	shalt  }
0x77: {  	_ =	shalt  }
0x78: {  	_ =	shalt  }
0x79: {  	_ =	shalt  }
0x7a: {  	_ =	shalt  }
0x7b: {  	_ =	shalt  }
0x7c: {  	_ =	shalt  }
0x7d: {  	_ =	shalt  }
0x7e: {  	_ =	shalt  }
0x7f: {  	_ =	shalt  }
0x80: {  	_ =	shalt  }
0x81: {  	_ =	shalt  }
0x82: {  	_ =	shalt  }
0x83: {  	_ =	shalt  }
0x84: {  	_ =	shalt  }
0x85: {  	_ =	shalt  }
0x86: {  	_ =	shalt  }
0x87: {  	_ =	shalt  }
.Lfunc_end0:
.L_simem_size_0:
called_computation_lowered:
.L_overlay_start_0:
0x88: {  	s2 =	sld [smem:$0x3FD9]  }
0x89: {  	s3 =	sld [smem:$0x3FFE];
	_ =	sdelay $0x1  }
0x8a: {  	s1 =	srdreg.scid  }
0x8b: {  	s0 =	sand.u32 $0x1, s1  }
0x8c: {  	s17 =	sshll.u32 s0, $0xA;
	s2 =	sadd.s32 s3, s2  }
0x8d: {  	s2 =	sadd.s32 s2, s17  }
0x8e: {  	[smem:$0x3FBC] =	sst s2  }
0x8f: {  	_ = 	snop  }
0x90: {  	s2 =	sld [smem:$0x3FD0];
	(tm) =	ssettm $0x1  }
0x91: {  	s18 =	sld [smem:$0x3FFB];
	_ =	sdelay $0x3  }
0x92: {  	_ =	strace s18  }
0x93: {  	s3 =	sld [smem:$0x3FFC];
	_ =	sdelay $0x3  }
0x94: {  	_ =	strace s3  }
0x95: {  	s3 =	sld [smem:$0x3FFD];
	_ =	sdelay $0x3  }
0x96: {  	_ =	strace s3  }
0x97: {  	_ =	strace $0x8FFFFFFF  }
0x98: {  	s19 =	sld [smem:$0x3FDB];
	_ =	sdelay $0x1  }
0x99: {  	s4 =	simm.s32 $_scs_section_size  }
0x9a: {  	s5 =	simm.s32 $_size__tile_overlayer_lowered;
	s6 =	simm.s32 $_tile_overlayer_lowered  }
0x9b: {  	s22 =	simm.s32 $0x1BFF;
	s21 =	sshll.u32 s6, $0x1;
	s3 =	sadd.s32 s4, s19  }
0x9c: {  	s7 =	simm.s32 $0x0;
	s20 =	sshll.u32 s5, $0x1;
	s5 =	sadd.s32 s21, s3  }
0x9d: {  	[timem:s7], [sflag:s22] =	dma.local [hbm:s5], s20  }
0x9e: {  	_ =	swait.ge [sflag:s22], s20  }
0x9f: {  	s4 =	ssub.s32 $0x0, s20;
	[sflag:s22] =	ssyncset.done $0x0  }
0xa0: {  	[sflag:s22] =	ssyncadd.s32 s4;
	_ =	sdelay $0x1  }
0xa1: {  	s23 =	simm.s32 $0x1B8B  }
0xa2: {  	_ =	swait.ge [sflag:s23], $0x1  }
0xa3: {  	[sflag:s23] =	ssyncset.done $0x0  }
0xa4: {  	s25 =	simm.s32 $0x1B8E;
	s24 =	sld [smem:$0x3FFE];
	[sflag:s23] =	ssyncadd.s32 $0xFFFFFFFF  }
0xa5: {  	s26 =	simm.s32 $execute0_lowered;
	[smem:$0x3FD2] =	sst s25  }
0xa6: {  	s5 =	sshll.u32 s26, $0x1;
	_ =	strace $0x80000046;
	[dreg:$0x1] =	wrdreg $0xFFFFFFFF  }
0xa7: {  	s28 =	simm.s32 $_size_execute0_lowered;
	s3 =	sadd.s32 s3, s5;
	[dreg:$0x0] =	wrdreg $0x0  }
0xa8: {  	s5 =	sshll.u32 s28, $0x1;
	[dreg:$0x2] =	wrdreg s3  }
0xa9: {  	[dreg:$0x3] =	wrdreg s5  }
0xaa: {  	[dreg:$0x4] =	wrdreg $0xC0  }
0xab: {  	_ =	task [dreg:s7], $0x5FFFF  }
0xac: {  	[dreg:$0x1] =	wrdreg $0xFFFFFFFF  }
0xad: {  	[dreg:$0x0] =	wrdreg $0x60  }
0xae: {  	[dreg:$0x2] =	wrdreg s24  }
0xaf: {  	[dreg:$0x3] =	wrdreg s2  }
0xb0: {  	[dreg:$0x4] =	wrdreg $0xC0800  }
0xb1: {  	[dreg:$0x5] =	wrdreg $0x15D000  }
0xb2: {  	[dreg:$0x6] =	wrdreg $0x9  }
0xb3: {  	_ =	task.clear_ibuf [dreg:s7], $0x7FFFF;
	_ =	strace $0x90000046  }
0xb4: {  	s29 =	simm.s32 $0x9;
	_ =	strace $0x80000048  }
0xb5: {  	_ =	swait.ge [sflag:s29], $0x1  }
0xb6: {  	[sflag:s29] =	ssyncadd.s32 $0xFFFFFFFF  }
0xb7: {  	_ =	strace $0x90000048  }
0xb8: {  	_ =	sfence  }
0xb9: {  	s30 =	sld [smem:$0x0];
	_ =	sdelay $0x2  }
0xba: {  	s31 =	sshll.u32 s1, $0xD;
	s1 =	sshrl.u32 s1, $0x2  }
0xbb: {  	s3 =	sand.u32 $0x4000, s31;
	s1 =	sadd.s32 s1, s30  }
0xbc: {  	s0 =	sor.u32 s3, s0;
	s1 =	sshll.u32 s1, $0x11  }
0xbd: {  	s0 =	sor.u32 s1, s0  }
0xbe: {  	s0 =	sadd.s32 $0x8F2B, s0  }
0xbf: {  	[sflag:s0] =	ssyncadd.remote.s32 $0x1  }
0xc0: {  	_ =	sfence.sel $0xFFFF  }
0xc1: {  	[dreg:$0x0] =	wrdreg $0xFFFFFFFF;
	(pc) =	sbr.abs _section_cstart, $3  }
0xc2: {  	[dreg:$0x1] =	wrdreg $0xFFFFFFFF  }
0xc3: {  	_ =	task.clear_ibuf [dreg:s7], $0x2FFFF;
	_ =	strace $0x9FFFFFFF  }
0xc4: {  	(tm) =	ssettm $0x7FFFFFFF  }
0xc5: {  	_ =	shalt  }
tec
execute0_lowered:
.L_overlay_start_1:
0x0: {  	(tag) =	ssettag $0x1  }
0x1: {  	s0 =	rddreg [dreg:$0x0]  }
0x2: {  	s1 =	rddreg [dreg:$0x1]  }
0x3: {  	s2 =	rddreg [dreg:$0x2]  }
0x4: {  	s3 =	rddreg [dreg:$0x3]  }
0x5: {  	s4 =	simm.s32 $0x0;
	s15 =	stileid.u32;
	s5 =	srdreg.scid  }
0x6: {  	s18 =	simm.s32 $0x2840;
	s19 =	simm.s32 $0x3;
	s20 =	simm.s32 $0x1  }
0x7: {  	s21 =	simm.s32 $0x2;
	s22 =	simm.s32 $0xE0;
	s28 =	simm.s32 $0x1C0  }
0x8: {  	s29 =	simm.s32 $0x4;
	s30 =	simm.s32 $0x5;
	s6 =	smul.u32 $0xA10, s15  }
0x9: {  	s31 =	simm.s32 $0x0;
	[smem:$0x7FF] =	sst s4;
	s7 =	smul.u32 $0x27200, s15  }
0xa: {  	s5 =	sand.u32 $0x1, s5;
	s12 =	smul.u32 $0x9C00, s15;
	s16 =	sadd.s32 $0x92400, s3  }
0xb: {  	p0 =	seq.s32 s15, $0xF;
	s15 =	simm.s32 $0x5080;
	_ =	strace $0x80000047  }
0xc: {  	s8 =	smul.u32 $0x13880, s5;
	s9 =	ssub.s32 $0x2, s5;
	s16 =	sshrl.u32 @p0 s16, $0x3  }
0xd: {  	s10 =	sadd.s32 s6, s0;
	s23 =	sshrl.u32 s7, $0x2;
	s24 =	sshrl.u32 s9, $0x1  }
0xe: {  	s17 =	sadd.s32 s12, s3;
	s5 =	sadd.s32 s23, s2;
	s0 =	sadd.s32 s8, s0  }
0xf: {  	s13 =	ssub.s32 s9, s24;
	s8 =	sshrl.u32 s12, $0x3;
	s9 =	sadd.s32 s1, s6  }
0x10: {  	s10 =	sadd.s32 $0x29000, s10;
	s1 =	sadd.s32 s12, s2;
	s6 =	sadd.s32 $0x92400, s2  }
.Ltmp0:
0x11: {  	s17 =	sshrl.u32 @!p0 s17, $0x3;
	s23 =	simm.s32 $0x8880;
	(pc) =	sbr.rel .LBB2_1-.Ltmp0, $4  }
0x12: {  	s25 =	sadd.s32 $0x3800, s5;
	s26 =	sadd.s32 $0x7000, s5;
	s14 =	sadd.s32 s8, s0  }
0x13: {  	s11 =	sadd.s32 $0x33200, s0;
	s12 =	smax.u32 s13, $0x1;
	[dreg:$0x5] =	wrdreg s25  }
0x14: {  	s24 =	sshrl.u32 @p0 s6, $0x3;
	[dreg:$0x6] =	wrdreg s26;
	s13 =	sadd.s32 $0x1E00, s14  }
0x15: {  	v0 =	vimm.f32 $0.0e+00;
	s14 =	sadd.s32 $0x14280, s0;
	s25 =	sshrl.u32 @!p0 s1, $0x3;
	s26 =	simm.s32 $0x2920  }
.LBB2_9:
0x16: {  	_ =	swait.ge [sflag:s29], $0x3800  }
0x17: {  	[sflag:s29] =	ssyncset.done $0x0  }
0x18: {  	[sflag:s29] =	ssyncadd.s32 $0xFFFFC800  }
0x19: {  	s1 =	sadd.s32 @p0 $0x12480, s11;
	s6 =	simm.s32 @p0 $0x1FC5;
	[bflag:$0x0] =	sbarrier.arrive $0xFFFF  }
0x1a: {  	[hbm:s1], [sflag:s6] =	dma.local @p0 [spmem:s24], $0x1400  }
0x1b: {  	s1 =	simm.s32 @p0 $0x5  }
0x1c: {  	_ =	swait.ge @p0 [sflag:s1], $0x1400  }
0x1d: {  	s0 =	sor.u32 @!p0 $0x1C05, s0;
	s31 =	sadd.s32 $0x1, s31;
	[sflag:s1] =	ssyncset.done @p0 $0x0  }
0x1e: {  	p1 =	sne.s32 s31, s12;
	[sflag:s1] =	ssyncadd.s32 @p0 $0xFFFFEC00;
	s1 =	sadd.s32 @!p0 s8, s11  }
0x1f: {  	[hbm:s1], [sflag:s0] =	dma.local @!p0 [spmem:s25], $0x1380  }
.Ltmp1:
0x20: {  	_ = 	snop;
	(pc) =	sbr.rel @!p1 .LBB2_10-.Ltmp1, $4  }
0x21: {  	s0 =	simm.s32 @!p0 $0x5  }
0x22: {  	_ =	swait.ge @!p0 [sflag:s0], $0x1380  }
0x23: {  	[sflag:s0] =	ssyncset.done @!p0 $0x0  }
0x24: {  	[sflag:s0] =	ssyncadd.s32 @!p0 $0xFFFFEC80  }
.LBB2_1:
0x25: {  	s1 =	simm.s32 $0x100;
	s0 =	simm.s32 $0x0  }
.LBB2_2:
0x26: {  	p1 =	sne.s32 s1, $0xDF00;
	[tilespmem:s0+$0x50B0] =	vst v0;
	s6 =	smov.u32 s1;
	s1 =	sadd.s32 $0x100, s1  }
.Ltmp2:
0x27: {  	[tilespmem:s0+$0x50A0] =	vst v0;
	(pc) =	sbr.rel @p1 .LBB2_2-.Ltmp2, $3  }
0x28: {  	[tilespmem:s0+$0x5080] =	vst v0  }
0x29: {  	[tilespmem:s0+$0x5090] =	vst v0;
	_ =	sdelay $0x1  }
0x2a: {  	s0 =	sshra.s32 s6, $0x2  }
0x2b: {  	[tilespmem:s0+$0x50B0] =	vst v0  }
0x2c: {  	[tilespmem:s0+$0x50A0] =	vst v0  }
0x2d: {  	[tilespmem:s0+$0x5080] =	vst v0  }
0x2e: {  	[tilespmem:s0+$0x5090] =	vst v0  }
0x2f: {  	[spmem:s5] =	stream.linear.scatter [tilespmem:s15], [sflag:$0x3], $0x3800, $0x38;
	[tilespmem:$0x1F940] =	vst v63  }
0x30: {  	s6 =	rddreg [dreg:$0x5]  }
0x31: {  	[spmem:s6] =	stream.linear.scatter [tilespmem:s15], [sflag:$0x3], $0x3800, $0x38;
	[tilespmem:$0x1F940] =	vst v63  }
0x32: {  	s7 =	rddreg [dreg:$0x6];
	s0 =	simm.s32 @p0 $0x1FC4  }
0x33: {  	[spmem:s7] =	stream.linear.scatter [tilespmem:s15], [sflag:$0x3], $0x2C80, $0x38;
	[tilespmem:$0x1F940] =	vst v63  }
0x34: {  	[spmem:s16], [sflag:s0] =	dma.local @p0 [hbm:s14], $0x1400  }
0x35: {  	s0 =	stileid.u32  }
0x36: {  	s0 =	sshll.u32 @!p0 s0, $0x6  }
0x37: {  	s1 =	sor.u32 @!p0 $0x1C04, s0  }
0x38: {  	[spmem:s17], [sflag:s1] =	dma.local @!p0 [hbm:s13], $0x1380  }
0x39: {  	[tilespmem:s4], [sflag:$0x1] =	stream.linear.gather [hbm4b:s9+s4], $0x2840, $0x38;
	[tilespmem:$0x1F940] =	vst v63  }
0x3a: {  	_ = 	snop  }
0x3b: {  	[tilespmem:s18], [sflag:$0x2] =	stream.linear.gather [hbm4b:s10+s4], $0x2840, $0x38;
	[tilespmem:$0x1F940] =	vst v63  }
0x3c: {  	_ =	swait.ge [sflag:s19], $0x3800  }
0x3d: {  	[sflag:s19] =	ssyncset.done $0x0  }
0x3e: {  	[sflag:s19] =	ssyncadd.s32 $0xFFFFC800  }
0x3f: {  	_ =	swait.ge [sflag:s19], $0x3800  }
0x40: {  	[sflag:s19] =	ssyncset.done $0x0  }
0x41: {  	[sflag:s19] =	ssyncadd.s32 $0xFFFFC800  }
0x42: {  	_ =	swait.ge [sflag:s19], $0x2C80  }
0x43: {  	[sflag:s19] =	ssyncset.done $0x0  }
0x44: {  	s1 =	simm.s32 @p0 $0x4;
	[sflag:s19] =	ssyncadd.s32 $0xFFFFD380  }
0x45: {  	_ =	swait.ge @p0 [sflag:s1], $0x1400  }
0x46: {  	[sflag:s1] =	ssyncset.done @p0 $0x0  }
0x47: {  	[sflag:s1] =	ssyncadd.s32 @p0 $0xFFFFEC00;
	s1 =	simm.s32 @!p0 $0x4  }
0x48: {  	_ =	swait.ge @!p0 [sflag:s1], $0x1380  }
0x49: {  	[sflag:s1] =	ssyncset.done @!p0 $0x0  }
0x4a: {  	[sflag:s1] =	ssyncadd.s32 @!p0 $0xFFFFEC80  }
0x4b: {  	_ =	swait.ge [sflag:s20], $0x2840  }
0x4c: {  	[sflag:s20] =	ssyncset.done $0x0  }
0x4d: {  	[sflag:s20] =	ssyncadd.s32 $0xFFFFD7C0  }
0x4e: {  	_ =	swait.ge [sflag:s21], $0x2840  }
0x4f: {  	[sflag:s21] =	ssyncset.done $0x0  }
0x50: {  	[sflag:s21] =	ssyncadd.s32 $0xFFFFD7C0  }
0x51: {  	[bflag:$0x0] =	sbarrier.arrive $0xFFFF  }
0x52: {  	[tilespmem:s15], [sflag:$0x1] =	stream.indirect.gather [spmem:s3], $0x40, s4, s22, $0xb8;
	[tilespmem:$0x1F940] =	vst v63  }
0x53: {  	_ =	swait.ge [sflag:s20], $0x3800  }
0x54: {  	[sflag:s20] =	ssyncset.done $0x0  }
0x55: {  	[sflag:s20] =	ssyncadd.s32 $0xFFFFC800  }
0x56: {  	[spmem:s2] =	stream.indirect.scatter.add.f32 [tilespmem:s15], [sflag:$0x3], $0x40, s18, s22, $0xb8;
	[tilespmem:$0x1F940] =	vst v63  }
0x57: {  	_ = 	snop  }
0x58: {  	[tilespmem:s23], [sflag:$0x2] =	stream.indirect.gather [spmem:s3], $0x40, s22, s22, $0xb8;
	[tilespmem:$0x1F940] =	vst v63  }
0x59: {  	_ =	swait.ge [sflag:s21], $0x3800  }
0x5a: {  	[sflag:s21] =	ssyncset.done $0x0  }
0x5b: {  	[sflag:s21] =	ssyncadd.s32 $0xFFFFC800  }
0x5c: {  	[spmem:s2] =	stream.indirect.scatter.add.f32 [tilespmem:s23], [sflag:$0x4], $0x40, s26, s22, $0xb8;
	[tilespmem:$0x1F940] =	vst v63  }
0x5d: {  	_ =	swait.ge [sflag:s19], $0x3800  }
0x5e: {  	[sflag:s19] =	ssyncset.done $0x0  }
0x5f: {  	s1 =	simm.s32 $0xFFFF6D00;
	[sflag:s19] =	ssyncadd.s32 $0xFFFFC800  }
0x60: {  	[tilespmem:s15], [sflag:$0x1] =	stream.indirect.gather [spmem:s3], $0x40, s28, s22, $0xb8;
	[tilespmem:$0x1F940] =	vst v63  }
.LBB2_4:
0x61: {  	_ =	swait.ge [sflag:s20], $0x3800  }
0x62: {  	s6 =	sshra.s32 s1, $0x2;
	[sflag:s20] =	ssyncset.done $0x0  }
0x63: {  	s7 =	sadd.s32 $0x4EC0, s6;
	[sflag:s20] =	ssyncadd.s32 $0xFFFFC800  }
0x64: {  	[spmem:s2] =	stream.indirect.scatter.add.f32 [tilespmem:s15], [sflag:$0x3], $0x40, s7, s22, $0xb8;
	[tilespmem:$0x1F940] =	vst v63  }
0x65: {  	_ =	swait.ge [sflag:s29], $0x3800  }
0x66: {  	[sflag:s29] =	ssyncset.done $0x0  }
0x67: {  	s7 =	sadd.s32 $0x2760, s6;
	[sflag:s29] =	ssyncadd.s32 $0xFFFFC800  }
0x68: {  	[tilespmem:s23], [sflag:$0x2] =	stream.indirect.gather [spmem:s3], $0x40, s7, s22, $0xb8;
	[tilespmem:$0x1F940] =	vst v63  }
0x69: {  	_ =	swait.ge [sflag:s21], $0x3800  }
0x6a: {  	p1 =	seq.s32 s1, $0x0;
	[sflag:s21] =	ssyncset.done $0x0  }
.Ltmp3:
0x6b: {  	s7 =	sadd.s32 $0x4FA0, s6;
	[sflag:s21] =	ssyncadd.s32 $0xFFFFC800;
	(pc) =	sbr.rel @p1 .LBB2_6-.Ltmp3, $4  }
0x6c: {  	[spmem:s2] =	stream.indirect.scatter.add.f32 [tilespmem:s23], [sflag:$0x4], $0x40, s7, s22, $0xb8;
	[tilespmem:$0x1F940] =	vst v63  }
0x6d: {  	_ =	swait.ge [sflag:s19], $0x3800  }
0x6e: {  	[sflag:s19] =	ssyncset.done $0x0  }
0x6f: {  	[sflag:s19] =	ssyncadd.s32 $0xFFFFC800  }
.Ltmp4:
0x70: {  	(pc) =	sbr.rel .LBB2_4-.Ltmp4, $3  }
0x71: {  	_ =	sdelay $0x1  }
0x72: {  	s6 =	sadd.s32 $0x2840, s6;
	s1 =	sadd.s32 $0x700, s1  }
0x73: {  	[tilespmem:s15], [sflag:$0x1] =	stream.indirect.gather [spmem:s3], $0x40, s6, s22, $0xb8;
	[tilespmem:$0x1F940] =	vst v63  }
.LBB2_6:
0x74: {  	_ =	swait.ge [sflag:s29], $0x3800  }
0x75: {  	[sflag:s29] =	ssyncset.done $0x0  }
0x76: {  	s1 =	sadd.s32 $0x508, s9;
	[sflag:s29] =	ssyncadd.s32 $0xFFFFC800  }
0x77: {  	[tilespmem:s4], [sflag:$0x5] =	stream.linear.gather [hbm4b:s1+s4], $0x2840, $0x38;
	[tilespmem:$0x1F940] =	vst v63  }
0x78: {  	_ =	swait.ge [sflag:s30], $0x2840  }
0x79: {  	[sflag:s30] =	ssyncset.done $0x0  }
0x7a: {  	s7 =	sadd.s32 $0x508, s10;
	[sflag:s30] =	ssyncadd.s32 $0xFFFFD7C0  }
0x7b: {  	[tilespmem:s18], [sflag:$0x5] =	stream.linear.gather [hbm4b:s7+s4], $0x2840, $0x38;
	[tilespmem:$0x1F940] =	vst v63  }
0x7c: {  	_ =	swait.ge [sflag:s30], $0x2840  }
0x7d: {  	[sflag:s30] =	ssyncset.done $0x0  }
0x7e: {  	[sflag:s30] =	ssyncadd.s32 $0xFFFFD7C0  }
0x7f: {  	[tilespmem:s15], [sflag:$0x1] =	stream.indirect.gather [spmem:s3], $0x40, s4, s22, $0xb8;
	[tilespmem:$0x1F940] =	vst v63  }
0x80: {  	_ =	swait.ge [sflag:s20], $0x3800  }
0x81: {  	[sflag:s20] =	ssyncset.done $0x0  }
0x82: {  	[sflag:s20] =	ssyncadd.s32 $0xFFFFC800  }
0x83: {  	[spmem:s2] =	stream.indirect.scatter.add.f32 [tilespmem:s15], [sflag:$0x3], $0x40, s18, s22, $0xb8;
	[tilespmem:$0x1F940] =	vst v63  }
0x84: {  	_ = 	snop  }
0x85: {  	[tilespmem:s23], [sflag:$0x2] =	stream.indirect.gather [spmem:s3], $0x40, s22, s22, $0xb8;
	[tilespmem:$0x1F940] =	vst v63  }
0x86: {  	_ =	swait.ge [sflag:s21], $0x3800  }
0x87: {  	[sflag:s21] =	ssyncset.done $0x0  }
0x88: {  	[sflag:s21] =	ssyncadd.s32 $0xFFFFC800  }
0x89: {  	[spmem:s2] =	stream.indirect.scatter.add.f32 [tilespmem:s23], [sflag:$0x4], $0x40, s26, s22, $0xb8;
	[tilespmem:$0x1F940] =	vst v63  }
0x8a: {  	_ =	swait.ge [sflag:s19], $0x3800  }
0x8b: {  	[sflag:s19] =	ssyncset.done $0x0  }
0x8c: {  	s1 =	simm.s32 $0xFFFF6D00;
	[sflag:s19] =	ssyncadd.s32 $0xFFFFC800  }
0x8d: {  	[tilespmem:s15], [sflag:$0x1] =	stream.indirect.gather [spmem:s3], $0x40, s28, s22, $0xb8;
	[tilespmem:$0x1F940] =	vst v63  }
.LBB2_7:
0x8e: {  	_ =	swait.ge [sflag:s20], $0x3800  }
0x8f: {  	s6 =	sshra.s32 s1, $0x2;
	[sflag:s20] =	ssyncset.done $0x0  }
0x90: {  	s7 =	sadd.s32 $0x4EC0, s6;
	[sflag:s20] =	ssyncadd.s32 $0xFFFFC800  }
0x91: {  	[spmem:s2] =	stream.indirect.scatter.add.f32 [tilespmem:s15], [sflag:$0x3], $0x40, s7, s22, $0xb8;
	[tilespmem:$0x1F940] =	vst v63  }
0x92: {  	_ =	swait.ge [sflag:s29], $0x3800  }
0x93: {  	[sflag:s29] =	ssyncset.done $0x0  }
0x94: {  	s7 =	sadd.s32 $0x2760, s6;
	[sflag:s29] =	ssyncadd.s32 $0xFFFFC800  }
0x95: {  	[tilespmem:s23], [sflag:$0x2] =	stream.indirect.gather [spmem:s3], $0x40, s7, s22, $0xb8;
	[tilespmem:$0x1F940] =	vst v63  }
0x96: {  	_ =	swait.ge [sflag:s21], $0x3800  }
0x97: {  	p1 =	seq.s32 s1, $0x0;
	[sflag:s21] =	ssyncset.done $0x0  }
.Ltmp5:
0x98: {  	s7 =	sadd.s32 $0x4FA0, s6;
	[sflag:s21] =	ssyncadd.s32 $0xFFFFC800;
	(pc) =	sbr.rel @p1 .LBB2_9-.Ltmp5, $4  }
0x99: {  	[spmem:s2] =	stream.indirect.scatter.add.f32 [tilespmem:s23], [sflag:$0x4], $0x40, s7, s22, $0xb8;
	[tilespmem:$0x1F940] =	vst v63  }
0x9a: {  	_ =	swait.ge [sflag:s19], $0x3800  }
0x9b: {  	[sflag:s19] =	ssyncset.done $0x0  }
0x9c: {  	[sflag:s19] =	ssyncadd.s32 $0xFFFFC800  }
.Ltmp6:
0x9d: {  	(pc) =	sbr.rel .LBB2_7-.Ltmp6, $3  }
0x9e: {  	_ =	sdelay $0x1  }
0x9f: {  	s6 =	sadd.s32 $0x2840, s6;
	s1 =	sadd.s32 $0x700, s1  }
0xa0: {  	[tilespmem:s15], [sflag:$0x1] =	stream.indirect.gather [spmem:s3], $0x40, s6, s22, $0xb8;
	[tilespmem:$0x1F940] =	vst v63  }
.LBB2_10:
0xa1: {  	_ =	sfence.sel $0x180000  }
0xa2: {  	[bflag:$0x0] =	sbarrier.arrive $0xFFFF  }
0xa3: {  	_ =	strace $0x90000047  }
0xa4: {  	s0 =	stileid.u32;
	[bflag:$0x2] =	sbarrier.arrive $0xFFFF  }
0xa5: {  	p0 =	sne.s32 s0, $0x0;
	s0 =	rddreg [dreg:$0x4]  }
0xa6: {  	s0 =	sadd.s32 @!p0 $0x100000, s0  }
0xa7: {  	[sflag:s0] =	ssyncadd.tile.s32 @!p0 $0x1;
	_ =	shalt  }
.Lfunc_end2:
_tile_overlayer_lowered:
.L_overlay_start_2:
0xa8: {  	(tag) =	ssettag $0x2  }
0xa9: {  	s0 =	rddreg [dreg:$0x0];
	s2 =	stileid.u32  }
0xaa: {  	s1 =	rddreg [dreg:$0x1];
	p0 =	sne.s32 s2, $0x0  }
0xab: {  	s3 =	rddreg [dreg:$0x2];
	[bflag:$0x3] =	sbarrier.arrive $0xFFFF;
	s2 =	simm.s32 @!p0 $0x1C05  }
0xac: {  	[timem:s3], [sflag:s2] =	dma.local @!p0 [hbm:s0], s1  }
0xad: {  	s0 =	simm.s32 @!p0 $0x5  }
0xae: {  	_ =	swait.ge @!p0 [sflag:s0], s1  }
0xaf: {  	s1 =	ssub.s32 @!p0 $0x0, s1;
	[sflag:s0] =	ssyncset.done @!p0 $0x0  }
0xb0: {  	[sflag:s0] =	ssyncadd.s32 @!p0 s1  }
0xb1: {  	[bflag:$0x3] =	sbarrier.arrive $0xFFFF  }
0xb2: {  	_ =	shalt  }

// kernel: kernel.14.cloned.1.call-start
scs
__scs_entry_jumppad:
0x0: {  	(pc) =	sbr.rel $0x88, $3  }
0x1: {  	(tag) =	ssettag $0x0;
	lr =	simm.s32 $0x1  }
0x2: {  	[smem:$0x3F95] =	sst lr;
	_ =	strace $0xD0000000  }
0x3: {  	_ = 	snop  }
0x4: {  	_ = 	snop  }
0x5: {  	_ = 	snop  }
0x6: {  	_ = 	snop  }
0x7: {  	_ = 	snop  }
__scs_overlays_trampoline_lowered:
0x8: {  	[smem:$0x3FA4] =	sst s0  }
0x9: {  	[smem:$0x3FA5] =	sst s1  }
0xa: {  	[smem:$0x3FA6] =	sst s2  }
0xb: {  	[smem:$0x3FA7] =	sst s3  }
0xc: {  	[smem:$0x3FA8] =	sst s4  }
0xd: {  	[smem:$0x3FA9] =	sst s5  }
0xe: {  	[smem:$0x3FAA] =	sst s6  }
0xf: {  	[smem:$0x3FAB] =	sst s7  }
0x10: {  	[smem:$0x3FAC] =	sst s8  }
0x11: {  	[smem:$0x3FAD] =	sst s9;
	s0 =	simm.s32 @!p0 $0x0  }
0x12: {  	s1 =	sld [smem:$0x3F93];
	s0 =	simm.s32 @p0 $0x1  }
0x13: {  	[smem:$0x3FAE] =	sst s0;
	s0 =	simm.s32 @!p1 $0x0  }
0x14: {  	s2 =	sld [smem:$0x3F92];
	s0 =	simm.s32 @p1 $0x1  }
0x15: {  	[smem:$0x3FAF] =	sst s0;
	s0 =	simm.s32 @!p2 $0x0  }
0x16: {  	s3 =	sld [smem:$0x3FDB];
	s0 =	simm.s32 @p2 $0x1  }
0x17: {  	s4 =	simm.s32 $0x1BF5;
	[smem:$0x3FB1] =	sst s0  }
0x18: {  	s0 =	sld [smem:$0x3F94];
	_ =	swait.ge [sflag:s4], $0x0  }
0x19: {  	s7 =	sld [smem:$0x3F95]  }
0x1a: {  	s8 =	sadd.s32 $0xFFFFE003, lr  }
0x1b: {  	s9 =	sadd.s32 $0xFFFFFEF7, lr;
	s5 =	simm.s32 $0xFFFFFFFF;
	p2 =	slt.u32 s8, $0xFFFFF086  }
0x1c: {  	p1 =	slt.u32 s9, $0xF7A;
	s5 =	simm.s32 @!p2 $0x0  }
0x1d: {  	s5 =	simm.s32 @p1 $0x1;
	p0 =	seq.s32 s7, s2  }
0x1e: {  	s7 =	smul.u32 @!p0 $0xF7A, s2;
	p2 =	seq.s32 @!p0 s5, $0x0  }
0x1f: {  	s9 =	smul.u32 $0xF7A, s1;
	s8 =	simm.s32 @!p0 $0x1BF5;
	p2 =	por !p2, p0  }
0x20: {  	[sflag:s8] =	ssyncset.s32 @!p0 $0xFFFFF086;
	s6 =	sadd.s32 @!p0 s3, s7;
	s7 =	simm.s32 @!p0 $0x108  }
0x21: {  	s3 =	sadd.s32 s3, s9;
	s6 =	sadd.s32 @!p0 $0x88, s6;
	s7 =	simm.s32 @p2 $0x1082  }
0x22: {  	[simem:s7], [sflag:s8] =	dma.local @!p0 [hbm:s6], $0xF7A  }
0x23: {  	s9 =	sor.u32 $0xD0000000, s2;
	s6 =	simm.s32 $0x108;
	_ =	swait.ge @!p0 [sflag:s8], $0x0  }
0x24: {  	s3 =	sadd.s32 $0x88, s3;
	s6 =	simm.s32 @!p1 $0x1082;
	[sflag:s4] =	ssyncset.s32 $0xFFFFF086  }
0x25: {  	[simem:s6], [sflag:s4] =	dma.local [hbm:s3], $0xF7A  }
0x26: {  	[smem:$0x3F95] =	sst s1;
	(tag) =	ssettag s2;
	_ =	strace s9  }
0x27: {  	s1 =	sld [smem:$0x3FA5]  }
0x28: {  	s2 =	sld [smem:$0x3FA6]  }
0x29: {  	s4 =	sld [smem:$0x3FA8]  }
0x2a: {  	p0 =	seq.s32 s5, $0x0;
	s5 =	sld [smem:$0x3FA9]  }
0x2b: {  	s6 =	sld [smem:$0x3FAA]  }
0x2c: {  	s7 =	sld [smem:$0x3FAB]  }
0x2d: {  	s3 =	simm.s32 $0x108;
	s8 =	sld [smem:$0x3FAC]  }
0x2e: {  	s3 =	simm.s32 @!p0 $0x1082;
	s9 =	sld [smem:$0x3FAD]  }
0x2f: {  	lr =	sadd.s32 s0, s3;
	s0 =	sld [smem:$0x3FA4]  }
0x30: {  	s3 =	sld [smem:$0x3FA7]  }
0x31: {  	[smem:$0x3FB0] =	sst s10  }
0x32: {  	s10 =	sld [smem:$0x3FAE];
	_ =	sdelay $0x3  }
0x33: {  	p0 =	seq.s32 s10, $0x1;
	s10 =	sld [smem:$0x3FB0];
	_ =	sdelay $0x3  }
0x34: {  	[smem:$0x3FB0] =	sst s10  }
0x35: {  	s10 =	sld [smem:$0x3FAF];
	_ =	sdelay $0x3  }
0x36: {  	p1 =	seq.s32 s10, $0x1;
	s10 =	sld [smem:$0x3FB0];
	_ =	sdelay $0x3  }
0x37: {  	[smem:$0x3FB0] =	sst s10  }
0x38: {  	s10 =	sld [smem:$0x3FB1]  }
0x39: {  	_ = 	snop;
	(pc) =	sbr.ind lr, $3  }
0x3a: {  	_ = 	snop  }
0x3b: {  	_ = 	snop  }
0x3c: {  	p2 =	seq.s32 s10, $0x1;
	s10 =	sld [smem:$0x3FB0]  }
0x3d: {  	_ =	shalt  }
0x3e: {  	_ =	shalt  }
0x3f: {  	_ =	shalt  }
0x40: {  	_ =	shalt  }
0x41: {  	_ =	shalt  }
0x42: {  	_ =	shalt  }
0x43: {  	_ =	shalt  }
0x44: {  	_ =	shalt  }
0x45: {  	_ =	shalt  }
0x46: {  	_ =	shalt  }
0x47: {  	_ =	shalt  }
0x48: {  	_ =	shalt  }
0x49: {  	_ =	shalt  }
0x4a: {  	_ =	shalt  }
0x4b: {  	_ =	shalt  }
0x4c: {  	_ =	shalt  }
0x4d: {  	_ =	shalt  }
0x4e: {  	_ =	shalt  }
0x4f: {  	_ =	shalt  }
0x50: {  	_ =	shalt  }
0x51: {  	_ =	shalt  }
0x52: {  	_ =	shalt  }
0x53: {  	_ =	shalt  }
0x54: {  	_ =	shalt  }
0x55: {  	_ =	shalt  }
0x56: {  	_ =	shalt  }
0x57: {  	_ =	shalt  }
0x58: {  	_ =	shalt  }
0x59: {  	_ =	shalt  }
0x5a: {  	_ =	shalt  }
0x5b: {  	_ =	shalt  }
0x5c: {  	_ =	shalt  }
0x5d: {  	_ =	shalt  }
0x5e: {  	_ =	shalt  }
0x5f: {  	_ =	shalt  }
0x60: {  	_ =	shalt  }
0x61: {  	_ =	shalt  }
0x62: {  	_ =	shalt  }
0x63: {  	_ =	shalt  }
0x64: {  	_ =	shalt  }
0x65: {  	_ =	shalt  }
0x66: {  	_ =	shalt  }
0x67: {  	_ =	shalt  }
0x68: {  	_ =	shalt  }
0x69: {  	_ =	shalt  }
0x6a: {  	_ =	shalt  }
0x6b: {  	_ =	shalt  }
0x6c: {  	_ =	shalt  }
0x6d: {  	_ =	shalt  }
0x6e: {  	_ =	shalt  }
0x6f: {  	_ =	shalt  }
0x70: {  	_ =	shalt  }
0x71: {  	_ =	shalt  }
0x72: {  	_ =	shalt  }
0x73: {  	_ =	shalt  }
0x74: {  	_ =	shalt  }
0x75: {  	_ =	shalt  }
0x76: {  	_ =	shalt  }
0x77: {  	_ =	shalt  }
0x78: {  	_ =	shalt  }
0x79: {  	_ =	shalt  }
0x7a: {  	_ =	shalt  }
0x7b: {  	_ =	shalt  }
0x7c: {  	_ =	shalt  }
0x7d: {  	_ =	shalt  }
0x7e: {  	_ =	shalt  }
0x7f: {  	_ =	shalt  }
0x80: {  	_ =	shalt  }
0x81: {  	_ =	shalt  }
0x82: {  	_ =	shalt  }
0x83: {  	_ =	shalt  }
0x84: {  	_ =	shalt  }
0x85: {  	_ =	shalt  }
0x86: {  	_ =	shalt  }
0x87: {  	_ =	shalt  }
.Lfunc_end0:
.L_simem_size_0:
called_computation.1_lowered:
.L_overlay_start_0:
0x88: {  	s2 =	sld [smem:$0x3FD9]  }
0x89: {  	s3 =	sld [smem:$0x3FFE];
	_ =	sdelay $0x1  }
0x8a: {  	s1 =	srdreg.scid  }
0x8b: {  	s0 =	sand.u32 $0x1, s1  }
0x8c: {  	s17 =	sshll.u32 s0, $0xA;
	s2 =	sadd.s32 s3, s2  }
0x8d: {  	s2 =	sadd.s32 s2, s17  }
0x8e: {  	[smem:$0x3FBC] =	sst s2  }
0x8f: {  	_ = 	snop  }
0x90: {  	s2 =	sld [smem:$0x3FD0];
	(tm) =	ssettm $0x1  }
0x91: {  	s18 =	sld [smem:$0x3FFB];
	_ =	sdelay $0x3  }
0x92: {  	_ =	strace s18  }
0x93: {  	s3 =	sld [smem:$0x3FFC];
	_ =	sdelay $0x3  }
0x94: {  	_ =	strace s3  }
0x95: {  	s3 =	sld [smem:$0x3FFD];
	_ =	sdelay $0x3  }
0x96: {  	_ =	strace s3  }
0x97: {  	_ =	strace $0x8FFFFFFF  }
0x98: {  	s19 =	sld [smem:$0x3FDB];
	_ =	sdelay $0x1  }
0x99: {  	s4 =	simm.s32 $_scs_section_size  }
0x9a: {  	s5 =	simm.s32 $_size__tile_overlayer_lowered;
	s6 =	simm.s32 $_tile_overlayer_lowered  }
0x9b: {  	s22 =	simm.s32 $0x1BFF;
	s21 =	sshll.u32 s6, $0x1;
	s3 =	sadd.s32 s4, s19  }
0x9c: {  	s7 =	simm.s32 $0x0;
	s20 =	sshll.u32 s5, $0x1;
	s5 =	sadd.s32 s21, s3  }
0x9d: {  	[timem:s7], [sflag:s22] =	dma.local [hbm:s5], s20  }
0x9e: {  	_ =	swait.ge [sflag:s22], s20  }
0x9f: {  	s4 =	ssub.s32 $0x0, s20;
	[sflag:s22] =	ssyncset.done $0x0  }
0xa0: {  	[sflag:s22] =	ssyncadd.s32 s4;
	_ =	sdelay $0x1  }
0xa1: {  	s23 =	simm.s32 $0x1B8B  }
0xa2: {  	_ =	swait.ge [sflag:s23], $0x1  }
0xa3: {  	[sflag:s23] =	ssyncset.done $0x0  }
0xa4: {  	s25 =	simm.s32 $0x1B8E;
	s24 =	sld [smem:$0x3FFE];
	[sflag:s23] =	ssyncadd.s32 $0xFFFFFFFF  }
0xa5: {  	s26 =	simm.s32 $execute0_lowered;
	[smem:$0x3FD2] =	sst s25  }
0xa6: {  	s5 =	sshll.u32 s26, $0x1;
	_ =	strace $0x80000049;
	[dreg:$0x1] =	wrdreg $0xFFFFFFFF  }
0xa7: {  	s28 =	simm.s32 $_size_execute0_lowered;
	s3 =	sadd.s32 s3, s5;
	[dreg:$0x0] =	wrdreg $0x0  }
0xa8: {  	s5 =	sshll.u32 s28, $0x1;
	[dreg:$0x2] =	wrdreg s3  }
0xa9: {  	[dreg:$0x3] =	wrdreg s5  }
0xaa: {  	[dreg:$0x4] =	wrdreg $0xC0  }
0xab: {  	_ =	task [dreg:s7], $0x5FFFF  }
0xac: {  	[dreg:$0x1] =	wrdreg $0xFFFFFFFF  }
0xad: {  	[dreg:$0x0] =	wrdreg $0x60  }
0xae: {  	[dreg:$0x2] =	wrdreg s24  }
0xaf: {  	[dreg:$0x3] =	wrdreg s2  }
0xb0: {  	[dreg:$0x4] =	wrdreg $0xC0800  }
0xb1: {  	[dreg:$0x5] =	wrdreg $0x15D000  }
0xb2: {  	[dreg:$0x6] =	wrdreg $0x9  }
0xb3: {  	_ =	task.clear_ibuf [dreg:s7], $0x7FFFF;
	_ =	strace $0x90000049  }
0xb4: {  	s29 =	simm.s32 $0x9;
	_ =	strace $0x8000004B  }
0xb5: {  	_ =	swait.ge [sflag:s29], $0x1  }
0xb6: {  	[sflag:s29] =	ssyncadd.s32 $0xFFFFFFFF  }
0xb7: {  	_ =	strace $0x9000004B  }
0xb8: {  	_ =	sfence  }
0xb9: {  	s30 =	sld [smem:$0x0];
	_ =	sdelay $0x2  }
0xba: {  	s31 =	sshll.u32 s1, $0xD;
	s1 =	sshrl.u32 s1, $0x2  }
0xbb: {  	s3 =	sand.u32 $0x4000, s31;
	s1 =	sadd.s32 s1, s30  }
0xbc: {  	s0 =	sor.u32 s3, s0;
	s1 =	sshll.u32 s1, $0x11  }
0xbd: {  	s0 =	sor.u32 s1, s0  }
0xbe: {  	s0 =	sadd.s32 $0x8F2B, s0  }
0xbf: {  	[sflag:s0] =	ssyncadd.remote.s32 $0x1  }
0xc0: {  	_ =	sfence.sel $0xFFFF  }
0xc1: {  	[dreg:$0x0] =	wrdreg $0xFFFFFFFF;
	(pc) =	sbr.abs _section_cstart, $3  }
0xc2: {  	[dreg:$0x1] =	wrdreg $0xFFFFFFFF  }
0xc3: {  	_ =	task.clear_ibuf [dreg:s7], $0x2FFFF;
	_ =	strace $0x9FFFFFFF  }
0xc4: {  	(tm) =	ssettm $0x7FFFFFFF  }
0xc5: {  	_ =	shalt  }
tec
execute0_lowered:
.L_overlay_start_1:
0x0: {  	(tag) =	ssettag $0x1  }
0x1: {  	s0 =	rddreg [dreg:$0x0]  }
0x2: {  	s1 =	rddreg [dreg:$0x1]  }
0x3: {  	s2 =	rddreg [dreg:$0x2]  }
0x4: {  	s3 =	rddreg [dreg:$0x3]  }
0x5: {  	s4 =	simm.s32 $0x0;
	s15 =	stileid.u32;
	s5 =	srdreg.scid  }
0x6: {  	s18 =	simm.s32 $0x2840;
	s19 =	simm.s32 $0x3;
	s20 =	simm.s32 $0x1  }
0x7: {  	s21 =	simm.s32 $0x2;
	s22 =	simm.s32 $0xE0;
	s28 =	simm.s32 $0x1C0  }
0x8: {  	s29 =	simm.s32 $0x4;
	s30 =	simm.s32 $0x5;
	s6 =	smul.u32 $0xA10, s15  }
0x9: {  	s31 =	simm.s32 $0x0;
	[smem:$0x7FF] =	sst s4;
	s7 =	smul.u32 $0x27200, s15  }
0xa: {  	s5 =	sand.u32 $0x1, s5;
	s12 =	smul.u32 $0x9C00, s15;
	s16 =	sadd.s32 $0x92400, s3  }
0xb: {  	p0 =	seq.s32 s15, $0xF;
	s15 =	simm.s32 $0x5080;
	_ =	strace $0x8000004A  }
0xc: {  	s8 =	smul.u32 $0x13880, s5;
	s9 =	ssub.s32 $0x2, s5;
	s16 =	sshrl.u32 @p0 s16, $0x3  }
0xd: {  	s10 =	sadd.s32 s6, s0;
	s23 =	sshrl.u32 s7, $0x2;
	s24 =	sshrl.u32 s9, $0x1  }
0xe: {  	s17 =	sadd.s32 s12, s3;
	s5 =	sadd.s32 s23, s2;
	s0 =	sadd.s32 s8, s0  }
0xf: {  	s13 =	ssub.s32 s9, s24;
	s8 =	sshrl.u32 s12, $0x3;
	s9 =	sadd.s32 s1, s6  }
0x10: {  	s10 =	sadd.s32 $0x29000, s10;
	s1 =	sadd.s32 s12, s2;
	s6 =	sadd.s32 $0x92400, s2  }
.Ltmp0:
0x11: {  	s17 =	sshrl.u32 @!p0 s17, $0x3;
	s23 =	simm.s32 $0x8880;
	(pc) =	sbr.rel .LBB2_1-.Ltmp0, $4  }
0x12: {  	s25 =	sadd.s32 $0x3800, s5;
	s26 =	sadd.s32 $0x7000, s5;
	s14 =	sadd.s32 s8, s0  }
0x13: {  	s11 =	sadd.s32 $0x33200, s0;
	s12 =	smax.u32 s13, $0x1;
	[dreg:$0x5] =	wrdreg s25  }
0x14: {  	s24 =	sshrl.u32 @p0 s6, $0x3;
	[dreg:$0x6] =	wrdreg s26;
	s13 =	sadd.s32 $0x1E00, s14  }
0x15: {  	v0 =	vimm.f32 $0.0e+00;
	s14 =	sadd.s32 $0x14280, s0;
	s25 =	sshrl.u32 @!p0 s1, $0x3;
	s26 =	simm.s32 $0x2920  }
.LBB2_9:
0x16: {  	_ =	swait.ge [sflag:s29], $0x3800  }
0x17: {  	[sflag:s29] =	ssyncset.done $0x0  }
0x18: {  	[sflag:s29] =	ssyncadd.s32 $0xFFFFC800  }
0x19: {  	s1 =	sadd.s32 @p0 $0x12480, s11;
	s6 =	simm.s32 @p0 $0x1FC5;
	[bflag:$0x0] =	sbarrier.arrive $0xFFFF  }
0x1a: {  	[hbm:s1], [sflag:s6] =	dma.local @p0 [spmem:s24], $0x1400  }
0x1b: {  	s1 =	simm.s32 @p0 $0x5  }
0x1c: {  	_ =	swait.ge @p0 [sflag:s1], $0x1400  }
0x1d: {  	s0 =	sor.u32 @!p0 $0x1C05, s0;
	s31 =	sadd.s32 $0x1, s31;
	[sflag:s1] =	ssyncset.done @p0 $0x0  }
0x1e: {  	p1 =	sne.s32 s31, s12;
	[sflag:s1] =	ssyncadd.s32 @p0 $0xFFFFEC00;
	s1 =	sadd.s32 @!p0 s8, s11  }
0x1f: {  	[hbm:s1], [sflag:s0] =	dma.local @!p0 [spmem:s25], $0x1380  }
.Ltmp1:
0x20: {  	_ = 	snop;
	(pc) =	sbr.rel @!p1 .LBB2_10-.Ltmp1, $4  }
0x21: {  	s0 =	simm.s32 @!p0 $0x5  }
0x22: {  	_ =	swait.ge @!p0 [sflag:s0], $0x1380  }
0x23: {  	[sflag:s0] =	ssyncset.done @!p0 $0x0  }
0x24: {  	[sflag:s0] =	ssyncadd.s32 @!p0 $0xFFFFEC80  }
.LBB2_1:
0x25: {  	s1 =	simm.s32 $0x100;
	s0 =	simm.s32 $0x0  }
.LBB2_2:
0x26: {  	p1 =	sne.s32 s1, $0xDF00;
	[tilespmem:s0+$0x50B0] =	vst v0;
	s6 =	smov.u32 s1;
	s1 =	sadd.s32 $0x100, s1  }
.Ltmp2:
0x27: {  	[tilespmem:s0+$0x50A0] =	vst v0;
	(pc) =	sbr.rel @p1 .LBB2_2-.Ltmp2, $3  }
0x28: {  	[tilespmem:s0+$0x5080] =	vst v0  }
0x29: {  	[tilespmem:s0+$0x5090] =	vst v0;
	_ =	sdelay $0x1  }
0x2a: {  	s0 =	sshra.s32 s6, $0x2  }
0x2b: {  	[tilespmem:s0+$0x50B0] =	vst v0  }
0x2c: {  	[tilespmem:s0+$0x50A0] =	vst v0  }
0x2d: {  	[tilespmem:s0+$0x5080] =	vst v0  }
0x2e: {  	[tilespmem:s0+$0x5090] =	vst v0  }
0x2f: {  	[spmem:s5] =	stream.linear.scatter [tilespmem:s15], [sflag:$0x3], $0x3800, $0x38;
	[tilespmem:$0x1F940] =	vst v63  }
0x30: {  	s6 =	rddreg [dreg:$0x5]  }
0x31: {  	[spmem:s6] =	stream.linear.scatter [tilespmem:s15], [sflag:$0x3], $0x3800, $0x38;
	[tilespmem:$0x1F940] =	vst v63  }
0x32: {  	s7 =	rddreg [dreg:$0x6];
	s0 =	simm.s32 @p0 $0x1FC4  }
0x33: {  	[spmem:s7] =	stream.linear.scatter [tilespmem:s15], [sflag:$0x3], $0x2C80, $0x38;
	[tilespmem:$0x1F940] =	vst v63  }
0x34: {  	[spmem:s16], [sflag:s0] =	dma.local @p0 [hbm:s14], $0x1400  }
0x35: {  	s0 =	stileid.u32  }
0x36: {  	s0 =	sshll.u32 @!p0 s0, $0x6  }
0x37: {  	s1 =	sor.u32 @!p0 $0x1C04, s0  }
0x38: {  	[spmem:s17], [sflag:s1] =	dma.local @!p0 [hbm:s13], $0x1380  }
0x39: {  	[tilespmem:s4], [sflag:$0x1] =	stream.linear.gather [hbm4b:s9+s4], $0x2840, $0x38;
	[tilespmem:$0x1F940] =	vst v63  }
0x3a: {  	_ = 	snop  }
0x3b: {  	[tilespmem:s18], [sflag:$0x2] =	stream.linear.gather [hbm4b:s10+s4], $0x2840, $0x38;
	[tilespmem:$0x1F940] =	vst v63  }
0x3c: {  	_ =	swait.ge [sflag:s19], $0x3800  }
0x3d: {  	[sflag:s19] =	ssyncset.done $0x0  }
0x3e: {  	[sflag:s19] =	ssyncadd.s32 $0xFFFFC800  }
0x3f: {  	_ =	swait.ge [sflag:s19], $0x3800  }
0x40: {  	[sflag:s19] =	ssyncset.done $0x0  }
0x41: {  	[sflag:s19] =	ssyncadd.s32 $0xFFFFC800  }
0x42: {  	_ =	swait.ge [sflag:s19], $0x2C80  }
0x43: {  	[sflag:s19] =	ssyncset.done $0x0  }
0x44: {  	s1 =	simm.s32 @p0 $0x4;
	[sflag:s19] =	ssyncadd.s32 $0xFFFFD380  }
0x45: {  	_ =	swait.ge @p0 [sflag:s1], $0x1400  }
0x46: {  	[sflag:s1] =	ssyncset.done @p0 $0x0  }
0x47: {  	[sflag:s1] =	ssyncadd.s32 @p0 $0xFFFFEC00;
	s1 =	simm.s32 @!p0 $0x4  }
0x48: {  	_ =	swait.ge @!p0 [sflag:s1], $0x1380  }
0x49: {  	[sflag:s1] =	ssyncset.done @!p0 $0x0  }
0x4a: {  	[sflag:s1] =	ssyncadd.s32 @!p0 $0xFFFFEC80  }
0x4b: {  	_ =	swait.ge [sflag:s20], $0x2840  }
0x4c: {  	[sflag:s20] =	ssyncset.done $0x0  }
0x4d: {  	[sflag:s20] =	ssyncadd.s32 $0xFFFFD7C0  }
0x4e: {  	_ =	swait.ge [sflag:s21], $0x2840  }
0x4f: {  	[sflag:s21] =	ssyncset.done $0x0  }
0x50: {  	[sflag:s21] =	ssyncadd.s32 $0xFFFFD7C0  }
0x51: {  	[bflag:$0x0] =	sbarrier.arrive $0xFFFF  }
0x52: {  	[tilespmem:s15], [sflag:$0x1] =	stream.indirect.gather [spmem:s3], $0x40, s4, s22, $0xb8;
	[tilespmem:$0x1F940] =	vst v63  }
0x53: {  	_ =	swait.ge [sflag:s20], $0x3800  }
0x54: {  	[sflag:s20] =	ssyncset.done $0x0  }
0x55: {  	[sflag:s20] =	ssyncadd.s32 $0xFFFFC800  }
0x56: {  	[spmem:s2] =	stream.indirect.scatter.add.f32 [tilespmem:s15], [sflag:$0x3], $0x40, s18, s22, $0xb8;
	[tilespmem:$0x1F940] =	vst v63  }
0x57: {  	_ = 	snop  }
0x58: {  	[tilespmem:s23], [sflag:$0x2] =	stream.indirect.gather [spmem:s3], $0x40, s22, s22, $0xb8;
	[tilespmem:$0x1F940] =	vst v63  }
0x59: {  	_ =	swait.ge [sflag:s21], $0x3800  }
0x5a: {  	[sflag:s21] =	ssyncset.done $0x0  }
0x5b: {  	[sflag:s21] =	ssyncadd.s32 $0xFFFFC800  }
0x5c: {  	[spmem:s2] =	stream.indirect.scatter.add.f32 [tilespmem:s23], [sflag:$0x4], $0x40, s26, s22, $0xb8;
	[tilespmem:$0x1F940] =	vst v63  }
0x5d: {  	_ =	swait.ge [sflag:s19], $0x3800  }
0x5e: {  	[sflag:s19] =	ssyncset.done $0x0  }
0x5f: {  	s1 =	simm.s32 $0xFFFF6D00;
	[sflag:s19] =	ssyncadd.s32 $0xFFFFC800  }
0x60: {  	[tilespmem:s15], [sflag:$0x1] =	stream.indirect.gather [spmem:s3], $0x40, s28, s22, $0xb8;
	[tilespmem:$0x1F940] =	vst v63  }
.LBB2_4:
0x61: {  	_ =	swait.ge [sflag:s20], $0x3800  }
0x62: {  	s6 =	sshra.s32 s1, $0x2;
	[sflag:s20] =	ssyncset.done $0x0  }
0x63: {  	s7 =	sadd.s32 $0x4EC0, s6;
	[sflag:s20] =	ssyncadd.s32 $0xFFFFC800  }
0x64: {  	[spmem:s2] =	stream.indirect.scatter.add.f32 [tilespmem:s15], [sflag:$0x3], $0x40, s7, s22, $0xb8;
	[tilespmem:$0x1F940] =	vst v63  }
0x65: {  	_ =	swait.ge [sflag:s29], $0x3800  }
0x66: {  	[sflag:s29] =	ssyncset.done $0x0  }
0x67: {  	s7 =	sadd.s32 $0x2760, s6;
	[sflag:s29] =	ssyncadd.s32 $0xFFFFC800  }
0x68: {  	[tilespmem:s23], [sflag:$0x2] =	stream.indirect.gather [spmem:s3], $0x40, s7, s22, $0xb8;
	[tilespmem:$0x1F940] =	vst v63  }
0x69: {  	_ =	swait.ge [sflag:s21], $0x3800  }
0x6a: {  	p1 =	seq.s32 s1, $0x0;
	[sflag:s21] =	ssyncset.done $0x0  }
.Ltmp3:
0x6b: {  	s7 =	sadd.s32 $0x4FA0, s6;
	[sflag:s21] =	ssyncadd.s32 $0xFFFFC800;
	(pc) =	sbr.rel @p1 .LBB2_6-.Ltmp3, $4  }
0x6c: {  	[spmem:s2] =	stream.indirect.scatter.add.f32 [tilespmem:s23], [sflag:$0x4], $0x40, s7, s22, $0xb8;
	[tilespmem:$0x1F940] =	vst v63  }
0x6d: {  	_ =	swait.ge [sflag:s19], $0x3800  }
0x6e: {  	[sflag:s19] =	ssyncset.done $0x0  }
0x6f: {  	[sflag:s19] =	ssyncadd.s32 $0xFFFFC800  }
.Ltmp4:
0x70: {  	(pc) =	sbr.rel .LBB2_4-.Ltmp4, $3  }
0x71: {  	_ =	sdelay $0x1  }
0x72: {  	s6 =	sadd.s32 $0x2840, s6;
	s1 =	sadd.s32 $0x700, s1  }
0x73: {  	[tilespmem:s15], [sflag:$0x1] =	stream.indirect.gather [spmem:s3], $0x40, s6, s22, $0xb8;
	[tilespmem:$0x1F940] =	vst v63  }
.LBB2_6:
0x74: {  	_ =	swait.ge [sflag:s29], $0x3800  }
0x75: {  	[sflag:s29] =	ssyncset.done $0x0  }
0x76: {  	s1 =	sadd.s32 $0x508, s9;
	[sflag:s29] =	ssyncadd.s32 $0xFFFFC800  }
0x77: {  	[tilespmem:s4], [sflag:$0x5] =	stream.linear.gather [hbm4b:s1+s4], $0x2840, $0x38;
	[tilespmem:$0x1F940] =	vst v63  }
0x78: {  	_ =	swait.ge [sflag:s30], $0x2840  }
0x79: {  	[sflag:s30] =	ssyncset.done $0x0  }
0x7a: {  	s7 =	sadd.s32 $0x508, s10;
	[sflag:s30] =	ssyncadd.s32 $0xFFFFD7C0  }
0x7b: {  	[tilespmem:s18], [sflag:$0x5] =	stream.linear.gather [hbm4b:s7+s4], $0x2840, $0x38;
	[tilespmem:$0x1F940] =	vst v63  }
0x7c: {  	_ =	swait.ge [sflag:s30], $0x2840  }
0x7d: {  	[sflag:s30] =	ssyncset.done $0x0  }
0x7e: {  	[sflag:s30] =	ssyncadd.s32 $0xFFFFD7C0  }
0x7f: {  	[tilespmem:s15], [sflag:$0x1] =	stream.indirect.gather [spmem:s3], $0x40, s4, s22, $0xb8;
	[tilespmem:$0x1F940] =	vst v63  }
0x80: {  	_ =	swait.ge [sflag:s20], $0x3800  }
0x81: {  	[sflag:s20] =	ssyncset.done $0x0  }
0x82: {  	[sflag:s20] =	ssyncadd.s32 $0xFFFFC800  }
0x83: {  	[spmem:s2] =	stream.indirect.scatter.add.f32 [tilespmem:s15], [sflag:$0x3], $0x40, s18, s22, $0xb8;
	[tilespmem:$0x1F940] =	vst v63  }
0x84: {  	_ = 	snop  }
0x85: {  	[tilespmem:s23], [sflag:$0x2] =	stream.indirect.gather [spmem:s3], $0x40, s22, s22, $0xb8;
	[tilespmem:$0x1F940] =	vst v63  }
0x86: {  	_ =	swait.ge [sflag:s21], $0x3800  }
0x87: {  	[sflag:s21] =	ssyncset.done $0x0  }
0x88: {  	[sflag:s21] =	ssyncadd.s32 $0xFFFFC800  }
0x89: {  	[spmem:s2] =	stream.indirect.scatter.add.f32 [tilespmem:s23], [sflag:$0x4], $0x40, s26, s22, $0xb8;
	[tilespmem:$0x1F940] =	vst v63  }
0x8a: {  	_ =	swait.ge [sflag:s19], $0x3800  }
0x8b: {  	[sflag:s19] =	ssyncset.done $0x0  }
0x8c: {  	s1 =	simm.s32 $0xFFFF6D00;
	[sflag:s19] =	ssyncadd.s32 $0xFFFFC800  }
0x8d: {  	[tilespmem:s15], [sflag:$0x1] =	stream.indirect.gather [spmem:s3], $0x40, s28, s22, $0xb8;
	[tilespmem:$0x1F940] =	vst v63  }
.LBB2_7:
0x8e: {  	_ =	swait.ge [sflag:s20], $0x3800  }
0x8f: {  	s6 =	sshra.s32 s1, $0x2;
	[sflag:s20] =	ssyncset.done $0x0  }
0x90: {  	s7 =	sadd.s32 $0x4EC0, s6;
	[sflag:s20] =	ssyncadd.s32 $0xFFFFC800  }
0x91: {  	[spmem:s2] =	stream.indirect.scatter.add.f32 [tilespmem:s15], [sflag:$0x3], $0x40, s7, s22, $0xb8;
	[tilespmem:$0x1F940] =	vst v63  }
0x92: {  	_ =	swait.ge [sflag:s29], $0x3800  }
0x93: {  	[sflag:s29] =	ssyncset.done $0x0  }
0x94: {  	s7 =	sadd.s32 $0x2760, s6;
	[sflag:s29] =	ssyncadd.s32 $0xFFFFC800  }
0x95: {  	[tilespmem:s23], [sflag:$0x2] =	stream.indirect.gather [spmem:s3], $0x40, s7, s22, $0xb8;
	[tilespmem:$0x1F940] =	vst v63  }
0x96: {  	_ =	swait.ge [sflag:s21], $0x3800  }
0x97: {  	p1 =	seq.s32 s1, $0x0;
	[sflag:s21] =	ssyncset.done $0x0  }
.Ltmp5:
0x98: {  	s7 =	sadd.s32 $0x4FA0, s6;
	[sflag:s21] =	ssyncadd.s32 $0xFFFFC800;
	(pc) =	sbr.rel @p1 .LBB2_9-.Ltmp5, $4  }
0x99: {  	[spmem:s2] =	stream.indirect.scatter.add.f32 [tilespmem:s23], [sflag:$0x4], $0x40, s7, s22, $0xb8;
	[tilespmem:$0x1F940] =	vst v63  }
0x9a: {  	_ =	swait.ge [sflag:s19], $0x3800  }
0x9b: {  	[sflag:s19] =	ssyncset.done $0x0  }
0x9c: {  	[sflag:s19] =	ssyncadd.s32 $0xFFFFC800  }
.Ltmp6:
0x9d: {  	(pc) =	sbr.rel .LBB2_7-.Ltmp6, $3  }
0x9e: {  	_ =	sdelay $0x1  }
0x9f: {  	s6 =	sadd.s32 $0x2840, s6;
	s1 =	sadd.s32 $0x700, s1  }
0xa0: {  	[tilespmem:s15], [sflag:$0x1] =	stream.indirect.gather [spmem:s3], $0x40, s6, s22, $0xb8;
	[tilespmem:$0x1F940] =	vst v63  }
.LBB2_10:
0xa1: {  	_ =	sfence.sel $0x180000  }
0xa2: {  	[bflag:$0x0] =	sbarrier.arrive $0xFFFF  }
0xa3: {  	_ =	strace $0x9000004A  }
0xa4: {  	s0 =	stileid.u32;
	[bflag:$0x2] =	sbarrier.arrive $0xFFFF  }
0xa5: {  	p0 =	sne.s32 s0, $0x0;
	s0 =	rddreg [dreg:$0x4]  }
0xa6: {  	s0 =	sadd.s32 @!p0 $0x100000, s0  }
0xa7: {  	[sflag:s0] =	ssyncadd.tile.s32 @!p0 $0x1;
	_ =	shalt  }
.Lfunc_end2:
_tile_overlayer_lowered:
.L_overlay_start_2:
0xa8: {  	(tag) =	ssettag $0x2  }
0xa9: {  	s0 =	rddreg [dreg:$0x0];
	s2 =	stileid.u32  }
0xaa: {  	s1 =	rddreg [dreg:$0x1];
	p0 =	sne.s32 s2, $0x0  }
0xab: {  	s3 =	rddreg [dreg:$0x2];
	[bflag:$0x3] =	sbarrier.arrive $0xFFFF;
	s2 =	simm.s32 @!p0 $0x1C05  }
0xac: {  	[timem:s3], [sflag:s2] =	dma.local @!p0 [hbm:s0], s1  }
0xad: {  	s0 =	simm.s32 @!p0 $0x5  }
0xae: {  	_ =	swait.ge @!p0 [sflag:s0], s1  }
0xaf: {  	s1 =	ssub.s32 @!p0 $0x0, s1;
	[sflag:s0] =	ssyncset.done @!p0 $0x0  }
0xb0: {  	[sflag:s0] =	ssyncadd.s32 @!p0 s1  }
0xb1: {  	[bflag:$0x3] =	sbarrier.arrive $0xFFFF  }
0xb2: {  	_ =	shalt  }

// kernel: kernel.17.cloned.1.call-start
scs
__scs_entry_jumppad:
0x0: {  	(pc) =	sbr.rel $0x88, $3  }
0x1: {  	(tag) =	ssettag $0x0;
	lr =	simm.s32 $0x1  }
0x2: {  	[smem:$0x3F95] =	sst lr;
	_ =	strace $0xD0000000  }
0x3: {  	_ = 	snop  }
0x4: {  	_ = 	snop  }
0x5: {  	_ = 	snop  }
0x6: {  	_ = 	snop  }
0x7: {  	_ = 	snop  }
__scs_overlays_trampoline_lowered:
0x8: {  	[smem:$0x3FA4] =	sst s0  }
0x9: {  	[smem:$0x3FA5] =	sst s1  }
0xa: {  	[smem:$0x3FA6] =	sst s2  }
0xb: {  	[smem:$0x3FA7] =	sst s3  }
0xc: {  	[smem:$0x3FA8] =	sst s4  }
0xd: {  	[smem:$0x3FA9] =	sst s5  }
0xe: {  	[smem:$0x3FAA] =	sst s6  }
0xf: {  	[smem:$0x3FAB] =	sst s7  }
0x10: {  	[smem:$0x3FAC] =	sst s8  }
0x11: {  	[smem:$0x3FAD] =	sst s9;
	s0 =	simm.s32 @!p0 $0x0  }
0x12: {  	s1 =	sld [smem:$0x3F93];
	s0 =	simm.s32 @p0 $0x1  }
0x13: {  	[smem:$0x3FAE] =	sst s0;
	s0 =	simm.s32 @!p1 $0x0  }
0x14: {  	s2 =	sld [smem:$0x3F92];
	s0 =	simm.s32 @p1 $0x1  }
0x15: {  	[smem:$0x3FAF] =	sst s0;
	s0 =	simm.s32 @!p2 $0x0  }
0x16: {  	s3 =	sld [smem:$0x3FDB];
	s0 =	simm.s32 @p2 $0x1  }
0x17: {  	s4 =	simm.s32 $0x1BF5;
	[smem:$0x3FB1] =	sst s0  }
0x18: {  	s0 =	sld [smem:$0x3F94];
	_ =	swait.ge [sflag:s4], $0x0  }
0x19: {  	s7 =	sld [smem:$0x3F95]  }
0x1a: {  	s8 =	sadd.s32 $0xFFFFE003, lr  }
0x1b: {  	s9 =	sadd.s32 $0xFFFFFEF7, lr;
	s5 =	simm.s32 $0xFFFFFFFF;
	p2 =	slt.u32 s8, $0xFFFFF086  }
0x1c: {  	p1 =	slt.u32 s9, $0xF7A;
	s5 =	simm.s32 @!p2 $0x0  }
0x1d: {  	s5 =	simm.s32 @p1 $0x1;
	p0 =	seq.s32 s7, s2  }
0x1e: {  	s7 =	smul.u32 @!p0 $0xF7A, s2;
	p2 =	seq.s32 @!p0 s5, $0x0  }
0x1f: {  	s9 =	smul.u32 $0xF7A, s1;
	s8 =	simm.s32 @!p0 $0x1BF5;
	p2 =	por !p2, p0  }
0x20: {  	[sflag:s8] =	ssyncset.s32 @!p0 $0xFFFFF086;
	s6 =	sadd.s32 @!p0 s3, s7;
	s7 =	simm.s32 @!p0 $0x108  }
0x21: {  	s3 =	sadd.s32 s3, s9;
	s6 =	sadd.s32 @!p0 $0x88, s6;
	s7 =	simm.s32 @p2 $0x1082  }
0x22: {  	[simem:s7], [sflag:s8] =	dma.local @!p0 [hbm:s6], $0xF7A  }
0x23: {  	s9 =	sor.u32 $0xD0000000, s2;
	s6 =	simm.s32 $0x108;
	_ =	swait.ge @!p0 [sflag:s8], $0x0  }
0x24: {  	s3 =	sadd.s32 $0x88, s3;
	s6 =	simm.s32 @!p1 $0x1082;
	[sflag:s4] =	ssyncset.s32 $0xFFFFF086  }
0x25: {  	[simem:s6], [sflag:s4] =	dma.local [hbm:s3], $0xF7A  }
0x26: {  	[smem:$0x3F95] =	sst s1;
	(tag) =	ssettag s2;
	_ =	strace s9  }
0x27: {  	s1 =	sld [smem:$0x3FA5]  }
0x28: {  	s2 =	sld [smem:$0x3FA6]  }
0x29: {  	s4 =	sld [smem:$0x3FA8]  }
0x2a: {  	p0 =	seq.s32 s5, $0x0;
	s5 =	sld [smem:$0x3FA9]  }
0x2b: {  	s6 =	sld [smem:$0x3FAA]  }
0x2c: {  	s7 =	sld [smem:$0x3FAB]  }
0x2d: {  	s3 =	simm.s32 $0x108;
	s8 =	sld [smem:$0x3FAC]  }
0x2e: {  	s3 =	simm.s32 @!p0 $0x1082;
	s9 =	sld [smem:$0x3FAD]  }
0x2f: {  	lr =	sadd.s32 s0, s3;
	s0 =	sld [smem:$0x3FA4]  }
0x30: {  	s3 =	sld [smem:$0x3FA7]  }
0x31: {  	[smem:$0x3FB0] =	sst s10  }
0x32: {  	s10 =	sld [smem:$0x3FAE];
	_ =	sdelay $0x3  }
0x33: {  	p0 =	seq.s32 s10, $0x1;
	s10 =	sld [smem:$0x3FB0];
	_ =	sdelay $0x3  }
0x34: {  	[smem:$0x3FB0] =	sst s10  }
0x35: {  	s10 =	sld [smem:$0x3FAF];
	_ =	sdelay $0x3  }
0x36: {  	p1 =	seq.s32 s10, $0x1;
	s10 =	sld [smem:$0x3FB0];
	_ =	sdelay $0x3  }
0x37: {  	[smem:$0x3FB0] =	sst s10  }
0x38: {  	s10 =	sld [smem:$0x3FB1]  }
0x39: {  	_ = 	snop;
	(pc) =	sbr.ind lr, $3  }
0x3a: {  	_ = 	snop  }
0x3b: {  	_ = 	snop  }
0x3c: {  	p2 =	seq.s32 s10, $0x1;
	s10 =	sld [smem:$0x3FB0]  }
0x3d: {  	_ =	shalt  }
0x3e: {  	_ =	shalt  }
0x3f: {  	_ =	shalt  }
0x40: {  	_ =	shalt  }
0x41: {  	_ =	shalt  }
0x42: {  	_ =	shalt  }
0x43: {  	_ =	shalt  }
0x44: {  	_ =	shalt  }
0x45: {  	_ =	shalt  }
0x46: {  	_ =	shalt  }
0x47: {  	_ =	shalt  }
0x48: {  	_ =	shalt  }
0x49: {  	_ =	shalt  }
0x4a: {  	_ =	shalt  }
0x4b: {  	_ =	shalt  }
0x4c: {  	_ =	shalt  }
0x4d: {  	_ =	shalt  }
0x4e: {  	_ =	shalt  }
0x4f: {  	_ =	shalt  }
0x50: {  	_ =	shalt  }
0x51: {  	_ =	shalt  }
0x52: {  	_ =	shalt  }
0x53: {  	_ =	shalt  }
0x54: {  	_ =	shalt  }
0x55: {  	_ =	shalt  }
0x56: {  	_ =	shalt  }
0x57: {  	_ =	shalt  }
0x58: {  	_ =	shalt  }
0x59: {  	_ =	shalt  }
0x5a: {  	_ =	shalt  }
0x5b: {  	_ =	shalt  }
0x5c: {  	_ =	shalt  }
0x5d: {  	_ =	shalt  }
0x5e: {  	_ =	shalt  }
0x5f: {  	_ =	shalt  }
0x60: {  	_ =	shalt  }
0x61: {  	_ =	shalt  }
0x62: {  	_ =	shalt  }
0x63: {  	_ =	shalt  }
0x64: {  	_ =	shalt  }
0x65: {  	_ =	shalt  }
0x66: {  	_ =	shalt  }
0x67: {  	_ =	shalt  }
0x68: {  	_ =	shalt  }
0x69: {  	_ =	shalt  }
0x6a: {  	_ =	shalt  }
0x6b: {  	_ =	shalt  }
0x6c: {  	_ =	shalt  }
0x6d: {  	_ =	shalt  }
0x6e: {  	_ =	shalt  }
0x6f: {  	_ =	shalt  }
0x70: {  	_ =	shalt  }
0x71: {  	_ =	shalt  }
0x72: {  	_ =	shalt  }
0x73: {  	_ =	shalt  }
0x74: {  	_ =	shalt  }
0x75: {  	_ =	shalt  }
0x76: {  	_ =	shalt  }
0x77: {  	_ =	shalt  }
0x78: {  	_ =	shalt  }
0x79: {  	_ =	shalt  }
0x7a: {  	_ =	shalt  }
0x7b: {  	_ =	shalt  }
0x7c: {  	_ =	shalt  }
0x7d: {  	_ =	shalt  }
0x7e: {  	_ =	shalt  }
0x7f: {  	_ =	shalt  }
0x80: {  	_ =	shalt  }
0x81: {  	_ =	shalt  }
0x82: {  	_ =	shalt  }
0x83: {  	_ =	shalt  }
0x84: {  	_ =	shalt  }
0x85: {  	_ =	shalt  }
0x86: {  	_ =	shalt  }
0x87: {  	_ =	shalt  }
.Lfunc_end0:
.L_simem_size_0:
called_computation.2_lowered:
.L_overlay_start_0:
0x88: {  	s2 =	sld [smem:$0x3FD9]  }
0x89: {  	s3 =	sld [smem:$0x3FFE];
	_ =	sdelay $0x1  }
0x8a: {  	s1 =	srdreg.scid  }
0x8b: {  	s0 =	sand.u32 $0x1, s1  }
0x8c: {  	s17 =	sshll.u32 s0, $0xA;
	s2 =	sadd.s32 s3, s2  }
0x8d: {  	s2 =	sadd.s32 s2, s17  }
0x8e: {  	[smem:$0x3FBC] =	sst s2  }
0x8f: {  	_ = 	snop  }
0x90: {  	s2 =	sld [smem:$0x3FD0];
	(tm) =	ssettm $0x1  }
0x91: {  	s18 =	sld [smem:$0x3FFB];
	_ =	sdelay $0x3  }
0x92: {  	_ =	strace s18  }
0x93: {  	s3 =	sld [smem:$0x3FFC];
	_ =	sdelay $0x3  }
0x94: {  	_ =	strace s3  }
0x95: {  	s3 =	sld [smem:$0x3FFD];
	_ =	sdelay $0x3  }
0x96: {  	_ =	strace s3  }
0x97: {  	_ =	strace $0x8FFFFFFF  }
0x98: {  	s19 =	sld [smem:$0x3FDB];
	_ =	sdelay $0x1  }
0x99: {  	s4 =	simm.s32 $_scs_section_size  }
0x9a: {  	s5 =	simm.s32 $_size__tile_overlayer_lowered;
	s6 =	simm.s32 $_tile_overlayer_lowered  }
0x9b: {  	s22 =	simm.s32 $0x1BFF;
	s21 =	sshll.u32 s6, $0x1;
	s3 =	sadd.s32 s4, s19  }
0x9c: {  	s7 =	simm.s32 $0x0;
	s20 =	sshll.u32 s5, $0x1;
	s5 =	sadd.s32 s21, s3  }
0x9d: {  	[timem:s7], [sflag:s22] =	dma.local [hbm:s5], s20  }
0x9e: {  	_ =	swait.ge [sflag:s22], s20  }
0x9f: {  	s4 =	ssub.s32 $0x0, s20;
	[sflag:s22] =	ssyncset.done $0x0  }
0xa0: {  	[sflag:s22] =	ssyncadd.s32 s4;
	_ =	sdelay $0x1  }
0xa1: {  	s23 =	simm.s32 $0x1B8B  }
0xa2: {  	_ =	swait.ge [sflag:s23], $0x1  }
0xa3: {  	[sflag:s23] =	ssyncset.done $0x0  }
0xa4: {  	s25 =	simm.s32 $0x1B8E;
	s24 =	sld [smem:$0x3FFE];
	[sflag:s23] =	ssyncadd.s32 $0xFFFFFFFF  }
0xa5: {  	s26 =	simm.s32 $execute0_lowered;
	[smem:$0x3FD2] =	sst s25  }
0xa6: {  	s5 =	sshll.u32 s26, $0x1;
	_ =	strace $0x8000004C;
	[dreg:$0x1] =	wrdreg $0xFFFFFFFF  }
0xa7: {  	s28 =	simm.s32 $_size_execute0_lowered;
	s3 =	sadd.s32 s3, s5;
	[dreg:$0x0] =	wrdreg $0x0  }
0xa8: {  	s5 =	sshll.u32 s28, $0x1;
	[dreg:$0x2] =	wrdreg s3  }
0xa9: {  	[dreg:$0x3] =	wrdreg s5  }
0xaa: {  	[dreg:$0x4] =	wrdreg $0xC0  }
0xab: {  	_ =	task [dreg:s7], $0x5FFFF  }
0xac: {  	[dreg:$0x1] =	wrdreg $0xFFFFFFFF  }
0xad: {  	[dreg:$0x0] =	wrdreg $0x60  }
0xae: {  	[dreg:$0x2] =	wrdreg s24  }
0xaf: {  	[dreg:$0x3] =	wrdreg s2  }
0xb0: {  	[dreg:$0x4] =	wrdreg $0xC0800  }
0xb1: {  	[dreg:$0x5] =	wrdreg $0x15D000  }
0xb2: {  	[dreg:$0x6] =	wrdreg $0x9  }
0xb3: {  	_ =	task.clear_ibuf [dreg:s7], $0x7FFFF;
	_ =	strace $0x9000004C  }
0xb4: {  	s29 =	simm.s32 $0x9;
	_ =	strace $0x8000004E  }
0xb5: {  	_ =	swait.ge [sflag:s29], $0x1  }
0xb6: {  	[sflag:s29] =	ssyncadd.s32 $0xFFFFFFFF  }
0xb7: {  	_ =	strace $0x9000004E  }
0xb8: {  	_ =	sfence  }
0xb9: {  	s30 =	sld [smem:$0x0];
	_ =	sdelay $0x2  }
0xba: {  	s31 =	sshll.u32 s1, $0xD;
	s1 =	sshrl.u32 s1, $0x2  }
0xbb: {  	s3 =	sand.u32 $0x4000, s31;
	s1 =	sadd.s32 s1, s30  }
0xbc: {  	s0 =	sor.u32 s3, s0;
	s1 =	sshll.u32 s1, $0x11  }
0xbd: {  	s0 =	sor.u32 s1, s0  }
0xbe: {  	s0 =	sadd.s32 $0x8F2B, s0  }
0xbf: {  	[sflag:s0] =	ssyncadd.remote.s32 $0x1  }
0xc0: {  	_ =	sfence.sel $0xFFFF  }
0xc1: {  	[dreg:$0x0] =	wrdreg $0xFFFFFFFF;
	(pc) =	sbr.abs _section_cstart, $3  }
0xc2: {  	[dreg:$0x1] =	wrdreg $0xFFFFFFFF  }
0xc3: {  	_ =	task.clear_ibuf [dreg:s7], $0x2FFFF;
	_ =	strace $0x9FFFFFFF  }
0xc4: {  	(tm) =	ssettm $0x7FFFFFFF  }
0xc5: {  	_ =	shalt  }
tec
execute0_lowered:
.L_overlay_start_1:
0x0: {  	(tag) =	ssettag $0x1  }
0x1: {  	s0 =	rddreg [dreg:$0x0]  }
0x2: {  	s1 =	rddreg [dreg:$0x1]  }
0x3: {  	s2 =	rddreg [dreg:$0x2]  }
0x4: {  	s3 =	rddreg [dreg:$0x3]  }
0x5: {  	s4 =	simm.s32 $0x0;
	s15 =	stileid.u32;
	s5 =	srdreg.scid  }
0x6: {  	s18 =	simm.s32 $0x2840;
	s19 =	simm.s32 $0x3;
	s20 =	simm.s32 $0x1  }
0x7: {  	s21 =	simm.s32 $0x2;
	s22 =	simm.s32 $0xE0;
	s28 =	simm.s32 $0x1C0  }
0x8: {  	s29 =	simm.s32 $0x4;
	s30 =	simm.s32 $0x5;
	s6 =	smul.u32 $0xA10, s15  }
0x9: {  	s31 =	simm.s32 $0x0;
	[smem:$0x7FF] =	sst s4;
	s7 =	smul.u32 $0x27200, s15  }
0xa: {  	s5 =	sand.u32 $0x1, s5;
	s12 =	smul.u32 $0x9C00, s15;
	s16 =	sadd.s32 $0x92400, s3  }
0xb: {  	p0 =	seq.s32 s15, $0xF;
	s15 =	simm.s32 $0x5080;
	_ =	strace $0x8000004D  }
0xc: {  	s8 =	smul.u32 $0x13880, s5;
	s9 =	ssub.s32 $0x2, s5;
	s16 =	sshrl.u32 @p0 s16, $0x3  }
0xd: {  	s10 =	sadd.s32 s6, s0;
	s23 =	sshrl.u32 s7, $0x2;
	s24 =	sshrl.u32 s9, $0x1  }
0xe: {  	s17 =	sadd.s32 s12, s3;
	s5 =	sadd.s32 s23, s2;
	s0 =	sadd.s32 s8, s0  }
0xf: {  	s13 =	ssub.s32 s9, s24;
	s8 =	sshrl.u32 s12, $0x3;
	s9 =	sadd.s32 s1, s6  }
0x10: {  	s10 =	sadd.s32 $0x29000, s10;
	s1 =	sadd.s32 s12, s2;
	s6 =	sadd.s32 $0x92400, s2  }
.Ltmp0:
0x11: {  	s17 =	sshrl.u32 @!p0 s17, $0x3;
	s23 =	simm.s32 $0x8880;
	(pc) =	sbr.rel .LBB2_1-.Ltmp0, $4  }
0x12: {  	s25 =	sadd.s32 $0x3800, s5;
	s26 =	sadd.s32 $0x7000, s5;
	s14 =	sadd.s32 s8, s0  }
0x13: {  	s11 =	sadd.s32 $0x33200, s0;
	s12 =	smax.u32 s13, $0x1;
	[dreg:$0x5] =	wrdreg s25  }
0x14: {  	s24 =	sshrl.u32 @p0 s6, $0x3;
	[dreg:$0x6] =	wrdreg s26;
	s13 =	sadd.s32 $0x1E00, s14  }
0x15: {  	v0 =	vimm.f32 $0.0e+00;
	s14 =	sadd.s32 $0x14280, s0;
	s25 =	sshrl.u32 @!p0 s1, $0x3;
	s26 =	simm.s32 $0x2920  }
.LBB2_9:
0x16: {  	_ =	swait.ge [sflag:s29], $0x3800  }
0x17: {  	[sflag:s29] =	ssyncset.done $0x0  }
0x18: {  	[sflag:s29] =	ssyncadd.s32 $0xFFFFC800  }
0x19: {  	s1 =	sadd.s32 @p0 $0x12480, s11;
	s6 =	simm.s32 @p0 $0x1FC5;
	[bflag:$0x0] =	sbarrier.arrive $0xFFFF  }
0x1a: {  	[hbm:s1], [sflag:s6] =	dma.local @p0 [spmem:s24], $0x1400  }
0x1b: {  	s1 =	simm.s32 @p0 $0x5  }
0x1c: {  	_ =	swait.ge @p0 [sflag:s1], $0x1400  }
0x1d: {  	s0 =	sor.u32 @!p0 $0x1C05, s0;
	s31 =	sadd.s32 $0x1, s31;
	[sflag:s1] =	ssyncset.done @p0 $0x0  }
0x1e: {  	p1 =	sne.s32 s31, s12;
	[sflag:s1] =	ssyncadd.s32 @p0 $0xFFFFEC00;
	s1 =	sadd.s32 @!p0 s8, s11  }
0x1f: {  	[hbm:s1], [sflag:s0] =	dma.local @!p0 [spmem:s25], $0x1380  }
.Ltmp1:
0x20: {  	_ = 	snop;
	(pc) =	sbr.rel @!p1 .LBB2_10-.Ltmp1, $4  }
0x21: {  	s0 =	simm.s32 @!p0 $0x5  }
0x22: {  	_ =	swait.ge @!p0 [sflag:s0], $0x1380  }
0x23: {  	[sflag:s0] =	ssyncset.done @!p0 $0x0  }
0x24: {  	[sflag:s0] =	ssyncadd.s32 @!p0 $0xFFFFEC80  }
.LBB2_1:
0x25: {  	s1 =	simm.s32 $0x100;
	s0 =	simm.s32 $0x0  }
.LBB2_2:
0x26: {  	p1 =	sne.s32 s1, $0xDF00;
	[tilespmem:s0+$0x50B0] =	vst v0;
	s6 =	smov.u32 s1;
	s1 =	sadd.s32 $0x100, s1  }
.Ltmp2:
0x27: {  	[tilespmem:s0+$0x50A0] =	vst v0;
	(pc) =	sbr.rel @p1 .LBB2_2-.Ltmp2, $3  }
0x28: {  	[tilespmem:s0+$0x5080] =	vst v0  }
0x29: {  	[tilespmem:s0+$0x5090] =	vst v0;
	_ =	sdelay $0x1  }
0x2a: {  	s0 =	sshra.s32 s6, $0x2  }
0x2b: {  	[tilespmem:s0+$0x50B0] =	vst v0  }
0x2c: {  	[tilespmem:s0+$0x50A0] =	vst v0  }
0x2d: {  	[tilespmem:s0+$0x5080] =	vst v0  }
0x2e: {  	[tilespmem:s0+$0x5090] =	vst v0  }
0x2f: {  	[spmem:s5] =	stream.linear.scatter [tilespmem:s15], [sflag:$0x3], $0x3800, $0x38;
	[tilespmem:$0x1F940] =	vst v63  }
0x30: {  	s6 =	rddreg [dreg:$0x5]  }
0x31: {  	[spmem:s6] =	stream.linear.scatter [tilespmem:s15], [sflag:$0x3], $0x3800, $0x38;
	[tilespmem:$0x1F940] =	vst v63  }
0x32: {  	s7 =	rddreg [dreg:$0x6];
	s0 =	simm.s32 @p0 $0x1FC4  }
0x33: {  	[spmem:s7] =	stream.linear.scatter [tilespmem:s15], [sflag:$0x3], $0x2C80, $0x38;
	[tilespmem:$0x1F940] =	vst v63  }
0x34: {  	[spmem:s16], [sflag:s0] =	dma.local @p0 [hbm:s14], $0x1400  }
0x35: {  	s0 =	stileid.u32  }
0x36: {  	s0 =	sshll.u32 @!p0 s0, $0x6  }
0x37: {  	s1 =	sor.u32 @!p0 $0x1C04, s0  }
0x38: {  	[spmem:s17], [sflag:s1] =	dma.local @!p0 [hbm:s13], $0x1380  }
0x39: {  	[tilespmem:s4], [sflag:$0x1] =	stream.linear.gather [hbm4b:s9+s4], $0x2840, $0x38;
	[tilespmem:$0x1F940] =	vst v63  }
0x3a: {  	_ = 	snop  }
0x3b: {  	[tilespmem:s18], [sflag:$0x2] =	stream.linear.gather [hbm4b:s10+s4], $0x2840, $0x38;
	[tilespmem:$0x1F940] =	vst v63  }
0x3c: {  	_ =	swait.ge [sflag:s19], $0x3800  }
0x3d: {  	[sflag:s19] =	ssyncset.done $0x0  }
0x3e: {  	[sflag:s19] =	ssyncadd.s32 $0xFFFFC800  }
0x3f: {  	_ =	swait.ge [sflag:s19], $0x3800  }
0x40: {  	[sflag:s19] =	ssyncset.done $0x0  }
0x41: {  	[sflag:s19] =	ssyncadd.s32 $0xFFFFC800  }
0x42: {  	_ =	swait.ge [sflag:s19], $0x2C80  }
0x43: {  	[sflag:s19] =	ssyncset.done $0x0  }
0x44: {  	s1 =	simm.s32 @p0 $0x4;
	[sflag:s19] =	ssyncadd.s32 $0xFFFFD380  }
0x45: {  	_ =	swait.ge @p0 [sflag:s1], $0x1400  }
0x46: {  	[sflag:s1] =	ssyncset.done @p0 $0x0  }
0x47: {  	[sflag:s1] =	ssyncadd.s32 @p0 $0xFFFFEC00;
	s1 =	simm.s32 @!p0 $0x4  }
0x48: {  	_ =	swait.ge @!p0 [sflag:s1], $0x1380  }
0x49: {  	[sflag:s1] =	ssyncset.done @!p0 $0x0  }
0x4a: {  	[sflag:s1] =	ssyncadd.s32 @!p0 $0xFFFFEC80  }
0x4b: {  	_ =	swait.ge [sflag:s20], $0x2840  }
0x4c: {  	[sflag:s20] =	ssyncset.done $0x0  }
0x4d: {  	[sflag:s20] =	ssyncadd.s32 $0xFFFFD7C0  }
0x4e: {  	_ =	swait.ge [sflag:s21], $0x2840  }
0x4f: {  	[sflag:s21] =	ssyncset.done $0x0  }
0x50: {  	[sflag:s21] =	ssyncadd.s32 $0xFFFFD7C0  }
0x51: {  	[bflag:$0x0] =	sbarrier.arrive $0xFFFF  }
0x52: {  	[tilespmem:s15], [sflag:$0x1] =	stream.indirect.gather [spmem:s3], $0x40, s4, s22, $0xb8;
	[tilespmem:$0x1F940] =	vst v63  }
0x53: {  	_ =	swait.ge [sflag:s20], $0x3800  }
0x54: {  	[sflag:s20] =	ssyncset.done $0x0  }
0x55: {  	[sflag:s20] =	ssyncadd.s32 $0xFFFFC800  }
0x56: {  	[spmem:s2] =	stream.indirect.scatter.add.f32 [tilespmem:s15], [sflag:$0x3], $0x40, s18, s22, $0xb8;
	[tilespmem:$0x1F940] =	vst v63  }
0x57: {  	_ = 	snop  }
0x58: {  	[tilespmem:s23], [sflag:$0x2] =	stream.indirect.gather [spmem:s3], $0x40, s22, s22, $0xb8;
	[tilespmem:$0x1F940] =	vst v63  }
0x59: {  	_ =	swait.ge [sflag:s21], $0x3800  }
0x5a: {  	[sflag:s21] =	ssyncset.done $0x0  }
0x5b: {  	[sflag:s21] =	ssyncadd.s32 $0xFFFFC800  }
0x5c: {  	[spmem:s2] =	stream.indirect.scatter.add.f32 [tilespmem:s23], [sflag:$0x4], $0x40, s26, s22, $0xb8;
	[tilespmem:$0x1F940] =	vst v63  }
0x5d: {  	_ =	swait.ge [sflag:s19], $0x3800  }
0x5e: {  	[sflag:s19] =	ssyncset.done $0x0  }
0x5f: {  	s1 =	simm.s32 $0xFFFF6D00;
	[sflag:s19] =	ssyncadd.s32 $0xFFFFC800  }
0x60: {  	[tilespmem:s15], [sflag:$0x1] =	stream.indirect.gather [spmem:s3], $0x40, s28, s22, $0xb8;
	[tilespmem:$0x1F940] =	vst v63  }
.LBB2_4:
0x61: {  	_ =	swait.ge [sflag:s20], $0x3800  }
0x62: {  	s6 =	sshra.s32 s1, $0x2;
	[sflag:s20] =	ssyncset.done $0x0  }
0x63: {  	s7 =	sadd.s32 $0x4EC0, s6;
	[sflag:s20] =	ssyncadd.s32 $0xFFFFC800  }
0x64: {  	[spmem:s2] =	stream.indirect.scatter.add.f32 [tilespmem:s15], [sflag:$0x3], $0x40, s7, s22, $0xb8;
	[tilespmem:$0x1F940] =	vst v63  }
0x65: {  	_ =	swait.ge [sflag:s29], $0x3800  }
0x66: {  	[sflag:s29] =	ssyncset.done $0x0  }
0x67: {  	s7 =	sadd.s32 $0x2760, s6;
	[sflag:s29] =	ssyncadd.s32 $0xFFFFC800  }
0x68: {  	[tilespmem:s23], [sflag:$0x2] =	stream.indirect.gather [spmem:s3], $0x40, s7, s22, $0xb8;
	[tilespmem:$0x1F940] =	vst v63  }
0x69: {  	_ =	swait.ge [sflag:s21], $0x3800  }
0x6a: {  	p1 =	seq.s32 s1, $0x0;
	[sflag:s21] =	ssyncset.done $0x0  }
.Ltmp3:
0x6b: {  	s7 =	sadd.s32 $0x4FA0, s6;
	[sflag:s21] =	ssyncadd.s32 $0xFFFFC800;
	(pc) =	sbr.rel @p1 .LBB2_6-.Ltmp3, $4  }
0x6c: {  	[spmem:s2] =	stream.indirect.scatter.add.f32 [tilespmem:s23], [sflag:$0x4], $0x40, s7, s22, $0xb8;
	[tilespmem:$0x1F940] =	vst v63  }
0x6d: {  	_ =	swait.ge [sflag:s19], $0x3800  }
0x6e: {  	[sflag:s19] =	ssyncset.done $0x0  }
0x6f: {  	[sflag:s19] =	ssyncadd.s32 $0xFFFFC800  }
.Ltmp4:
0x70: {  	(pc) =	sbr.rel .LBB2_4-.Ltmp4, $3  }
0x71: {  	_ =	sdelay $0x1  }
0x72: {  	s6 =	sadd.s32 $0x2840, s6;
	s1 =	sadd.s32 $0x700, s1  }
0x73: {  	[tilespmem:s15], [sflag:$0x1] =	stream.indirect.gather [spmem:s3], $0x40, s6, s22, $0xb8;
	[tilespmem:$0x1F940] =	vst v63  }
.LBB2_6:
0x74: {  	_ =	swait.ge [sflag:s29], $0x3800  }
0x75: {  	[sflag:s29] =	ssyncset.done $0x0  }
0x76: {  	s1 =	sadd.s32 $0x508, s9;
	[sflag:s29] =	ssyncadd.s32 $0xFFFFC800  }
0x77: {  	[tilespmem:s4], [sflag:$0x5] =	stream.linear.gather [hbm4b:s1+s4], $0x2840, $0x38;
	[tilespmem:$0x1F940] =	vst v63  }
0x78: {  	_ =	swait.ge [sflag:s30], $0x2840  }
0x79: {  	[sflag:s30] =	ssyncset.done $0x0  }
0x7a: {  	s7 =	sadd.s32 $0x508, s10;
	[sflag:s30] =	ssyncadd.s32 $0xFFFFD7C0  }
0x7b: {  	[tilespmem:s18], [sflag:$0x5] =	stream.linear.gather [hbm4b:s7+s4], $0x2840, $0x38;
	[tilespmem:$0x1F940] =	vst v63  }
0x7c: {  	_ =	swait.ge [sflag:s30], $0x2840  }
0x7d: {  	[sflag:s30] =	ssyncset.done $0x0  }
0x7e: {  	[sflag:s30] =	ssyncadd.s32 $0xFFFFD7C0  }
0x7f: {  	[tilespmem:s15], [sflag:$0x1] =	stream.indirect.gather [spmem:s3], $0x40, s4, s22, $0xb8;
	[tilespmem:$0x1F940] =	vst v63  }
0x80: {  	_ =	swait.ge [sflag:s20], $0x3800  }
0x81: {  	[sflag:s20] =	ssyncset.done $0x0  }
0x82: {  	[sflag:s20] =	ssyncadd.s32 $0xFFFFC800  }
0x83: {  	[spmem:s2] =	stream.indirect.scatter.add.f32 [tilespmem:s15], [sflag:$0x3], $0x40, s18, s22, $0xb8;
	[tilespmem:$0x1F940] =	vst v63  }
0x84: {  	_ = 	snop  }
0x85: {  	[tilespmem:s23], [sflag:$0x2] =	stream.indirect.gather [spmem:s3], $0x40, s22, s22, $0xb8;
	[tilespmem:$0x1F940] =	vst v63  }
0x86: {  	_ =	swait.ge [sflag:s21], $0x3800  }
0x87: {  	[sflag:s21] =	ssyncset.done $0x0  }
0x88: {  	[sflag:s21] =	ssyncadd.s32 $0xFFFFC800  }
0x89: {  	[spmem:s2] =	stream.indirect.scatter.add.f32 [tilespmem:s23], [sflag:$0x4], $0x40, s26, s22, $0xb8;
	[tilespmem:$0x1F940] =	vst v63  }
0x8a: {  	_ =	swait.ge [sflag:s19], $0x3800  }
0x8b: {  	[sflag:s19] =	ssyncset.done $0x0  }
0x8c: {  	s1 =	simm.s32 $0xFFFF6D00;
	[sflag:s19] =	ssyncadd.s32 $0xFFFFC800  }
0x8d: {  	[tilespmem:s15], [sflag:$0x1] =	stream.indirect.gather [spmem:s3], $0x40, s28, s22, $0xb8;
	[tilespmem:$0x1F940] =	vst v63  }
.LBB2_7:
0x8e: {  	_ =	swait.ge [sflag:s20], $0x3800  }
0x8f: {  	s6 =	sshra.s32 s1, $0x2;
	[sflag:s20] =	ssyncset.done $0x0  }
0x90: {  	s7 =	sadd.s32 $0x4EC0, s6;
	[sflag:s20] =	ssyncadd.s32 $0xFFFFC800  }
0x91: {  	[spmem:s2] =	stream.indirect.scatter.add.f32 [tilespmem:s15], [sflag:$0x3], $0x40, s7, s22, $0xb8;
	[tilespmem:$0x1F940] =	vst v63  }
0x92: {  	_ =	swait.ge [sflag:s29], $0x3800  }
0x93: {  	[sflag:s29] =	ssyncset.done $0x0  }
0x94: {  	s7 =	sadd.s32 $0x2760, s6;
	[sflag:s29] =	ssyncadd.s32 $0xFFFFC800  }
0x95: {  	[tilespmem:s23], [sflag:$0x2] =	stream.indirect.gather [spmem:s3], $0x40, s7, s22, $0xb8;
	[tilespmem:$0x1F940] =	vst v63  }
0x96: {  	_ =	swait.ge [sflag:s21], $0x3800  }
0x97: {  	p1 =	seq.s32 s1, $0x0;
	[sflag:s21] =	ssyncset.done $0x0  }
.Ltmp5:
0x98: {  	s7 =	sadd.s32 $0x4FA0, s6;
	[sflag:s21] =	ssyncadd.s32 $0xFFFFC800;
	(pc) =	sbr.rel @p1 .LBB2_9-.Ltmp5, $4  }
0x99: {  	[spmem:s2] =	stream.indirect.scatter.add.f32 [tilespmem:s23], [sflag:$0x4], $0x40, s7, s22, $0xb8;
	[tilespmem:$0x1F940] =	vst v63  }
0x9a: {  	_ =	swait.ge [sflag:s19], $0x3800  }
0x9b: {  	[sflag:s19] =	ssyncset.done $0x0  }
0x9c: {  	[sflag:s19] =	ssyncadd.s32 $0xFFFFC800  }
.Ltmp6:
0x9d: {  	(pc) =	sbr.rel .LBB2_7-.Ltmp6, $3  }
0x9e: {  	_ =	sdelay $0x1  }
0x9f: {  	s6 =	sadd.s32 $0x2840, s6;
	s1 =	sadd.s32 $0x700, s1  }
0xa0: {  	[tilespmem:s15], [sflag:$0x1] =	stream.indirect.gather [spmem:s3], $0x40, s6, s22, $0xb8;
	[tilespmem:$0x1F940] =	vst v63  }
.LBB2_10:
0xa1: {  	_ =	sfence.sel $0x180000  }
0xa2: {  	[bflag:$0x0] =	sbarrier.arrive $0xFFFF  }
0xa3: {  	_ =	strace $0x9000004D  }
0xa4: {  	s0 =	stileid.u32;
	[bflag:$0x2] =	sbarrier.arrive $0xFFFF  }
0xa5: {  	p0 =	sne.s32 s0, $0x0;
	s0 =	rddreg [dreg:$0x4]  }
0xa6: {  	s0 =	sadd.s32 @!p0 $0x100000, s0  }
0xa7: {  	[sflag:s0] =	ssyncadd.tile.s32 @!p0 $0x1;
	_ =	shalt  }
.Lfunc_end2:
_tile_overlayer_lowered:
.L_overlay_start_2:
0xa8: {  	(tag) =	ssettag $0x2  }
0xa9: {  	s0 =	rddreg [dreg:$0x0];
	s2 =	stileid.u32  }
0xaa: {  	s1 =	rddreg [dreg:$0x1];
	p0 =	sne.s32 s2, $0x0  }
0xab: {  	s3 =	rddreg [dreg:$0x2];
	[bflag:$0x3] =	sbarrier.arrive $0xFFFF;
	s2 =	simm.s32 @!p0 $0x1C05  }
0xac: {  	[timem:s3], [sflag:s2] =	dma.local @!p0 [hbm:s0], s1  }
0xad: {  	s0 =	simm.s32 @!p0 $0x5  }
0xae: {  	_ =	swait.ge @!p0 [sflag:s0], s1  }
0xaf: {  	s1 =	ssub.s32 @!p0 $0x0, s1;
	[sflag:s0] =	ssyncset.done @!p0 $0x0  }
0xb0: {  	[sflag:s0] =	ssyncadd.s32 @!p0 s1  }
0xb1: {  	[bflag:$0x3] =	sbarrier.arrive $0xFFFF  }
0xb2: {  	_ =	shalt  }

// kernel: kernel.20.cloned.1.call-start
scs
__scs_entry_jumppad:
0x0: {  	(pc) =	sbr.rel $0x88, $3  }
0x1: {  	(tag) =	ssettag $0x0;
	lr =	simm.s32 $0x1  }
0x2: {  	[smem:$0x3F95] =	sst lr;
	_ =	strace $0xD0000000  }
0x3: {  	_ = 	snop  }
0x4: {  	_ = 	snop  }
0x5: {  	_ = 	snop  }
0x6: {  	_ = 	snop  }
0x7: {  	_ = 	snop  }
__scs_overlays_trampoline_lowered:
0x8: {  	[smem:$0x3FA4] =	sst s0  }
0x9: {  	[smem:$0x3FA5] =	sst s1  }
0xa: {  	[smem:$0x3FA6] =	sst s2  }
0xb: {  	[smem:$0x3FA7] =	sst s3  }
0xc: {  	[smem:$0x3FA8] =	sst s4  }
0xd: {  	[smem:$0x3FA9] =	sst s5  }
0xe: {  	[smem:$0x3FAA] =	sst s6  }
0xf: {  	[smem:$0x3FAB] =	sst s7  }
0x10: {  	[smem:$0x3FAC] =	sst s8  }
0x11: {  	[smem:$0x3FAD] =	sst s9;
	s0 =	simm.s32 @!p0 $0x0  }
0x12: {  	s1 =	sld [smem:$0x3F93];
	s0 =	simm.s32 @p0 $0x1  }
0x13: {  	[smem:$0x3FAE] =	sst s0;
	s0 =	simm.s32 @!p1 $0x0  }
0x14: {  	s2 =	sld [smem:$0x3F92];
	s0 =	simm.s32 @p1 $0x1  }
0x15: {  	[smem:$0x3FAF] =	sst s0;
	s0 =	simm.s32 @!p2 $0x0  }
0x16: {  	s3 =	sld [smem:$0x3FDB];
	s0 =	simm.s32 @p2 $0x1  }
0x17: {  	s4 =	simm.s32 $0x1BF5;
	[smem:$0x3FB1] =	sst s0  }
0x18: {  	s0 =	sld [smem:$0x3F94];
	_ =	swait.ge [sflag:s4], $0x0  }
0x19: {  	s7 =	sld [smem:$0x3F95]  }
0x1a: {  	s8 =	sadd.s32 $0xFFFFE003, lr  }
0x1b: {  	s9 =	sadd.s32 $0xFFFFFEF7, lr;
	s5 =	simm.s32 $0xFFFFFFFF;
	p2 =	slt.u32 s8, $0xFFFFF086  }
0x1c: {  	p1 =	slt.u32 s9, $0xF7A;
	s5 =	simm.s32 @!p2 $0x0  }
0x1d: {  	s5 =	simm.s32 @p1 $0x1;
	p0 =	seq.s32 s7, s2  }
0x1e: {  	s7 =	smul.u32 @!p0 $0xF7A, s2;
	p2 =	seq.s32 @!p0 s5, $0x0  }
0x1f: {  	s9 =	smul.u32 $0xF7A, s1;
	s8 =	simm.s32 @!p0 $0x1BF5;
	p2 =	por !p2, p0  }
0x20: {  	[sflag:s8] =	ssyncset.s32 @!p0 $0xFFFFF086;
	s6 =	sadd.s32 @!p0 s3, s7;
	s7 =	simm.s32 @!p0 $0x108  }
0x21: {  	s3 =	sadd.s32 s3, s9;
	s6 =	sadd.s32 @!p0 $0x88, s6;
	s7 =	simm.s32 @p2 $0x1082  }
0x22: {  	[simem:s7], [sflag:s8] =	dma.local @!p0 [hbm:s6], $0xF7A  }
0x23: {  	s9 =	sor.u32 $0xD0000000, s2;
	s6 =	simm.s32 $0x108;
	_ =	swait.ge @!p0 [sflag:s8], $0x0  }
0x24: {  	s3 =	sadd.s32 $0x88, s3;
	s6 =	simm.s32 @!p1 $0x1082;
	[sflag:s4] =	ssyncset.s32 $0xFFFFF086  }
0x25: {  	[simem:s6], [sflag:s4] =	dma.local [hbm:s3], $0xF7A  }
0x26: {  	[smem:$0x3F95] =	sst s1;
	(tag) =	ssettag s2;
	_ =	strace s9  }
0x27: {  	s1 =	sld [smem:$0x3FA5]  }
0x28: {  	s2 =	sld [smem:$0x3FA6]  }
0x29: {  	s4 =	sld [smem:$0x3FA8]  }
0x2a: {  	p0 =	seq.s32 s5, $0x0;
	s5 =	sld [smem:$0x3FA9]  }
0x2b: {  	s6 =	sld [smem:$0x3FAA]  }
0x2c: {  	s7 =	sld [smem:$0x3FAB]  }
0x2d: {  	s3 =	simm.s32 $0x108;
	s8 =	sld [smem:$0x3FAC]  }
0x2e: {  	s3 =	simm.s32 @!p0 $0x1082;
	s9 =	sld [smem:$0x3FAD]  }
0x2f: {  	lr =	sadd.s32 s0, s3;
	s0 =	sld [smem:$0x3FA4]  }
0x30: {  	s3 =	sld [smem:$0x3FA7]  }
0x31: {  	[smem:$0x3FB0] =	sst s10  }
0x32: {  	s10 =	sld [smem:$0x3FAE];
	_ =	sdelay $0x3  }
0x33: {  	p0 =	seq.s32 s10, $0x1;
	s10 =	sld [smem:$0x3FB0];
	_ =	sdelay $0x3  }
0x34: {  	[smem:$0x3FB0] =	sst s10  }
0x35: {  	s10 =	sld [smem:$0x3FAF];
	_ =	sdelay $0x3  }
0x36: {  	p1 =	seq.s32 s10, $0x1;
	s10 =	sld [smem:$0x3FB0];
	_ =	sdelay $0x3  }
0x37: {  	[smem:$0x3FB0] =	sst s10  }
0x38: {  	s10 =	sld [smem:$0x3FB1]  }
0x39: {  	_ = 	snop;
	(pc) =	sbr.ind lr, $3  }
0x3a: {  	_ = 	snop  }
0x3b: {  	_ = 	snop  }
0x3c: {  	p2 =	seq.s32 s10, $0x1;
	s10 =	sld [smem:$0x3FB0]  }
0x3d: {  	_ =	shalt  }
0x3e: {  	_ =	shalt  }
0x3f: {  	_ =	shalt  }
0x40: {  	_ =	shalt  }
0x41: {  	_ =	shalt  }
0x42: {  	_ =	shalt  }
0x43: {  	_ =	shalt  }
0x44: {  	_ =	shalt  }
0x45: {  	_ =	shalt  }
0x46: {  	_ =	shalt  }
0x47: {  	_ =	shalt  }
0x48: {  	_ =	shalt  }
0x49: {  	_ =	shalt  }
0x4a: {  	_ =	shalt  }
0x4b: {  	_ =	shalt  }
0x4c: {  	_ =	shalt  }
0x4d: {  	_ =	shalt  }
0x4e: {  	_ =	shalt  }
0x4f: {  	_ =	shalt  }
0x50: {  	_ =	shalt  }
0x51: {  	_ =	shalt  }
0x52: {  	_ =	shalt  }
0x53: {  	_ =	shalt  }
0x54: {  	_ =	shalt  }
0x55: {  	_ =	shalt  }
0x56: {  	_ =	shalt  }
0x57: {  	_ =	shalt  }
0x58: {  	_ =	shalt  }
0x59: {  	_ =	shalt  }
0x5a: {  	_ =	shalt  }
0x5b: {  	_ =	shalt  }
0x5c: {  	_ =	shalt  }
0x5d: {  	_ =	shalt  }
0x5e: {  	_ =	shalt  }
0x5f: {  	_ =	shalt  }
0x60: {  	_ =	shalt  }
0x61: {  	_ =	shalt  }
0x62: {  	_ =	shalt  }
0x63: {  	_ =	shalt  }
0x64: {  	_ =	shalt  }
0x65: {  	_ =	shalt  }
0x66: {  	_ =	shalt  }
0x67: {  	_ =	shalt  }
0x68: {  	_ =	shalt  }
0x69: {  	_ =	shalt  }
0x6a: {  	_ =	shalt  }
0x6b: {  	_ =	shalt  }
0x6c: {  	_ =	shalt  }
0x6d: {  	_ =	shalt  }
0x6e: {  	_ =	shalt  }
0x6f: {  	_ =	shalt  }
0x70: {  	_ =	shalt  }
0x71: {  	_ =	shalt  }
0x72: {  	_ =	shalt  }
0x73: {  	_ =	shalt  }
0x74: {  	_ =	shalt  }
0x75: {  	_ =	shalt  }
0x76: {  	_ =	shalt  }
0x77: {  	_ =	shalt  }
0x78: {  	_ =	shalt  }
0x79: {  	_ =	shalt  }
0x7a: {  	_ =	shalt  }
0x7b: {  	_ =	shalt  }
0x7c: {  	_ =	shalt  }
0x7d: {  	_ =	shalt  }
0x7e: {  	_ =	shalt  }
0x7f: {  	_ =	shalt  }
0x80: {  	_ =	shalt  }
0x81: {  	_ =	shalt  }
0x82: {  	_ =	shalt  }
0x83: {  	_ =	shalt  }
0x84: {  	_ =	shalt  }
0x85: {  	_ =	shalt  }
0x86: {  	_ =	shalt  }
0x87: {  	_ =	shalt  }
.Lfunc_end0:
.L_simem_size_0:
called_computation.3_lowered:
.L_overlay_start_0:
0x88: {  	s2 =	sld [smem:$0x3FD9]  }
0x89: {  	s3 =	sld [smem:$0x3FFE];
	_ =	sdelay $0x1  }
0x8a: {  	s1 =	srdreg.scid  }
0x8b: {  	s0 =	sand.u32 $0x1, s1  }
0x8c: {  	s17 =	sshll.u32 s0, $0xA;
	s2 =	sadd.s32 s3, s2  }
0x8d: {  	s2 =	sadd.s32 s2, s17  }
0x8e: {  	[smem:$0x3FBC] =	sst s2  }
0x8f: {  	_ = 	snop  }
0x90: {  	s2 =	sld [smem:$0x3FD0];
	(tm) =	ssettm $0x1  }
0x91: {  	s18 =	sld [smem:$0x3FFB];
	_ =	sdelay $0x3  }
0x92: {  	_ =	strace s18  }
0x93: {  	s3 =	sld [smem:$0x3FFC];
	_ =	sdelay $0x3  }
0x94: {  	_ =	strace s3  }
0x95: {  	s3 =	sld [smem:$0x3FFD];
	_ =	sdelay $0x3  }
0x96: {  	_ =	strace s3  }
0x97: {  	_ =	strace $0x8FFFFFFF  }
0x98: {  	s19 =	sld [smem:$0x3FDB];
	_ =	sdelay $0x1  }
0x99: {  	s4 =	simm.s32 $_scs_section_size  }
0x9a: {  	s5 =	simm.s32 $_size__tile_overlayer_lowered;
	s6 =	simm.s32 $_tile_overlayer_lowered  }
0x9b: {  	s22 =	simm.s32 $0x1BFF;
	s21 =	sshll.u32 s6, $0x1;
	s3 =	sadd.s32 s4, s19  }
0x9c: {  	s7 =	simm.s32 $0x0;
	s20 =	sshll.u32 s5, $0x1;
	s5 =	sadd.s32 s21, s3  }
0x9d: {  	[timem:s7], [sflag:s22] =	dma.local [hbm:s5], s20  }
0x9e: {  	_ =	swait.ge [sflag:s22], s20  }
0x9f: {  	s4 =	ssub.s32 $0x0, s20;
	[sflag:s22] =	ssyncset.done $0x0  }
0xa0: {  	[sflag:s22] =	ssyncadd.s32 s4;
	_ =	sdelay $0x1  }
0xa1: {  	s23 =	simm.s32 $0x1B8B  }
0xa2: {  	_ =	swait.ge [sflag:s23], $0x1  }
0xa3: {  	[sflag:s23] =	ssyncset.done $0x0  }
0xa4: {  	s25 =	simm.s32 $0x1B8E;
	s24 =	sld [smem:$0x3FFE];
	[sflag:s23] =	ssyncadd.s32 $0xFFFFFFFF  }
0xa5: {  	s26 =	simm.s32 $execute0_lowered;
	[smem:$0x3FD2] =	sst s25  }
0xa6: {  	s5 =	sshll.u32 s26, $0x1;
	_ =	strace $0x8000004F;
	[dreg:$0x1] =	wrdreg $0xFFFFFFFF  }
0xa7: {  	s28 =	simm.s32 $_size_execute0_lowered;
	s3 =	sadd.s32 s3, s5;
	[dreg:$0x0] =	wrdreg $0x0  }
0xa8: {  	s5 =	sshll.u32 s28, $0x1;
	[dreg:$0x2] =	wrdreg s3  }
0xa9: {  	[dreg:$0x3] =	wrdreg s5  }
0xaa: {  	[dreg:$0x4] =	wrdreg $0xC0  }
0xab: {  	_ =	task [dreg:s7], $0x5FFFF  }
0xac: {  	[dreg:$0x1] =	wrdreg $0xFFFFFFFF  }
0xad: {  	[dreg:$0x0] =	wrdreg $0x60  }
0xae: {  	[dreg:$0x2] =	wrdreg s24  }
0xaf: {  	[dreg:$0x3] =	wrdreg s2  }
0xb0: {  	[dreg:$0x4] =	wrdreg $0xC0800  }
0xb1: {  	[dreg:$0x5] =	wrdreg $0x15D000  }
0xb2: {  	[dreg:$0x6] =	wrdreg $0x9  }
0xb3: {  	_ =	task.clear_ibuf [dreg:s7], $0x7FFFF;
	_ =	strace $0x9000004F  }
0xb4: {  	s29 =	simm.s32 $0x9;
	_ =	strace $0x80000051  }
0xb5: {  	_ =	swait.ge [sflag:s29], $0x1  }
0xb6: {  	[sflag:s29] =	ssyncadd.s32 $0xFFFFFFFF  }
0xb7: {  	_ =	strace $0x90000051  }
0xb8: {  	_ =	sfence  }
0xb9: {  	s30 =	sld [smem:$0x0];
	_ =	sdelay $0x2  }
0xba: {  	s31 =	sshll.u32 s1, $0xD;
	s1 =	sshrl.u32 s1, $0x2  }
0xbb: {  	s3 =	sand.u32 $0x4000, s31;
	s1 =	sadd.s32 s1, s30  }
0xbc: {  	s0 =	sor.u32 s3, s0;
	s1 =	sshll.u32 s1, $0x11  }
0xbd: {  	s0 =	sor.u32 s1, s0  }
0xbe: {  	s0 =	sadd.s32 $0x8F2B, s0  }
0xbf: {  	[sflag:s0] =	ssyncadd.remote.s32 $0x1  }
0xc0: {  	_ =	sfence.sel $0xFFFF  }
0xc1: {  	[dreg:$0x0] =	wrdreg $0xFFFFFFFF;
	(pc) =	sbr.abs _section_cstart, $3  }
0xc2: {  	[dreg:$0x1] =	wrdreg $0xFFFFFFFF  }
0xc3: {  	_ =	task.clear_ibuf [dreg:s7], $0x2FFFF;
	_ =	strace $0x9FFFFFFF  }
0xc4: {  	(tm) =	ssettm $0x7FFFFFFF  }
0xc5: {  	_ =	shalt  }
tec
execute0_lowered:
.L_overlay_start_1:
0x0: {  	(tag) =	ssettag $0x1  }
0x1: {  	s0 =	rddreg [dreg:$0x0]  }
0x2: {  	s1 =	rddreg [dreg:$0x1]  }
0x3: {  	s2 =	rddreg [dreg:$0x2]  }
0x4: {  	s3 =	rddreg [dreg:$0x3]  }
0x5: {  	s4 =	simm.s32 $0x0;
	s15 =	stileid.u32;
	s5 =	srdreg.scid  }
0x6: {  	s18 =	simm.s32 $0x2840;
	s19 =	simm.s32 $0x3;
	s20 =	simm.s32 $0x1  }
0x7: {  	s21 =	simm.s32 $0x2;
	s22 =	simm.s32 $0xE0;
	s28 =	simm.s32 $0x1C0  }
0x8: {  	s29 =	simm.s32 $0x4;
	s30 =	simm.s32 $0x5;
	s6 =	smul.u32 $0xA10, s15  }
0x9: {  	s31 =	simm.s32 $0x0;
	[smem:$0x7FF] =	sst s4;
	s7 =	smul.u32 $0x27200, s15  }
0xa: {  	s5 =	sand.u32 $0x1, s5;
	s12 =	smul.u32 $0x9C00, s15;
	s16 =	sadd.s32 $0x92400, s3  }
0xb: {  	p0 =	seq.s32 s15, $0xF;
	s15 =	simm.s32 $0x5080;
	_ =	strace $0x80000050  }
0xc: {  	s8 =	smul.u32 $0x13880, s5;
	s9 =	ssub.s32 $0x2, s5;
	s16 =	sshrl.u32 @p0 s16, $0x3  }
0xd: {  	s10 =	sadd.s32 s6, s0;
	s23 =	sshrl.u32 s7, $0x2;
	s24 =	sshrl.u32 s9, $0x1  }
0xe: {  	s17 =	sadd.s32 s12, s3;
	s5 =	sadd.s32 s23, s2;
	s0 =	sadd.s32 s8, s0  }
0xf: {  	s13 =	ssub.s32 s9, s24;
	s8 =	sshrl.u32 s12, $0x3;
	s9 =	sadd.s32 s1, s6  }
0x10: {  	s10 =	sadd.s32 $0x29000, s10;
	s1 =	sadd.s32 s12, s2;
	s6 =	sadd.s32 $0x92400, s2  }
.Ltmp0:
0x11: {  	s17 =	sshrl.u32 @!p0 s17, $0x3;
	s23 =	simm.s32 $0x8880;
	(pc) =	sbr.rel .LBB2_1-.Ltmp0, $4  }
0x12: {  	s25 =	sadd.s32 $0x3800, s5;
	s26 =	sadd.s32 $0x7000, s5;
	s14 =	sadd.s32 s8, s0  }
0x13: {  	s11 =	sadd.s32 $0x33200, s0;
	s12 =	smax.u32 s13, $0x1;
	[dreg:$0x5] =	wrdreg s25  }
0x14: {  	s24 =	sshrl.u32 @p0 s6, $0x3;
	[dreg:$0x6] =	wrdreg s26;
	s13 =	sadd.s32 $0x1E00, s14  }
0x15: {  	v0 =	vimm.f32 $0.0e+00;
	s14 =	sadd.s32 $0x14280, s0;
	s25 =	sshrl.u32 @!p0 s1, $0x3;
	s26 =	simm.s32 $0x2920  }
.LBB2_9:
0x16: {  	_ =	swait.ge [sflag:s29], $0x3800  }
0x17: {  	[sflag:s29] =	ssyncset.done $0x0  }
0x18: {  	[sflag:s29] =	ssyncadd.s32 $0xFFFFC800  }
0x19: {  	s1 =	sadd.s32 @p0 $0x12480, s11;
	s6 =	simm.s32 @p0 $0x1FC5;
	[bflag:$0x0] =	sbarrier.arrive $0xFFFF  }
0x1a: {  	[hbm:s1], [sflag:s6] =	dma.local @p0 [spmem:s24], $0x1400  }
0x1b: {  	s1 =	simm.s32 @p0 $0x5  }
0x1c: {  	_ =	swait.ge @p0 [sflag:s1], $0x1400  }
0x1d: {  	s0 =	sor.u32 @!p0 $0x1C05, s0;
	s31 =	sadd.s32 $0x1, s31;
	[sflag:s1] =	ssyncset.done @p0 $0x0  }
0x1e: {  	p1 =	sne.s32 s31, s12;
	[sflag:s1] =	ssyncadd.s32 @p0 $0xFFFFEC00;
	s1 =	sadd.s32 @!p0 s8, s11  }
0x1f: {  	[hbm:s1], [sflag:s0] =	dma.local @!p0 [spmem:s25], $0x1380  }
.Ltmp1:
0x20: {  	_ = 	snop;
	(pc) =	sbr.rel @!p1 .LBB2_10-.Ltmp1, $4  }
0x21: {  	s0 =	simm.s32 @!p0 $0x5  }
0x22: {  	_ =	swait.ge @!p0 [sflag:s0], $0x1380  }
0x23: {  	[sflag:s0] =	ssyncset.done @!p0 $0x0  }
0x24: {  	[sflag:s0] =	ssyncadd.s32 @!p0 $0xFFFFEC80  }
.LBB2_1:
0x25: {  	s1 =	simm.s32 $0x100;
	s0 =	simm.s32 $0x0  }
.LBB2_2:
0x26: {  	p1 =	sne.s32 s1, $0xDF00;
	[tilespmem:s0+$0x50B0] =	vst v0;
	s6 =	smov.u32 s1;
	s1 =	sadd.s32 $0x100, s1  }
.Ltmp2:
0x27: {  	[tilespmem:s0+$0x50A0] =	vst v0;
	(pc) =	sbr.rel @p1 .LBB2_2-.Ltmp2, $3  }
0x28: {  	[tilespmem:s0+$0x5080] =	vst v0  }
0x29: {  	[tilespmem:s0+$0x5090] =	vst v0;
	_ =	sdelay $0x1  }
0x2a: {  	s0 =	sshra.s32 s6, $0x2  }
0x2b: {  	[tilespmem:s0+$0x50B0] =	vst v0  }
0x2c: {  	[tilespmem:s0+$0x50A0] =	vst v0  }
0x2d: {  	[tilespmem:s0+$0x5080] =	vst v0  }
0x2e: {  	[tilespmem:s0+$0x5090] =	vst v0  }
0x2f: {  	[spmem:s5] =	stream.linear.scatter [tilespmem:s15], [sflag:$0x3], $0x3800, $0x38;
	[tilespmem:$0x1F940] =	vst v63  }
0x30: {  	s6 =	rddreg [dreg:$0x5]  }
0x31: {  	[spmem:s6] =	stream.linear.scatter [tilespmem:s15], [sflag:$0x3], $0x3800, $0x38;
	[tilespmem:$0x1F940] =	vst v63  }
0x32: {  	s7 =	rddreg [dreg:$0x6];
	s0 =	simm.s32 @p0 $0x1FC4  }
0x33: {  	[spmem:s7] =	stream.linear.scatter [tilespmem:s15], [sflag:$0x3], $0x2C80, $0x38;
	[tilespmem:$0x1F940] =	vst v63  }
0x34: {  	[spmem:s16], [sflag:s0] =	dma.local @p0 [hbm:s14], $0x1400  }
0x35: {  	s0 =	stileid.u32  }
0x36: {  	s0 =	sshll.u32 @!p0 s0, $0x6  }
0x37: {  	s1 =	sor.u32 @!p0 $0x1C04, s0  }
0x38: {  	[spmem:s17], [sflag:s1] =	dma.local @!p0 [hbm:s13], $0x1380  }
0x39: {  	[tilespmem:s4], [sflag:$0x1] =	stream.linear.gather [hbm4b:s9+s4], $0x2840, $0x38;
	[tilespmem:$0x1F940] =	vst v63  }
0x3a: {  	_ = 	snop  }
0x3b: {  	[tilespmem:s18], [sflag:$0x2] =	stream.linear.gather [hbm4b:s10+s4], $0x2840, $0x38;
	[tilespmem:$0x1F940] =	vst v63  }
0x3c: {  	_ =	swait.ge [sflag:s19], $0x3800  }
0x3d: {  	[sflag:s19] =	ssyncset.done $0x0  }
0x3e: {  	[sflag:s19] =	ssyncadd.s32 $0xFFFFC800  }
0x3f: {  	_ =	swait.ge [sflag:s19], $0x3800  }
0x40: {  	[sflag:s19] =	ssyncset.done $0x0  }
0x41: {  	[sflag:s19] =	ssyncadd.s32 $0xFFFFC800  }
0x42: {  	_ =	swait.ge [sflag:s19], $0x2C80  }
0x43: {  	[sflag:s19] =	ssyncset.done $0x0  }
0x44: {  	s1 =	simm.s32 @p0 $0x4;
	[sflag:s19] =	ssyncadd.s32 $0xFFFFD380  }
0x45: {  	_ =	swait.ge @p0 [sflag:s1], $0x1400  }
0x46: {  	[sflag:s1] =	ssyncset.done @p0 $0x0  }
0x47: {  	[sflag:s1] =	ssyncadd.s32 @p0 $0xFFFFEC00;
	s1 =	simm.s32 @!p0 $0x4  }
0x48: {  	_ =	swait.ge @!p0 [sflag:s1], $0x1380  }
0x49: {  	[sflag:s1] =	ssyncset.done @!p0 $0x0  }
0x4a: {  	[sflag:s1] =	ssyncadd.s32 @!p0 $0xFFFFEC80  }
0x4b: {  	_ =	swait.ge [sflag:s20], $0x2840  }
0x4c: {  	[sflag:s20] =	ssyncset.done $0x0  }
0x4d: {  	[sflag:s20] =	ssyncadd.s32 $0xFFFFD7C0  }
0x4e: {  	_ =	swait.ge [sflag:s21], $0x2840  }
0x4f: {  	[sflag:s21] =	ssyncset.done $0x0  }
0x50: {  	[sflag:s21] =	ssyncadd.s32 $0xFFFFD7C0  }
0x51: {  	[bflag:$0x0] =	sbarrier.arrive $0xFFFF  }
0x52: {  	[tilespmem:s15], [sflag:$0x1] =	stream.indirect.gather [spmem:s3], $0x40, s4, s22, $0xb8;
	[tilespmem:$0x1F940] =	vst v63  }
0x53: {  	_ =	swait.ge [sflag:s20], $0x3800  }
0x54: {  	[sflag:s20] =	ssyncset.done $0x0  }
0x55: {  	[sflag:s20] =	ssyncadd.s32 $0xFFFFC800  }
0x56: {  	[spmem:s2] =	stream.indirect.scatter.add.f32 [tilespmem:s15], [sflag:$0x3], $0x40, s18, s22, $0xb8;
	[tilespmem:$0x1F940] =	vst v63  }
0x57: {  	_ = 	snop  }
0x58: {  	[tilespmem:s23], [sflag:$0x2] =	stream.indirect.gather [spmem:s3], $0x40, s22, s22, $0xb8;
	[tilespmem:$0x1F940] =	vst v63  }
0x59: {  	_ =	swait.ge [sflag:s21], $0x3800  }
0x5a: {  	[sflag:s21] =	ssyncset.done $0x0  }
0x5b: {  	[sflag:s21] =	ssyncadd.s32 $0xFFFFC800  }
0x5c: {  	[spmem:s2] =	stream.indirect.scatter.add.f32 [tilespmem:s23], [sflag:$0x4], $0x40, s26, s22, $0xb8;
	[tilespmem:$0x1F940] =	vst v63  }
0x5d: {  	_ =	swait.ge [sflag:s19], $0x3800  }
0x5e: {  	[sflag:s19] =	ssyncset.done $0x0  }
0x5f: {  	s1 =	simm.s32 $0xFFFF6D00;
	[sflag:s19] =	ssyncadd.s32 $0xFFFFC800  }
0x60: {  	[tilespmem:s15], [sflag:$0x1] =	stream.indirect.gather [spmem:s3], $0x40, s28, s22, $0xb8;
	[tilespmem:$0x1F940] =	vst v63  }
.LBB2_4:
0x61: {  	_ =	swait.ge [sflag:s20], $0x3800  }
0x62: {  	s6 =	sshra.s32 s1, $0x2;
	[sflag:s20] =	ssyncset.done $0x0  }
0x63: {  	s7 =	sadd.s32 $0x4EC0, s6;
	[sflag:s20] =	ssyncadd.s32 $0xFFFFC800  }
0x64: {  	[spmem:s2] =	stream.indirect.scatter.add.f32 [tilespmem:s15], [sflag:$0x3], $0x40, s7, s22, $0xb8;
	[tilespmem:$0x1F940] =	vst v63  }
0x65: {  	_ =	swait.ge [sflag:s29], $0x3800  }
0x66: {  	[sflag:s29] =	ssyncset.done $0x0  }
0x67: {  	s7 =	sadd.s32 $0x2760, s6;
	[sflag:s29] =	ssyncadd.s32 $0xFFFFC800  }
0x68: {  	[tilespmem:s23], [sflag:$0x2] =	stream.indirect.gather [spmem:s3], $0x40, s7, s22, $0xb8;
	[tilespmem:$0x1F940] =	vst v63  }
0x69: {  	_ =	swait.ge [sflag:s21], $0x3800  }
0x6a: {  	p1 =	seq.s32 s1, $0x0;
	[sflag:s21] =	ssyncset.done $0x0  }
.Ltmp3:
0x6b: {  	s7 =	sadd.s32 $0x4FA0, s6;
	[sflag:s21] =	ssyncadd.s32 $0xFFFFC800;
	(pc) =	sbr.rel @p1 .LBB2_6-.Ltmp3, $4  }
0x6c: {  	[spmem:s2] =	stream.indirect.scatter.add.f32 [tilespmem:s23], [sflag:$0x4], $0x40, s7, s22, $0xb8;
	[tilespmem:$0x1F940] =	vst v63  }
0x6d: {  	_ =	swait.ge [sflag:s19], $0x3800  }
0x6e: {  	[sflag:s19] =	ssyncset.done $0x0  }
0x6f: {  	[sflag:s19] =	ssyncadd.s32 $0xFFFFC800  }
.Ltmp4:
0x70: {  	(pc) =	sbr.rel .LBB2_4-.Ltmp4, $3  }
0x71: {  	_ =	sdelay $0x1  }
0x72: {  	s6 =	sadd.s32 $0x2840, s6;
	s1 =	sadd.s32 $0x700, s1  }
0x73: {  	[tilespmem:s15], [sflag:$0x1] =	stream.indirect.gather [spmem:s3], $0x40, s6, s22, $0xb8;
	[tilespmem:$0x1F940] =	vst v63  }
.LBB2_6:
0x74: {  	_ =	swait.ge [sflag:s29], $0x3800  }
0x75: {  	[sflag:s29] =	ssyncset.done $0x0  }
0x76: {  	s1 =	sadd.s32 $0x508, s9;
	[sflag:s29] =	ssyncadd.s32 $0xFFFFC800  }
0x77: {  	[tilespmem:s4], [sflag:$0x5] =	stream.linear.gather [hbm4b:s1+s4], $0x2840, $0x38;
	[tilespmem:$0x1F940] =	vst v63  }
0x78: {  	_ =	swait.ge [sflag:s30], $0x2840  }
0x79: {  	[sflag:s30] =	ssyncset.done $0x0  }
0x7a: {  	s7 =	sadd.s32 $0x508, s10;
	[sflag:s30] =	ssyncadd.s32 $0xFFFFD7C0  }
0x7b: {  	[tilespmem:s18], [sflag:$0x5] =	stream.linear.gather [hbm4b:s7+s4], $0x2840, $0x38;
	[tilespmem:$0x1F940] =	vst v63  }
0x7c: {  	_ =	swait.ge [sflag:s30], $0x2840  }
0x7d: {  	[sflag:s30] =	ssyncset.done $0x0  }
0x7e: {  	[sflag:s30] =	ssyncadd.s32 $0xFFFFD7C0  }
0x7f: {  	[tilespmem:s15], [sflag:$0x1] =	stream.indirect.gather [spmem:s3], $0x40, s4, s22, $0xb8;
	[tilespmem:$0x1F940] =	vst v63  }
0x80: {  	_ =	swait.ge [sflag:s20], $0x3800  }
0x81: {  	[sflag:s20] =	ssyncset.done $0x0  }
0x82: {  	[sflag:s20] =	ssyncadd.s32 $0xFFFFC800  }
0x83: {  	[spmem:s2] =	stream.indirect.scatter.add.f32 [tilespmem:s15], [sflag:$0x3], $0x40, s18, s22, $0xb8;
	[tilespmem:$0x1F940] =	vst v63  }
0x84: {  	_ = 	snop  }
0x85: {  	[tilespmem:s23], [sflag:$0x2] =	stream.indirect.gather [spmem:s3], $0x40, s22, s22, $0xb8;
	[tilespmem:$0x1F940] =	vst v63  }
0x86: {  	_ =	swait.ge [sflag:s21], $0x3800  }
0x87: {  	[sflag:s21] =	ssyncset.done $0x0  }
0x88: {  	[sflag:s21] =	ssyncadd.s32 $0xFFFFC800  }
0x89: {  	[spmem:s2] =	stream.indirect.scatter.add.f32 [tilespmem:s23], [sflag:$0x4], $0x40, s26, s22, $0xb8;
	[tilespmem:$0x1F940] =	vst v63  }
0x8a: {  	_ =	swait.ge [sflag:s19], $0x3800  }
0x8b: {  	[sflag:s19] =	ssyncset.done $0x0  }
0x8c: {  	s1 =	simm.s32 $0xFFFF6D00;
	[sflag:s19] =	ssyncadd.s32 $0xFFFFC800  }
0x8d: {  	[tilespmem:s15], [sflag:$0x1] =	stream.indirect.gather [spmem:s3], $0x40, s28, s22, $0xb8;
	[tilespmem:$0x1F940] =	vst v63  }
.LBB2_7:
0x8e: {  	_ =	swait.ge [sflag:s20], $0x3800  }
0x8f: {  	s6 =	sshra.s32 s1, $0x2;
	[sflag:s20] =	ssyncset.done $0x0  }
0x90: {  	s7 =	sadd.s32 $0x4EC0, s6;
	[sflag:s20] =	ssyncadd.s32 $0xFFFFC800  }
0x91: {  	[spmem:s2] =	stream.indirect.scatter.add.f32 [tilespmem:s15], [sflag:$0x3], $0x40, s7, s22, $0xb8;
	[tilespmem:$0x1F940] =	vst v63  }
0x92: {  	_ =	swait.ge [sflag:s29], $0x3800  }
0x93: {  	[sflag:s29] =	ssyncset.done $0x0  }
0x94: {  	s7 =	sadd.s32 $0x2760, s6;
	[sflag:s29] =	ssyncadd.s32 $0xFFFFC800  }
0x95: {  	[tilespmem:s23], [sflag:$0x2] =	stream.indirect.gather [spmem:s3], $0x40, s7, s22, $0xb8;
	[tilespmem:$0x1F940] =	vst v63  }
0x96: {  	_ =	swait.ge [sflag:s21], $0x3800  }
0x97: {  	p1 =	seq.s32 s1, $0x0;
	[sflag:s21] =	ssyncset.done $0x0  }
.Ltmp5:
0x98: {  	s7 =	sadd.s32 $0x4FA0, s6;
	[sflag:s21] =	ssyncadd.s32 $0xFFFFC800;
	(pc) =	sbr.rel @p1 .LBB2_9-.Ltmp5, $4  }
0x99: {  	[spmem:s2] =	stream.indirect.scatter.add.f32 [tilespmem:s23], [sflag:$0x4], $0x40, s7, s22, $0xb8;
	[tilespmem:$0x1F940] =	vst v63  }
0x9a: {  	_ =	swait.ge [sflag:s19], $0x3800  }
0x9b: {  	[sflag:s19] =	ssyncset.done $0x0  }
0x9c: {  	[sflag:s19] =	ssyncadd.s32 $0xFFFFC800  }
.Ltmp6:
0x9d: {  	(pc) =	sbr.rel .LBB2_7-.Ltmp6, $3  }
0x9e: {  	_ =	sdelay $0x1  }
0x9f: {  	s6 =	sadd.s32 $0x2840, s6;
	s1 =	sadd.s32 $0x700, s1  }
0xa0: {  	[tilespmem:s15], [sflag:$0x1] =	stream.indirect.gather [spmem:s3], $0x40, s6, s22, $0xb8;
	[tilespmem:$0x1F940] =	vst v63  }
.LBB2_10:
0xa1: {  	_ =	sfence.sel $0x180000  }
0xa2: {  	[bflag:$0x0] =	sbarrier.arrive $0xFFFF  }
0xa3: {  	_ =	strace $0x90000050  }
0xa4: {  	s0 =	stileid.u32;
	[bflag:$0x2] =	sbarrier.arrive $0xFFFF  }
0xa5: {  	p0 =	sne.s32 s0, $0x0;
	s0 =	rddreg [dreg:$0x4]  }
0xa6: {  	s0 =	sadd.s32 @!p0 $0x100000, s0  }
0xa7: {  	[sflag:s0] =	ssyncadd.tile.s32 @!p0 $0x1;
	_ =	shalt  }
.Lfunc_end2:
_tile_overlayer_lowered:
.L_overlay_start_2:
0xa8: {  	(tag) =	ssettag $0x2  }
0xa9: {  	s0 =	rddreg [dreg:$0x0];
	s2 =	stileid.u32  }
0xaa: {  	s1 =	rddreg [dreg:$0x1];
	p0 =	sne.s32 s2, $0x0  }
0xab: {  	s3 =	rddreg [dreg:$0x2];
	[bflag:$0x3] =	sbarrier.arrive $0xFFFF;
	s2 =	simm.s32 @!p0 $0x1C05  }
0xac: {  	[timem:s3], [sflag:s2] =	dma.local @!p0 [hbm:s0], s1  }
0xad: {  	s0 =	simm.s32 @!p0 $0x5  }
0xae: {  	_ =	swait.ge @!p0 [sflag:s0], s1  }
0xaf: {  	s1 =	ssub.s32 @!p0 $0x0, s1;
	[sflag:s0] =	ssyncset.done @!p0 $0x0  }
0xb0: {  	[sflag:s0] =	ssyncadd.s32 @!p0 s1  }
0xb1: {  	[bflag:$0x3] =	sbarrier.arrive $0xFFFF  }
0xb2: {  	_ =	shalt  }

</sc_bundles>
